<compile_context>
chip_gen: v7x
topology: tpu7x:2x2x1
jax: 0.10.2.dev20260603
libtpu: 0.0.44.dev20260713+nightly
codegen_flags: <defaults>
</compile_context>

<pallas_src>
import functools

import jax
import jax.numpy as jnp
from jax import lax
from jax.experimental import pallas as pl
from jax.experimental.pallas import tpu as pltpu
from jax.experimental.pallas import tpu_sc as plsc

N = 10000
E = 160000
L = 512
NC = 2
NS = 16
N_P = 10240
NCHUNK = 4
CW = 128
EG = N_P
NB = EG // 128
EW = EG // NC
BLK = 1024
NBLK = N_P // BLK

_mesh = plsc.VectorSubcoreMesh(core_axis_name="c", subcore_axis_name="s",
                               num_cores=NC, num_subcores=NS)


def _sc1_body(x_hbm, src_hbm, dst_hbm, aggx_hbm, deg_hbm,
              x_v, src_v, dst_v, acc_a, acc_d):
    c = lax.axis_index("c")
    s = lax.axis_index("s")
    w = s * NC + c
    pltpu.sync_copy(x_hbm, x_v)
    pltpu.sync_copy(src_hbm.at[s].at[pl.ds(c * EW, EW)], src_v)
    pltpu.sync_copy(dst_hbm.at[s].at[pl.ds(c * EW, EW)], dst_v)

    def zbody(i, _):
        z = jnp.zeros((16,), jnp.float32)
        acc_a[pl.ds(i * 16, 16)] = z
        acc_d[pl.ds(i * 16, 16)] = z
        return 0
    lax.fori_loop(0, N_P // 16, zbody, 0)

    ones = jnp.ones((16,), jnp.float32)

    def body(i, _):
        si = src_v[pl.ds(i * 16, 16)]
        di = dst_v[pl.ds(i * 16, 16)]
        vals = plsc.load_gather(x_v, [si])
        plsc.addupdate_scatter(acc_a, [di], vals)
        plsc.addupdate_scatter(acc_d, [di], ones)
        return 0
    lax.fori_loop(0, EW // 16, body, 0)

    pltpu.sync_copy(acc_a, aggx_hbm.at[w])
    pltpu.sync_copy(acc_d, deg_hbm.at[w])


_sc1 = functools.partial(
    pl.kernel,
    out_type=[jax.ShapeDtypeStruct((NC * NS, N_P), jnp.float32),
              jax.ShapeDtypeStruct((NC * NS, N_P), jnp.float32)],
    mesh=_mesh,
    scratch_types=[
        pltpu.VMEM((N_P,), jnp.float32),
        pltpu.VMEM((EW,), jnp.int32),
        pltpu.VMEM((EW,), jnp.int32),
        pltpu.VMEM((N_P,), jnp.float32),
        pltpu.VMEM((N_P,), jnp.float32),
    ],
    compiler_params=pltpu.CompilerParams(needs_layout_passes=False),
)(_sc1_body)


NBUF = 2
NQ = 4
QB = NB // NQ


def _sc2_body(h1c_hbm, src_hbm, dst3_hbm, out_hbm,
              src_v, dst_q, b0, b1, acc,
              zsem, g0, g1, s0, s1):
    c = lax.axis_index("c")
    s = lax.axis_index("s")
    zbuf = b0
    bufs = (b0, b1)
    gsems = (g0, g1)
    ssems = (s0, s1)
    rt = N_P // NS
    pltpu.sync_copy(src_hbm.at[s], src_v)

    def add_off(off):
        def offbody(i, _):
            src_v[pl.ds(i * 16, 16)] = src_v[pl.ds(i * 16, 16)] + off
            return 0
        lax.fori_loop(0, EG // 16, offbody, 0)

    def mk_g(i, buf, sem):
        return pltpu.make_async_copy(
            h1c_hbm.at[src_v.at[pl.ds(i * 128, 128)]], buf, sem)

    def chunk_pass(chunk):
        def zb(i, _):
            zbuf[i // (CW // 16), pl.ds((i % (CW // 16)) * 16, 16)] = (
                jnp.zeros((16,), jnp.float32))
            return 0
        lax.fori_loop(0, 128 * CW // 16, zb, 0)
        zdescs = [pltpu.make_async_copy(
            zbuf, acc.at[pl.ds(s * rt + k * 128, 128)], zsem)
            for k in range(rt // 128)]
        for d in zdescs:
            d.start()
        for d in zdescs:
            d.wait()
        plsc.subcore_barrier()
        for q in range(NQ):
            base = q * QB
            pltpu.sync_copy(dst3_hbm.at[s].at[pl.ds(base, QB)], dst_q)
            for b in range(NBUF):
                mk_g(base + b, bufs[b], gsems[b]).start()

            def rnd(r, _):
                sds = []
                for b in range(NBUF):
                    lj = NBUF * r + b
                    mk_g(base + lj, bufs[b], gsems[b]).wait()
                    sds.append(pltpu.async_copy(
                        bufs[b], acc.at[dst_q.at[lj]], ssems[b], add=True))
                for b in range(NBUF):
                    sds[b].wait()
                    mk_g(base + NBUF * r + b + NBUF, bufs[b],
                         gsems[b]).start()
                return 0
            lax.fori_loop(0, QB // NBUF - 1, rnd, 0)
            tds = []
            for b in range(NBUF):
                lj = QB - NBUF + b
                mk_g(base + lj, bufs[b], gsems[b]).wait()
                tds.append(pltpu.async_copy(
                    bufs[b], acc.at[dst_q.at[lj]], ssems[b], add=True))
            for d in tds:
                d.wait()
        plsc.subcore_barrier()
        pltpu.sync_copy(acc.at[pl.ds(s * rt, rt)],
                        out_hbm.at[pl.ds(chunk * N_P + s * rt, rt)])
        plsc.subcore_barrier()

    add_off((NCHUNK // NC) * c * N_P)
    chunk_pass((NCHUNK // NC) * c)
    for j in range(1, NCHUNK // NC):
        add_off(N_P)
        chunk_pass((NCHUNK // NC) * c + j)


_sc2 = functools.partial(
    pl.kernel,
    out_type=jax.ShapeDtypeStruct((NCHUNK * N_P, CW), jnp.float32),
    mesh=_mesh,
    scratch_types=(
        [pltpu.VMEM((EG,), jnp.int32),
         pltpu.VMEM((QB, 128), jnp.int32)]
        + [pltpu.VMEM((128, CW), jnp.float32) for _ in range(NBUF)]
        + [pltpu.VMEM_SHARED((N_P, CW), jnp.float32)]
        + [pltpu.SemaphoreType.DMA for _ in range(2 * NBUF + 1)]
    ),
    compiler_params=pltpu.CompilerParams(needs_layout_passes=False,
                                         use_tc_tiling_on_sc=False),
)(_sc2_body)


def _layer1_body(x_ref, aggx_ref, degp_ref, w1l_ref, b1_ref, w1r_ref,
                 h1c_ref, deg_ref):
    aggx = jnp.sum(aggx_ref[...], axis=0)
    deg = jnp.maximum(jnp.sum(degp_ref[...], axis=0), 1.0)
    a = aggx / deg
    h = (a[:, None] * w1l_ref[0] + b1_ref[0] + x_ref[...] * w1r_ref[0])
    h1c_ref[...] = jnp.maximum(h, 0.0)
    deg_ref[...] = deg[:, None]


def _p_body(h0, h1, h2, h3, wcr_ref, bc_ref, p_ref):
    h = jnp.concatenate([r[...] for r in (h0, h1, h2, h3)], axis=1)
    p_ref[...] = (jnp.dot(h, wcr_ref[...], preferred_element_type=jnp.float32)
                  + bc_ref[...][None, :])


def _dense_body(*refs):
    a_refs = refs[0:NCHUNK]
    (p_ref, deg_ref, wcl_ref, w1_ref, bl1_ref, w2_ref, bl2_ref,
     w3_ref, bl3_ref, wf_ref, bf_ref, out_ref) = refs[NCHUNK:]
    deg = jnp.maximum(deg_ref[...], 1.0)
    agg2 = jnp.concatenate([r[...] for r in a_refs], axis=1) / deg
    t = jnp.dot(agg2, wcl_ref[...], preferred_element_type=jnp.float32)
    t = jnp.maximum(t + p_ref[...], 0.0)
    t = jnp.maximum(jnp.dot(t, w1_ref[...], preferred_element_type=jnp.float32)
                    + bl1_ref[...][None, :], 0.0)
    t = jnp.maximum(jnp.dot(t, w2_ref[...], preferred_element_type=jnp.float32)
                    + bl2_ref[...][None, :], 0.0)
    t = jnp.maximum(jnp.dot(t, w3_ref[...], preferred_element_type=jnp.float32)
                    + bl3_ref[...][None, :], 0.0)
    logits = jnp.dot(t, wf_ref[...], preferred_element_type=jnp.float32) \
        + bf_ref[...][None, :]
    m = jnp.max(logits, axis=1, keepdims=True)
    e = jnp.exp(logits - m)
    out_ref[...] = e / jnp.sum(e, axis=1, keepdims=True)


def kernel(x, edge_index, batch, W1l, b1, W1r, Wcl, bc, Wcr,
           Wlin1, blin1, Wlin2, blin2, Wlin3, blin3, Wfin, bfin):
    src = edge_index[0].astype(jnp.int32).reshape(NS, N)
    dst = edge_index[1].astype(jnp.int32).reshape(NS, N)
    src2 = jnp.pad(src, ((0, 0), (0, EG - N)))
    dst2 = jnp.pad(dst, ((0, 0), (0, EG - N)), constant_values=N)
    dst3 = dst2.reshape(NS, NB, 128)
    x_p = jnp.pad(x[:, 0], (0, N_P - N))

    aggx_p, deg_p = _sc1(x_p, src2, dst2)

    wspec = pl.BlockSpec((1, 1, CW), lambda i, c: (c, 0, 0))
    h1c, deg = pl.pallas_call(
        _layer1_body,
        grid=(NBLK, NCHUNK),
        in_specs=[
            pl.BlockSpec((BLK, 1), lambda i, c: (i, 0)),
            pl.BlockSpec((NC * NS, BLK), lambda i, c: (0, i)),
            pl.BlockSpec((NC * NS, BLK), lambda i, c: (0, i)),
            wspec, wspec, wspec,
        ],
        out_specs=[
            pl.BlockSpec((BLK, CW), lambda i, c: (c * NBLK + i, 0)),
            pl.BlockSpec((BLK, 1), lambda i, c: (i, 0)),
        ],
        out_shape=[
            jax.ShapeDtypeStruct((NCHUNK * N_P, CW), jnp.float32),
            jax.ShapeDtypeStruct((N_P, 1), jnp.float32),
        ],
    )(jnp.pad(x, ((0, N_P - N), (0, 0))), aggx_p, deg_p,
      W1l.reshape(NCHUNK, 1, CW), b1.reshape(NCHUNK, 1, CW),
      W1r.reshape(NCHUNK, 1, CW))

    agg2 = _sc2(h1c, src2, dst3)

    def _rows(c):
        return pl.BlockSpec((BLK, CW), lambda i, c=c: (c * NBLK + i, 0))

    p = pl.pallas_call(
        _p_body,
        grid=(NBLK,),
        in_specs=[_rows(c) for c in range(NCHUNK)] + [
            pl.BlockSpec((L, L), lambda i: (0, 0)),
            pl.BlockSpec((L,), lambda i: (0,)),
        ],
        out_specs=pl.BlockSpec((BLK, L), lambda i: (i, 0)),
        out_shape=jax.ShapeDtypeStruct((N_P, L), jnp.float32),
    )(*([h1c] * NCHUNK), Wcr, bc)

    out = pl.pallas_call(
        _dense_body,
        grid=(NBLK,),
        in_specs=(
            [_rows(c) for c in range(NCHUNK)]
            + [
                pl.BlockSpec((BLK, L), lambda i: (i, 0)),
                pl.BlockSpec((BLK, 1), lambda i: (i, 0)),
                pl.BlockSpec((L, L), lambda i: (0, 0)),
                pl.BlockSpec((L, 256), lambda i: (0, 0)),
                pl.BlockSpec((256,), lambda i: (0,)),
                pl.BlockSpec((256, 128), lambda i: (0, 0)),
                pl.BlockSpec((128,), lambda i: (0,)),
                pl.BlockSpec((128, 64), lambda i: (0, 0)),
                pl.BlockSpec((64,), lambda i: (0,)),
                pl.BlockSpec((64, 2), lambda i: (0, 0)),
                pl.BlockSpec((2,), lambda i: (0,)),
            ]
        ),
        out_specs=pl.BlockSpec((BLK, 2), lambda i: (i, 0)),
        out_shape=jax.ShapeDtypeStruct((N_P, 2), jnp.float32),
    )(*([agg2] * NCHUNK), p, deg,
      Wcl, Wlin1, blin1, Wlin2, blin2, Wlin3, blin3, Wfin, bfin)
    return out[:N]

# --- scband reference (transcript-rebuilt; emitter-appended) ---
"""Pipeline reference for scband-model-partitioning-32968168964274 (READ-ONLY COPY).

The authoritative reference and input builder live on the scoring server;
editing this copy changes nothing except your own understanding.
"""

import jax, jax.numpy as jnp
import numpy as np

L = 512
LINS = [256, 128, 64, 64, 64]
N_NODES = 10000
N_EDGES = 160000


def sage_conv(x, edge_index, Wl, bl, Wr):
    # PyG SAGEConv with mean aggregation: out = lin_l(mean_j x_j) + lin_r(x)
    src = edge_index[0]
    dst = edge_index[1]
    n = x.shape[0]
    agg = jax.ops.segment_sum(x[src], dst, num_segments=n)
    deg = jax.ops.segment_sum(jnp.ones((src.shape[0],), x.dtype), dst, num_segments=n)
    agg = agg / jnp.maximum(deg, 1.0)[:, None]
    return agg @ Wl + bl + x @ Wr


def setup_inputs(seed: int = 0) -> dict:
    key = jax.random.key(seed)
    ks = jax.random.split(key, 20)
    x = jax.random.normal(ks[0], (N_NODES, 1), dtype=jnp.float32)
    edge_index = jax.random.randint(ks[1], (2, N_EDGES), 0, N_NODES, dtype=jnp.int64)
    batch = jnp.zeros((N_NODES,), dtype=jnp.int64)
    def w(k, shape):
        fan_in = shape[0]
        return jax.random.normal(k, shape, dtype=jnp.float32) * (1.0 / np.sqrt(max(fan_in, 1)))
    # conv_first: SAGEConv(1, L)
    W1l = w(ks[2], (1, L)); b1 = jnp.zeros((L,), jnp.float32); W1r = w(ks[3], (1, L))
    # conv_coarse: SAGEConv(L, L)
    Wcl = w(ks[4], (L, L)); bc = jnp.zeros((L,), jnp.float32); Wcr = w(ks[5], (L, L))
    # lins
    Wlin1 = w(ks[6], (L, LINS[0])); blin1 = jnp.zeros((LINS[0],), jnp.float32)
    Wlin2 = w(ks[7], (LINS[0], LINS[1])); blin2 = jnp.zeros((LINS[1],), jnp.float32)
    Wlin3 = w(ks[8], (LINS[1], LINS[2])); blin3 = jnp.zeros((LINS[2],), jnp.float32)
    Wfin = w(ks[9], (LINS[4], 2)); bfin = jnp.zeros((2,), jnp.float32)
    return {"x": x, "edge_index": edge_index, "batch": batch,
            "W1l": W1l, "b1": b1, "W1r": W1r,
            "Wcl": Wcl, "bc": bc, "Wcr": Wcr,
            "Wlin1": Wlin1, "blin1": blin1,
            "Wlin2": Wlin2, "blin2": blin2,
            "Wlin3": Wlin3, "blin3": blin3,
            "Wfin": Wfin, "bfin": bfin}


def reference(x, edge_index, batch, W1l, b1, W1r, Wcl, bc, Wcr,
              Wlin1, blin1, Wlin2, blin2, Wlin3, blin3, Wfin, bfin):
    act = jax.nn.relu
    h = act(sage_conv(x, edge_index, W1l, b1, W1r))
    # coarsening loop: x.size(0)=10000 <= coarsening_threshold=50000, so the
    # graclus/avg_pool while-loop body never executes for these shapes.
    h = act(sage_conv(h, edge_index, Wcl, bc, Wcr))
    h = act(h @ Wlin1 + blin1)
    h = act(h @ Wlin2 + blin2)
    h = act(h @ Wlin3 + blin3)
    h = h @ Wfin + bfin
    return jax.nn.softmax(h, axis=1)

if __name__ == "__main__":
    import jax
    _d = setup_inputs()
    print(jax.jit(kernel)(*tuple(_d.values())))

</pallas_src>

<mosaic_0001>
#map = affine_map<(d0, d1) -> (0)>
#map1 = affine_map<(d0, d1) -> (0, 0)>
module attributes {stable_mosaic.version = 14 : i64} {
  func.func @_sc1_body(%arg0: i32, %arg1: i32, %arg2: memref<10240xf32, #tpu.memory_space<hbm>>, %arg3: memref<16x10240xi32, #tpu.memory_space<hbm>>, %arg4: memref<16x10240xi32, #tpu.memory_space<hbm>>, %arg5: memref<32x10240xf32, #tpu.memory_space<hbm>>, %arg6: memref<32x10240xf32, #tpu.memory_space<hbm>>, %arg7: memref<10240xf32, #tpu.memory_space<vmem>>, %arg8: memref<5120xi32, #tpu.memory_space<vmem>>, %arg9: memref<5120xi32, #tpu.memory_space<vmem>>, %arg10: memref<10240xf32, #tpu.memory_space<vmem>>, %arg11: memref<10240xf32, #tpu.memory_space<vmem>>) attributes {dimension_semantics = [#tpu.dimension_semantics<core_parallel>, #tpu.dimension_semantics<subcore_parallel>], iteration_bounds = array<i64: 2, 16>, scalar_prefetch = 0 : i64, scratch_operands = 5 : i64, tpu.core_type = #tpu.core_type<sc_vector_subcore>, window_params = [{transform_indices = #map}, {transform_indices = #map1}, {transform_indices = #map1}, {transform_indices = #map1}, {transform_indices = #map1}]} {
    %mul3A = arith.constant 2 : i32
    %mul3A_0 = arith.muli %arg1, %mul3A : i32
    %add3A = arith.addi %mul3A_0, %arg0 : i32
    "tpu.region"() ({
      %run_scoped3A = tpu.sem_alloc : memref<!tpu.dma_semaphore, #tpu.memory_space<semaphore_mem>>
      tpu.enqueue_dma source(%arg2 : memref<10240xf32, #tpu.memory_space<hbm>>) target(%arg7 : memref<10240xf32, #tpu.memory_space<vmem>>) target_semaphore(%run_scoped3A : memref<!tpu.dma_semaphore, #tpu.memory_space<semaphore_mem>>)
      tpu.wait_dma2 semaphore(%run_scoped3A : memref<!tpu.dma_semaphore, #tpu.memory_space<semaphore_mem>>) src(%arg2 : memref<10240xf32, #tpu.memory_space<hbm>>) dst(%arg7 : memref<10240xf32, #tpu.memory_space<vmem>>)
      tpu.yield
    }) : () -> ()
    %mul3A_1 = arith.constant 5120 : i32
    %mul3A_2 = arith.muli %arg0, %mul3A_1 : i32
    "tpu.region"() ({
      %run_scoped3A = tpu.sem_alloc : memref<!tpu.dma_semaphore, #tpu.memory_space<semaphore_mem>>
      %dma_start3A = arith.constant 0 : i32
      %dma_start3A_19 = tpu.memref_slice %arg3[%arg1, %dma_start3A] : memref<16x10240xi32, #tpu.memory_space<hbm>> -> memref<1x10240xi32, #tpu.memory_space<hbm>>
      %dma_start3A_20 = tpu.memref_squeeze %dma_start3A_19 : memref<1x10240xi32, #tpu.memory_space<hbm>> -> memref<10240xi32, #tpu.memory_space<hbm>>
      %dma_start3A_21 = tpu.memref_slice %dma_start3A_20[%mul3A_2] : memref<10240xi32, #tpu.memory_space<hbm>> -> memref<5120xi32, #tpu.memory_space<hbm>>
      %dma_start3A_22 = arith.constant 0 : i32
      %dma_start3A_23 = tpu.memref_slice %arg3[%arg1, %dma_start3A_22] : memref<16x10240xi32, #tpu.memory_space<hbm>> -> memref<1x10240xi32, #tpu.memory_space<hbm>>
      %dma_start3A_24 = tpu.memref_squeeze %dma_start3A_23 : memref<1x10240xi32, #tpu.memory_space<hbm>> -> memref<10240xi32, #tpu.memory_space<hbm>>
      %dma_start3A_25 = tpu.memref_slice %dma_start3A_24[%mul3A_2] : memref<10240xi32, #tpu.memory_space<hbm>> -> memref<5120xi32, #tpu.memory_space<hbm>>
      tpu.enqueue_dma source(%dma_start3A_25 : memref<5120xi32, #tpu.memory_space<hbm>>) target(%arg8 : memref<5120xi32, #tpu.memory_space<vmem>>) target_semaphore(%run_scoped3A : memref<!tpu.dma_semaphore, #tpu.memory_space<semaphore_mem>>)
      %dma_wait3A = arith.constant 0 : i32
      %dma_wait3A_26 = tpu.memref_slice %arg3[%arg1, %dma_wait3A] : memref<16x10240xi32, #tpu.memory_space<hbm>> -> memref<1x10240xi32, #tpu.memory_space<hbm>>
      %dma_wait3A_27 = tpu.memref_squeeze %dma_wait3A_26 : memref<1x10240xi32, #tpu.memory_space<hbm>> -> memref<10240xi32, #tpu.memory_space<hbm>>
      %dma_wait3A_28 = tpu.memref_slice %dma_wait3A_27[%mul3A_2] : memref<10240xi32, #tpu.memory_space<hbm>> -> memref<5120xi32, #tpu.memory_space<hbm>>
      %dma_wait3A_29 = arith.constant 0 : i32
      %dma_wait3A_30 = tpu.memref_slice %arg3[%arg1, %dma_wait3A_29] : memref<16x10240xi32, #tpu.memory_space<hbm>> -> memref<1x10240xi32, #tpu.memory_space<hbm>>
      %dma_wait3A_31 = tpu.memref_squeeze %dma_wait3A_30 : memref<1x10240xi32, #tpu.memory_space<hbm>> -> memref<10240xi32, #tpu.memory_space<hbm>>
      %dma_wait3A_32 = tpu.memref_slice %dma_wait3A_31[%mul3A_2] : memref<10240xi32, #tpu.memory_space<hbm>> -> memref<5120xi32, #tpu.memory_space<hbm>>
      tpu.wait_dma2 semaphore(%run_scoped3A : memref<!tpu.dma_semaphore, #tpu.memory_space<semaphore_mem>>) src(%dma_wait3A_32 : memref<5120xi32, #tpu.memory_space<hbm>>) dst(%arg8 : memref<5120xi32, #tpu.memory_space<vmem>>)
      tpu.yield
    }) : () -> ()
    %mul3A_3 = arith.constant 5120 : i32
    %mul3A_4 = arith.muli %arg0, %mul3A_3 : i32
    "tpu.region"() ({
      %run_scoped3A = tpu.sem_alloc : memref<!tpu.dma_semaphore, #tpu.memory_space<semaphore_mem>>
      %dma_start3A = arith.constant 0 : i32
      %dma_start3A_19 = tpu.memref_slice %arg4[%arg1, %dma_start3A] : memref<16x10240xi32, #tpu.memory_space<hbm>> -> memref<1x10240xi32, #tpu.memory_space<hbm>>
      %dma_start3A_20 = tpu.memref_squeeze %dma_start3A_19 : memref<1x10240xi32, #tpu.memory_space<hbm>> -> memref<10240xi32, #tpu.memory_space<hbm>>
      %dma_start3A_21 = tpu.memref_slice %dma_start3A_20[%mul3A_4] : memref<10240xi32, #tpu.memory_space<hbm>> -> memref<5120xi32, #tpu.memory_space<hbm>>
      %dma_start3A_22 = arith.constant 0 : i32
      %dma_start3A_23 = tpu.memref_slice %arg4[%arg1, %dma_start3A_22] : memref<16x10240xi32, #tpu.memory_space<hbm>> -> memref<1x10240xi32, #tpu.memory_space<hbm>>
      %dma_start3A_24 = tpu.memref_squeeze %dma_start3A_23 : memref<1x10240xi32, #tpu.memory_space<hbm>> -> memref<10240xi32, #tpu.memory_space<hbm>>
      %dma_start3A_25 = tpu.memref_slice %dma_start3A_24[%mul3A_4] : memref<10240xi32, #tpu.memory_space<hbm>> -> memref<5120xi32, #tpu.memory_space<hbm>>
      tpu.enqueue_dma source(%dma_start3A_25 : memref<5120xi32, #tpu.memory_space<hbm>>) target(%arg9 : memref<5120xi32, #tpu.memory_space<vmem>>) target_semaphore(%run_scoped3A : memref<!tpu.dma_semaphore, #tpu.memory_space<semaphore_mem>>)
      %dma_wait3A = arith.constant 0 : i32
      %dma_wait3A_26 = tpu.memref_slice %arg4[%arg1, %dma_wait3A] : memref<16x10240xi32, #tpu.memory_space<hbm>> -> memref<1x10240xi32, #tpu.memory_space<hbm>>
      %dma_wait3A_27 = tpu.memref_squeeze %dma_wait3A_26 : memref<1x10240xi32, #tpu.memory_space<hbm>> -> memref<10240xi32, #tpu.memory_space<hbm>>
      %dma_wait3A_28 = tpu.memref_slice %dma_wait3A_27[%mul3A_4] : memref<10240xi32, #tpu.memory_space<hbm>> -> memref<5120xi32, #tpu.memory_space<hbm>>
      %dma_wait3A_29 = arith.constant 0 : i32
      %dma_wait3A_30 = tpu.memref_slice %arg4[%arg1, %dma_wait3A_29] : memref<16x10240xi32, #tpu.memory_space<hbm>> -> memref<1x10240xi32, #tpu.memory_space<hbm>>
      %dma_wait3A_31 = tpu.memref_squeeze %dma_wait3A_30 : memref<1x10240xi32, #tpu.memory_space<hbm>> -> memref<10240xi32, #tpu.memory_space<hbm>>
      %dma_wait3A_32 = tpu.memref_slice %dma_wait3A_31[%mul3A_4] : memref<10240xi32, #tpu.memory_space<hbm>> -> memref<5120xi32, #tpu.memory_space<hbm>>
      tpu.wait_dma2 semaphore(%run_scoped3A : memref<!tpu.dma_semaphore, #tpu.memory_space<semaphore_mem>>) src(%dma_wait3A_32 : memref<5120xi32, #tpu.memory_space<hbm>>) dst(%arg9 : memref<5120xi32, #tpu.memory_space<vmem>>)
      tpu.yield
    }) : () -> ()
    %scan3A = arith.constant 0 : i32
    %scan3A_5 = arith.constant 0 : i32
    %scan3A_6 = arith.constant 640 : i32
    %scan3A_7 = arith.addi %scan3A_5, %scan3A_6 : i32
    %scan3A_8 = arith.constant 1 : i32
    %scan3A_9 = scf.for %scan3A_19 = %scan3A_5 to %scan3A_7 step %scan3A_8 iter_args(%scan3A_20 = %scan3A) -> (i32)  : i32 {
      %broadcast_in_dim3A_21 = arith.constant 0.000000e+00 : f32
      %broadcast_in_dim3A_22 = vector.broadcast %broadcast_in_dim3A_21 : f32 to vector<16xf32>
      %mul3A_23 = arith.constant 16 : i32
      %mul3A_24 = arith.muli %scan3A_19, %mul3A_23 : i32
      %swap3A = arith.index_cast %mul3A_24 : i32 to index
      %swap3A_25 = tpu.vector_load %arg10[%swap3A] {strides = array<i32>} : memref<10240xf32, #tpu.memory_space<vmem>>, vector<16xf32>,
      tpu.vector_store %arg10[%swap3A], %broadcast_in_dim3A_22 {strides = array<i32>} : memref<10240xf32, #tpu.memory_space<vmem>>, vector<16xf32>,
      %mul3A_26 = arith.constant 16 : i32
      %mul3A_27 = arith.muli %scan3A_19, %mul3A_26 : i32
      %swap3A_28 = arith.index_cast %mul3A_27 : i32 to index
      %swap3A_29 = tpu.vector_load %arg11[%swap3A_28] {strides = array<i32>} : memref<10240xf32, #tpu.memory_space<vmem>>, vector<16xf32>,
      tpu.vector_store %arg11[%swap3A_28], %broadcast_in_dim3A_22 {strides = array<i32>} : memref<10240xf32, #tpu.memory_space<vmem>>, vector<16xf32>,
      %scan3A_30 = arith.constant 0 : i32
      scf.yield %scan3A_30 : i32
    }
    %scan3A_10 = arith.constant 640 : i32
    %broadcast_in_dim3A = arith.constant 1.000000e+00 : f32
    %broadcast_in_dim3A_11 = vector.broadcast %broadcast_in_dim3A : f32 to vector<16xf32>
    %scan3A_12 = arith.constant 0 : i32
    %scan3A_13 = arith.constant 0 : i32
    %scan3A_14 = arith.constant 320 : i32
    %scan3A_15 = arith.addi %scan3A_13, %scan3A_14 : i32
    %scan3A_16 = arith.constant 1 : i32
    %scan3A_17 = scf.for %scan3A_19 = %scan3A_13 to %scan3A_15 step %scan3A_16 iter_args(%scan3A_20 = %scan3A_12) -> (i32)  : i32 {
      %mul3A_21 = arith.constant 16 : i32
      %mul3A_22 = arith.muli %scan3A_19, %mul3A_21 : i32
      %get3A = arith.index_cast %mul3A_22 : i32 to index
      %get3A_23 = tpu.vector_load %arg8[%get3A] {strides = array<i32>} : memref<5120xi32, #tpu.memory_space<vmem>>, vector<16xi32>,
      %mul3A_24 = arith.constant 16 : i32
      %mul3A_25 = arith.muli %scan3A_19, %mul3A_24 : i32
      %get3A_26 = arith.index_cast %mul3A_25 : i32 to index
      %get3A_27 = tpu.vector_load %arg9[%get3A_26] {strides = array<i32>} : memref<5120xi32, #tpu.memory_space<vmem>>, vector<16xi32>,
      %gather3A = tpu.vector_load_idx %arg7[%get3A_23] : memref<10240xf32, #tpu.memory_space<vmem>>[vector<16xi32>], vector<16xf32>,
      tpu.vector_store_idx %arg10[%get3A_27], %gather3A {add = true} : memref<10240xf32, #tpu.memory_space<vmem>>[vector<16xi32>], vector<16xf32>,
      tpu.vector_store_idx %arg11[%get3A_27], %broadcast_in_dim3A_11 {add = true} : memref<10240xf32, #tpu.memory_space<vmem>>[vector<16xi32>], vector<16xf32>,
      %scan3A_28 = arith.constant 0 : i32
      scf.yield %scan3A_28 : i32
    }
    %scan3A_18 = arith.constant 320 : i32
    "tpu.region"() ({
      %run_scoped3A = tpu.sem_alloc : memref<!tpu.dma_semaphore, #tpu.memory_space<semaphore_mem>>
      %dma_start3A = arith.constant 0 : i32
      %dma_start3A_19 = tpu.memref_slice %arg5[%add3A, %dma_start3A] : memref<32x10240xf32, #tpu.memory_space<hbm>> -> memref<1x10240xf32, #tpu.memory_space<hbm>>
      %dma_start3A_20 = tpu.memref_squeeze %dma_start3A_19 : memref<1x10240xf32, #tpu.memory_space<hbm>> -> memref<10240xf32, #tpu.memory_space<hbm>>
      %dma_start3A_21 = arith.constant 0 : i32
      %dma_start3A_22 = tpu.memref_slice %arg5[%add3A, %dma_start3A_21] : memref<32x10240xf32, #tpu.memory_space<hbm>> -> memref<1x10240xf32, #tpu.memory_space<hbm>>
      %dma_start3A_23 = tpu.memref_squeeze %dma_start3A_22 : memref<1x10240xf32, #tpu.memory_space<hbm>> -> memref<10240xf32, #tpu.memory_space<hbm>>
      tpu.enqueue_dma source(%arg10 : memref<10240xf32, #tpu.memory_space<vmem>>) target(%dma_start3A_23 : memref<10240xf32, #tpu.memory_space<hbm>>) target_semaphore(%run_scoped3A : memref<!tpu.dma_semaphore, #tpu.memory_space<semaphore_mem>>)
      %dma_wait3A = arith.constant 0 : i32
      %dma_wait3A_24 = tpu.memref_slice %arg5[%add3A, %dma_wait3A] : memref<32x10240xf32, #tpu.memory_space<hbm>> -> memref<1x10240xf32, #tpu.memory_space<hbm>>
      %dma_wait3A_25 = tpu.memref_squeeze %dma_wait3A_24 : memref<1x10240xf32, #tpu.memory_space<hbm>> -> memref<10240xf32, #tpu.memory_space<hbm>>
      %dma_wait3A_26 = arith.constant 0 : i32
      %dma_wait3A_27 = tpu.memref_slice %arg5[%add3A, %dma_wait3A_26] : memref<32x10240xf32, #tpu.memory_space<hbm>> -> memref<1x10240xf32, #tpu.memory_space<hbm>>
      %dma_wait3A_28 = tpu.memref_squeeze %dma_wait3A_27 : memref<1x10240xf32, #tpu.memory_space<hbm>> -> memref<10240xf32, #tpu.memory_space<hbm>>
      tpu.wait_dma2 semaphore(%run_scoped3A : memref<!tpu.dma_semaphore, #tpu.memory_space<semaphore_mem>>) src(%arg10 : memref<10240xf32, #tpu.memory_space<vmem>>) dst(%dma_wait3A_28 : memref<10240xf32, #tpu.memory_space<hbm>>)
      tpu.yield
    }) : () -> ()
    "tpu.region"() ({
      %run_scoped3A = tpu.sem_alloc : memref<!tpu.dma_semaphore, #tpu.memory_space<semaphore_mem>>
      %dma_start3A = arith.constant 0 : i32
      %dma_start3A_19 = tpu.memref_slice %arg6[%add3A, %dma_start3A] : memref<32x10240xf32, #tpu.memory_space<hbm>> -> memref<1x10240xf32, #tpu.memory_space<hbm>>
      %dma_start3A_20 = tpu.memref_squeeze %dma_start3A_19 : memref<1x10240xf32, #tpu.memory_space<hbm>> -> memref<10240xf32, #tpu.memory_space<hbm>>
      %dma_start3A_21 = arith.constant 0 : i32
      %dma_start3A_22 = tpu.memref_slice %arg6[%add3A, %dma_start3A_21] : memref<32x10240xf32, #tpu.memory_space<hbm>> -> memref<1x10240xf32, #tpu.memory_space<hbm>>
      %dma_start3A_23 = tpu.memref_squeeze %dma_start3A_22 : memref<1x10240xf32, #tpu.memory_space<hbm>> -> memref<10240xf32, #tpu.memory_space<hbm>>
      tpu.enqueue_dma source(%arg11 : memref<10240xf32, #tpu.memory_space<vmem>>) target(%dma_start3A_23 : memref<10240xf32, #tpu.memory_space<hbm>>) target_semaphore(%run_scoped3A : memref<!tpu.dma_semaphore, #tpu.memory_space<semaphore_mem>>)
      %dma_wait3A = arith.constant 0 : i32
      %dma_wait3A_24 = tpu.memref_slice %arg6[%add3A, %dma_wait3A] : memref<32x10240xf32, #tpu.memory_space<hbm>> -> memref<1x10240xf32, #tpu.memory_space<hbm>>
      %dma_wait3A_25 = tpu.memref_squeeze %dma_wait3A_24 : memref<1x10240xf32, #tpu.memory_space<hbm>> -> memref<10240xf32, #tpu.memory_space<hbm>>
      %dma_wait3A_26 = arith.constant 0 : i32
      %dma_wait3A_27 = tpu.memref_slice %arg6[%add3A, %dma_wait3A_26] : memref<32x10240xf32, #tpu.memory_space<hbm>> -> memref<1x10240xf32, #tpu.memory_space<hbm>>
      %dma_wait3A_28 = tpu.memref_squeeze %dma_wait3A_27 : memref<1x10240xf32, #tpu.memory_space<hbm>> -> memref<10240xf32, #tpu.memory_space<hbm>>
      tpu.wait_dma2 semaphore(%run_scoped3A : memref<!tpu.dma_semaphore, #tpu.memory_space<semaphore_mem>>) src(%arg11 : memref<10240xf32, #tpu.memory_space<vmem>>) dst(%dma_wait3A_28 : memref<10240xf32, #tpu.memory_space<hbm>>)
      tpu.yield
    }) : () -> ()
    return
  }
}

#map = affine_map<(d0, d1) -> (0, 0)>
#map1 = affine_map<(d0, d1) -> (0, 0, 0)>
module attributes {stable_mosaic.version = 14 : i64} {
  func.func @_sc2_body(%arg0: i32, %arg1: i32, %arg2: memref<40960x128xf32, #tpu.memory_space<hbm>>, %arg3: memref<16x10240xi32, #tpu.memory_space<hbm>>, %arg4: memref<16x80x128xi32, #tpu.memory_space<hbm>>, %arg5: memref<40960x128xf32, #tpu.memory_space<hbm>>, %arg6: memref<10240xi32, #tpu.memory_space<vmem>>, %arg7: memref<20x128xi32, #tpu.memory_space<vmem>>, %arg8: memref<128x128xf32, #tpu.memory_space<vmem>>, %arg9: memref<128x128xf32, #tpu.memory_space<vmem>>, %arg10: memref<10240x128xf32, #tpu.memory_space<vmem_shared>>, %arg11: memref<!tpu.dma_semaphore, #tpu.memory_space<semaphore_mem>>, %arg12: memref<!tpu.dma_semaphore, #tpu.memory_space<semaphore_mem>>, %arg13: memref<!tpu.dma_semaphore, #tpu.memory_space<semaphore_mem>>, %arg14: memref<!tpu.dma_semaphore, #tpu.memory_space<semaphore_mem>>, %arg15: memref<!tpu.dma_semaphore, #tpu.memory_space<semaphore_mem>>) attributes {dimension_semantics = [#tpu.dimension_semantics<core_parallel>, #tpu.dimension_semantics<subcore_parallel>], iteration_bounds = array<i64: 2, 16>, scalar_prefetch = 0 : i64, scratch_operands = 10 : i64, tpu.core_type = #tpu.core_type<sc_vector_subcore>, window_params = [{transform_indices = #map}, {transform_indices = #map}, {transform_indices = #map1}, {transform_indices = #map}]} {
    "tpu.region"() ({
      %run_scoped3A = tpu.sem_alloc : memref<!tpu.dma_semaphore, #tpu.memory_space<semaphore_mem>>
      %dma_start3A_612 = arith.constant 0 : i32
      %dma_start3A_613 = tpu.memref_slice %arg3[%arg1, %dma_start3A_612] : memref<16x10240xi32, #tpu.memory_space<hbm>> -> memref<1x10240xi32, #tpu.memory_space<hbm>>
      %dma_start3A_614 = tpu.memref_squeeze %dma_start3A_613 : memref<1x10240xi32, #tpu.memory_space<hbm>> -> memref<10240xi32, #tpu.memory_space<hbm>>
      %dma_start3A_615 = arith.constant 0 : i32
      %dma_start3A_616 = tpu.memref_slice %arg3[%arg1, %dma_start3A_615] : memref<16x10240xi32, #tpu.memory_space<hbm>> -> memref<1x10240xi32, #tpu.memory_space<hbm>>
      %dma_start3A_617 = tpu.memref_squeeze %dma_start3A_616 : memref<1x10240xi32, #tpu.memory_space<hbm>> -> memref<10240xi32, #tpu.memory_space<hbm>>
      tpu.enqueue_dma source(%dma_start3A_617 : memref<10240xi32, #tpu.memory_space<hbm>>) target(%arg6 : memref<10240xi32, #tpu.memory_space<vmem>>) target_semaphore(%run_scoped3A : memref<!tpu.dma_semaphore, #tpu.memory_space<semaphore_mem>>)
      %dma_wait3A_618 = arith.constant 0 : i32
      %dma_wait3A_619 = tpu.memref_slice %arg3[%arg1, %dma_wait3A_618] : memref<16x10240xi32, #tpu.memory_space<hbm>> -> memref<1x10240xi32, #tpu.memory_space<hbm>>
      %dma_wait3A_620 = tpu.memref_squeeze %dma_wait3A_619 : memref<1x10240xi32, #tpu.memory_space<hbm>> -> memref<10240xi32, #tpu.memory_space<hbm>>
      %dma_wait3A_621 = arith.constant 0 : i32
      %dma_wait3A_622 = tpu.memref_slice %arg3[%arg1, %dma_wait3A_621] : memref<16x10240xi32, #tpu.memory_space<hbm>> -> memref<1x10240xi32, #tpu.memory_space<hbm>>
      %dma_wait3A_623 = tpu.memref_squeeze %dma_wait3A_622 : memref<1x10240xi32, #tpu.memory_space<hbm>> -> memref<10240xi32, #tpu.memory_space<hbm>>
      tpu.wait_dma2 semaphore(%run_scoped3A : memref<!tpu.dma_semaphore, #tpu.memory_space<semaphore_mem>>) src(%dma_wait3A_623 : memref<10240xi32, #tpu.memory_space<hbm>>) dst(%arg6 : memref<10240xi32, #tpu.memory_space<vmem>>)
      tpu.yield
    }) : () -> ()
    %mul3A = arith.constant 2 : i32
    %mul3A_0 = arith.muli %mul3A, %arg0 : i32
    %mul3A_1 = arith.constant 10240 : i32
    %mul3A_2 = arith.muli %mul3A_0, %mul3A_1 : i32
    %scan3A = arith.constant 0 : i32
    %scan3A_3 = arith.constant 0 : i32
    %scan3A_4 = arith.constant 640 : i32
    %scan3A_5 = arith.addi %scan3A_3, %scan3A_4 : i32
    %scan3A_6 = arith.constant 1 : i32
    %scan3A_7 = scf.for %scan3A_612 = %scan3A_3 to %scan3A_5 step %scan3A_6 iter_args(%scan3A_613 = %scan3A) -> (i32)  : i32 {
      %mul3A_614 = arith.constant 16 : i32
      %mul3A_615 = arith.muli %scan3A_612, %mul3A_614 : i32
      %get3A = arith.index_cast %mul3A_615 : i32 to index
      %get3A_616 = tpu.vector_load %arg6[%get3A] {strides = array<i32>} : memref<10240xi32, #tpu.memory_space<vmem>>, vector<16xi32>,
      %add3A_617 = vector.broadcast %mul3A_2 : i32 to vector<16xi32>
      %add3A_618 = arith.addi %get3A_616, %add3A_617 : vector<16xi32>
      %mul3A_619 = arith.constant 16 : i32
      %mul3A_620 = arith.muli %scan3A_612, %mul3A_619 : i32
      %swap3A = arith.index_cast %mul3A_620 : i32 to index
      %swap3A_621 = tpu.vector_load %arg6[%swap3A] {strides = array<i32>} : memref<10240xi32, #tpu.memory_space<vmem>>, vector<16xi32>,
      tpu.vector_store %arg6[%swap3A], %add3A_618 {strides = array<i32>} : memref<10240xi32, #tpu.memory_space<vmem>>, vector<16xi32>,
      %scan3A_622 = arith.constant 0 : i32
      scf.yield %scan3A_622 : i32
    }
    %scan3A_8 = arith.constant 640 : i32
    %mul3A_9 = arith.constant 2 : i32
    %mul3A_10 = arith.muli %mul3A_9, %arg0 : i32
    %scan3A_11 = arith.constant 0 : i32
    %scan3A_12 = arith.constant 0 : i32
    %scan3A_13 = arith.constant 1024 : i32
    %scan3A_14 = arith.addi %scan3A_12, %scan3A_13 : i32
    %scan3A_15 = arith.constant 1 : i32
    %scan3A_16 = scf.for %scan3A_612 = %scan3A_12 to %scan3A_14 step %scan3A_15 iter_args(%scan3A_613 = %scan3A_11) -> (i32)  : i32 {
      %broadcast_in_dim3A = arith.constant 0.000000e+00 : f32
      %broadcast_in_dim3A_614 = vector.broadcast %broadcast_in_dim3A : f32 to vector<16xf32>
      %jit3A = arith.constant 8 : i32
      %div3A = arith.divsi %scan3A_612, %jit3A : i32
      %sign3A = arith.constant 0 : i32
      %sign3A_615 = arith.cmpi sgt, %scan3A_612, %sign3A : i32
      %sign3A_616 = arith.extui %sign3A_615 : i1 to i32
      %sign3A_617 = arith.constant 0 : i32
      %sign3A_618 = arith.cmpi slt, %scan3A_612, %sign3A_617 : i32
      %sign3A_619 = arith.extui %sign3A_618 : i1 to i32
      %sign3A_620 = arith.subi %sign3A_616, %sign3A_619 : i32
      %sign3A_621 = arith.constant 0 : i32
      %sign3A_622 = arith.cmpi sgt, %jit3A, %sign3A_621 : i32
      %sign3A_623 = arith.extui %sign3A_622 : i1 to i32
      %sign3A_624 = arith.constant 0 : i32
      %sign3A_625 = arith.cmpi slt, %jit3A, %sign3A_624 : i32
      %sign3A_626 = arith.extui %sign3A_625 : i1 to i32
      %sign3A_627 = arith.subi %sign3A_623, %sign3A_626 : i32
      %ne3A = arith.cmpi ne, %sign3A_620, %sign3A_627 : i32
      %rem3A = arith.remsi %scan3A_612, %jit3A : i32
      %ne3A_628 = arith.constant 0 : i32
      %ne3A_629 = arith.cmpi ne, %rem3A, %ne3A_628 : i32
      %and3A = arith.andi %ne3A, %ne3A_629 : i1
      %sub3A = arith.constant 1 : i32
      %sub3A_630 = arith.subi %div3A, %sub3A : i32
      %select_n3A = arith.select %and3A, %sub3A_630, %div3A : i32
      %jit3A_631 = arith.constant 8 : i32
      %eq3A = arith.constant 0 : i32
      %eq3A_632 = arith.cmpi eq, %jit3A_631, %eq3A : i32
      %jit3A_633 = arith.constant 1 : i32
      %select_n3A_634 = arith.select %eq3A_632, %jit3A_633, %jit3A_631 : i32
      %rem3A_635 = arith.remsi %scan3A_612, %select_n3A_634 : i32
      %ne3A_636 = arith.constant 0 : i32
      %ne3A_637 = arith.cmpi ne, %rem3A_635, %ne3A_636 : i32
      %lt3A = arith.constant 0 : i32
      %lt3A_638 = arith.cmpi slt, %rem3A_635, %lt3A : i32
      %lt3A_639 = arith.constant 0 : i32
      %lt3A_640 = arith.cmpi slt, %select_n3A_634, %lt3A_639 : i32
      %ne3A_641 = arith.xori %lt3A_638, %lt3A_640 : i1
      %and3A_642 = arith.andi %ne3A_641, %ne3A_637 : i1
      %add3A_643 = arith.addi %rem3A_635, %select_n3A_634 : i32
      %select_n3A_644 = arith.select %and3A_642, %add3A_643, %rem3A_635 : i32
      %mul3A_645 = arith.constant 16 : i32
      %mul3A_646 = arith.muli %select_n3A_644, %mul3A_645 : i32
      %swap3A = arith.index_cast %select_n3A : i32 to index
      %swap3A_647 = arith.index_cast %mul3A_646 : i32 to index
      %swap3A_648 = tpu.vector_load %arg8[%swap3A, %swap3A_647] {strides = array<i32>} : memref<128x128xf32, #tpu.memory_space<vmem>>, vector<16xf32>,
      tpu.vector_store %arg8[%swap3A, %swap3A_647], %broadcast_in_dim3A_614 {strides = array<i32>} : memref<128x128xf32, #tpu.memory_space<vmem>>, vector<16xf32>,
      %scan3A_649 = arith.constant 0 : i32
      scf.yield %scan3A_649 : i32
    }
    %scan3A_17 = arith.constant 1024 : i32
    %mul3A_18 = arith.constant 640 : i32
    %mul3A_19 = arith.muli %arg1, %mul3A_18 : i32
    %add3A = arith.constant 0 : i32
    %add3A_20 = arith.addi %mul3A_19, %add3A : i32
    %mul3A_21 = arith.constant 640 : i32
    %mul3A_22 = arith.muli %arg1, %mul3A_21 : i32
    %add3A_23 = arith.constant 128 : i32
    %add3A_24 = arith.addi %mul3A_22, %add3A_23 : i32
    %mul3A_25 = arith.constant 640 : i32
    %mul3A_26 = arith.muli %arg1, %mul3A_25 : i32
    %add3A_27 = arith.constant 256 : i32
    %add3A_28 = arith.addi %mul3A_26, %add3A_27 : i32
    %mul3A_29 = arith.constant 640 : i32
    %mul3A_30 = arith.muli %arg1, %mul3A_29 : i32
    %add3A_31 = arith.constant 384 : i32
    %add3A_32 = arith.addi %mul3A_30, %add3A_31 : i32
    %mul3A_33 = arith.constant 640 : i32
    %mul3A_34 = arith.muli %arg1, %mul3A_33 : i32
    %add3A_35 = arith.constant 512 : i32
    %add3A_36 = arith.addi %mul3A_34, %add3A_35 : i32
    %dma_start3A = arith.constant 0 : i32
    %dma_start3A_37 = tpu.memref_slice %arg10[%add3A_20, %dma_start3A] : memref<10240x128xf32, #tpu.memory_space<vmem_shared>> -> memref<128x128xf32, #tpu.memory_space<vmem_shared>>
    %dma_start3A_38 = arith.constant 0 : i32
    %dma_start3A_39 = tpu.memref_slice %arg10[%add3A_20, %dma_start3A_38] : memref<10240x128xf32, #tpu.memory_space<vmem_shared>> -> memref<128x128xf32, #tpu.memory_space<vmem_shared>>
    tpu.enqueue_dma source(%arg8 : memref<128x128xf32, #tpu.memory_space<vmem>>) target(%dma_start3A_39 : memref<128x128xf32, #tpu.memory_space<vmem_shared>>) target_semaphore(%arg11 : memref<!tpu.dma_semaphore, #tpu.memory_space<semaphore_mem>>)
    %dma_start3A_40 = arith.constant 0 : i32
    %dma_start3A_41 = tpu.memref_slice %arg10[%add3A_24, %dma_start3A_40] : memref<10240x128xf32, #tpu.memory_space<vmem_shared>> -> memref<128x128xf32, #tpu.memory_space<vmem_shared>>
    %dma_start3A_42 = arith.constant 0 : i32
    %dma_start3A_43 = tpu.memref_slice %arg10[%add3A_24, %dma_start3A_42] : memref<10240x128xf32, #tpu.memory_space<vmem_shared>> -> memref<128x128xf32, #tpu.memory_space<vmem_shared>>
    tpu.enqueue_dma source(%arg8 : memref<128x128xf32, #tpu.memory_space<vmem>>) target(%dma_start3A_43 : memref<128x128xf32, #tpu.memory_space<vmem_shared>>) target_semaphore(%arg11 : memref<!tpu.dma_semaphore, #tpu.memory_space<semaphore_mem>>)
    %dma_start3A_44 = arith.constant 0 : i32
    %dma_start3A_45 = tpu.memref_slice %arg10[%add3A_28, %dma_start3A_44] : memref<10240x128xf32, #tpu.memory_space<vmem_shared>> -> memref<128x128xf32, #tpu.memory_space<vmem_shared>>
    %dma_start3A_46 = arith.constant 0 : i32
    %dma_start3A_47 = tpu.memref_slice %arg10[%add3A_28, %dma_start3A_46] : memref<10240x128xf32, #tpu.memory_space<vmem_shared>> -> memref<128x128xf32, #tpu.memory_space<vmem_shared>>
    tpu.enqueue_dma source(%arg8 : memref<128x128xf32, #tpu.memory_space<vmem>>) target(%dma_start3A_47 : memref<128x128xf32, #tpu.memory_space<vmem_shared>>) target_semaphore(%arg11 : memref<!tpu.dma_semaphore, #tpu.memory_space<semaphore_mem>>)
    %dma_start3A_48 = arith.constant 0 : i32
    %dma_start3A_49 = tpu.memref_slice %arg10[%add3A_32, %dma_start3A_48] : memref<10240x128xf32, #tpu.memory_space<vmem_shared>> -> memref<128x128xf32, #tpu.memory_space<vmem_shared>>
    %dma_start3A_50 = arith.constant 0 : i32
    %dma_start3A_51 = tpu.memref_slice %arg10[%add3A_32, %dma_start3A_50] : memref<10240x128xf32, #tpu.memory_space<vmem_shared>> -> memref<128x128xf32, #tpu.memory_space<vmem_shared>>
    tpu.enqueue_dma source(%arg8 : memref<128x128xf32, #tpu.memory_space<vmem>>) target(%dma_start3A_51 : memref<128x128xf32, #tpu.memory_space<vmem_shared>>) target_semaphore(%arg11 : memref<!tpu.dma_semaphore, #tpu.memory_space<semaphore_mem>>)
    %dma_start3A_52 = arith.constant 0 : i32
    %dma_start3A_53 = tpu.memref_slice %arg10[%add3A_36, %dma_start3A_52] : memref<10240x128xf32, #tpu.memory_space<vmem_shared>> -> memref<128x128xf32, #tpu.memory_space<vmem_shared>>
    %dma_start3A_54 = arith.constant 0 : i32
    %dma_start3A_55 = tpu.memref_slice %arg10[%add3A_36, %dma_start3A_54] : memref<10240x128xf32, #tpu.memory_space<vmem_shared>> -> memref<128x128xf32, #tpu.memory_space<vmem_shared>>
    tpu.enqueue_dma source(%arg8 : memref<128x128xf32, #tpu.memory_space<vmem>>) target(%dma_start3A_55 : memref<128x128xf32, #tpu.memory_space<vmem_shared>>) target_semaphore(%arg11 : memref<!tpu.dma_semaphore, #tpu.memory_space<semaphore_mem>>)
    %dma_wait3A = arith.constant 0 : i32
    %dma_wait3A_56 = tpu.memref_slice %arg10[%add3A_20, %dma_wait3A] : memref<10240x128xf32, #tpu.memory_space<vmem_shared>> -> memref<128x128xf32, #tpu.memory_space<vmem_shared>>
    %dma_wait3A_57 = arith.constant 0 : i32
    %dma_wait3A_58 = tpu.memref_slice %arg10[%add3A_20, %dma_wait3A_57] : memref<10240x128xf32, #tpu.memory_space<vmem_shared>> -> memref<128x128xf32, #tpu.memory_space<vmem_shared>>
    tpu.wait_dma2 semaphore(%arg11 : memref<!tpu.dma_semaphore, #tpu.memory_space<semaphore_mem>>) src(%arg8 : memref<128x128xf32, #tpu.memory_space<vmem>>) dst(%dma_wait3A_58 : memref<128x128xf32, #tpu.memory_space<vmem_shared>>)
    %dma_wait3A_59 = arith.constant 0 : i32
    %dma_wait3A_60 = tpu.memref_slice %arg10[%add3A_24, %dma_wait3A_59] : memref<10240x128xf32, #tpu.memory_space<vmem_shared>> -> memref<128x128xf32, #tpu.memory_space<vmem_shared>>
    %dma_wait3A_61 = arith.constant 0 : i32
    %dma_wait3A_62 = tpu.memref_slice %arg10[%add3A_24, %dma_wait3A_61] : memref<10240x128xf32, #tpu.memory_space<vmem_shared>> -> memref<128x128xf32, #tpu.memory_space<vmem_shared>>
    tpu.wait_dma2 semaphore(%arg11 : memref<!tpu.dma_semaphore, #tpu.memory_space<semaphore_mem>>) src(%arg8 : memref<128x128xf32, #tpu.memory_space<vmem>>) dst(%dma_wait3A_62 : memref<128x128xf32, #tpu.memory_space<vmem_shared>>)
    %dma_wait3A_63 = arith.constant 0 : i32
    %dma_wait3A_64 = tpu.memref_slice %arg10[%add3A_28, %dma_wait3A_63] : memref<10240x128xf32, #tpu.memory_space<vmem_shared>> -> memref<128x128xf32, #tpu.memory_space<vmem_shared>>
    %dma_wait3A_65 = arith.constant 0 : i32
    %dma_wait3A_66 = tpu.memref_slice %arg10[%add3A_28, %dma_wait3A_65] : memref<10240x128xf32, #tpu.memory_space<vmem_shared>> -> memref<128x128xf32, #tpu.memory_space<vmem_shared>>
    tpu.wait_dma2 semaphore(%arg11 : memref<!tpu.dma_semaphore, #tpu.memory_space<semaphore_mem>>) src(%arg8 : memref<128x128xf32, #tpu.memory_space<vmem>>) dst(%dma_wait3A_66 : memref<128x128xf32, #tpu.memory_space<vmem_shared>>)
    %dma_wait3A_67 = arith.constant 0 : i32
    %dma_wait3A_68 = tpu.memref_slice %arg10[%add3A_32, %dma_wait3A_67] : memref<10240x128xf32, #tpu.memory_space<vmem_shared>> -> memref<128x128xf32, #tpu.memory_space<vmem_shared>>
    %dma_wait3A_69 = arith.constant 0 : i32
    %dma_wait3A_70 = tpu.memref_slice %arg10[%add3A_32, %dma_wait3A_69] : memref<10240x128xf32, #tpu.memory_space<vmem_shared>> -> memref<128x128xf32, #tpu.memory_space<vmem_shared>>
    tpu.wait_dma2 semaphore(%arg11 : memref<!tpu.dma_semaphore, #tpu.memory_space<semaphore_mem>>) src(%arg8 : memref<128x128xf32, #tpu.memory_space<vmem>>) dst(%dma_wait3A_70 : memref<128x128xf32, #tpu.memory_space<vmem_shared>>)
    %dma_wait3A_71 = arith.constant 0 : i32
    %dma_wait3A_72 = tpu.memref_slice %arg10[%add3A_36, %dma_wait3A_71] : memref<10240x128xf32, #tpu.memory_space<vmem_shared>> -> memref<128x128xf32, #tpu.memory_space<vmem_shared>>
    %dma_wait3A_73 = arith.constant 0 : i32
    %dma_wait3A_74 = tpu.memref_slice %arg10[%add3A_36, %dma_wait3A_73] : memref<10240x128xf32, #tpu.memory_space<vmem_shared>> -> memref<128x128xf32, #tpu.memory_space<vmem_shared>>
    tpu.wait_dma2 semaphore(%arg11 : memref<!tpu.dma_semaphore, #tpu.memory_space<semaphore_mem>>) src(%arg8 : memref<128x128xf32, #tpu.memory_space<vmem>>) dst(%dma_wait3A_74 : memref<128x128xf32, #tpu.memory_space<vmem_shared>>)
    %barrier3A = arith.constant 0 : index
    tpu.barrier barrier_id(%barrier3A)
    "tpu.region"() ({
      %run_scoped3A = tpu.sem_alloc : memref<!tpu.dma_semaphore, #tpu.memory_space<semaphore_mem>>
      %dma_start3A_612 = arith.constant 0 : i32
      %dma_start3A_613 = arith.constant 0 : i32
      %dma_start3A_614 = tpu.memref_slice %arg4[%arg1, %dma_start3A_612, %dma_start3A_613] : memref<16x80x128xi32, #tpu.memory_space<hbm>> -> memref<1x80x128xi32, #tpu.memory_space<hbm>>
      %dma_start3A_615 = tpu.memref_squeeze %dma_start3A_614 : memref<1x80x128xi32, #tpu.memory_space<hbm>> -> memref<80x128xi32, #tpu.memory_space<hbm>>
      %dma_start3A_616 = arith.constant 0 : i32
      %dma_start3A_617 = arith.constant 0 : i32
      %dma_start3A_618 = tpu.memref_slice %dma_start3A_615[%dma_start3A_616, %dma_start3A_617] : memref<80x128xi32, #tpu.memory_space<hbm>> -> memref<20x128xi32, #tpu.memory_space<hbm>>
      %dma_start3A_619 = arith.constant 0 : i32
      %dma_start3A_620 = arith.constant 0 : i32
      %dma_start3A_621 = tpu.memref_slice %arg4[%arg1, %dma_start3A_619, %dma_start3A_620] : memref<16x80x128xi32, #tpu.memory_space<hbm>> -> memref<1x80x128xi32, #tpu.memory_space<hbm>>
      %dma_start3A_622 = tpu.memref_squeeze %dma_start3A_621 : memref<1x80x128xi32, #tpu.memory_space<hbm>> -> memref<80x128xi32, #tpu.memory_space<hbm>>
      %dma_start3A_623 = arith.constant 0 : i32
      %dma_start3A_624 = arith.constant 0 : i32
      %dma_start3A_625 = tpu.memref_slice %dma_start3A_622[%dma_start3A_623, %dma_start3A_624] : memref<80x128xi32, #tpu.memory_space<hbm>> -> memref<20x128xi32, #tpu.memory_space<hbm>>
      tpu.enqueue_dma source(%dma_start3A_625 : memref<20x128xi32, #tpu.memory_space<hbm>>) target(%arg7 : memref<20x128xi32, #tpu.memory_space<vmem>>) target_semaphore(%run_scoped3A : memref<!tpu.dma_semaphore, #tpu.memory_space<semaphore_mem>>)
      %dma_wait3A_626 = arith.constant 0 : i32
      %dma_wait3A_627 = arith.constant 0 : i32
      %dma_wait3A_628 = tpu.memref_slice %arg4[%arg1, %dma_wait3A_626, %dma_wait3A_627] : memref<16x80x128xi32, #tpu.memory_space<hbm>> -> memref<1x80x128xi32, #tpu.memory_space<hbm>>
      %dma_wait3A_629 = tpu.memref_squeeze %dma_wait3A_628 : memref<1x80x128xi32, #tpu.memory_space<hbm>> -> memref<80x128xi32, #tpu.memory_space<hbm>>
      %dma_wait3A_630 = arith.constant 0 : i32
      %dma_wait3A_631 = arith.constant 0 : i32
      %dma_wait3A_632 = tpu.memref_slice %dma_wait3A_629[%dma_wait3A_630, %dma_wait3A_631] : memref<80x128xi32, #tpu.memory_space<hbm>> -> memref<20x128xi32, #tpu.memory_space<hbm>>
      %dma_wait3A_633 = arith.constant 0 : i32
      %dma_wait3A_634 = arith.constant 0 : i32
      %dma_wait3A_635 = tpu.memref_slice %arg4[%arg1, %dma_wait3A_633, %dma_wait3A_634] : memref<16x80x128xi32, #tpu.memory_space<hbm>> -> memref<1x80x128xi32, #tpu.memory_space<hbm>>
      %dma_wait3A_636 = tpu.memref_squeeze %dma_wait3A_635 : memref<1x80x128xi32, #tpu.memory_space<hbm>> -> memref<80x128xi32, #tpu.memory_space<hbm>>
      %dma_wait3A_637 = arith.constant 0 : i32
      %dma_wait3A_638 = arith.constant 0 : i32
      %dma_wait3A_639 = tpu.memref_slice %dma_wait3A_636[%dma_wait3A_637, %dma_wait3A_638] : memref<80x128xi32, #tpu.memory_space<hbm>> -> memref<20x128xi32, #tpu.memory_space<hbm>>
      tpu.wait_dma2 semaphore(%run_scoped3A : memref<!tpu.dma_semaphore, #tpu.memory_space<semaphore_mem>>) src(%dma_wait3A_639 : memref<20x128xi32, #tpu.memory_space<hbm>>) dst(%arg7 : memref<20x128xi32, #tpu.memory_space<vmem>>)
      tpu.yield
    }) : () -> ()
    %dma_start3A_75 = arith.constant 0 : i32
    %dma_start3A_76 = tpu.memref_slice %arg6[%dma_start3A_75] : memref<10240xi32, #tpu.memory_space<vmem>> -> memref<128xi32, #tpu.memory_space<vmem>>
    %dma_start3A_77 = arith.constant 0 : i32
    %dma_start3A_78 = arith.constant 0 : i32
    %dma_start3A_79 = tpu.memref_slice %arg2[%dma_start3A_77, %dma_start3A_78] : memref<40960x128xf32, #tpu.memory_space<hbm>> -> memref<40960x128xf32, #tpu.memory_space<hbm>>
    tpu.enqueue_indirect_dma source(%dma_start3A_79 : memref<40960x128xf32, #tpu.memory_space<hbm>>) target(%arg8 : memref<128x128xf32, #tpu.memory_space<vmem>>) offsets(%dma_start3A_76 : memref<128xi32, #tpu.memory_space<vmem>>) semaphore(%arg12 : memref<!tpu.dma_semaphore, #tpu.memory_space<semaphore_mem>>)
    %dma_start3A_80 = arith.constant 128 : i32
    %dma_start3A_81 = tpu.memref_slice %arg6[%dma_start3A_80] : memref<10240xi32, #tpu.memory_space<vmem>> -> memref<128xi32, #tpu.memory_space<vmem>>
    %dma_start3A_82 = arith.constant 0 : i32
    %dma_start3A_83 = arith.constant 0 : i32
    %dma_start3A_84 = tpu.memref_slice %arg2[%dma_start3A_82, %dma_start3A_83] : memref<40960x128xf32, #tpu.memory_space<hbm>> -> memref<40960x128xf32, #tpu.memory_space<hbm>>
    tpu.enqueue_indirect_dma source(%dma_start3A_84 : memref<40960x128xf32, #tpu.memory_space<hbm>>) target(%arg9 : memref<128x128xf32, #tpu.memory_space<vmem>>) offsets(%dma_start3A_81 : memref<128xi32, #tpu.memory_space<vmem>>) semaphore(%arg13 : memref<!tpu.dma_semaphore, #tpu.memory_space<semaphore_mem>>)
    %scan3A_85 = arith.constant 0 : i32
    %scan3A_86 = arith.constant 0 : i32
    %scan3A_87 = arith.constant 9 : i32
    %scan3A_88 = arith.addi %scan3A_86, %scan3A_87 : i32
    %scan3A_89 = arith.constant 1 : i32
    %scan3A_90 = scf.for %scan3A_612 = %scan3A_86 to %scan3A_88 step %scan3A_89 iter_args(%scan3A_613 = %scan3A_85) -> (i32)  : i32 {
      %mul3A_614 = arith.constant 2 : i32
      %mul3A_615 = arith.muli %mul3A_614, %scan3A_612 : i32
      %add3A_616 = arith.constant 0 : i32
      %add3A_617 = arith.addi %mul3A_615, %add3A_616 : i32
      %add3A_618 = arith.constant 0 : i32
      %add3A_619 = arith.addi %add3A_618, %add3A_617 : i32
      %mul3A_620 = arith.constant 128 : i32
      %mul3A_621 = arith.muli %add3A_619, %mul3A_620 : i32
      %dma_wait3A_622 = tpu.memref_slice %arg6[%mul3A_621] : memref<10240xi32, #tpu.memory_space<vmem>> -> memref<128xi32, #tpu.memory_space<vmem>>
      %dma_wait3A_623 = arith.constant 0 : i32
      %dma_wait3A_624 = arith.constant 0 : i32
      %dma_wait3A_625 = tpu.memref_slice %arg2[%dma_wait3A_623, %dma_wait3A_624] : memref<40960x128xf32, #tpu.memory_space<hbm>> -> memref<40960x128xf32, #tpu.memory_space<hbm>>
      tpu.wait_indirect_dma semaphore(%arg12 : memref<!tpu.dma_semaphore, #tpu.memory_space<semaphore_mem>>) src(%dma_wait3A_625 : memref<40960x128xf32, #tpu.memory_space<hbm>>) dst(%arg8 : memref<128x128xf32, #tpu.memory_space<vmem>>)
      %dma_start3A_626 = arith.constant 0 : i32
      %dma_start3A_627 = tpu.memref_slice %arg7[%add3A_617, %dma_start3A_626] : memref<20x128xi32, #tpu.memory_space<vmem>> -> memref<1x128xi32, #tpu.memory_space<vmem>>
      %dma_start3A_628 = tpu.memref_squeeze %dma_start3A_627 : memref<1x128xi32, #tpu.memory_space<vmem>> -> memref<128xi32, #tpu.memory_space<vmem>>
      %dma_start3A_629 = arith.constant 0 : i32
      %dma_start3A_630 = arith.constant 0 : i32
      %dma_start3A_631 = tpu.memref_slice %arg10[%dma_start3A_629, %dma_start3A_630] : memref<10240x128xf32, #tpu.memory_space<vmem_shared>> -> memref<10240x128xf32, #tpu.memory_space<vmem_shared>>
      tpu.enqueue_indirect_dma source(%arg8 : memref<128x128xf32, #tpu.memory_space<vmem>>) target(%dma_start3A_631 : memref<10240x128xf32, #tpu.memory_space<vmem_shared>>) offsets(%dma_start3A_628 : memref<128xi32, #tpu.memory_space<vmem>>) semaphore(%arg14 : memref<!tpu.dma_semaphore, #tpu.memory_space<semaphore_mem>>) {add = true}
      %mul3A_632 = arith.constant 2 : i32
      %mul3A_633 = arith.muli %mul3A_632, %scan3A_612 : i32
      %add3A_634 = arith.constant 1 : i32
      %add3A_635 = arith.addi %mul3A_633, %add3A_634 : i32
      %add3A_636 = arith.constant 0 : i32
      %add3A_637 = arith.addi %add3A_636, %add3A_635 : i32
      %mul3A_638 = arith.constant 128 : i32
      %mul3A_639 = arith.muli %add3A_637, %mul3A_638 : i32
      %dma_wait3A_640 = tpu.memref_slice %arg6[%mul3A_639] : memref<10240xi32, #tpu.memory_space<vmem>> -> memref<128xi32, #tpu.memory_space<vmem>>
      %dma_wait3A_641 = arith.constant 0 : i32
      %dma_wait3A_642 = arith.constant 0 : i32
      %dma_wait3A_643 = tpu.memref_slice %arg2[%dma_wait3A_641, %dma_wait3A_642] : memref<40960x128xf32, #tpu.memory_space<hbm>> -> memref<40960x128xf32, #tpu.memory_space<hbm>>
      tpu.wait_indirect_dma semaphore(%arg13 : memref<!tpu.dma_semaphore, #tpu.memory_space<semaphore_mem>>) src(%dma_wait3A_643 : memref<40960x128xf32, #tpu.memory_space<hbm>>) dst(%arg9 : memref<128x128xf32, #tpu.memory_space<vmem>>)
      %dma_start3A_644 = arith.constant 0 : i32
      %dma_start3A_645 = tpu.memref_slice %arg7[%add3A_635, %dma_start3A_644] : memref<20x128xi32, #tpu.memory_space<vmem>> -> memref<1x128xi32, #tpu.memory_space<vmem>>
      %dma_start3A_646 = tpu.memref_squeeze %dma_start3A_645 : memref<1x128xi32, #tpu.memory_space<vmem>> -> memref<128xi32, #tpu.memory_space<vmem>>
      %dma_start3A_647 = arith.constant 0 : i32
      %dma_start3A_648 = arith.constant 0 : i32
      %dma_start3A_649 = tpu.memref_slice %arg10[%dma_start3A_647, %dma_start3A_648] : memref<10240x128xf32, #tpu.memory_space<vmem_shared>> -> memref<10240x128xf32, #tpu.memory_space<vmem_shared>>
      tpu.enqueue_indirect_dma source(%arg9 : memref<128x128xf32, #tpu.memory_space<vmem>>) target(%dma_start3A_649 : memref<10240x128xf32, #tpu.memory_space<vmem_shared>>) offsets(%dma_start3A_646 : memref<128xi32, #tpu.memory_space<vmem>>) semaphore(%arg15 : memref<!tpu.dma_semaphore, #tpu.memory_space<semaphore_mem>>) {add = true}
      %dma_wait3A_650 = arith.constant 0 : i32
      %dma_wait3A_651 = tpu.memref_slice %arg7[%add3A_617, %dma_wait3A_650] : memref<20x128xi32, #tpu.memory_space<vmem>> -> memref<1x128xi32, #tpu.memory_space<vmem>>
      %dma_wait3A_652 = tpu.memref_squeeze %dma_wait3A_651 : memref<1x128xi32, #tpu.memory_space<vmem>> -> memref<128xi32, #tpu.memory_space<vmem>>
      %dma_wait3A_653 = arith.constant 0 : i32
      %dma_wait3A_654 = arith.constant 0 : i32
      %dma_wait3A_655 = tpu.memref_slice %arg10[%dma_wait3A_653, %dma_wait3A_654] : memref<10240x128xf32, #tpu.memory_space<vmem_shared>> -> memref<10240x128xf32, #tpu.memory_space<vmem_shared>>
      tpu.wait_indirect_dma semaphore(%arg14 : memref<!tpu.dma_semaphore, #tpu.memory_space<semaphore_mem>>) src(%arg8 : memref<128x128xf32, #tpu.memory_space<vmem>>) dst(%dma_wait3A_655 : memref<10240x128xf32, #tpu.memory_space<vmem_shared>>)
      %mul3A_656 = arith.constant 2 : i32
      %mul3A_657 = arith.muli %mul3A_656, %scan3A_612 : i32
      %add3A_658 = arith.constant 0 : i32
      %add3A_659 = arith.addi %add3A_658, %mul3A_657 : i32
      %add3A_660 = arith.constant 0 : i32
      %add3A_661 = arith.addi %add3A_659, %add3A_660 : i32
      %add3A_662 = arith.constant 2 : i32
      %add3A_663 = arith.addi %add3A_661, %add3A_662 : i32
      %mul3A_664 = arith.constant 128 : i32
      %mul3A_665 = arith.muli %add3A_663, %mul3A_664 : i32
      %dma_start3A_666 = tpu.memref_slice %arg6[%mul3A_665] : memref<10240xi32, #tpu.memory_space<vmem>> -> memref<128xi32, #tpu.memory_space<vmem>>
      %dma_start3A_667 = arith.constant 0 : i32
      %dma_start3A_668 = arith.constant 0 : i32
      %dma_start3A_669 = tpu.memref_slice %arg2[%dma_start3A_667, %dma_start3A_668] : memref<40960x128xf32, #tpu.memory_space<hbm>> -> memref<40960x128xf32, #tpu.memory_space<hbm>>
      tpu.enqueue_indirect_dma source(%dma_start3A_669 : memref<40960x128xf32, #tpu.memory_space<hbm>>) target(%arg8 : memref<128x128xf32, #tpu.memory_space<vmem>>) offsets(%dma_start3A_666 : memref<128xi32, #tpu.memory_space<vmem>>) semaphore(%arg12 : memref<!tpu.dma_semaphore, #tpu.memory_space<semaphore_mem>>)
      %dma_wait3A_670 = arith.constant 0 : i32
      %dma_wait3A_671 = tpu.memref_slice %arg7[%add3A_635, %dma_wait3A_670] : memref<20x128xi32, #tpu.memory_space<vmem>> -> memref<1x128xi32, #tpu.memory_space<vmem>>
      %dma_wait3A_672 = tpu.memref_squeeze %dma_wait3A_671 : memref<1x128xi32, #tpu.memory_space<vmem>> -> memref<128xi32, #tpu.memory_space<vmem>>
      %dma_wait3A_673 = arith.constant 0 : i32
      %dma_wait3A_674 = arith.constant 0 : i32
      %dma_wait3A_675 = tpu.memref_slice %arg10[%dma_wait3A_673, %dma_wait3A_674] : memref<10240x128xf32, #tpu.memory_space<vmem_shared>> -> memref<10240x128xf32, #tpu.memory_space<vmem_shared>>
      tpu.wait_indirect_dma semaphore(%arg15 : memref<!tpu.dma_semaphore, #tpu.memory_space<semaphore_mem>>) src(%arg9 : memref<128x128xf32, #tpu.memory_space<vmem>>) dst(%dma_wait3A_675 : memref<10240x128xf32, #tpu.memory_space<vmem_shared>>)
      %mul3A_676 = arith.constant 2 : i32
      %mul3A_677 = arith.muli %mul3A_676, %scan3A_612 : i32
      %add3A_678 = arith.constant 0 : i32
      %add3A_679 = arith.addi %add3A_678, %mul3A_677 : i32
      %add3A_680 = arith.constant 1 : i32
      %add3A_681 = arith.addi %add3A_679, %add3A_680 : i32
      %add3A_682 = arith.constant 2 : i32
      %add3A_683 = arith.addi %add3A_681, %add3A_682 : i32
      %mul3A_684 = arith.constant 128 : i32
      %mul3A_685 = arith.muli %add3A_683, %mul3A_684 : i32
      %dma_start3A_686 = tpu.memref_slice %arg6[%mul3A_685] : memref<10240xi32, #tpu.memory_space<vmem>> -> memref<128xi32, #tpu.memory_space<vmem>>
      %dma_start3A_687 = arith.constant 0 : i32
      %dma_start3A_688 = arith.constant 0 : i32
      %dma_start3A_689 = tpu.memref_slice %arg2[%dma_start3A_687, %dma_start3A_688] : memref<40960x128xf32, #tpu.memory_space<hbm>> -> memref<40960x128xf32, #tpu.memory_space<hbm>>
      tpu.enqueue_indirect_dma source(%dma_start3A_689 : memref<40960x128xf32, #tpu.memory_space<hbm>>) target(%arg9 : memref<128x128xf32, #tpu.memory_space<vmem>>) offsets(%dma_start3A_686 : memref<128xi32, #tpu.memory_space<vmem>>) semaphore(%arg13 : memref<!tpu.dma_semaphore, #tpu.memory_space<semaphore_mem>>)
      %scan3A_690 = arith.constant 0 : i32
      scf.yield %scan3A_690 : i32
    }
    %scan3A_91 = arith.constant 9 : i32
    %dma_wait3A_92 = arith.constant 2304 : i32
    %dma_wait3A_93 = tpu.memref_slice %arg6[%dma_wait3A_92] : memref<10240xi32, #tpu.memory_space<vmem>> -> memref<128xi32, #tpu.memory_space<vmem>>
    %dma_wait3A_94 = arith.constant 0 : i32
    %dma_wait3A_95 = arith.constant 0 : i32
    %dma_wait3A_96 = tpu.memref_slice %arg2[%dma_wait3A_94, %dma_wait3A_95] : memref<40960x128xf32, #tpu.memory_space<hbm>> -> memref<40960x128xf32, #tpu.memory_space<hbm>>
    tpu.wait_indirect_dma semaphore(%arg12 : memref<!tpu.dma_semaphore, #tpu.memory_space<semaphore_mem>>) src(%dma_wait3A_96 : memref<40960x128xf32, #tpu.memory_space<hbm>>) dst(%arg8 : memref<128x128xf32, #tpu.memory_space<vmem>>)
    %dma_start3A_97 = arith.constant 18 : i32
    %dma_start3A_98 = arith.constant 0 : i32
    %dma_start3A_99 = tpu.memref_slice %arg7[%dma_start3A_97, %dma_start3A_98] : memref<20x128xi32, #tpu.memory_space<vmem>> -> memref<1x128xi32, #tpu.memory_space<vmem>>
    %dma_start3A_100 = tpu.memref_squeeze %dma_start3A_99 : memref<1x128xi32, #tpu.memory_space<vmem>> -> memref<128xi32, #tpu.memory_space<vmem>>
    %dma_start3A_101 = arith.constant 0 : i32
    %dma_start3A_102 = arith.constant 0 : i32
    %dma_start3A_103 = tpu.memref_slice %arg10[%dma_start3A_101, %dma_start3A_102] : memref<10240x128xf32, #tpu.memory_space<vmem_shared>> -> memref<10240x128xf32, #tpu.memory_space<vmem_shared>>
    tpu.enqueue_indirect_dma source(%arg8 : memref<128x128xf32, #tpu.memory_space<vmem>>) target(%dma_start3A_103 : memref<10240x128xf32, #tpu.memory_space<vmem_shared>>) offsets(%dma_start3A_100 : memref<128xi32, #tpu.memory_space<vmem>>) semaphore(%arg14 : memref<!tpu.dma_semaphore, #tpu.memory_space<semaphore_mem>>) {add = true}
    %dma_wait3A_104 = arith.constant 2432 : i32
    %dma_wait3A_105 = tpu.memref_slice %arg6[%dma_wait3A_104] : memref<10240xi32, #tpu.memory_space<vmem>> -> memref<128xi32, #tpu.memory_space<vmem>>
    %dma_wait3A_106 = arith.constant 0 : i32
    %dma_wait3A_107 = arith.constant 0 : i32
    %dma_wait3A_108 = tpu.memref_slice %arg2[%dma_wait3A_106, %dma_wait3A_107] : memref<40960x128xf32, #tpu.memory_space<hbm>> -> memref<40960x128xf32, #tpu.memory_space<hbm>>
    tpu.wait_indirect_dma semaphore(%arg13 : memref<!tpu.dma_semaphore, #tpu.memory_space<semaphore_mem>>) src(%dma_wait3A_108 : memref<40960x128xf32, #tpu.memory_space<hbm>>) dst(%arg9 : memref<128x128xf32, #tpu.memory_space<vmem>>)
    %dma_start3A_109 = arith.constant 19 : i32
    %dma_start3A_110 = arith.constant 0 : i32
    %dma_start3A_111 = tpu.memref_slice %arg7[%dma_start3A_109, %dma_start3A_110] : memref<20x128xi32, #tpu.memory_space<vmem>> -> memref<1x128xi32, #tpu.memory_space<vmem>>
    %dma_start3A_112 = tpu.memref_squeeze %dma_start3A_111 : memref<1x128xi32, #tpu.memory_space<vmem>> -> memref<128xi32, #tpu.memory_space<vmem>>
    %dma_start3A_113 = arith.constant 0 : i32
    %dma_start3A_114 = arith.constant 0 : i32
    %dma_start3A_115 = tpu.memref_slice %arg10[%dma_start3A_113, %dma_start3A_114] : memref<10240x128xf32, #tpu.memory_space<vmem_shared>> -> memref<10240x128xf32, #tpu.memory_space<vmem_shared>>
    tpu.enqueue_indirect_dma source(%arg9 : memref<128x128xf32, #tpu.memory_space<vmem>>) target(%dma_start3A_115 : memref<10240x128xf32, #tpu.memory_space<vmem_shared>>) offsets(%dma_start3A_112 : memref<128xi32, #tpu.memory_space<vmem>>) semaphore(%arg15 : memref<!tpu.dma_semaphore, #tpu.memory_space<semaphore_mem>>) {add = true}
    %dma_wait3A_116 = arith.constant 18 : i32
    %dma_wait3A_117 = arith.constant 0 : i32
    %dma_wait3A_118 = tpu.memref_slice %arg7[%dma_wait3A_116, %dma_wait3A_117] : memref<20x128xi32, #tpu.memory_space<vmem>> -> memref<1x128xi32, #tpu.memory_space<vmem>>
    %dma_wait3A_119 = tpu.memref_squeeze %dma_wait3A_118 : memref<1x128xi32, #tpu.memory_space<vmem>> -> memref<128xi32, #tpu.memory_space<vmem>>
    %dma_wait3A_120 = arith.constant 0 : i32
    %dma_wait3A_121 = arith.constant 0 : i32
    %dma_wait3A_122 = tpu.memref_slice %arg10[%dma_wait3A_120, %dma_wait3A_121] : memref<10240x128xf32, #tpu.memory_space<vmem_shared>> -> memref<10240x128xf32, #tpu.memory_space<vmem_shared>>
    tpu.wait_indirect_dma semaphore(%arg14 : memref<!tpu.dma_semaphore, #tpu.memory_space<semaphore_mem>>) src(%arg8 : memref<128x128xf32, #tpu.memory_space<vmem>>) dst(%dma_wait3A_122 : memref<10240x128xf32, #tpu.memory_space<vmem_shared>>)
    %dma_wait3A_123 = arith.constant 19 : i32
    %dma_wait3A_124 = arith.constant 0 : i32
    %dma_wait3A_125 = tpu.memref_slice %arg7[%dma_wait3A_123, %dma_wait3A_124] : memref<20x128xi32, #tpu.memory_space<vmem>> -> memref<1x128xi32, #tpu.memory_space<vmem>>
    %dma_wait3A_126 = tpu.memref_squeeze %dma_wait3A_125 : memref<1x128xi32, #tpu.memory_space<vmem>> -> memref<128xi32, #tpu.memory_space<vmem>>
    %dma_wait3A_127 = arith.constant 0 : i32
    %dma_wait3A_128 = arith.constant 0 : i32
    %dma_wait3A_129 = tpu.memref_slice %arg10[%dma_wait3A_127, %dma_wait3A_128] : memref<10240x128xf32, #tpu.memory_space<vmem_shared>> -> memref<10240x128xf32, #tpu.memory_space<vmem_shared>>
    tpu.wait_indirect_dma semaphore(%arg15 : memref<!tpu.dma_semaphore, #tpu.memory_space<semaphore_mem>>) src(%arg9 : memref<128x128xf32, #tpu.memory_space<vmem>>) dst(%dma_wait3A_129 : memref<10240x128xf32, #tpu.memory_space<vmem_shared>>)
    "tpu.region"() ({
      %run_scoped3A = tpu.sem_alloc : memref<!tpu.dma_semaphore, #tpu.memory_space<semaphore_mem>>
      %dma_start3A_612 = arith.constant 0 : i32
      %dma_start3A_613 = arith.constant 0 : i32
      %dma_start3A_614 = tpu.memref_slice %arg4[%arg1, %dma_start3A_612, %dma_start3A_613] : memref<16x80x128xi32, #tpu.memory_space<hbm>> -> memref<1x80x128xi32, #tpu.memory_space<hbm>>
      %dma_start3A_615 = tpu.memref_squeeze %dma_start3A_614 : memref<1x80x128xi32, #tpu.memory_space<hbm>> -> memref<80x128xi32, #tpu.memory_space<hbm>>
      %dma_start3A_616 = arith.constant 20 : i32
      %dma_start3A_617 = arith.constant 0 : i32
      %dma_start3A_618 = tpu.memref_slice %dma_start3A_615[%dma_start3A_616, %dma_start3A_617] : memref<80x128xi32, #tpu.memory_space<hbm>> -> memref<20x128xi32, #tpu.memory_space<hbm>>
      %dma_start3A_619 = arith.constant 0 : i32
      %dma_start3A_620 = arith.constant 0 : i32
      %dma_start3A_621 = tpu.memref_slice %arg4[%arg1, %dma_start3A_619, %dma_start3A_620] : memref<16x80x128xi32, #tpu.memory_space<hbm>> -> memref<1x80x128xi32, #tpu.memory_space<hbm>>
      %dma_start3A_622 = tpu.memref_squeeze %dma_start3A_621 : memref<1x80x128xi32, #tpu.memory_space<hbm>> -> memref<80x128xi32, #tpu.memory_space<hbm>>
      %dma_start3A_623 = arith.constant 20 : i32
      %dma_start3A_624 = arith.constant 0 : i32
      %dma_start3A_625 = tpu.memref_slice %dma_start3A_622[%dma_start3A_623, %dma_start3A_624] : memref<80x128xi32, #tpu.memory_space<hbm>> -> memref<20x128xi32, #tpu.memory_space<hbm>>
      tpu.enqueue_dma source(%dma_start3A_625 : memref<20x128xi32, #tpu.memory_space<hbm>>) target(%arg7 : memref<20x128xi32, #tpu.memory_space<vmem>>) target_semaphore(%run_scoped3A : memref<!tpu.dma_semaphore, #tpu.memory_space<semaphore_mem>>)
      %dma_wait3A_626 = arith.constant 0 : i32
      %dma_wait3A_627 = arith.constant 0 : i32
      %dma_wait3A_628 = tpu.memref_slice %arg4[%arg1, %dma_wait3A_626, %dma_wait3A_627] : memref<16x80x128xi32, #tpu.memory_space<hbm>> -> memref<1x80x128xi32, #tpu.memory_space<hbm>>
      %dma_wait3A_629 = tpu.memref_squeeze %dma_wait3A_628 : memref<1x80x128xi32, #tpu.memory_space<hbm>> -> memref<80x128xi32, #tpu.memory_space<hbm>>
      %dma_wait3A_630 = arith.constant 20 : i32
      %dma_wait3A_631 = arith.constant 0 : i32
      %dma_wait3A_632 = tpu.memref_slice %dma_wait3A_629[%dma_wait3A_630, %dma_wait3A_631] : memref<80x128xi32, #tpu.memory_space<hbm>> -> memref<20x128xi32, #tpu.memory_space<hbm>>
      %dma_wait3A_633 = arith.constant 0 : i32
      %dma_wait3A_634 = arith.constant 0 : i32
      %dma_wait3A_635 = tpu.memref_slice %arg4[%arg1, %dma_wait3A_633, %dma_wait3A_634] : memref<16x80x128xi32, #tpu.memory_space<hbm>> -> memref<1x80x128xi32, #tpu.memory_space<hbm>>
      %dma_wait3A_636 = tpu.memref_squeeze %dma_wait3A_635 : memref<1x80x128xi32, #tpu.memory_space<hbm>> -> memref<80x128xi32, #tpu.memory_space<hbm>>
      %dma_wait3A_637 = arith.constant 20 : i32
      %dma_wait3A_638 = arith.constant 0 : i32
      %dma_wait3A_639 = tpu.memref_slice %dma_wait3A_636[%dma_wait3A_637, %dma_wait3A_638] : memref<80x128xi32, #tpu.memory_space<hbm>> -> memref<20x128xi32, #tpu.memory_space<hbm>>
      tpu.wait_dma2 semaphore(%run_scoped3A : memref<!tpu.dma_semaphore, #tpu.memory_space<semaphore_mem>>) src(%dma_wait3A_639 : memref<20x128xi32, #tpu.memory_space<hbm>>) dst(%arg7 : memref<20x128xi32, #tpu.memory_space<vmem>>)
      tpu.yield
    }) : () -> ()
    %dma_start3A_130 = arith.constant 2560 : i32
    %dma_start3A_131 = tpu.memref_slice %arg6[%dma_start3A_130] : memref<10240xi32, #tpu.memory_space<vmem>> -> memref<128xi32, #tpu.memory_space<vmem>>
    %dma_start3A_132 = arith.constant 0 : i32
    %dma_start3A_133 = arith.constant 0 : i32
    %dma_start3A_134 = tpu.memref_slice %arg2[%dma_start3A_132, %dma_start3A_133] : memref<40960x128xf32, #tpu.memory_space<hbm>> -> memref<40960x128xf32, #tpu.memory_space<hbm>>
    tpu.enqueue_indirect_dma source(%dma_start3A_134 : memref<40960x128xf32, #tpu.memory_space<hbm>>) target(%arg8 : memref<128x128xf32, #tpu.memory_space<vmem>>) offsets(%dma_start3A_131 : memref<128xi32, #tpu.memory_space<vmem>>) semaphore(%arg12 : memref<!tpu.dma_semaphore, #tpu.memory_space<semaphore_mem>>)
    %dma_start3A_135 = arith.constant 2688 : i32
    %dma_start3A_136 = tpu.memref_slice %arg6[%dma_start3A_135] : memref<10240xi32, #tpu.memory_space<vmem>> -> memref<128xi32, #tpu.memory_space<vmem>>
    %dma_start3A_137 = arith.constant 0 : i32
    %dma_start3A_138 = arith.constant 0 : i32
    %dma_start3A_139 = tpu.memref_slice %arg2[%dma_start3A_137, %dma_start3A_138] : memref<40960x128xf32, #tpu.memory_space<hbm>> -> memref<40960x128xf32, #tpu.memory_space<hbm>>
    tpu.enqueue_indirect_dma source(%dma_start3A_139 : memref<40960x128xf32, #tpu.memory_space<hbm>>) target(%arg9 : memref<128x128xf32, #tpu.memory_space<vmem>>) offsets(%dma_start3A_136 : memref<128xi32, #tpu.memory_space<vmem>>) semaphore(%arg13 : memref<!tpu.dma_semaphore, #tpu.memory_space<semaphore_mem>>)
    %scan3A_140 = arith.constant 0 : i32
    %scan3A_141 = arith.constant 0 : i32
    %scan3A_142 = arith.constant 9 : i32
    %scan3A_143 = arith.addi %scan3A_141, %scan3A_142 : i32
    %scan3A_144 = arith.constant 1 : i32
    %scan3A_145 = scf.for %scan3A_612 = %scan3A_141 to %scan3A_143 step %scan3A_144 iter_args(%scan3A_613 = %scan3A_140) -> (i32)  : i32 {
      %mul3A_614 = arith.constant 2 : i32
      %mul3A_615 = arith.muli %mul3A_614, %scan3A_612 : i32
      %add3A_616 = arith.constant 0 : i32
      %add3A_617 = arith.addi %mul3A_615, %add3A_616 : i32
      %add3A_618 = arith.constant 20 : i32
      %add3A_619 = arith.addi %add3A_618, %add3A_617 : i32
      %mul3A_620 = arith.constant 128 : i32
      %mul3A_621 = arith.muli %add3A_619, %mul3A_620 : i32
      %dma_wait3A_622 = tpu.memref_slice %arg6[%mul3A_621] : memref<10240xi32, #tpu.memory_space<vmem>> -> memref<128xi32, #tpu.memory_space<vmem>>
      %dma_wait3A_623 = arith.constant 0 : i32
      %dma_wait3A_624 = arith.constant 0 : i32
      %dma_wait3A_625 = tpu.memref_slice %arg2[%dma_wait3A_623, %dma_wait3A_624] : memref<40960x128xf32, #tpu.memory_space<hbm>> -> memref<40960x128xf32, #tpu.memory_space<hbm>>
      tpu.wait_indirect_dma semaphore(%arg12 : memref<!tpu.dma_semaphore, #tpu.memory_space<semaphore_mem>>) src(%dma_wait3A_625 : memref<40960x128xf32, #tpu.memory_space<hbm>>) dst(%arg8 : memref<128x128xf32, #tpu.memory_space<vmem>>)
      %dma_start3A_626 = arith.constant 0 : i32
      %dma_start3A_627 = tpu.memref_slice %arg7[%add3A_617, %dma_start3A_626] : memref<20x128xi32, #tpu.memory_space<vmem>> -> memref<1x128xi32, #tpu.memory_space<vmem>>
      %dma_start3A_628 = tpu.memref_squeeze %dma_start3A_627 : memref<1x128xi32, #tpu.memory_space<vmem>> -> memref<128xi32, #tpu.memory_space<vmem>>
      %dma_start3A_629 = arith.constant 0 : i32
      %dma_start3A_630 = arith.constant 0 : i32
      %dma_start3A_631 = tpu.memref_slice %arg10[%dma_start3A_629, %dma_start3A_630] : memref<10240x128xf32, #tpu.memory_space<vmem_shared>> -> memref<10240x128xf32, #tpu.memory_space<vmem_shared>>
      tpu.enqueue_indirect_dma source(%arg8 : memref<128x128xf32, #tpu.memory_space<vmem>>) target(%dma_start3A_631 : memref<10240x128xf32, #tpu.memory_space<vmem_shared>>) offsets(%dma_start3A_628 : memref<128xi32, #tpu.memory_space<vmem>>) semaphore(%arg14 : memref<!tpu.dma_semaphore, #tpu.memory_space<semaphore_mem>>) {add = true}
      %mul3A_632 = arith.constant 2 : i32
      %mul3A_633 = arith.muli %mul3A_632, %scan3A_612 : i32
      %add3A_634 = arith.constant 1 : i32
      %add3A_635 = arith.addi %mul3A_633, %add3A_634 : i32
      %add3A_636 = arith.constant 20 : i32
      %add3A_637 = arith.addi %add3A_636, %add3A_635 : i32
      %mul3A_638 = arith.constant 128 : i32
      %mul3A_639 = arith.muli %add3A_637, %mul3A_638 : i32
      %dma_wait3A_640 = tpu.memref_slice %arg6[%mul3A_639] : memref<10240xi32, #tpu.memory_space<vmem>> -> memref<128xi32, #tpu.memory_space<vmem>>
      %dma_wait3A_641 = arith.constant 0 : i32
      %dma_wait3A_642 = arith.constant 0 : i32
      %dma_wait3A_643 = tpu.memref_slice %arg2[%dma_wait3A_641, %dma_wait3A_642] : memref<40960x128xf32, #tpu.memory_space<hbm>> -> memref<40960x128xf32, #tpu.memory_space<hbm>>
      tpu.wait_indirect_dma semaphore(%arg13 : memref<!tpu.dma_semaphore, #tpu.memory_space<semaphore_mem>>) src(%dma_wait3A_643 : memref<40960x128xf32, #tpu.memory_space<hbm>>) dst(%arg9 : memref<128x128xf32, #tpu.memory_space<vmem>>)
      %dma_start3A_644 = arith.constant 0 : i32
      %dma_start3A_645 = tpu.memref_slice %arg7[%add3A_635, %dma_start3A_644] : memref<20x128xi32, #tpu.memory_space<vmem>> -> memref<1x128xi32, #tpu.memory_space<vmem>>
      %dma_start3A_646 = tpu.memref_squeeze %dma_start3A_645 : memref<1x128xi32, #tpu.memory_space<vmem>> -> memref<128xi32, #tpu.memory_space<vmem>>
      %dma_start3A_647 = arith.constant 0 : i32
      %dma_start3A_648 = arith.constant 0 : i32
      %dma_start3A_649 = tpu.memref_slice %arg10[%dma_start3A_647, %dma_start3A_648] : memref<10240x128xf32, #tpu.memory_space<vmem_shared>> -> memref<10240x128xf32, #tpu.memory_space<vmem_shared>>
      tpu.enqueue_indirect_dma source(%arg9 : memref<128x128xf32, #tpu.memory_space<vmem>>) target(%dma_start3A_649 : memref<10240x128xf32, #tpu.memory_space<vmem_shared>>) offsets(%dma_start3A_646 : memref<128xi32, #tpu.memory_space<vmem>>) semaphore(%arg15 : memref<!tpu.dma_semaphore, #tpu.memory_space<semaphore_mem>>) {add = true}
      %dma_wait3A_650 = arith.constant 0 : i32
      %dma_wait3A_651 = tpu.memref_slice %arg7[%add3A_617, %dma_wait3A_650] : memref<20x128xi32, #tpu.memory_space<vmem>> -> memref<1x128xi32, #tpu.memory_space<vmem>>
      %dma_wait3A_652 = tpu.memref_squeeze %dma_wait3A_651 : memref<1x128xi32, #tpu.memory_space<vmem>> -> memref<128xi32, #tpu.memory_space<vmem>>
      %dma_wait3A_653 = arith.constant 0 : i32
      %dma_wait3A_654 = arith.constant 0 : i32
      %dma_wait3A_655 = tpu.memref_slice %arg10[%dma_wait3A_653, %dma_wait3A_654] : memref<10240x128xf32, #tpu.memory_space<vmem_shared>> -> memref<10240x128xf32, #tpu.memory_space<vmem_shared>>
      tpu.wait_indirect_dma semaphore(%arg14 : memref<!tpu.dma_semaphore, #tpu.memory_space<semaphore_mem>>) src(%arg8 : memref<128x128xf32, #tpu.memory_space<vmem>>) dst(%dma_wait3A_655 : memref<10240x128xf32, #tpu.memory_space<vmem_shared>>)
      %mul3A_656 = arith.constant 2 : i32
      %mul3A_657 = arith.muli %mul3A_656, %scan3A_612 : i32
      %add3A_658 = arith.constant 20 : i32
      %add3A_659 = arith.addi %add3A_658, %mul3A_657 : i32
      %add3A_660 = arith.constant 0 : i32
      %add3A_661 = arith.addi %add3A_659, %add3A_660 : i32
      %add3A_662 = arith.constant 2 : i32
      %add3A_663 = arith.addi %add3A_661, %add3A_662 : i32
      %mul3A_664 = arith.constant 128 : i32
      %mul3A_665 = arith.muli %add3A_663, %mul3A_664 : i32
      %dma_start3A_666 = tpu.memref_slice %arg6[%mul3A_665] : memref<10240xi32, #tpu.memory_space<vmem>> -> memref<128xi32, #tpu.memory_space<vmem>>
      %dma_start3A_667 = arith.constant 0 : i32
      %dma_start3A_668 = arith.constant 0 : i32
      %dma_start3A_669 = tpu.memref_slice %arg2[%dma_start3A_667, %dma_start3A_668] : memref<40960x128xf32, #tpu.memory_space<hbm>> -> memref<40960x128xf32, #tpu.memory_space<hbm>>
      tpu.enqueue_indirect_dma source(%dma_start3A_669 : memref<40960x128xf32, #tpu.memory_space<hbm>>) target(%arg8 : memref<128x128xf32, #tpu.memory_space<vmem>>) offsets(%dma_start3A_666 : memref<128xi32, #tpu.memory_space<vmem>>) semaphore(%arg12 : memref<!tpu.dma_semaphore, #tpu.memory_space<semaphore_mem>>)
      %dma_wait3A_670 = arith.constant 0 : i32
      %dma_wait3A_671 = tpu.memref_slice %arg7[%add3A_635, %dma_wait3A_670] : memref<20x128xi32, #tpu.memory_space<vmem>> -> memref<1x128xi32, #tpu.memory_space<vmem>>
      %dma_wait3A_672 = tpu.memref_squeeze %dma_wait3A_671 : memref<1x128xi32, #tpu.memory_space<vmem>> -> memref<128xi32, #tpu.memory_space<vmem>>
      %dma_wait3A_673 = arith.constant 0 : i32
      %dma_wait3A_674 = arith.constant 0 : i32
      %dma_wait3A_675 = tpu.memref_slice %arg10[%dma_wait3A_673, %dma_wait3A_674] : memref<10240x128xf32, #tpu.memory_space<vmem_shared>> -> memref<10240x128xf32, #tpu.memory_space<vmem_shared>>
      tpu.wait_indirect_dma semaphore(%arg15 : memref<!tpu.dma_semaphore, #tpu.memory_space<semaphore_mem>>) src(%arg9 : memref<128x128xf32, #tpu.memory_space<vmem>>) dst(%dma_wait3A_675 : memref<10240x128xf32, #tpu.memory_space<vmem_shared>>)
      %mul3A_676 = arith.constant 2 : i32
      %mul3A_677 = arith.muli %mul3A_676, %scan3A_612 : i32
      %add3A_678 = arith.constant 20 : i32
      %add3A_679 = arith.addi %add3A_678, %mul3A_677 : i32
      %add3A_680 = arith.constant 1 : i32
      %add3A_681 = arith.addi %add3A_679, %add3A_680 : i32
      %add3A_682 = arith.constant 2 : i32
      %add3A_683 = arith.addi %add3A_681, %add3A_682 : i32
      %mul3A_684 = arith.constant 128 : i32
      %mul3A_685 = arith.muli %add3A_683, %mul3A_684 : i32
      %dma_start3A_686 = tpu.memref_slice %arg6[%mul3A_685] : memref<10240xi32, #tpu.memory_space<vmem>> -> memref<128xi32, #tpu.memory_space<vmem>>
      %dma_start3A_687 = arith.constant 0 : i32
      %dma_start3A_688 = arith.constant 0 : i32
      %dma_start3A_689 = tpu.memref_slice %arg2[%dma_start3A_687, %dma_start3A_688] : memref<40960x128xf32, #tpu.memory_space<hbm>> -> memref<40960x128xf32, #tpu.memory_space<hbm>>
      tpu.enqueue_indirect_dma source(%dma_start3A_689 : memref<40960x128xf32, #tpu.memory_space<hbm>>) target(%arg9 : memref<128x128xf32, #tpu.memory_space<vmem>>) offsets(%dma_start3A_686 : memref<128xi32, #tpu.memory_space<vmem>>) semaphore(%arg13 : memref<!tpu.dma_semaphore, #tpu.memory_space<semaphore_mem>>)
      %scan3A_690 = arith.constant 0 : i32
      scf.yield %scan3A_690 : i32
    }
    %scan3A_146 = arith.constant 9 : i32
    %dma_wait3A_147 = arith.constant 4864 : i32
    %dma_wait3A_148 = tpu.memref_slice %arg6[%dma_wait3A_147] : memref<10240xi32, #tpu.memory_space<vmem>> -> memref<128xi32, #tpu.memory_space<vmem>>
    %dma_wait3A_149 = arith.constant 0 : i32
    %dma_wait3A_150 = arith.constant 0 : i32
    %dma_wait3A_151 = tpu.memref_slice %arg2[%dma_wait3A_149, %dma_wait3A_150] : memref<40960x128xf32, #tpu.memory_space<hbm>> -> memref<40960x128xf32, #tpu.memory_space<hbm>>
    tpu.wait_indirect_dma semaphore(%arg12 : memref<!tpu.dma_semaphore, #tpu.memory_space<semaphore_mem>>) src(%dma_wait3A_151 : memref<40960x128xf32, #tpu.memory_space<hbm>>) dst(%arg8 : memref<128x128xf32, #tpu.memory_space<vmem>>)
    %dma_start3A_152 = arith.constant 18 : i32
    %dma_start3A_153 = arith.constant 0 : i32
    %dma_start3A_154 = tpu.memref_slice %arg7[%dma_start3A_152, %dma_start3A_153] : memref<20x128xi32, #tpu.memory_space<vmem>> -> memref<1x128xi32, #tpu.memory_space<vmem>>
    %dma_start3A_155 = tpu.memref_squeeze %dma_start3A_154 : memref<1x128xi32, #tpu.memory_space<vmem>> -> memref<128xi32, #tpu.memory_space<vmem>>
    %dma_start3A_156 = arith.constant 0 : i32
    %dma_start3A_157 = arith.constant 0 : i32
    %dma_start3A_158 = tpu.memref_slice %arg10[%dma_start3A_156, %dma_start3A_157] : memref<10240x128xf32, #tpu.memory_space<vmem_shared>> -> memref<10240x128xf32, #tpu.memory_space<vmem_shared>>
    tpu.enqueue_indirect_dma source(%arg8 : memref<128x128xf32, #tpu.memory_space<vmem>>) target(%dma_start3A_158 : memref<10240x128xf32, #tpu.memory_space<vmem_shared>>) offsets(%dma_start3A_155 : memref<128xi32, #tpu.memory_space<vmem>>) semaphore(%arg14 : memref<!tpu.dma_semaphore, #tpu.memory_space<semaphore_mem>>) {add = true}
    %dma_wait3A_159 = arith.constant 4992 : i32
    %dma_wait3A_160 = tpu.memref_slice %arg6[%dma_wait3A_159] : memref<10240xi32, #tpu.memory_space<vmem>> -> memref<128xi32, #tpu.memory_space<vmem>>
    %dma_wait3A_161 = arith.constant 0 : i32
    %dma_wait3A_162 = arith.constant 0 : i32
    %dma_wait3A_163 = tpu.memref_slice %arg2[%dma_wait3A_161, %dma_wait3A_162] : memref<40960x128xf32, #tpu.memory_space<hbm>> -> memref<40960x128xf32, #tpu.memory_space<hbm>>
    tpu.wait_indirect_dma semaphore(%arg13 : memref<!tpu.dma_semaphore, #tpu.memory_space<semaphore_mem>>) src(%dma_wait3A_163 : memref<40960x128xf32, #tpu.memory_space<hbm>>) dst(%arg9 : memref<128x128xf32, #tpu.memory_space<vmem>>)
    %dma_start3A_164 = arith.constant 19 : i32
    %dma_start3A_165 = arith.constant 0 : i32
    %dma_start3A_166 = tpu.memref_slice %arg7[%dma_start3A_164, %dma_start3A_165] : memref<20x128xi32, #tpu.memory_space<vmem>> -> memref<1x128xi32, #tpu.memory_space<vmem>>
    %dma_start3A_167 = tpu.memref_squeeze %dma_start3A_166 : memref<1x128xi32, #tpu.memory_space<vmem>> -> memref<128xi32, #tpu.memory_space<vmem>>
    %dma_start3A_168 = arith.constant 0 : i32
    %dma_start3A_169 = arith.constant 0 : i32
    %dma_start3A_170 = tpu.memref_slice %arg10[%dma_start3A_168, %dma_start3A_169] : memref<10240x128xf32, #tpu.memory_space<vmem_shared>> -> memref<10240x128xf32, #tpu.memory_space<vmem_shared>>
    tpu.enqueue_indirect_dma source(%arg9 : memref<128x128xf32, #tpu.memory_space<vmem>>) target(%dma_start3A_170 : memref<10240x128xf32, #tpu.memory_space<vmem_shared>>) offsets(%dma_start3A_167 : memref<128xi32, #tpu.memory_space<vmem>>) semaphore(%arg15 : memref<!tpu.dma_semaphore, #tpu.memory_space<semaphore_mem>>) {add = true}
    %dma_wait3A_171 = arith.constant 18 : i32
    %dma_wait3A_172 = arith.constant 0 : i32
    %dma_wait3A_173 = tpu.memref_slice %arg7[%dma_wait3A_171, %dma_wait3A_172] : memref<20x128xi32, #tpu.memory_space<vmem>> -> memref<1x128xi32, #tpu.memory_space<vmem>>
    %dma_wait3A_174 = tpu.memref_squeeze %dma_wait3A_173 : memref<1x128xi32, #tpu.memory_space<vmem>> -> memref<128xi32, #tpu.memory_space<vmem>>
    %dma_wait3A_175 = arith.constant 0 : i32
    %dma_wait3A_176 = arith.constant 0 : i32
    %dma_wait3A_177 = tpu.memref_slice %arg10[%dma_wait3A_175, %dma_wait3A_176] : memref<10240x128xf32, #tpu.memory_space<vmem_shared>> -> memref<10240x128xf32, #tpu.memory_space<vmem_shared>>
    tpu.wait_indirect_dma semaphore(%arg14 : memref<!tpu.dma_semaphore, #tpu.memory_space<semaphore_mem>>) src(%arg8 : memref<128x128xf32, #tpu.memory_space<vmem>>) dst(%dma_wait3A_177 : memref<10240x128xf32, #tpu.memory_space<vmem_shared>>)
    %dma_wait3A_178 = arith.constant 19 : i32
    %dma_wait3A_179 = arith.constant 0 : i32
    %dma_wait3A_180 = tpu.memref_slice %arg7[%dma_wait3A_178, %dma_wait3A_179] : memref<20x128xi32, #tpu.memory_space<vmem>> -> memref<1x128xi32, #tpu.memory_space<vmem>>
    %dma_wait3A_181 = tpu.memref_squeeze %dma_wait3A_180 : memref<1x128xi32, #tpu.memory_space<vmem>> -> memref<128xi32, #tpu.memory_space<vmem>>
    %dma_wait3A_182 = arith.constant 0 : i32
    %dma_wait3A_183 = arith.constant 0 : i32
    %dma_wait3A_184 = tpu.memref_slice %arg10[%dma_wait3A_182, %dma_wait3A_183] : memref<10240x128xf32, #tpu.memory_space<vmem_shared>> -> memref<10240x128xf32, #tpu.memory_space<vmem_shared>>
    tpu.wait_indirect_dma semaphore(%arg15 : memref<!tpu.dma_semaphore, #tpu.memory_space<semaphore_mem>>) src(%arg9 : memref<128x128xf32, #tpu.memory_space<vmem>>) dst(%dma_wait3A_184 : memref<10240x128xf32, #tpu.memory_space<vmem_shared>>)
    "tpu.region"() ({
      %run_scoped3A = tpu.sem_alloc : memref<!tpu.dma_semaphore, #tpu.memory_space<semaphore_mem>>
      %dma_start3A_612 = arith.constant 0 : i32
      %dma_start3A_613 = arith.constant 0 : i32
      %dma_start3A_614 = tpu.memref_slice %arg4[%arg1, %dma_start3A_612, %dma_start3A_613] : memref<16x80x128xi32, #tpu.memory_space<hbm>> -> memref<1x80x128xi32, #tpu.memory_space<hbm>>
      %dma_start3A_615 = tpu.memref_squeeze %dma_start3A_614 : memref<1x80x128xi32, #tpu.memory_space<hbm>> -> memref<80x128xi32, #tpu.memory_space<hbm>>
      %dma_start3A_616 = arith.constant 40 : i32
      %dma_start3A_617 = arith.constant 0 : i32
      %dma_start3A_618 = tpu.memref_slice %dma_start3A_615[%dma_start3A_616, %dma_start3A_617] : memref<80x128xi32, #tpu.memory_space<hbm>> -> memref<20x128xi32, #tpu.memory_space<hbm>>
      %dma_start3A_619 = arith.constant 0 : i32
      %dma_start3A_620 = arith.constant 0 : i32
      %dma_start3A_621 = tpu.memref_slice %arg4[%arg1, %dma_start3A_619, %dma_start3A_620] : memref<16x80x128xi32, #tpu.memory_space<hbm>> -> memref<1x80x128xi32, #tpu.memory_space<hbm>>
      %dma_start3A_622 = tpu.memref_squeeze %dma_start3A_621 : memref<1x80x128xi32, #tpu.memory_space<hbm>> -> memref<80x128xi32, #tpu.memory_space<hbm>>
      %dma_start3A_623 = arith.constant 40 : i32
      %dma_start3A_624 = arith.constant 0 : i32
      %dma_start3A_625 = tpu.memref_slice %dma_start3A_622[%dma_start3A_623, %dma_start3A_624] : memref<80x128xi32, #tpu.memory_space<hbm>> -> memref<20x128xi32, #tpu.memory_space<hbm>>
      tpu.enqueue_dma source(%dma_start3A_625 : memref<20x128xi32, #tpu.memory_space<hbm>>) target(%arg7 : memref<20x128xi32, #tpu.memory_space<vmem>>) target_semaphore(%run_scoped3A : memref<!tpu.dma_semaphore, #tpu.memory_space<semaphore_mem>>)
      %dma_wait3A_626 = arith.constant 0 : i32
      %dma_wait3A_627 = arith.constant 0 : i32
      %dma_wait3A_628 = tpu.memref_slice %arg4[%arg1, %dma_wait3A_626, %dma_wait3A_627] : memref<16x80x128xi32, #tpu.memory_space<hbm>> -> memref<1x80x128xi32, #tpu.memory_space<hbm>>
      %dma_wait3A_629 = tpu.memref_squeeze %dma_wait3A_628 : memref<1x80x128xi32, #tpu.memory_space<hbm>> -> memref<80x128xi32, #tpu.memory_space<hbm>>
      %dma_wait3A_630 = arith.constant 40 : i32
      %dma_wait3A_631 = arith.constant 0 : i32
      %dma_wait3A_632 = tpu.memref_slice %dma_wait3A_629[%dma_wait3A_630, %dma_wait3A_631] : memref<80x128xi32, #tpu.memory_space<hbm>> -> memref<20x128xi32, #tpu.memory_space<hbm>>
      %dma_wait3A_633 = arith.constant 0 : i32
      %dma_wait3A_634 = arith.constant 0 : i32
      %dma_wait3A_635 = tpu.memref_slice %arg4[%arg1, %dma_wait3A_633, %dma_wait3A_634] : memref<16x80x128xi32, #tpu.memory_space<hbm>> -> memref<1x80x128xi32, #tpu.memory_space<hbm>>
      %dma_wait3A_636 = tpu.memref_squeeze %dma_wait3A_635 : memref<1x80x128xi32, #tpu.memory_space<hbm>> -> memref<80x128xi32, #tpu.memory_space<hbm>>
      %dma_wait3A_637 = arith.constant 40 : i32
      %dma_wait3A_638 = arith.constant 0 : i32
      %dma_wait3A_639 = tpu.memref_slice %dma_wait3A_636[%dma_wait3A_637, %dma_wait3A_638] : memref<80x128xi32, #tpu.memory_space<hbm>> -> memref<20x128xi32, #tpu.memory_space<hbm>>
      tpu.wait_dma2 semaphore(%run_scoped3A : memref<!tpu.dma_semaphore, #tpu.memory_space<semaphore_mem>>) src(%dma_wait3A_639 : memref<20x128xi32, #tpu.memory_space<hbm>>) dst(%arg7 : memref<20x128xi32, #tpu.memory_space<vmem>>)
      tpu.yield
    }) : () -> ()
    %dma_start3A_185 = arith.constant 5120 : i32
    %dma_start3A_186 = tpu.memref_slice %arg6[%dma_start3A_185] : memref<10240xi32, #tpu.memory_space<vmem>> -> memref<128xi32, #tpu.memory_space<vmem>>
    %dma_start3A_187 = arith.constant 0 : i32
    %dma_start3A_188 = arith.constant 0 : i32
    %dma_start3A_189 = tpu.memref_slice %arg2[%dma_start3A_187, %dma_start3A_188] : memref<40960x128xf32, #tpu.memory_space<hbm>> -> memref<40960x128xf32, #tpu.memory_space<hbm>>
    tpu.enqueue_indirect_dma source(%dma_start3A_189 : memref<40960x128xf32, #tpu.memory_space<hbm>>) target(%arg8 : memref<128x128xf32, #tpu.memory_space<vmem>>) offsets(%dma_start3A_186 : memref<128xi32, #tpu.memory_space<vmem>>) semaphore(%arg12 : memref<!tpu.dma_semaphore, #tpu.memory_space<semaphore_mem>>)
    %dma_start3A_190 = arith.constant 5248 : i32
    %dma_start3A_191 = tpu.memref_slice %arg6[%dma_start3A_190] : memref<10240xi32, #tpu.memory_space<vmem>> -> memref<128xi32, #tpu.memory_space<vmem>>
    %dma_start3A_192 = arith.constant 0 : i32
    %dma_start3A_193 = arith.constant 0 : i32
    %dma_start3A_194 = tpu.memref_slice %arg2[%dma_start3A_192, %dma_start3A_193] : memref<40960x128xf32, #tpu.memory_space<hbm>> -> memref<40960x128xf32, #tpu.memory_space<hbm>>
    tpu.enqueue_indirect_dma source(%dma_start3A_194 : memref<40960x128xf32, #tpu.memory_space<hbm>>) target(%arg9 : memref<128x128xf32, #tpu.memory_space<vmem>>) offsets(%dma_start3A_191 : memref<128xi32, #tpu.memory_space<vmem>>) semaphore(%arg13 : memref<!tpu.dma_semaphore, #tpu.memory_space<semaphore_mem>>)
    %scan3A_195 = arith.constant 0 : i32
    %scan3A_196 = arith.constant 0 : i32
    %scan3A_197 = arith.constant 9 : i32
    %scan3A_198 = arith.addi %scan3A_196, %scan3A_197 : i32
    %scan3A_199 = arith.constant 1 : i32
    %scan3A_200 = scf.for %scan3A_612 = %scan3A_196 to %scan3A_198 step %scan3A_199 iter_args(%scan3A_613 = %scan3A_195) -> (i32)  : i32 {
      %mul3A_614 = arith.constant 2 : i32
      %mul3A_615 = arith.muli %mul3A_614, %scan3A_612 : i32
      %add3A_616 = arith.constant 0 : i32
      %add3A_617 = arith.addi %mul3A_615, %add3A_616 : i32
      %add3A_618 = arith.constant 40 : i32
      %add3A_619 = arith.addi %add3A_618, %add3A_617 : i32
      %mul3A_620 = arith.constant 128 : i32
      %mul3A_621 = arith.muli %add3A_619, %mul3A_620 : i32
      %dma_wait3A_622 = tpu.memref_slice %arg6[%mul3A_621] : memref<10240xi32, #tpu.memory_space<vmem>> -> memref<128xi32, #tpu.memory_space<vmem>>
      %dma_wait3A_623 = arith.constant 0 : i32
      %dma_wait3A_624 = arith.constant 0 : i32
      %dma_wait3A_625 = tpu.memref_slice %arg2[%dma_wait3A_623, %dma_wait3A_624] : memref<40960x128xf32, #tpu.memory_space<hbm>> -> memref<40960x128xf32, #tpu.memory_space<hbm>>
      tpu.wait_indirect_dma semaphore(%arg12 : memref<!tpu.dma_semaphore, #tpu.memory_space<semaphore_mem>>) src(%dma_wait3A_625 : memref<40960x128xf32, #tpu.memory_space<hbm>>) dst(%arg8 : memref<128x128xf32, #tpu.memory_space<vmem>>)
      %dma_start3A_626 = arith.constant 0 : i32
      %dma_start3A_627 = tpu.memref_slice %arg7[%add3A_617, %dma_start3A_626] : memref<20x128xi32, #tpu.memory_space<vmem>> -> memref<1x128xi32, #tpu.memory_space<vmem>>
      %dma_start3A_628 = tpu.memref_squeeze %dma_start3A_627 : memref<1x128xi32, #tpu.memory_space<vmem>> -> memref<128xi32, #tpu.memory_space<vmem>>
      %dma_start3A_629 = arith.constant 0 : i32
      %dma_start3A_630 = arith.constant 0 : i32
      %dma_start3A_631 = tpu.memref_slice %arg10[%dma_start3A_629, %dma_start3A_630] : memref<10240x128xf32, #tpu.memory_space<vmem_shared>> -> memref<10240x128xf32, #tpu.memory_space<vmem_shared>>
      tpu.enqueue_indirect_dma source(%arg8 : memref<128x128xf32, #tpu.memory_space<vmem>>) target(%dma_start3A_631 : memref<10240x128xf32, #tpu.memory_space<vmem_shared>>) offsets(%dma_start3A_628 : memref<128xi32, #tpu.memory_space<vmem>>) semaphore(%arg14 : memref<!tpu.dma_semaphore, #tpu.memory_space<semaphore_mem>>) {add = true}
      %mul3A_632 = arith.constant 2 : i32
      %mul3A_633 = arith.muli %mul3A_632, %scan3A_612 : i32
      %add3A_634 = arith.constant 1 : i32
      %add3A_635 = arith.addi %mul3A_633, %add3A_634 : i32
      %add3A_636 = arith.constant 40 : i32
      %add3A_637 = arith.addi %add3A_636, %add3A_635 : i32
      %mul3A_638 = arith.constant 128 : i32
      %mul3A_639 = arith.muli %add3A_637, %mul3A_638 : i32
      %dma_wait3A_640 = tpu.memref_slice %arg6[%mul3A_639] : memref<10240xi32, #tpu.memory_space<vmem>> -> memref<128xi32, #tpu.memory_space<vmem>>
      %dma_wait3A_641 = arith.constant 0 : i32
      %dma_wait3A_642 = arith.constant 0 : i32
      %dma_wait3A_643 = tpu.memref_slice %arg2[%dma_wait3A_641, %dma_wait3A_642] : memref<40960x128xf32, #tpu.memory_space<hbm>> -> memref<40960x128xf32, #tpu.memory_space<hbm>>
      tpu.wait_indirect_dma semaphore(%arg13 : memref<!tpu.dma_semaphore, #tpu.memory_space<semaphore_mem>>) src(%dma_wait3A_643 : memref<40960x128xf32, #tpu.memory_space<hbm>>) dst(%arg9 : memref<128x128xf32, #tpu.memory_space<vmem>>)
      %dma_start3A_644 = arith.constant 0 : i32
      %dma_start3A_645 = tpu.memref_slice %arg7[%add3A_635, %dma_start3A_644] : memref<20x128xi32, #tpu.memory_space<vmem>> -> memref<1x128xi32, #tpu.memory_space<vmem>>
      %dma_start3A_646 = tpu.memref_squeeze %dma_start3A_645 : memref<1x128xi32, #tpu.memory_space<vmem>> -> memref<128xi32, #tpu.memory_space<vmem>>
      %dma_start3A_647 = arith.constant 0 : i32
      %dma_start3A_648 = arith.constant 0 : i32
      %dma_start3A_649 = tpu.memref_slice %arg10[%dma_start3A_647, %dma_start3A_648] : memref<10240x128xf32, #tpu.memory_space<vmem_shared>> -> memref<10240x128xf32, #tpu.memory_space<vmem_shared>>
      tpu.enqueue_indirect_dma source(%arg9 : memref<128x128xf32, #tpu.memory_space<vmem>>) target(%dma_start3A_649 : memref<10240x128xf32, #tpu.memory_space<vmem_shared>>) offsets(%dma_start3A_646 : memref<128xi32, #tpu.memory_space<vmem>>) semaphore(%arg15 : memref<!tpu.dma_semaphore, #tpu.memory_space<semaphore_mem>>) {add = true}
      %dma_wait3A_650 = arith.constant 0 : i32
      %dma_wait3A_651 = tpu.memref_slice %arg7[%add3A_617, %dma_wait3A_650] : memref<20x128xi32, #tpu.memory_space<vmem>> -> memref<1x128xi32, #tpu.memory_space<vmem>>
      %dma_wait3A_652 = tpu.memref_squeeze %dma_wait3A_651 : memref<1x128xi32, #tpu.memory_space<vmem>> -> memref<128xi32, #tpu.memory_space<vmem>>
      %dma_wait3A_653 = arith.constant 0 : i32
      %dma_wait3A_654 = arith.constant 0 : i32
      %dma_wait3A_655 = tpu.memref_slice %arg10[%dma_wait3A_653, %dma_wait3A_654] : memref<10240x128xf32, #tpu.memory_space<vmem_shared>> -> memref<10240x128xf32, #tpu.memory_space<vmem_shared>>
      tpu.wait_indirect_dma semaphore(%arg14 : memref<!tpu.dma_semaphore, #tpu.memory_space<semaphore_mem>>) src(%arg8 : memref<128x128xf32, #tpu.memory_space<vmem>>) dst(%dma_wait3A_655 : memref<10240x128xf32, #tpu.memory_space<vmem_shared>>)
      %mul3A_656 = arith.constant 2 : i32
      %mul3A_657 = arith.muli %mul3A_656, %scan3A_612 : i32
      %add3A_658 = arith.constant 40 : i32
      %add3A_659 = arith.addi %add3A_658, %mul3A_657 : i32
      %add3A_660 = arith.constant 0 : i32
      %add3A_661 = arith.addi %add3A_659, %add3A_660 : i32
      %add3A_662 = arith.constant 2 : i32
      %add3A_663 = arith.addi %add3A_661, %add3A_662 : i32
      %mul3A_664 = arith.constant 128 : i32
      %mul3A_665 = arith.muli %add3A_663, %mul3A_664 : i32
      %dma_start3A_666 = tpu.memref_slice %arg6[%mul3A_665] : memref<10240xi32, #tpu.memory_space<vmem>> -> memref<128xi32, #tpu.memory_space<vmem>>
      %dma_start3A_667 = arith.constant 0 : i32
      %dma_start3A_668 = arith.constant 0 : i32
      %dma_start3A_669 = tpu.memref_slice %arg2[%dma_start3A_667, %dma_start3A_668] : memref<40960x128xf32, #tpu.memory_space<hbm>> -> memref<40960x128xf32, #tpu.memory_space<hbm>>
      tpu.enqueue_indirect_dma source(%dma_start3A_669 : memref<40960x128xf32, #tpu.memory_space<hbm>>) target(%arg8 : memref<128x128xf32, #tpu.memory_space<vmem>>) offsets(%dma_start3A_666 : memref<128xi32, #tpu.memory_space<vmem>>) semaphore(%arg12 : memref<!tpu.dma_semaphore, #tpu.memory_space<semaphore_mem>>)
      %dma_wait3A_670 = arith.constant 0 : i32
      %dma_wait3A_671 = tpu.memref_slice %arg7[%add3A_635, %dma_wait3A_670] : memref<20x128xi32, #tpu.memory_space<vmem>> -> memref<1x128xi32, #tpu.memory_space<vmem>>
      %dma_wait3A_672 = tpu.memref_squeeze %dma_wait3A_671 : memref<1x128xi32, #tpu.memory_space<vmem>> -> memref<128xi32, #tpu.memory_space<vmem>>
      %dma_wait3A_673 = arith.constant 0 : i32
      %dma_wait3A_674 = arith.constant 0 : i32
      %dma_wait3A_675 = tpu.memref_slice %arg10[%dma_wait3A_673, %dma_wait3A_674] : memref<10240x128xf32, #tpu.memory_space<vmem_shared>> -> memref<10240x128xf32, #tpu.memory_space<vmem_shared>>
      tpu.wait_indirect_dma semaphore(%arg15 : memref<!tpu.dma_semaphore, #tpu.memory_space<semaphore_mem>>) src(%arg9 : memref<128x128xf32, #tpu.memory_space<vmem>>) dst(%dma_wait3A_675 : memref<10240x128xf32, #tpu.memory_space<vmem_shared>>)
      %mul3A_676 = arith.constant 2 : i32
      %mul3A_677 = arith.muli %mul3A_676, %scan3A_612 : i32
      %add3A_678 = arith.constant 40 : i32
      %add3A_679 = arith.addi %add3A_678, %mul3A_677 : i32
      %add3A_680 = arith.constant 1 : i32
      %add3A_681 = arith.addi %add3A_679, %add3A_680 : i32
      %add3A_682 = arith.constant 2 : i32
      %add3A_683 = arith.addi %add3A_681, %add3A_682 : i32
      %mul3A_684 = arith.constant 128 : i32
      %mul3A_685 = arith.muli %add3A_683, %mul3A_684 : i32
      %dma_start3A_686 = tpu.memref_slice %arg6[%mul3A_685] : memref<10240xi32, #tpu.memory_space<vmem>> -> memref<128xi32, #tpu.memory_space<vmem>>
      %dma_start3A_687 = arith.constant 0 : i32
      %dma_start3A_688 = arith.constant 0 : i32
      %dma_start3A_689 = tpu.memref_slice %arg2[%dma_start3A_687, %dma_start3A_688] : memref<40960x128xf32, #tpu.memory_space<hbm>> -> memref<40960x128xf32, #tpu.memory_space<hbm>>
      tpu.enqueue_indirect_dma source(%dma_start3A_689 : memref<40960x128xf32, #tpu.memory_space<hbm>>) target(%arg9 : memref<128x128xf32, #tpu.memory_space<vmem>>) offsets(%dma_start3A_686 : memref<128xi32, #tpu.memory_space<vmem>>) semaphore(%arg13 : memref<!tpu.dma_semaphore, #tpu.memory_space<semaphore_mem>>)
      %scan3A_690 = arith.constant 0 : i32
      scf.yield %scan3A_690 : i32
    }
    %scan3A_201 = arith.constant 9 : i32
    %dma_wait3A_202 = arith.constant 7424 : i32
    %dma_wait3A_203 = tpu.memref_slice %arg6[%dma_wait3A_202] : memref<10240xi32, #tpu.memory_space<vmem>> -> memref<128xi32, #tpu.memory_space<vmem>>
    %dma_wait3A_204 = arith.constant 0 : i32
    %dma_wait3A_205 = arith.constant 0 : i32
    %dma_wait3A_206 = tpu.memref_slice %arg2[%dma_wait3A_204, %dma_wait3A_205] : memref<40960x128xf32, #tpu.memory_space<hbm>> -> memref<40960x128xf32, #tpu.memory_space<hbm>>
    tpu.wait_indirect_dma semaphore(%arg12 : memref<!tpu.dma_semaphore, #tpu.memory_space<semaphore_mem>>) src(%dma_wait3A_206 : memref<40960x128xf32, #tpu.memory_space<hbm>>) dst(%arg8 : memref<128x128xf32, #tpu.memory_space<vmem>>)
    %dma_start3A_207 = arith.constant 18 : i32
    %dma_start3A_208 = arith.constant 0 : i32
    %dma_start3A_209 = tpu.memref_slice %arg7[%dma_start3A_207, %dma_start3A_208] : memref<20x128xi32, #tpu.memory_space<vmem>> -> memref<1x128xi32, #tpu.memory_space<vmem>>
    %dma_start3A_210 = tpu.memref_squeeze %dma_start3A_209 : memref<1x128xi32, #tpu.memory_space<vmem>> -> memref<128xi32, #tpu.memory_space<vmem>>
    %dma_start3A_211 = arith.constant 0 : i32
    %dma_start3A_212 = arith.constant 0 : i32
    %dma_start3A_213 = tpu.memref_slice %arg10[%dma_start3A_211, %dma_start3A_212] : memref<10240x128xf32, #tpu.memory_space<vmem_shared>> -> memref<10240x128xf32, #tpu.memory_space<vmem_shared>>
    tpu.enqueue_indirect_dma source(%arg8 : memref<128x128xf32, #tpu.memory_space<vmem>>) target(%dma_start3A_213 : memref<10240x128xf32, #tpu.memory_space<vmem_shared>>) offsets(%dma_start3A_210 : memref<128xi32, #tpu.memory_space<vmem>>) semaphore(%arg14 : memref<!tpu.dma_semaphore, #tpu.memory_space<semaphore_mem>>) {add = true}
    %dma_wait3A_214 = arith.constant 7552 : i32
    %dma_wait3A_215 = tpu.memref_slice %arg6[%dma_wait3A_214] : memref<10240xi32, #tpu.memory_space<vmem>> -> memref<128xi32, #tpu.memory_space<vmem>>
    %dma_wait3A_216 = arith.constant 0 : i32
    %dma_wait3A_217 = arith.constant 0 : i32
    %dma_wait3A_218 = tpu.memref_slice %arg2[%dma_wait3A_216, %dma_wait3A_217] : memref<40960x128xf32, #tpu.memory_space<hbm>> -> memref<40960x128xf32, #tpu.memory_space<hbm>>
    tpu.wait_indirect_dma semaphore(%arg13 : memref<!tpu.dma_semaphore, #tpu.memory_space<semaphore_mem>>) src(%dma_wait3A_218 : memref<40960x128xf32, #tpu.memory_space<hbm>>) dst(%arg9 : memref<128x128xf32, #tpu.memory_space<vmem>>)
    %dma_start3A_219 = arith.constant 19 : i32
    %dma_start3A_220 = arith.constant 0 : i32
    %dma_start3A_221 = tpu.memref_slice %arg7[%dma_start3A_219, %dma_start3A_220] : memref<20x128xi32, #tpu.memory_space<vmem>> -> memref<1x128xi32, #tpu.memory_space<vmem>>
    %dma_start3A_222 = tpu.memref_squeeze %dma_start3A_221 : memref<1x128xi32, #tpu.memory_space<vmem>> -> memref<128xi32, #tpu.memory_space<vmem>>
    %dma_start3A_223 = arith.constant 0 : i32
    %dma_start3A_224 = arith.constant 0 : i32
    %dma_start3A_225 = tpu.memref_slice %arg10[%dma_start3A_223, %dma_start3A_224] : memref<10240x128xf32, #tpu.memory_space<vmem_shared>> -> memref<10240x128xf32, #tpu.memory_space<vmem_shared>>
    tpu.enqueue_indirect_dma source(%arg9 : memref<128x128xf32, #tpu.memory_space<vmem>>) target(%dma_start3A_225 : memref<10240x128xf32, #tpu.memory_space<vmem_shared>>) offsets(%dma_start3A_222 : memref<128xi32, #tpu.memory_space<vmem>>) semaphore(%arg15 : memref<!tpu.dma_semaphore, #tpu.memory_space<semaphore_mem>>) {add = true}
    %dma_wait3A_226 = arith.constant 18 : i32
    %dma_wait3A_227 = arith.constant 0 : i32
    %dma_wait3A_228 = tpu.memref_slice %arg7[%dma_wait3A_226, %dma_wait3A_227] : memref<20x128xi32, #tpu.memory_space<vmem>> -> memref<1x128xi32, #tpu.memory_space<vmem>>
    %dma_wait3A_229 = tpu.memref_squeeze %dma_wait3A_228 : memref<1x128xi32, #tpu.memory_space<vmem>> -> memref<128xi32, #tpu.memory_space<vmem>>
    %dma_wait3A_230 = arith.constant 0 : i32
    %dma_wait3A_231 = arith.constant 0 : i32
    %dma_wait3A_232 = tpu.memref_slice %arg10[%dma_wait3A_230, %dma_wait3A_231] : memref<10240x128xf32, #tpu.memory_space<vmem_shared>> -> memref<10240x128xf32, #tpu.memory_space<vmem_shared>>
    tpu.wait_indirect_dma semaphore(%arg14 : memref<!tpu.dma_semaphore, #tpu.memory_space<semaphore_mem>>) src(%arg8 : memref<128x128xf32, #tpu.memory_space<vmem>>) dst(%dma_wait3A_232 : memref<10240x128xf32, #tpu.memory_space<vmem_shared>>)
    %dma_wait3A_233 = arith.constant 19 : i32
    %dma_wait3A_234 = arith.constant 0 : i32
    %dma_wait3A_235 = tpu.memref_slice %arg7[%dma_wait3A_233, %dma_wait3A_234] : memref<20x128xi32, #tpu.memory_space<vmem>> -> memref<1x128xi32, #tpu.memory_space<vmem>>
    %dma_wait3A_236 = tpu.memref_squeeze %dma_wait3A_235 : memref<1x128xi32, #tpu.memory_space<vmem>> -> memref<128xi32, #tpu.memory_space<vmem>>
    %dma_wait3A_237 = arith.constant 0 : i32
    %dma_wait3A_238 = arith.constant 0 : i32
    %dma_wait3A_239 = tpu.memref_slice %arg10[%dma_wait3A_237, %dma_wait3A_238] : memref<10240x128xf32, #tpu.memory_space<vmem_shared>> -> memref<10240x128xf32, #tpu.memory_space<vmem_shared>>
    tpu.wait_indirect_dma semaphore(%arg15 : memref<!tpu.dma_semaphore, #tpu.memory_space<semaphore_mem>>) src(%arg9 : memref<128x128xf32, #tpu.memory_space<vmem>>) dst(%dma_wait3A_239 : memref<10240x128xf32, #tpu.memory_space<vmem_shared>>)
    "tpu.region"() ({
      %run_scoped3A = tpu.sem_alloc : memref<!tpu.dma_semaphore, #tpu.memory_space<semaphore_mem>>
      %dma_start3A_612 = arith.constant 0 : i32
      %dma_start3A_613 = arith.constant 0 : i32
      %dma_start3A_614 = tpu.memref_slice %arg4[%arg1, %dma_start3A_612, %dma_start3A_613] : memref<16x80x128xi32, #tpu.memory_space<hbm>> -> memref<1x80x128xi32, #tpu.memory_space<hbm>>
      %dma_start3A_615 = tpu.memref_squeeze %dma_start3A_614 : memref<1x80x128xi32, #tpu.memory_space<hbm>> -> memref<80x128xi32, #tpu.memory_space<hbm>>
      %dma_start3A_616 = arith.constant 60 : i32
      %dma_start3A_617 = arith.constant 0 : i32
      %dma_start3A_618 = tpu.memref_slice %dma_start3A_615[%dma_start3A_616, %dma_start3A_617] : memref<80x128xi32, #tpu.memory_space<hbm>> -> memref<20x128xi32, #tpu.memory_space<hbm>>
      %dma_start3A_619 = arith.constant 0 : i32
      %dma_start3A_620 = arith.constant 0 : i32
      %dma_start3A_621 = tpu.memref_slice %arg4[%arg1, %dma_start3A_619, %dma_start3A_620] : memref<16x80x128xi32, #tpu.memory_space<hbm>> -> memref<1x80x128xi32, #tpu.memory_space<hbm>>
      %dma_start3A_622 = tpu.memref_squeeze %dma_start3A_621 : memref<1x80x128xi32, #tpu.memory_space<hbm>> -> memref<80x128xi32, #tpu.memory_space<hbm>>
      %dma_start3A_623 = arith.constant 60 : i32
      %dma_start3A_624 = arith.constant 0 : i32
      %dma_start3A_625 = tpu.memref_slice %dma_start3A_622[%dma_start3A_623, %dma_start3A_624] : memref<80x128xi32, #tpu.memory_space<hbm>> -> memref<20x128xi32, #tpu.memory_space<hbm>>
      tpu.enqueue_dma source(%dma_start3A_625 : memref<20x128xi32, #tpu.memory_space<hbm>>) target(%arg7 : memref<20x128xi32, #tpu.memory_space<vmem>>) target_semaphore(%run_scoped3A : memref<!tpu.dma_semaphore, #tpu.memory_space<semaphore_mem>>)
      %dma_wait3A_626 = arith.constant 0 : i32
      %dma_wait3A_627 = arith.constant 0 : i32
      %dma_wait3A_628 = tpu.memref_slice %arg4[%arg1, %dma_wait3A_626, %dma_wait3A_627] : memref<16x80x128xi32, #tpu.memory_space<hbm>> -> memref<1x80x128xi32, #tpu.memory_space<hbm>>
      %dma_wait3A_629 = tpu.memref_squeeze %dma_wait3A_628 : memref<1x80x128xi32, #tpu.memory_space<hbm>> -> memref<80x128xi32, #tpu.memory_space<hbm>>
      %dma_wait3A_630 = arith.constant 60 : i32
      %dma_wait3A_631 = arith.constant 0 : i32
      %dma_wait3A_632 = tpu.memref_slice %dma_wait3A_629[%dma_wait3A_630, %dma_wait3A_631] : memref<80x128xi32, #tpu.memory_space<hbm>> -> memref<20x128xi32, #tpu.memory_space<hbm>>
      %dma_wait3A_633 = arith.constant 0 : i32
      %dma_wait3A_634 = arith.constant 0 : i32
      %dma_wait3A_635 = tpu.memref_slice %arg4[%arg1, %dma_wait3A_633, %dma_wait3A_634] : memref<16x80x128xi32, #tpu.memory_space<hbm>> -> memref<1x80x128xi32, #tpu.memory_space<hbm>>
      %dma_wait3A_636 = tpu.memref_squeeze %dma_wait3A_635 : memref<1x80x128xi32, #tpu.memory_space<hbm>> -> memref<80x128xi32, #tpu.memory_space<hbm>>
      %dma_wait3A_637 = arith.constant 60 : i32
      %dma_wait3A_638 = arith.constant 0 : i32
      %dma_wait3A_639 = tpu.memref_slice %dma_wait3A_636[%dma_wait3A_637, %dma_wait3A_638] : memref<80x128xi32, #tpu.memory_space<hbm>> -> memref<20x128xi32, #tpu.memory_space<hbm>>
      tpu.wait_dma2 semaphore(%run_scoped3A : memref<!tpu.dma_semaphore, #tpu.memory_space<semaphore_mem>>) src(%dma_wait3A_639 : memref<20x128xi32, #tpu.memory_space<hbm>>) dst(%arg7 : memref<20x128xi32, #tpu.memory_space<vmem>>)
      tpu.yield
    }) : () -> ()
    %dma_start3A_240 = arith.constant 7680 : i32
    %dma_start3A_241 = tpu.memref_slice %arg6[%dma_start3A_240] : memref<10240xi32, #tpu.memory_space<vmem>> -> memref<128xi32, #tpu.memory_space<vmem>>
    %dma_start3A_242 = arith.constant 0 : i32
    %dma_start3A_243 = arith.constant 0 : i32
    %dma_start3A_244 = tpu.memref_slice %arg2[%dma_start3A_242, %dma_start3A_243] : memref<40960x128xf32, #tpu.memory_space<hbm>> -> memref<40960x128xf32, #tpu.memory_space<hbm>>
    tpu.enqueue_indirect_dma source(%dma_start3A_244 : memref<40960x128xf32, #tpu.memory_space<hbm>>) target(%arg8 : memref<128x128xf32, #tpu.memory_space<vmem>>) offsets(%dma_start3A_241 : memref<128xi32, #tpu.memory_space<vmem>>) semaphore(%arg12 : memref<!tpu.dma_semaphore, #tpu.memory_space<semaphore_mem>>)
    %dma_start3A_245 = arith.constant 7808 : i32
    %dma_start3A_246 = tpu.memref_slice %arg6[%dma_start3A_245] : memref<10240xi32, #tpu.memory_space<vmem>> -> memref<128xi32, #tpu.memory_space<vmem>>
    %dma_start3A_247 = arith.constant 0 : i32
    %dma_start3A_248 = arith.constant 0 : i32
    %dma_start3A_249 = tpu.memref_slice %arg2[%dma_start3A_247, %dma_start3A_248] : memref<40960x128xf32, #tpu.memory_space<hbm>> -> memref<40960x128xf32, #tpu.memory_space<hbm>>
    tpu.enqueue_indirect_dma source(%dma_start3A_249 : memref<40960x128xf32, #tpu.memory_space<hbm>>) target(%arg9 : memref<128x128xf32, #tpu.memory_space<vmem>>) offsets(%dma_start3A_246 : memref<128xi32, #tpu.memory_space<vmem>>) semaphore(%arg13 : memref<!tpu.dma_semaphore, #tpu.memory_space<semaphore_mem>>)
    %scan3A_250 = arith.constant 0 : i32
    %scan3A_251 = arith.constant 0 : i32
    %scan3A_252 = arith.constant 9 : i32
    %scan3A_253 = arith.addi %scan3A_251, %scan3A_252 : i32
    %scan3A_254 = arith.constant 1 : i32
    %scan3A_255 = scf.for %scan3A_612 = %scan3A_251 to %scan3A_253 step %scan3A_254 iter_args(%scan3A_613 = %scan3A_250) -> (i32)  : i32 {
      %mul3A_614 = arith.constant 2 : i32
      %mul3A_615 = arith.muli %mul3A_614, %scan3A_612 : i32
      %add3A_616 = arith.constant 0 : i32
      %add3A_617 = arith.addi %mul3A_615, %add3A_616 : i32
      %add3A_618 = arith.constant 60 : i32
      %add3A_619 = arith.addi %add3A_618, %add3A_617 : i32
      %mul3A_620 = arith.constant 128 : i32
      %mul3A_621 = arith.muli %add3A_619, %mul3A_620 : i32
      %dma_wait3A_622 = tpu.memref_slice %arg6[%mul3A_621] : memref<10240xi32, #tpu.memory_space<vmem>> -> memref<128xi32, #tpu.memory_space<vmem>>
      %dma_wait3A_623 = arith.constant 0 : i32
      %dma_wait3A_624 = arith.constant 0 : i32
      %dma_wait3A_625 = tpu.memref_slice %arg2[%dma_wait3A_623, %dma_wait3A_624] : memref<40960x128xf32, #tpu.memory_space<hbm>> -> memref<40960x128xf32, #tpu.memory_space<hbm>>
      tpu.wait_indirect_dma semaphore(%arg12 : memref<!tpu.dma_semaphore, #tpu.memory_space<semaphore_mem>>) src(%dma_wait3A_625 : memref<40960x128xf32, #tpu.memory_space<hbm>>) dst(%arg8 : memref<128x128xf32, #tpu.memory_space<vmem>>)
      %dma_start3A_626 = arith.constant 0 : i32
      %dma_start3A_627 = tpu.memref_slice %arg7[%add3A_617, %dma_start3A_626] : memref<20x128xi32, #tpu.memory_space<vmem>> -> memref<1x128xi32, #tpu.memory_space<vmem>>
      %dma_start3A_628 = tpu.memref_squeeze %dma_start3A_627 : memref<1x128xi32, #tpu.memory_space<vmem>> -> memref<128xi32, #tpu.memory_space<vmem>>
      %dma_start3A_629 = arith.constant 0 : i32
      %dma_start3A_630 = arith.constant 0 : i32
      %dma_start3A_631 = tpu.memref_slice %arg10[%dma_start3A_629, %dma_start3A_630] : memref<10240x128xf32, #tpu.memory_space<vmem_shared>> -> memref<10240x128xf32, #tpu.memory_space<vmem_shared>>
      tpu.enqueue_indirect_dma source(%arg8 : memref<128x128xf32, #tpu.memory_space<vmem>>) target(%dma_start3A_631 : memref<10240x128xf32, #tpu.memory_space<vmem_shared>>) offsets(%dma_start3A_628 : memref<128xi32, #tpu.memory_space<vmem>>) semaphore(%arg14 : memref<!tpu.dma_semaphore, #tpu.memory_space<semaphore_mem>>) {add = true}
      %mul3A_632 = arith.constant 2 : i32
      %mul3A_633 = arith.muli %mul3A_632, %scan3A_612 : i32
      %add3A_634 = arith.constant 1 : i32
      %add3A_635 = arith.addi %mul3A_633, %add3A_634 : i32
      %add3A_636 = arith.constant 60 : i32
      %add3A_637 = arith.addi %add3A_636, %add3A_635 : i32
      %mul3A_638 = arith.constant 128 : i32
      %mul3A_639 = arith.muli %add3A_637, %mul3A_638 : i32
      %dma_wait3A_640 = tpu.memref_slice %arg6[%mul3A_639] : memref<10240xi32, #tpu.memory_space<vmem>> -> memref<128xi32, #tpu.memory_space<vmem>>
      %dma_wait3A_641 = arith.constant 0 : i32
      %dma_wait3A_642 = arith.constant 0 : i32
      %dma_wait3A_643 = tpu.memref_slice %arg2[%dma_wait3A_641, %dma_wait3A_642] : memref<40960x128xf32, #tpu.memory_space<hbm>> -> memref<40960x128xf32, #tpu.memory_space<hbm>>
      tpu.wait_indirect_dma semaphore(%arg13 : memref<!tpu.dma_semaphore, #tpu.memory_space<semaphore_mem>>) src(%dma_wait3A_643 : memref<40960x128xf32, #tpu.memory_space<hbm>>) dst(%arg9 : memref<128x128xf32, #tpu.memory_space<vmem>>)
      %dma_start3A_644 = arith.constant 0 : i32
      %dma_start3A_645 = tpu.memref_slice %arg7[%add3A_635, %dma_start3A_644] : memref<20x128xi32, #tpu.memory_space<vmem>> -> memref<1x128xi32, #tpu.memory_space<vmem>>
      %dma_start3A_646 = tpu.memref_squeeze %dma_start3A_645 : memref<1x128xi32, #tpu.memory_space<vmem>> -> memref<128xi32, #tpu.memory_space<vmem>>
      %dma_start3A_647 = arith.constant 0 : i32
      %dma_start3A_648 = arith.constant 0 : i32
      %dma_start3A_649 = tpu.memref_slice %arg10[%dma_start3A_647, %dma_start3A_648] : memref<10240x128xf32, #tpu.memory_space<vmem_shared>> -> memref<10240x128xf32, #tpu.memory_space<vmem_shared>>
      tpu.enqueue_indirect_dma source(%arg9 : memref<128x128xf32, #tpu.memory_space<vmem>>) target(%dma_start3A_649 : memref<10240x128xf32, #tpu.memory_space<vmem_shared>>) offsets(%dma_start3A_646 : memref<128xi32, #tpu.memory_space<vmem>>) semaphore(%arg15 : memref<!tpu.dma_semaphore, #tpu.memory_space<semaphore_mem>>) {add = true}
      %dma_wait3A_650 = arith.constant 0 : i32
      %dma_wait3A_651 = tpu.memref_slice %arg7[%add3A_617, %dma_wait3A_650] : memref<20x128xi32, #tpu.memory_space<vmem>> -> memref<1x128xi32, #tpu.memory_space<vmem>>
      %dma_wait3A_652 = tpu.memref_squeeze %dma_wait3A_651 : memref<1x128xi32, #tpu.memory_space<vmem>> -> memref<128xi32, #tpu.memory_space<vmem>>
      %dma_wait3A_653 = arith.constant 0 : i32
      %dma_wait3A_654 = arith.constant 0 : i32
      %dma_wait3A_655 = tpu.memref_slice %arg10[%dma_wait3A_653, %dma_wait3A_654] : memref<10240x128xf32, #tpu.memory_space<vmem_shared>> -> memref<10240x128xf32, #tpu.memory_space<vmem_shared>>
      tpu.wait_indirect_dma semaphore(%arg14 : memref<!tpu.dma_semaphore, #tpu.memory_space<semaphore_mem>>) src(%arg8 : memref<128x128xf32, #tpu.memory_space<vmem>>) dst(%dma_wait3A_655 : memref<10240x128xf32, #tpu.memory_space<vmem_shared>>)
      %mul3A_656 = arith.constant 2 : i32
      %mul3A_657 = arith.muli %mul3A_656, %scan3A_612 : i32
      %add3A_658 = arith.constant 60 : i32
      %add3A_659 = arith.addi %add3A_658, %mul3A_657 : i32
      %add3A_660 = arith.constant 0 : i32
      %add3A_661 = arith.addi %add3A_659, %add3A_660 : i32
      %add3A_662 = arith.constant 2 : i32
      %add3A_663 = arith.addi %add3A_661, %add3A_662 : i32
      %mul3A_664 = arith.constant 128 : i32
      %mul3A_665 = arith.muli %add3A_663, %mul3A_664 : i32
      %dma_start3A_666 = tpu.memref_slice %arg6[%mul3A_665] : memref<10240xi32, #tpu.memory_space<vmem>> -> memref<128xi32, #tpu.memory_space<vmem>>
      %dma_start3A_667 = arith.constant 0 : i32
      %dma_start3A_668 = arith.constant 0 : i32
      %dma_start3A_669 = tpu.memref_slice %arg2[%dma_start3A_667, %dma_start3A_668] : memref<40960x128xf32, #tpu.memory_space<hbm>> -> memref<40960x128xf32, #tpu.memory_space<hbm>>
      tpu.enqueue_indirect_dma source(%dma_start3A_669 : memref<40960x128xf32, #tpu.memory_space<hbm>>) target(%arg8 : memref<128x128xf32, #tpu.memory_space<vmem>>) offsets(%dma_start3A_666 : memref<128xi32, #tpu.memory_space<vmem>>) semaphore(%arg12 : memref<!tpu.dma_semaphore, #tpu.memory_space<semaphore_mem>>)
      %dma_wait3A_670 = arith.constant 0 : i32
      %dma_wait3A_671 = tpu.memref_slice %arg7[%add3A_635, %dma_wait3A_670] : memref<20x128xi32, #tpu.memory_space<vmem>> -> memref<1x128xi32, #tpu.memory_space<vmem>>
      %dma_wait3A_672 = tpu.memref_squeeze %dma_wait3A_671 : memref<1x128xi32, #tpu.memory_space<vmem>> -> memref<128xi32, #tpu.memory_space<vmem>>
      %dma_wait3A_673 = arith.constant 0 : i32
      %dma_wait3A_674 = arith.constant 0 : i32
      %dma_wait3A_675 = tpu.memref_slice %arg10[%dma_wait3A_673, %dma_wait3A_674] : memref<10240x128xf32, #tpu.memory_space<vmem_shared>> -> memref<10240x128xf32, #tpu.memory_space<vmem_shared>>
      tpu.wait_indirect_dma semaphore(%arg15 : memref<!tpu.dma_semaphore, #tpu.memory_space<semaphore_mem>>) src(%arg9 : memref<128x128xf32, #tpu.memory_space<vmem>>) dst(%dma_wait3A_675 : memref<10240x128xf32, #tpu.memory_space<vmem_shared>>)
      %mul3A_676 = arith.constant 2 : i32
      %mul3A_677 = arith.muli %mul3A_676, %scan3A_612 : i32
      %add3A_678 = arith.constant 60 : i32
      %add3A_679 = arith.addi %add3A_678, %mul3A_677 : i32
      %add3A_680 = arith.constant 1 : i32
      %add3A_681 = arith.addi %add3A_679, %add3A_680 : i32
      %add3A_682 = arith.constant 2 : i32
      %add3A_683 = arith.addi %add3A_681, %add3A_682 : i32
      %mul3A_684 = arith.constant 128 : i32
      %mul3A_685 = arith.muli %add3A_683, %mul3A_684 : i32
      %dma_start3A_686 = tpu.memref_slice %arg6[%mul3A_685] : memref<10240xi32, #tpu.memory_space<vmem>> -> memref<128xi32, #tpu.memory_space<vmem>>
      %dma_start3A_687 = arith.constant 0 : i32
      %dma_start3A_688 = arith.constant 0 : i32
      %dma_start3A_689 = tpu.memref_slice %arg2[%dma_start3A_687, %dma_start3A_688] : memref<40960x128xf32, #tpu.memory_space<hbm>> -> memref<40960x128xf32, #tpu.memory_space<hbm>>
      tpu.enqueue_indirect_dma source(%dma_start3A_689 : memref<40960x128xf32, #tpu.memory_space<hbm>>) target(%arg9 : memref<128x128xf32, #tpu.memory_space<vmem>>) offsets(%dma_start3A_686 : memref<128xi32, #tpu.memory_space<vmem>>) semaphore(%arg13 : memref<!tpu.dma_semaphore, #tpu.memory_space<semaphore_mem>>)
      %scan3A_690 = arith.constant 0 : i32
      scf.yield %scan3A_690 : i32
    }
    %scan3A_256 = arith.constant 9 : i32
    %dma_wait3A_257 = arith.constant 9984 : i32
    %dma_wait3A_258 = tpu.memref_slice %arg6[%dma_wait3A_257] : memref<10240xi32, #tpu.memory_space<vmem>> -> memref<128xi32, #tpu.memory_space<vmem>>
    %dma_wait3A_259 = arith.constant 0 : i32
    %dma_wait3A_260 = arith.constant 0 : i32
    %dma_wait3A_261 = tpu.memref_slice %arg2[%dma_wait3A_259, %dma_wait3A_260] : memref<40960x128xf32, #tpu.memory_space<hbm>> -> memref<40960x128xf32, #tpu.memory_space<hbm>>
    tpu.wait_indirect_dma semaphore(%arg12 : memref<!tpu.dma_semaphore, #tpu.memory_space<semaphore_mem>>) src(%dma_wait3A_261 : memref<40960x128xf32, #tpu.memory_space<hbm>>) dst(%arg8 : memref<128x128xf32, #tpu.memory_space<vmem>>)
    %dma_start3A_262 = arith.constant 18 : i32
    %dma_start3A_263 = arith.constant 0 : i32
    %dma_start3A_264 = tpu.memref_slice %arg7[%dma_start3A_262, %dma_start3A_263] : memref<20x128xi32, #tpu.memory_space<vmem>> -> memref<1x128xi32, #tpu.memory_space<vmem>>
    %dma_start3A_265 = tpu.memref_squeeze %dma_start3A_264 : memref<1x128xi32, #tpu.memory_space<vmem>> -> memref<128xi32, #tpu.memory_space<vmem>>
    %dma_start3A_266 = arith.constant 0 : i32
    %dma_start3A_267 = arith.constant 0 : i32
    %dma_start3A_268 = tpu.memref_slice %arg10[%dma_start3A_266, %dma_start3A_267] : memref<10240x128xf32, #tpu.memory_space<vmem_shared>> -> memref<10240x128xf32, #tpu.memory_space<vmem_shared>>
    tpu.enqueue_indirect_dma source(%arg8 : memref<128x128xf32, #tpu.memory_space<vmem>>) target(%dma_start3A_268 : memref<10240x128xf32, #tpu.memory_space<vmem_shared>>) offsets(%dma_start3A_265 : memref<128xi32, #tpu.memory_space<vmem>>) semaphore(%arg14 : memref<!tpu.dma_semaphore, #tpu.memory_space<semaphore_mem>>) {add = true}
    %dma_wait3A_269 = arith.constant 10112 : i32
    %dma_wait3A_270 = tpu.memref_slice %arg6[%dma_wait3A_269] : memref<10240xi32, #tpu.memory_space<vmem>> -> memref<128xi32, #tpu.memory_space<vmem>>
    %dma_wait3A_271 = arith.constant 0 : i32
    %dma_wait3A_272 = arith.constant 0 : i32
    %dma_wait3A_273 = tpu.memref_slice %arg2[%dma_wait3A_271, %dma_wait3A_272] : memref<40960x128xf32, #tpu.memory_space<hbm>> -> memref<40960x128xf32, #tpu.memory_space<hbm>>
    tpu.wait_indirect_dma semaphore(%arg13 : memref<!tpu.dma_semaphore, #tpu.memory_space<semaphore_mem>>) src(%dma_wait3A_273 : memref<40960x128xf32, #tpu.memory_space<hbm>>) dst(%arg9 : memref<128x128xf32, #tpu.memory_space<vmem>>)
    %dma_start3A_274 = arith.constant 19 : i32
    %dma_start3A_275 = arith.constant 0 : i32
    %dma_start3A_276 = tpu.memref_slice %arg7[%dma_start3A_274, %dma_start3A_275] : memref<20x128xi32, #tpu.memory_space<vmem>> -> memref<1x128xi32, #tpu.memory_space<vmem>>
    %dma_start3A_277 = tpu.memref_squeeze %dma_start3A_276 : memref<1x128xi32, #tpu.memory_space<vmem>> -> memref<128xi32, #tpu.memory_space<vmem>>
    %dma_start3A_278 = arith.constant 0 : i32
    %dma_start3A_279 = arith.constant 0 : i32
    %dma_start3A_280 = tpu.memref_slice %arg10[%dma_start3A_278, %dma_start3A_279] : memref<10240x128xf32, #tpu.memory_space<vmem_shared>> -> memref<10240x128xf32, #tpu.memory_space<vmem_shared>>
    tpu.enqueue_indirect_dma source(%arg9 : memref<128x128xf32, #tpu.memory_space<vmem>>) target(%dma_start3A_280 : memref<10240x128xf32, #tpu.memory_space<vmem_shared>>) offsets(%dma_start3A_277 : memref<128xi32, #tpu.memory_space<vmem>>) semaphore(%arg15 : memref<!tpu.dma_semaphore, #tpu.memory_space<semaphore_mem>>) {add = true}
    %dma_wait3A_281 = arith.constant 18 : i32
    %dma_wait3A_282 = arith.constant 0 : i32
    %dma_wait3A_283 = tpu.memref_slice %arg7[%dma_wait3A_281, %dma_wait3A_282] : memref<20x128xi32, #tpu.memory_space<vmem>> -> memref<1x128xi32, #tpu.memory_space<vmem>>
    %dma_wait3A_284 = tpu.memref_squeeze %dma_wait3A_283 : memref<1x128xi32, #tpu.memory_space<vmem>> -> memref<128xi32, #tpu.memory_space<vmem>>
    %dma_wait3A_285 = arith.constant 0 : i32
    %dma_wait3A_286 = arith.constant 0 : i32
    %dma_wait3A_287 = tpu.memref_slice %arg10[%dma_wait3A_285, %dma_wait3A_286] : memref<10240x128xf32, #tpu.memory_space<vmem_shared>> -> memref<10240x128xf32, #tpu.memory_space<vmem_shared>>
    tpu.wait_indirect_dma semaphore(%arg14 : memref<!tpu.dma_semaphore, #tpu.memory_space<semaphore_mem>>) src(%arg8 : memref<128x128xf32, #tpu.memory_space<vmem>>) dst(%dma_wait3A_287 : memref<10240x128xf32, #tpu.memory_space<vmem_shared>>)
    %dma_wait3A_288 = arith.constant 19 : i32
    %dma_wait3A_289 = arith.constant 0 : i32
    %dma_wait3A_290 = tpu.memref_slice %arg7[%dma_wait3A_288, %dma_wait3A_289] : memref<20x128xi32, #tpu.memory_space<vmem>> -> memref<1x128xi32, #tpu.memory_space<vmem>>
    %dma_wait3A_291 = tpu.memref_squeeze %dma_wait3A_290 : memref<1x128xi32, #tpu.memory_space<vmem>> -> memref<128xi32, #tpu.memory_space<vmem>>
    %dma_wait3A_292 = arith.constant 0 : i32
    %dma_wait3A_293 = arith.constant 0 : i32
    %dma_wait3A_294 = tpu.memref_slice %arg10[%dma_wait3A_292, %dma_wait3A_293] : memref<10240x128xf32, #tpu.memory_space<vmem_shared>> -> memref<10240x128xf32, #tpu.memory_space<vmem_shared>>
    tpu.wait_indirect_dma semaphore(%arg15 : memref<!tpu.dma_semaphore, #tpu.memory_space<semaphore_mem>>) src(%arg9 : memref<128x128xf32, #tpu.memory_space<vmem>>) dst(%dma_wait3A_294 : memref<10240x128xf32, #tpu.memory_space<vmem_shared>>)
    %barrier3A_295 = arith.constant 0 : index
    tpu.barrier barrier_id(%barrier3A_295)
    %mul3A_296 = arith.constant 640 : i32
    %mul3A_297 = arith.muli %arg1, %mul3A_296 : i32
    %mul3A_298 = arith.constant 10240 : i32
    %mul3A_299 = arith.muli %mul3A_10, %mul3A_298 : i32
    %mul3A_300 = arith.constant 640 : i32
    %mul3A_301 = arith.muli %arg1, %mul3A_300 : i32
    %add3A_302 = arith.addi %mul3A_299, %mul3A_301 : i32
    "tpu.region"() ({
      %run_scoped3A = tpu.sem_alloc : memref<!tpu.dma_semaphore, #tpu.memory_space<semaphore_mem>>
      %dma_start3A_612 = arith.constant 0 : i32
      %dma_start3A_613 = tpu.memref_slice %arg5[%add3A_302, %dma_start3A_612] : memref<40960x128xf32, #tpu.memory_space<hbm>> -> memref<640x128xf32, #tpu.memory_space<hbm>>
      %dma_start3A_614 = arith.constant 0 : i32
      %dma_start3A_615 = tpu.memref_slice %arg10[%mul3A_297, %dma_start3A_614] : memref<10240x128xf32, #tpu.memory_space<vmem_shared>> -> memref<640x128xf32, #tpu.memory_space<vmem_shared>>
      tpu.enqueue_dma source(%dma_start3A_615 : memref<640x128xf32, #tpu.memory_space<vmem_shared>>) target(%dma_start3A_613 : memref<640x128xf32, #tpu.memory_space<hbm>>) target_semaphore(%run_scoped3A : memref<!tpu.dma_semaphore, #tpu.memory_space<semaphore_mem>>)
      %dma_wait3A_616 = arith.constant 0 : i32
      %dma_wait3A_617 = tpu.memref_slice %arg5[%add3A_302, %dma_wait3A_616] : memref<40960x128xf32, #tpu.memory_space<hbm>> -> memref<640x128xf32, #tpu.memory_space<hbm>>
      %dma_wait3A_618 = arith.constant 0 : i32
      %dma_wait3A_619 = tpu.memref_slice %arg10[%mul3A_297, %dma_wait3A_618] : memref<10240x128xf32, #tpu.memory_space<vmem_shared>> -> memref<640x128xf32, #tpu.memory_space<vmem_shared>>
      tpu.wait_dma2 semaphore(%run_scoped3A : memref<!tpu.dma_semaphore, #tpu.memory_space<semaphore_mem>>) src(%dma_wait3A_619 : memref<640x128xf32, #tpu.memory_space<vmem_shared>>) dst(%dma_wait3A_617 : memref<640x128xf32, #tpu.memory_space<hbm>>)
      tpu.yield
    }) : () -> ()
    %barrier3A_303 = arith.constant 0 : index
    tpu.barrier barrier_id(%barrier3A_303)
    %scan3A_304 = arith.constant 0 : i32
    %scan3A_305 = arith.constant 0 : i32
    %scan3A_306 = arith.constant 640 : i32
    %scan3A_307 = arith.addi %scan3A_305, %scan3A_306 : i32
    %scan3A_308 = arith.constant 1 : i32
    %scan3A_309 = scf.for %scan3A_612 = %scan3A_305 to %scan3A_307 step %scan3A_308 iter_args(%scan3A_613 = %scan3A_304) -> (i32)  : i32 {
      %mul3A_614 = arith.constant 16 : i32
      %mul3A_615 = arith.muli %scan3A_612, %mul3A_614 : i32
      %get3A = arith.index_cast %mul3A_615 : i32 to index
      %get3A_616 = tpu.vector_load %arg6[%get3A] {strides = array<i32>} : memref<10240xi32, #tpu.memory_space<vmem>>, vector<16xi32>,
      %add3A_617 = arith.constant 10240 : i32
      %add3A_618 = vector.broadcast %add3A_617 : i32 to vector<16xi32>
      %add3A_619 = arith.addi %get3A_616, %add3A_618 : vector<16xi32>
      %mul3A_620 = arith.constant 16 : i32
      %mul3A_621 = arith.muli %scan3A_612, %mul3A_620 : i32
      %swap3A = arith.index_cast %mul3A_621 : i32 to index
      %swap3A_622 = tpu.vector_load %arg6[%swap3A] {strides = array<i32>} : memref<10240xi32, #tpu.memory_space<vmem>>, vector<16xi32>,
      tpu.vector_store %arg6[%swap3A], %add3A_619 {strides = array<i32>} : memref<10240xi32, #tpu.memory_space<vmem>>, vector<16xi32>,
      %scan3A_623 = arith.constant 0 : i32
      scf.yield %scan3A_623 : i32
    }
    %scan3A_310 = arith.constant 640 : i32
    %mul3A_311 = arith.constant 2 : i32
    %mul3A_312 = arith.muli %mul3A_311, %arg0 : i32
    %add3A_313 = arith.constant 1 : i32
    %add3A_314 = arith.addi %mul3A_312, %add3A_313 : i32
    %scan3A_315 = arith.constant 0 : i32
    %scan3A_316 = arith.constant 0 : i32
    %scan3A_317 = arith.constant 1024 : i32
    %scan3A_318 = arith.addi %scan3A_316, %scan3A_317 : i32
    %scan3A_319 = arith.constant 1 : i32
    %scan3A_320 = scf.for %scan3A_612 = %scan3A_316 to %scan3A_318 step %scan3A_319 iter_args(%scan3A_613 = %scan3A_315) -> (i32)  : i32 {
      %broadcast_in_dim3A = arith.constant 0.000000e+00 : f32
      %broadcast_in_dim3A_614 = vector.broadcast %broadcast_in_dim3A : f32 to vector<16xf32>
      %jit3A = arith.constant 8 : i32
      %div3A = arith.divsi %scan3A_612, %jit3A : i32
      %sign3A = arith.constant 0 : i32
      %sign3A_615 = arith.cmpi sgt, %scan3A_612, %sign3A : i32
      %sign3A_616 = arith.extui %sign3A_615 : i1 to i32
      %sign3A_617 = arith.constant 0 : i32
      %sign3A_618 = arith.cmpi slt, %scan3A_612, %sign3A_617 : i32
      %sign3A_619 = arith.extui %sign3A_618 : i1 to i32
      %sign3A_620 = arith.subi %sign3A_616, %sign3A_619 : i32
      %sign3A_621 = arith.constant 0 : i32
      %sign3A_622 = arith.cmpi sgt, %jit3A, %sign3A_621 : i32
      %sign3A_623 = arith.extui %sign3A_622 : i1 to i32
      %sign3A_624 = arith.constant 0 : i32
      %sign3A_625 = arith.cmpi slt, %jit3A, %sign3A_624 : i32
      %sign3A_626 = arith.extui %sign3A_625 : i1 to i32
      %sign3A_627 = arith.subi %sign3A_623, %sign3A_626 : i32
      %ne3A = arith.cmpi ne, %sign3A_620, %sign3A_627 : i32
      %rem3A = arith.remsi %scan3A_612, %jit3A : i32
      %ne3A_628 = arith.constant 0 : i32
      %ne3A_629 = arith.cmpi ne, %rem3A, %ne3A_628 : i32
      %and3A = arith.andi %ne3A, %ne3A_629 : i1
      %sub3A = arith.constant 1 : i32
      %sub3A_630 = arith.subi %div3A, %sub3A : i32
      %select_n3A = arith.select %and3A, %sub3A_630, %div3A : i32
      %jit3A_631 = arith.constant 8 : i32
      %eq3A = arith.constant 0 : i32
      %eq3A_632 = arith.cmpi eq, %jit3A_631, %eq3A : i32
      %jit3A_633 = arith.constant 1 : i32
      %select_n3A_634 = arith.select %eq3A_632, %jit3A_633, %jit3A_631 : i32
      %rem3A_635 = arith.remsi %scan3A_612, %select_n3A_634 : i32
      %ne3A_636 = arith.constant 0 : i32
      %ne3A_637 = arith.cmpi ne, %rem3A_635, %ne3A_636 : i32
      %lt3A = arith.constant 0 : i32
      %lt3A_638 = arith.cmpi slt, %rem3A_635, %lt3A : i32
      %lt3A_639 = arith.constant 0 : i32
      %lt3A_640 = arith.cmpi slt, %select_n3A_634, %lt3A_639 : i32
      %ne3A_641 = arith.xori %lt3A_638, %lt3A_640 : i1
      %and3A_642 = arith.andi %ne3A_641, %ne3A_637 : i1
      %add3A_643 = arith.addi %rem3A_635, %select_n3A_634 : i32
      %select_n3A_644 = arith.select %and3A_642, %add3A_643, %rem3A_635 : i32
      %mul3A_645 = arith.constant 16 : i32
      %mul3A_646 = arith.muli %select_n3A_644, %mul3A_645 : i32
      %swap3A = arith.index_cast %select_n3A : i32 to index
      %swap3A_647 = arith.index_cast %mul3A_646 : i32 to index
      %swap3A_648 = tpu.vector_load %arg8[%swap3A, %swap3A_647] {strides = array<i32>} : memref<128x128xf32, #tpu.memory_space<vmem>>, vector<16xf32>,
      tpu.vector_store %arg8[%swap3A, %swap3A_647], %broadcast_in_dim3A_614 {strides = array<i32>} : memref<128x128xf32, #tpu.memory_space<vmem>>, vector<16xf32>,
      %scan3A_649 = arith.constant 0 : i32
      scf.yield %scan3A_649 : i32
    }
    %scan3A_321 = arith.constant 1024 : i32
    %mul3A_322 = arith.constant 640 : i32
    %mul3A_323 = arith.muli %arg1, %mul3A_322 : i32
    %add3A_324 = arith.constant 0 : i32
    %add3A_325 = arith.addi %mul3A_323, %add3A_324 : i32
    %mul3A_326 = arith.constant 640 : i32
    %mul3A_327 = arith.muli %arg1, %mul3A_326 : i32
    %add3A_328 = arith.constant 128 : i32
    %add3A_329 = arith.addi %mul3A_327, %add3A_328 : i32
    %mul3A_330 = arith.constant 640 : i32
    %mul3A_331 = arith.muli %arg1, %mul3A_330 : i32
    %add3A_332 = arith.constant 256 : i32
    %add3A_333 = arith.addi %mul3A_331, %add3A_332 : i32
    %mul3A_334 = arith.constant 640 : i32
    %mul3A_335 = arith.muli %arg1, %mul3A_334 : i32
    %add3A_336 = arith.constant 384 : i32
    %add3A_337 = arith.addi %mul3A_335, %add3A_336 : i32
    %mul3A_338 = arith.constant 640 : i32
    %mul3A_339 = arith.muli %arg1, %mul3A_338 : i32
    %add3A_340 = arith.constant 512 : i32
    %add3A_341 = arith.addi %mul3A_339, %add3A_340 : i32
    %dma_start3A_342 = arith.constant 0 : i32
    %dma_start3A_343 = tpu.memref_slice %arg10[%add3A_325, %dma_start3A_342] : memref<10240x128xf32, #tpu.memory_space<vmem_shared>> -> memref<128x128xf32, #tpu.memory_space<vmem_shared>>
    %dma_start3A_344 = arith.constant 0 : i32
    %dma_start3A_345 = tpu.memref_slice %arg10[%add3A_325, %dma_start3A_344] : memref<10240x128xf32, #tpu.memory_space<vmem_shared>> -> memref<128x128xf32, #tpu.memory_space<vmem_shared>>
    tpu.enqueue_dma source(%arg8 : memref<128x128xf32, #tpu.memory_space<vmem>>) target(%dma_start3A_345 : memref<128x128xf32, #tpu.memory_space<vmem_shared>>) target_semaphore(%arg11 : memref<!tpu.dma_semaphore, #tpu.memory_space<semaphore_mem>>)
    %dma_start3A_346 = arith.constant 0 : i32
    %dma_start3A_347 = tpu.memref_slice %arg10[%add3A_329, %dma_start3A_346] : memref<10240x128xf32, #tpu.memory_space<vmem_shared>> -> memref<128x128xf32, #tpu.memory_space<vmem_shared>>
    %dma_start3A_348 = arith.constant 0 : i32
    %dma_start3A_349 = tpu.memref_slice %arg10[%add3A_329, %dma_start3A_348] : memref<10240x128xf32, #tpu.memory_space<vmem_shared>> -> memref<128x128xf32, #tpu.memory_space<vmem_shared>>
    tpu.enqueue_dma source(%arg8 : memref<128x128xf32, #tpu.memory_space<vmem>>) target(%dma_start3A_349 : memref<128x128xf32, #tpu.memory_space<vmem_shared>>) target_semaphore(%arg11 : memref<!tpu.dma_semaphore, #tpu.memory_space<semaphore_mem>>)
    %dma_start3A_350 = arith.constant 0 : i32
    %dma_start3A_351 = tpu.memref_slice %arg10[%add3A_333, %dma_start3A_350] : memref<10240x128xf32, #tpu.memory_space<vmem_shared>> -> memref<128x128xf32, #tpu.memory_space<vmem_shared>>
    %dma_start3A_352 = arith.constant 0 : i32
    %dma_start3A_353 = tpu.memref_slice %arg10[%add3A_333, %dma_start3A_352] : memref<10240x128xf32, #tpu.memory_space<vmem_shared>> -> memref<128x128xf32, #tpu.memory_space<vmem_shared>>
    tpu.enqueue_dma source(%arg8 : memref<128x128xf32, #tpu.memory_space<vmem>>) target(%dma_start3A_353 : memref<128x128xf32, #tpu.memory_space<vmem_shared>>) target_semaphore(%arg11 : memref<!tpu.dma_semaphore, #tpu.memory_space<semaphore_mem>>)
    %dma_start3A_354 = arith.constant 0 : i32
    %dma_start3A_355 = tpu.memref_slice %arg10[%add3A_337, %dma_start3A_354] : memref<10240x128xf32, #tpu.memory_space<vmem_shared>> -> memref<128x128xf32, #tpu.memory_space<vmem_shared>>
    %dma_start3A_356 = arith.constant 0 : i32
    %dma_start3A_357 = tpu.memref_slice %arg10[%add3A_337, %dma_start3A_356] : memref<10240x128xf32, #tpu.memory_space<vmem_shared>> -> memref<128x128xf32, #tpu.memory_space<vmem_shared>>
    tpu.enqueue_dma source(%arg8 : memref<128x128xf32, #tpu.memory_space<vmem>>) target(%dma_start3A_357 : memref<128x128xf32, #tpu.memory_space<vmem_shared>>) target_semaphore(%arg11 : memref<!tpu.dma_semaphore, #tpu.memory_space<semaphore_mem>>)
    %dma_start3A_358 = arith.constant 0 : i32
    %dma_start3A_359 = tpu.memref_slice %arg10[%add3A_341, %dma_start3A_358] : memref<10240x128xf32, #tpu.memory_space<vmem_shared>> -> memref<128x128xf32, #tpu.memory_space<vmem_shared>>
    %dma_start3A_360 = arith.constant 0 : i32
    %dma_start3A_361 = tpu.memref_slice %arg10[%add3A_341, %dma_start3A_360] : memref<10240x128xf32, #tpu.memory_space<vmem_shared>> -> memref<128x128xf32, #tpu.memory_space<vmem_shared>>
    tpu.enqueue_dma source(%arg8 : memref<128x128xf32, #tpu.memory_space<vmem>>) target(%dma_start3A_361 : memref<128x128xf32, #tpu.memory_space<vmem_shared>>) target_semaphore(%arg11 : memref<!tpu.dma_semaphore, #tpu.memory_space<semaphore_mem>>)
    %dma_wait3A_362 = arith.constant 0 : i32
    %dma_wait3A_363 = tpu.memref_slice %arg10[%add3A_325, %dma_wait3A_362] : memref<10240x128xf32, #tpu.memory_space<vmem_shared>> -> memref<128x128xf32, #tpu.memory_space<vmem_shared>>
    %dma_wait3A_364 = arith.constant 0 : i32
    %dma_wait3A_365 = tpu.memref_slice %arg10[%add3A_325, %dma_wait3A_364] : memref<10240x128xf32, #tpu.memory_space<vmem_shared>> -> memref<128x128xf32, #tpu.memory_space<vmem_shared>>
    tpu.wait_dma2 semaphore(%arg11 : memref<!tpu.dma_semaphore, #tpu.memory_space<semaphore_mem>>) src(%arg8 : memref<128x128xf32, #tpu.memory_space<vmem>>) dst(%dma_wait3A_365 : memref<128x128xf32, #tpu.memory_space<vmem_shared>>)
    %dma_wait3A_366 = arith.constant 0 : i32
    %dma_wait3A_367 = tpu.memref_slice %arg10[%add3A_329, %dma_wait3A_366] : memref<10240x128xf32, #tpu.memory_space<vmem_shared>> -> memref<128x128xf32, #tpu.memory_space<vmem_shared>>
    %dma_wait3A_368 = arith.constant 0 : i32
    %dma_wait3A_369 = tpu.memref_slice %arg10[%add3A_329, %dma_wait3A_368] : memref<10240x128xf32, #tpu.memory_space<vmem_shared>> -> memref<128x128xf32, #tpu.memory_space<vmem_shared>>
    tpu.wait_dma2 semaphore(%arg11 : memref<!tpu.dma_semaphore, #tpu.memory_space<semaphore_mem>>) src(%arg8 : memref<128x128xf32, #tpu.memory_space<vmem>>) dst(%dma_wait3A_369 : memref<128x128xf32, #tpu.memory_space<vmem_shared>>)
    %dma_wait3A_370 = arith.constant 0 : i32
    %dma_wait3A_371 = tpu.memref_slice %arg10[%add3A_333, %dma_wait3A_370] : memref<10240x128xf32, #tpu.memory_space<vmem_shared>> -> memref<128x128xf32, #tpu.memory_space<vmem_shared>>
    %dma_wait3A_372 = arith.constant 0 : i32
    %dma_wait3A_373 = tpu.memref_slice %arg10[%add3A_333, %dma_wait3A_372] : memref<10240x128xf32, #tpu.memory_space<vmem_shared>> -> memref<128x128xf32, #tpu.memory_space<vmem_shared>>
    tpu.wait_dma2 semaphore(%arg11 : memref<!tpu.dma_semaphore, #tpu.memory_space<semaphore_mem>>) src(%arg8 : memref<128x128xf32, #tpu.memory_space<vmem>>) dst(%dma_wait3A_373 : memref<128x128xf32, #tpu.memory_space<vmem_shared>>)
    %dma_wait3A_374 = arith.constant 0 : i32
    %dma_wait3A_375 = tpu.memref_slice %arg10[%add3A_337, %dma_wait3A_374] : memref<10240x128xf32, #tpu.memory_space<vmem_shared>> -> memref<128x128xf32, #tpu.memory_space<vmem_shared>>
    %dma_wait3A_376 = arith.constant 0 : i32
    %dma_wait3A_377 = tpu.memref_slice %arg10[%add3A_337, %dma_wait3A_376] : memref<10240x128xf32, #tpu.memory_space<vmem_shared>> -> memref<128x128xf32, #tpu.memory_space<vmem_shared>>
    tpu.wait_dma2 semaphore(%arg11 : memref<!tpu.dma_semaphore, #tpu.memory_space<semaphore_mem>>) src(%arg8 : memref<128x128xf32, #tpu.memory_space<vmem>>) dst(%dma_wait3A_377 : memref<128x128xf32, #tpu.memory_space<vmem_shared>>)
    %dma_wait3A_378 = arith.constant 0 : i32
    %dma_wait3A_379 = tpu.memref_slice %arg10[%add3A_341, %dma_wait3A_378] : memref<10240x128xf32, #tpu.memory_space<vmem_shared>> -> memref<128x128xf32, #tpu.memory_space<vmem_shared>>
    %dma_wait3A_380 = arith.constant 0 : i32
    %dma_wait3A_381 = tpu.memref_slice %arg10[%add3A_341, %dma_wait3A_380] : memref<10240x128xf32, #tpu.memory_space<vmem_shared>> -> memref<128x128xf32, #tpu.memory_space<vmem_shared>>
    tpu.wait_dma2 semaphore(%arg11 : memref<!tpu.dma_semaphore, #tpu.memory_space<semaphore_mem>>) src(%arg8 : memref<128x128xf32, #tpu.memory_space<vmem>>) dst(%dma_wait3A_381 : memref<128x128xf32, #tpu.memory_space<vmem_shared>>)
    %barrier3A_382 = arith.constant 0 : index
    tpu.barrier barrier_id(%barrier3A_382)
    "tpu.region"() ({
      %run_scoped3A = tpu.sem_alloc : memref<!tpu.dma_semaphore, #tpu.memory_space<semaphore_mem>>
      %dma_start3A_612 = arith.constant 0 : i32
      %dma_start3A_613 = arith.constant 0 : i32
      %dma_start3A_614 = tpu.memref_slice %arg4[%arg1, %dma_start3A_612, %dma_start3A_613] : memref<16x80x128xi32, #tpu.memory_space<hbm>> -> memref<1x80x128xi32, #tpu.memory_space<hbm>>
      %dma_start3A_615 = tpu.memref_squeeze %dma_start3A_614 : memref<1x80x128xi32, #tpu.memory_space<hbm>> -> memref<80x128xi32, #tpu.memory_space<hbm>>
      %dma_start3A_616 = arith.constant 0 : i32
      %dma_start3A_617 = arith.constant 0 : i32
      %dma_start3A_618 = tpu.memref_slice %dma_start3A_615[%dma_start3A_616, %dma_start3A_617] : memref<80x128xi32, #tpu.memory_space<hbm>> -> memref<20x128xi32, #tpu.memory_space<hbm>>
      %dma_start3A_619 = arith.constant 0 : i32
      %dma_start3A_620 = arith.constant 0 : i32
      %dma_start3A_621 = tpu.memref_slice %arg4[%arg1, %dma_start3A_619, %dma_start3A_620] : memref<16x80x128xi32, #tpu.memory_space<hbm>> -> memref<1x80x128xi32, #tpu.memory_space<hbm>>
      %dma_start3A_622 = tpu.memref_squeeze %dma_start3A_621 : memref<1x80x128xi32, #tpu.memory_space<hbm>> -> memref<80x128xi32, #tpu.memory_space<hbm>>
      %dma_start3A_623 = arith.constant 0 : i32
      %dma_start3A_624 = arith.constant 0 : i32
      %dma_start3A_625 = tpu.memref_slice %dma_start3A_622[%dma_start3A_623, %dma_start3A_624] : memref<80x128xi32, #tpu.memory_space<hbm>> -> memref<20x128xi32, #tpu.memory_space<hbm>>
      tpu.enqueue_dma source(%dma_start3A_625 : memref<20x128xi32, #tpu.memory_space<hbm>>) target(%arg7 : memref<20x128xi32, #tpu.memory_space<vmem>>) target_semaphore(%run_scoped3A : memref<!tpu.dma_semaphore, #tpu.memory_space<semaphore_mem>>)
      %dma_wait3A_626 = arith.constant 0 : i32
      %dma_wait3A_627 = arith.constant 0 : i32
      %dma_wait3A_628 = tpu.memref_slice %arg4[%arg1, %dma_wait3A_626, %dma_wait3A_627] : memref<16x80x128xi32, #tpu.memory_space<hbm>> -> memref<1x80x128xi32, #tpu.memory_space<hbm>>
      %dma_wait3A_629 = tpu.memref_squeeze %dma_wait3A_628 : memref<1x80x128xi32, #tpu.memory_space<hbm>> -> memref<80x128xi32, #tpu.memory_space<hbm>>
      %dma_wait3A_630 = arith.constant 0 : i32
      %dma_wait3A_631 = arith.constant 0 : i32
      %dma_wait3A_632 = tpu.memref_slice %dma_wait3A_629[%dma_wait3A_630, %dma_wait3A_631] : memref<80x128xi32, #tpu.memory_space<hbm>> -> memref<20x128xi32, #tpu.memory_space<hbm>>
      %dma_wait3A_633 = arith.constant 0 : i32
      %dma_wait3A_634 = arith.constant 0 : i32
      %dma_wait3A_635 = tpu.memref_slice %arg4[%arg1, %dma_wait3A_633, %dma_wait3A_634] : memref<16x80x128xi32, #tpu.memory_space<hbm>> -> memref<1x80x128xi32, #tpu.memory_space<hbm>>
      %dma_wait3A_636 = tpu.memref_squeeze %dma_wait3A_635 : memref<1x80x128xi32, #tpu.memory_space<hbm>> -> memref<80x128xi32, #tpu.memory_space<hbm>>
      %dma_wait3A_637 = arith.constant 0 : i32
      %dma_wait3A_638 = arith.constant 0 : i32
      %dma_wait3A_639 = tpu.memref_slice %dma_wait3A_636[%dma_wait3A_637, %dma_wait3A_638] : memref<80x128xi32, #tpu.memory_space<hbm>> -> memref<20x128xi32, #tpu.memory_space<hbm>>
      tpu.wait_dma2 semaphore(%run_scoped3A : memref<!tpu.dma_semaphore, #tpu.memory_space<semaphore_mem>>) src(%dma_wait3A_639 : memref<20x128xi32, #tpu.memory_space<hbm>>) dst(%arg7 : memref<20x128xi32, #tpu.memory_space<vmem>>)
      tpu.yield
    }) : () -> ()
    %dma_start3A_383 = arith.constant 0 : i32
    %dma_start3A_384 = tpu.memref_slice %arg6[%dma_start3A_383] : memref<10240xi32, #tpu.memory_space<vmem>> -> memref<128xi32, #tpu.memory_space<vmem>>
    %dma_start3A_385 = arith.constant 0 : i32
    %dma_start3A_386 = arith.constant 0 : i32
    %dma_start3A_387 = tpu.memref_slice %arg2[%dma_start3A_385, %dma_start3A_386] : memref<40960x128xf32, #tpu.memory_space<hbm>> -> memref<40960x128xf32, #tpu.memory_space<hbm>>
    tpu.enqueue_indirect_dma source(%dma_start3A_387 : memref<40960x128xf32, #tpu.memory_space<hbm>>) target(%arg8 : memref<128x128xf32, #tpu.memory_space<vmem>>) offsets(%dma_start3A_384 : memref<128xi32, #tpu.memory_space<vmem>>) semaphore(%arg12 : memref<!tpu.dma_semaphore, #tpu.memory_space<semaphore_mem>>)
    %dma_start3A_388 = arith.constant 128 : i32
    %dma_start3A_389 = tpu.memref_slice %arg6[%dma_start3A_388] : memref<10240xi32, #tpu.memory_space<vmem>> -> memref<128xi32, #tpu.memory_space<vmem>>
    %dma_start3A_390 = arith.constant 0 : i32
    %dma_start3A_391 = arith.constant 0 : i32
    %dma_start3A_392 = tpu.memref_slice %arg2[%dma_start3A_390, %dma_start3A_391] : memref<40960x128xf32, #tpu.memory_space<hbm>> -> memref<40960x128xf32, #tpu.memory_space<hbm>>
    tpu.enqueue_indirect_dma source(%dma_start3A_392 : memref<40960x128xf32, #tpu.memory_space<hbm>>) target(%arg9 : memref<128x128xf32, #tpu.memory_space<vmem>>) offsets(%dma_start3A_389 : memref<128xi32, #tpu.memory_space<vmem>>) semaphore(%arg13 : memref<!tpu.dma_semaphore, #tpu.memory_space<semaphore_mem>>)
    %scan3A_393 = arith.constant 0 : i32
    %scan3A_394 = arith.constant 0 : i32
    %scan3A_395 = arith.constant 9 : i32
    %scan3A_396 = arith.addi %scan3A_394, %scan3A_395 : i32
    %scan3A_397 = arith.constant 1 : i32
    %scan3A_398 = scf.for %scan3A_612 = %scan3A_394 to %scan3A_396 step %scan3A_397 iter_args(%scan3A_613 = %scan3A_393) -> (i32)  : i32 {
      %mul3A_614 = arith.constant 2 : i32
      %mul3A_615 = arith.muli %mul3A_614, %scan3A_612 : i32
      %add3A_616 = arith.constant 0 : i32
      %add3A_617 = arith.addi %mul3A_615, %add3A_616 : i32
      %add3A_618 = arith.constant 0 : i32
      %add3A_619 = arith.addi %add3A_618, %add3A_617 : i32
      %mul3A_620 = arith.constant 128 : i32
      %mul3A_621 = arith.muli %add3A_619, %mul3A_620 : i32
      %dma_wait3A_622 = tpu.memref_slice %arg6[%mul3A_621] : memref<10240xi32, #tpu.memory_space<vmem>> -> memref<128xi32, #tpu.memory_space<vmem>>
      %dma_wait3A_623 = arith.constant 0 : i32
      %dma_wait3A_624 = arith.constant 0 : i32
      %dma_wait3A_625 = tpu.memref_slice %arg2[%dma_wait3A_623, %dma_wait3A_624] : memref<40960x128xf32, #tpu.memory_space<hbm>> -> memref<40960x128xf32, #tpu.memory_space<hbm>>
      tpu.wait_indirect_dma semaphore(%arg12 : memref<!tpu.dma_semaphore, #tpu.memory_space<semaphore_mem>>) src(%dma_wait3A_625 : memref<40960x128xf32, #tpu.memory_space<hbm>>) dst(%arg8 : memref<128x128xf32, #tpu.memory_space<vmem>>)
      %dma_start3A_626 = arith.constant 0 : i32
      %dma_start3A_627 = tpu.memref_slice %arg7[%add3A_617, %dma_start3A_626] : memref<20x128xi32, #tpu.memory_space<vmem>> -> memref<1x128xi32, #tpu.memory_space<vmem>>
      %dma_start3A_628 = tpu.memref_squeeze %dma_start3A_627 : memref<1x128xi32, #tpu.memory_space<vmem>> -> memref<128xi32, #tpu.memory_space<vmem>>
      %dma_start3A_629 = arith.constant 0 : i32
      %dma_start3A_630 = arith.constant 0 : i32
      %dma_start3A_631 = tpu.memref_slice %arg10[%dma_start3A_629, %dma_start3A_630] : memref<10240x128xf32, #tpu.memory_space<vmem_shared>> -> memref<10240x128xf32, #tpu.memory_space<vmem_shared>>
      tpu.enqueue_indirect_dma source(%arg8 : memref<128x128xf32, #tpu.memory_space<vmem>>) target(%dma_start3A_631 : memref<10240x128xf32, #tpu.memory_space<vmem_shared>>) offsets(%dma_start3A_628 : memref<128xi32, #tpu.memory_space<vmem>>) semaphore(%arg14 : memref<!tpu.dma_semaphore, #tpu.memory_space<semaphore_mem>>) {add = true}
      %mul3A_632 = arith.constant 2 : i32
      %mul3A_633 = arith.muli %mul3A_632, %scan3A_612 : i32
      %add3A_634 = arith.constant 1 : i32
      %add3A_635 = arith.addi %mul3A_633, %add3A_634 : i32
      %add3A_636 = arith.constant 0 : i32
      %add3A_637 = arith.addi %add3A_636, %add3A_635 : i32
      %mul3A_638 = arith.constant 128 : i32
      %mul3A_639 = arith.muli %add3A_637, %mul3A_638 : i32
      %dma_wait3A_640 = tpu.memref_slice %arg6[%mul3A_639] : memref<10240xi32, #tpu.memory_space<vmem>> -> memref<128xi32, #tpu.memory_space<vmem>>
      %dma_wait3A_641 = arith.constant 0 : i32
      %dma_wait3A_642 = arith.constant 0 : i32
      %dma_wait3A_643 = tpu.memref_slice %arg2[%dma_wait3A_641, %dma_wait3A_642] : memref<40960x128xf32, #tpu.memory_space<hbm>> -> memref<40960x128xf32, #tpu.memory_space<hbm>>
      tpu.wait_indirect_dma semaphore(%arg13 : memref<!tpu.dma_semaphore, #tpu.memory_space<semaphore_mem>>) src(%dma_wait3A_643 : memref<40960x128xf32, #tpu.memory_space<hbm>>) dst(%arg9 : memref<128x128xf32, #tpu.memory_space<vmem>>)
      %dma_start3A_644 = arith.constant 0 : i32
      %dma_start3A_645 = tpu.memref_slice %arg7[%add3A_635, %dma_start3A_644] : memref<20x128xi32, #tpu.memory_space<vmem>> -> memref<1x128xi32, #tpu.memory_space<vmem>>
      %dma_start3A_646 = tpu.memref_squeeze %dma_start3A_645 : memref<1x128xi32, #tpu.memory_space<vmem>> -> memref<128xi32, #tpu.memory_space<vmem>>
      %dma_start3A_647 = arith.constant 0 : i32
      %dma_start3A_648 = arith.constant 0 : i32
      %dma_start3A_649 = tpu.memref_slice %arg10[%dma_start3A_647, %dma_start3A_648] : memref<10240x128xf32, #tpu.memory_space<vmem_shared>> -> memref<10240x128xf32, #tpu.memory_space<vmem_shared>>
      tpu.enqueue_indirect_dma source(%arg9 : memref<128x128xf32, #tpu.memory_space<vmem>>) target(%dma_start3A_649 : memref<10240x128xf32, #tpu.memory_space<vmem_shared>>) offsets(%dma_start3A_646 : memref<128xi32, #tpu.memory_space<vmem>>) semaphore(%arg15 : memref<!tpu.dma_semaphore, #tpu.memory_space<semaphore_mem>>) {add = true}
      %dma_wait3A_650 = arith.constant 0 : i32
      %dma_wait3A_651 = tpu.memref_slice %arg7[%add3A_617, %dma_wait3A_650] : memref<20x128xi32, #tpu.memory_space<vmem>> -> memref<1x128xi32, #tpu.memory_space<vmem>>
      %dma_wait3A_652 = tpu.memref_squeeze %dma_wait3A_651 : memref<1x128xi32, #tpu.memory_space<vmem>> -> memref<128xi32, #tpu.memory_space<vmem>>
      %dma_wait3A_653 = arith.constant 0 : i32
      %dma_wait3A_654 = arith.constant 0 : i32
      %dma_wait3A_655 = tpu.memref_slice %arg10[%dma_wait3A_653, %dma_wait3A_654] : memref<10240x128xf32, #tpu.memory_space<vmem_shared>> -> memref<10240x128xf32, #tpu.memory_space<vmem_shared>>
      tpu.wait_indirect_dma semaphore(%arg14 : memref<!tpu.dma_semaphore, #tpu.memory_space<semaphore_mem>>) src(%arg8 : memref<128x128xf32, #tpu.memory_space<vmem>>) dst(%dma_wait3A_655 : memref<10240x128xf32, #tpu.memory_space<vmem_shared>>)
      %mul3A_656 = arith.constant 2 : i32
      %mul3A_657 = arith.muli %mul3A_656, %scan3A_612 : i32
      %add3A_658 = arith.constant 0 : i32
      %add3A_659 = arith.addi %add3A_658, %mul3A_657 : i32
      %add3A_660 = arith.constant 0 : i32
      %add3A_661 = arith.addi %add3A_659, %add3A_660 : i32
      %add3A_662 = arith.constant 2 : i32
      %add3A_663 = arith.addi %add3A_661, %add3A_662 : i32
      %mul3A_664 = arith.constant 128 : i32
      %mul3A_665 = arith.muli %add3A_663, %mul3A_664 : i32
      %dma_start3A_666 = tpu.memref_slice %arg6[%mul3A_665] : memref<10240xi32, #tpu.memory_space<vmem>> -> memref<128xi32, #tpu.memory_space<vmem>>
      %dma_start3A_667 = arith.constant 0 : i32
      %dma_start3A_668 = arith.constant 0 : i32
      %dma_start3A_669 = tpu.memref_slice %arg2[%dma_start3A_667, %dma_start3A_668] : memref<40960x128xf32, #tpu.memory_space<hbm>> -> memref<40960x128xf32, #tpu.memory_space<hbm>>
      tpu.enqueue_indirect_dma source(%dma_start3A_669 : memref<40960x128xf32, #tpu.memory_space<hbm>>) target(%arg8 : memref<128x128xf32, #tpu.memory_space<vmem>>) offsets(%dma_start3A_666 : memref<128xi32, #tpu.memory_space<vmem>>) semaphore(%arg12 : memref<!tpu.dma_semaphore, #tpu.memory_space<semaphore_mem>>)
      %dma_wait3A_670 = arith.constant 0 : i32
      %dma_wait3A_671 = tpu.memref_slice %arg7[%add3A_635, %dma_wait3A_670] : memref<20x128xi32, #tpu.memory_space<vmem>> -> memref<1x128xi32, #tpu.memory_space<vmem>>
      %dma_wait3A_672 = tpu.memref_squeeze %dma_wait3A_671 : memref<1x128xi32, #tpu.memory_space<vmem>> -> memref<128xi32, #tpu.memory_space<vmem>>
      %dma_wait3A_673 = arith.constant 0 : i32
      %dma_wait3A_674 = arith.constant 0 : i32
      %dma_wait3A_675 = tpu.memref_slice %arg10[%dma_wait3A_673, %dma_wait3A_674] : memref<10240x128xf32, #tpu.memory_space<vmem_shared>> -> memref<10240x128xf32, #tpu.memory_space<vmem_shared>>
      tpu.wait_indirect_dma semaphore(%arg15 : memref<!tpu.dma_semaphore, #tpu.memory_space<semaphore_mem>>) src(%arg9 : memref<128x128xf32, #tpu.memory_space<vmem>>) dst(%dma_wait3A_675 : memref<10240x128xf32, #tpu.memory_space<vmem_shared>>)
      %mul3A_676 = arith.constant 2 : i32
      %mul3A_677 = arith.muli %mul3A_676, %scan3A_612 : i32
      %add3A_678 = arith.constant 0 : i32
      %add3A_679 = arith.addi %add3A_678, %mul3A_677 : i32
      %add3A_680 = arith.constant 1 : i32
      %add3A_681 = arith.addi %add3A_679, %add3A_680 : i32
      %add3A_682 = arith.constant 2 : i32
      %add3A_683 = arith.addi %add3A_681, %add3A_682 : i32
      %mul3A_684 = arith.constant 128 : i32
      %mul3A_685 = arith.muli %add3A_683, %mul3A_684 : i32
      %dma_start3A_686 = tpu.memref_slice %arg6[%mul3A_685] : memref<10240xi32, #tpu.memory_space<vmem>> -> memref<128xi32, #tpu.memory_space<vmem>>
      %dma_start3A_687 = arith.constant 0 : i32
      %dma_start3A_688 = arith.constant 0 : i32
      %dma_start3A_689 = tpu.memref_slice %arg2[%dma_start3A_687, %dma_start3A_688] : memref<40960x128xf32, #tpu.memory_space<hbm>> -> memref<40960x128xf32, #tpu.memory_space<hbm>>
      tpu.enqueue_indirect_dma source(%dma_start3A_689 : memref<40960x128xf32, #tpu.memory_space<hbm>>) target(%arg9 : memref<128x128xf32, #tpu.memory_space<vmem>>) offsets(%dma_start3A_686 : memref<128xi32, #tpu.memory_space<vmem>>) semaphore(%arg13 : memref<!tpu.dma_semaphore, #tpu.memory_space<semaphore_mem>>)
      %scan3A_690 = arith.constant 0 : i32
      scf.yield %scan3A_690 : i32
    }
    %scan3A_399 = arith.constant 9 : i32
    %dma_wait3A_400 = arith.constant 2304 : i32
    %dma_wait3A_401 = tpu.memref_slice %arg6[%dma_wait3A_400] : memref<10240xi32, #tpu.memory_space<vmem>> -> memref<128xi32, #tpu.memory_space<vmem>>
    %dma_wait3A_402 = arith.constant 0 : i32
    %dma_wait3A_403 = arith.constant 0 : i32
    %dma_wait3A_404 = tpu.memref_slice %arg2[%dma_wait3A_402, %dma_wait3A_403] : memref<40960x128xf32, #tpu.memory_space<hbm>> -> memref<40960x128xf32, #tpu.memory_space<hbm>>
    tpu.wait_indirect_dma semaphore(%arg12 : memref<!tpu.dma_semaphore, #tpu.memory_space<semaphore_mem>>) src(%dma_wait3A_404 : memref<40960x128xf32, #tpu.memory_space<hbm>>) dst(%arg8 : memref<128x128xf32, #tpu.memory_space<vmem>>)
    %dma_start3A_405 = arith.constant 18 : i32
    %dma_start3A_406 = arith.constant 0 : i32
    %dma_start3A_407 = tpu.memref_slice %arg7[%dma_start3A_405, %dma_start3A_406] : memref<20x128xi32, #tpu.memory_space<vmem>> -> memref<1x128xi32, #tpu.memory_space<vmem>>
    %dma_start3A_408 = tpu.memref_squeeze %dma_start3A_407 : memref<1x128xi32, #tpu.memory_space<vmem>> -> memref<128xi32, #tpu.memory_space<vmem>>
    %dma_start3A_409 = arith.constant 0 : i32
    %dma_start3A_410 = arith.constant 0 : i32
    %dma_start3A_411 = tpu.memref_slice %arg10[%dma_start3A_409, %dma_start3A_410] : memref<10240x128xf32, #tpu.memory_space<vmem_shared>> -> memref<10240x128xf32, #tpu.memory_space<vmem_shared>>
    tpu.enqueue_indirect_dma source(%arg8 : memref<128x128xf32, #tpu.memory_space<vmem>>) target(%dma_start3A_411 : memref<10240x128xf32, #tpu.memory_space<vmem_shared>>) offsets(%dma_start3A_408 : memref<128xi32, #tpu.memory_space<vmem>>) semaphore(%arg14 : memref<!tpu.dma_semaphore, #tpu.memory_space<semaphore_mem>>) {add = true}
    %dma_wait3A_412 = arith.constant 2432 : i32
    %dma_wait3A_413 = tpu.memref_slice %arg6[%dma_wait3A_412] : memref<10240xi32, #tpu.memory_space<vmem>> -> memref<128xi32, #tpu.memory_space<vmem>>
    %dma_wait3A_414 = arith.constant 0 : i32
    %dma_wait3A_415 = arith.constant 0 : i32
    %dma_wait3A_416 = tpu.memref_slice %arg2[%dma_wait3A_414, %dma_wait3A_415] : memref<40960x128xf32, #tpu.memory_space<hbm>> -> memref<40960x128xf32, #tpu.memory_space<hbm>>
    tpu.wait_indirect_dma semaphore(%arg13 : memref<!tpu.dma_semaphore, #tpu.memory_space<semaphore_mem>>) src(%dma_wait3A_416 : memref<40960x128xf32, #tpu.memory_space<hbm>>) dst(%arg9 : memref<128x128xf32, #tpu.memory_space<vmem>>)
    %dma_start3A_417 = arith.constant 19 : i32
    %dma_start3A_418 = arith.constant 0 : i32
    %dma_start3A_419 = tpu.memref_slice %arg7[%dma_start3A_417, %dma_start3A_418] : memref<20x128xi32, #tpu.memory_space<vmem>> -> memref<1x128xi32, #tpu.memory_space<vmem>>
    %dma_start3A_420 = tpu.memref_squeeze %dma_start3A_419 : memref<1x128xi32, #tpu.memory_space<vmem>> -> memref<128xi32, #tpu.memory_space<vmem>>
    %dma_start3A_421 = arith.constant 0 : i32
    %dma_start3A_422 = arith.constant 0 : i32
    %dma_start3A_423 = tpu.memref_slice %arg10[%dma_start3A_421, %dma_start3A_422] : memref<10240x128xf32, #tpu.memory_space<vmem_shared>> -> memref<10240x128xf32, #tpu.memory_space<vmem_shared>>
    tpu.enqueue_indirect_dma source(%arg9 : memref<128x128xf32, #tpu.memory_space<vmem>>) target(%dma_start3A_423 : memref<10240x128xf32, #tpu.memory_space<vmem_shared>>) offsets(%dma_start3A_420 : memref<128xi32, #tpu.memory_space<vmem>>) semaphore(%arg15 : memref<!tpu.dma_semaphore, #tpu.memory_space<semaphore_mem>>) {add = true}
    %dma_wait3A_424 = arith.constant 18 : i32
    %dma_wait3A_425 = arith.constant 0 : i32
    %dma_wait3A_426 = tpu.memref_slice %arg7[%dma_wait3A_424, %dma_wait3A_425] : memref<20x128xi32, #tpu.memory_space<vmem>> -> memref<1x128xi32, #tpu.memory_space<vmem>>
    %dma_wait3A_427 = tpu.memref_squeeze %dma_wait3A_426 : memref<1x128xi32, #tpu.memory_space<vmem>> -> memref<128xi32, #tpu.memory_space<vmem>>
    %dma_wait3A_428 = arith.constant 0 : i32
    %dma_wait3A_429 = arith.constant 0 : i32
    %dma_wait3A_430 = tpu.memref_slice %arg10[%dma_wait3A_428, %dma_wait3A_429] : memref<10240x128xf32, #tpu.memory_space<vmem_shared>> -> memref<10240x128xf32, #tpu.memory_space<vmem_shared>>
    tpu.wait_indirect_dma semaphore(%arg14 : memref<!tpu.dma_semaphore, #tpu.memory_space<semaphore_mem>>) src(%arg8 : memref<128x128xf32, #tpu.memory_space<vmem>>) dst(%dma_wait3A_430 : memref<10240x128xf32, #tpu.memory_space<vmem_shared>>)
    %dma_wait3A_431 = arith.constant 19 : i32
    %dma_wait3A_432 = arith.constant 0 : i32
    %dma_wait3A_433 = tpu.memref_slice %arg7[%dma_wait3A_431, %dma_wait3A_432] : memref<20x128xi32, #tpu.memory_space<vmem>> -> memref<1x128xi32, #tpu.memory_space<vmem>>
    %dma_wait3A_434 = tpu.memref_squeeze %dma_wait3A_433 : memref<1x128xi32, #tpu.memory_space<vmem>> -> memref<128xi32, #tpu.memory_space<vmem>>
    %dma_wait3A_435 = arith.constant 0 : i32
    %dma_wait3A_436 = arith.constant 0 : i32
    %dma_wait3A_437 = tpu.memref_slice %arg10[%dma_wait3A_435, %dma_wait3A_436] : memref<10240x128xf32, #tpu.memory_space<vmem_shared>> -> memref<10240x128xf32, #tpu.memory_space<vmem_shared>>
    tpu.wait_indirect_dma semaphore(%arg15 : memref<!tpu.dma_semaphore, #tpu.memory_space<semaphore_mem>>) src(%arg9 : memref<128x128xf32, #tpu.memory_space<vmem>>) dst(%dma_wait3A_437 : memref<10240x128xf32, #tpu.memory_space<vmem_shared>>)
    "tpu.region"() ({
      %run_scoped3A = tpu.sem_alloc : memref<!tpu.dma_semaphore, #tpu.memory_space<semaphore_mem>>
      %dma_start3A_612 = arith.constant 0 : i32
      %dma_start3A_613 = arith.constant 0 : i32
      %dma_start3A_614 = tpu.memref_slice %arg4[%arg1, %dma_start3A_612, %dma_start3A_613] : memref<16x80x128xi32, #tpu.memory_space<hbm>> -> memref<1x80x128xi32, #tpu.memory_space<hbm>>
      %dma_start3A_615 = tpu.memref_squeeze %dma_start3A_614 : memref<1x80x128xi32, #tpu.memory_space<hbm>> -> memref<80x128xi32, #tpu.memory_space<hbm>>
      %dma_start3A_616 = arith.constant 20 : i32
      %dma_start3A_617 = arith.constant 0 : i32
      %dma_start3A_618 = tpu.memref_slice %dma_start3A_615[%dma_start3A_616, %dma_start3A_617] : memref<80x128xi32, #tpu.memory_space<hbm>> -> memref<20x128xi32, #tpu.memory_space<hbm>>
      %dma_start3A_619 = arith.constant 0 : i32
      %dma_start3A_620 = arith.constant 0 : i32
      %dma_start3A_621 = tpu.memref_slice %arg4[%arg1, %dma_start3A_619, %dma_start3A_620] : memref<16x80x128xi32, #tpu.memory_space<hbm>> -> memref<1x80x128xi32, #tpu.memory_space<hbm>>
      %dma_start3A_622 = tpu.memref_squeeze %dma_start3A_621 : memref<1x80x128xi32, #tpu.memory_space<hbm>> -> memref<80x128xi32, #tpu.memory_space<hbm>>
      %dma_start3A_623 = arith.constant 20 : i32
      %dma_start3A_624 = arith.constant 0 : i32
      %dma_start3A_625 = tpu.memref_slice %dma_start3A_622[%dma_start3A_623, %dma_start3A_624] : memref<80x128xi32, #tpu.memory_space<hbm>> -> memref<20x128xi32, #tpu.memory_space<hbm>>
      tpu.enqueue_dma source(%dma_start3A_625 : memref<20x128xi32, #tpu.memory_space<hbm>>) target(%arg7 : memref<20x128xi32, #tpu.memory_space<vmem>>) target_semaphore(%run_scoped3A : memref<!tpu.dma_semaphore, #tpu.memory_space<semaphore_mem>>)
      %dma_wait3A_626 = arith.constant 0 : i32
      %dma_wait3A_627 = arith.constant 0 : i32
      %dma_wait3A_628 = tpu.memref_slice %arg4[%arg1, %dma_wait3A_626, %dma_wait3A_627] : memref<16x80x128xi32, #tpu.memory_space<hbm>> -> memref<1x80x128xi32, #tpu.memory_space<hbm>>
      %dma_wait3A_629 = tpu.memref_squeeze %dma_wait3A_628 : memref<1x80x128xi32, #tpu.memory_space<hbm>> -> memref<80x128xi32, #tpu.memory_space<hbm>>
      %dma_wait3A_630 = arith.constant 20 : i32
      %dma_wait3A_631 = arith.constant 0 : i32
      %dma_wait3A_632 = tpu.memref_slice %dma_wait3A_629[%dma_wait3A_630, %dma_wait3A_631] : memref<80x128xi32, #tpu.memory_space<hbm>> -> memref<20x128xi32, #tpu.memory_space<hbm>>
      %dma_wait3A_633 = arith.constant 0 : i32
      %dma_wait3A_634 = arith.constant 0 : i32
      %dma_wait3A_635 = tpu.memref_slice %arg4[%arg1, %dma_wait3A_633, %dma_wait3A_634] : memref<16x80x128xi32, #tpu.memory_space<hbm>> -> memref<1x80x128xi32, #tpu.memory_space<hbm>>
      %dma_wait3A_636 = tpu.memref_squeeze %dma_wait3A_635 : memref<1x80x128xi32, #tpu.memory_space<hbm>> -> memref<80x128xi32, #tpu.memory_space<hbm>>
      %dma_wait3A_637 = arith.constant 20 : i32
      %dma_wait3A_638 = arith.constant 0 : i32
      %dma_wait3A_639 = tpu.memref_slice %dma_wait3A_636[%dma_wait3A_637, %dma_wait3A_638] : memref<80x128xi32, #tpu.memory_space<hbm>> -> memref<20x128xi32, #tpu.memory_space<hbm>>
      tpu.wait_dma2 semaphore(%run_scoped3A : memref<!tpu.dma_semaphore, #tpu.memory_space<semaphore_mem>>) src(%dma_wait3A_639 : memref<20x128xi32, #tpu.memory_space<hbm>>) dst(%arg7 : memref<20x128xi32, #tpu.memory_space<vmem>>)
      tpu.yield
    }) : () -> ()
    %dma_start3A_438 = arith.constant 2560 : i32
    %dma_start3A_439 = tpu.memref_slice %arg6[%dma_start3A_438] : memref<10240xi32, #tpu.memory_space<vmem>> -> memref<128xi32, #tpu.memory_space<vmem>>
    %dma_start3A_440 = arith.constant 0 : i32
    %dma_start3A_441 = arith.constant 0 : i32
    %dma_start3A_442 = tpu.memref_slice %arg2[%dma_start3A_440, %dma_start3A_441] : memref<40960x128xf32, #tpu.memory_space<hbm>> -> memref<40960x128xf32, #tpu.memory_space<hbm>>
    tpu.enqueue_indirect_dma source(%dma_start3A_442 : memref<40960x128xf32, #tpu.memory_space<hbm>>) target(%arg8 : memref<128x128xf32, #tpu.memory_space<vmem>>) offsets(%dma_start3A_439 : memref<128xi32, #tpu.memory_space<vmem>>) semaphore(%arg12 : memref<!tpu.dma_semaphore, #tpu.memory_space<semaphore_mem>>)
    %dma_start3A_443 = arith.constant 2688 : i32
    %dma_start3A_444 = tpu.memref_slice %arg6[%dma_start3A_443] : memref<10240xi32, #tpu.memory_space<vmem>> -> memref<128xi32, #tpu.memory_space<vmem>>
    %dma_start3A_445 = arith.constant 0 : i32
    %dma_start3A_446 = arith.constant 0 : i32
    %dma_start3A_447 = tpu.memref_slice %arg2[%dma_start3A_445, %dma_start3A_446] : memref<40960x128xf32, #tpu.memory_space<hbm>> -> memref<40960x128xf32, #tpu.memory_space<hbm>>
    tpu.enqueue_indirect_dma source(%dma_start3A_447 : memref<40960x128xf32, #tpu.memory_space<hbm>>) target(%arg9 : memref<128x128xf32, #tpu.memory_space<vmem>>) offsets(%dma_start3A_444 : memref<128xi32, #tpu.memory_space<vmem>>) semaphore(%arg13 : memref<!tpu.dma_semaphore, #tpu.memory_space<semaphore_mem>>)
    %scan3A_448 = arith.constant 0 : i32
    %scan3A_449 = arith.constant 0 : i32
    %scan3A_450 = arith.constant 9 : i32
    %scan3A_451 = arith.addi %scan3A_449, %scan3A_450 : i32
    %scan3A_452 = arith.constant 1 : i32
    %scan3A_453 = scf.for %scan3A_612 = %scan3A_449 to %scan3A_451 step %scan3A_452 iter_args(%scan3A_613 = %scan3A_448) -> (i32)  : i32 {
      %mul3A_614 = arith.constant 2 : i32
      %mul3A_615 = arith.muli %mul3A_614, %scan3A_612 : i32
      %add3A_616 = arith.constant 0 : i32
      %add3A_617 = arith.addi %mul3A_615, %add3A_616 : i32
      %add3A_618 = arith.constant 20 : i32
      %add3A_619 = arith.addi %add3A_618, %add3A_617 : i32
      %mul3A_620 = arith.constant 128 : i32
      %mul3A_621 = arith.muli %add3A_619, %mul3A_620 : i32
      %dma_wait3A_622 = tpu.memref_slice %arg6[%mul3A_621] : memref<10240xi32, #tpu.memory_space<vmem>> -> memref<128xi32, #tpu.memory_space<vmem>>
      %dma_wait3A_623 = arith.constant 0 : i32
      %dma_wait3A_624 = arith.constant 0 : i32
      %dma_wait3A_625 = tpu.memref_slice %arg2[%dma_wait3A_623, %dma_wait3A_624] : memref<40960x128xf32, #tpu.memory_space<hbm>> -> memref<40960x128xf32, #tpu.memory_space<hbm>>
      tpu.wait_indirect_dma semaphore(%arg12 : memref<!tpu.dma_semaphore, #tpu.memory_space<semaphore_mem>>) src(%dma_wait3A_625 : memref<40960x128xf32, #tpu.memory_space<hbm>>) dst(%arg8 : memref<128x128xf32, #tpu.memory_space<vmem>>)
      %dma_start3A_626 = arith.constant 0 : i32
      %dma_start3A_627 = tpu.memref_slice %arg7[%add3A_617, %dma_start3A_626] : memref<20x128xi32, #tpu.memory_space<vmem>> -> memref<1x128xi32, #tpu.memory_space<vmem>>
      %dma_start3A_628 = tpu.memref_squeeze %dma_start3A_627 : memref<1x128xi32, #tpu.memory_space<vmem>> -> memref<128xi32, #tpu.memory_space<vmem>>
      %dma_start3A_629 = arith.constant 0 : i32
      %dma_start3A_630 = arith.constant 0 : i32
      %dma_start3A_631 = tpu.memref_slice %arg10[%dma_start3A_629, %dma_start3A_630] : memref<10240x128xf32, #tpu.memory_space<vmem_shared>> -> memref<10240x128xf32, #tpu.memory_space<vmem_shared>>
      tpu.enqueue_indirect_dma source(%arg8 : memref<128x128xf32, #tpu.memory_space<vmem>>) target(%dma_start3A_631 : memref<10240x128xf32, #tpu.memory_space<vmem_shared>>) offsets(%dma_start3A_628 : memref<128xi32, #tpu.memory_space<vmem>>) semaphore(%arg14 : memref<!tpu.dma_semaphore, #tpu.memory_space<semaphore_mem>>) {add = true}
      %mul3A_632 = arith.constant 2 : i32
      %mul3A_633 = arith.muli %mul3A_632, %scan3A_612 : i32
      %add3A_634 = arith.constant 1 : i32
      %add3A_635 = arith.addi %mul3A_633, %add3A_634 : i32
      %add3A_636 = arith.constant 20 : i32
      %add3A_637 = arith.addi %add3A_636, %add3A_635 : i32
      %mul3A_638 = arith.constant 128 : i32
      %mul3A_639 = arith.muli %add3A_637, %mul3A_638 : i32
      %dma_wait3A_640 = tpu.memref_slice %arg6[%mul3A_639] : memref<10240xi32, #tpu.memory_space<vmem>> -> memref<128xi32, #tpu.memory_space<vmem>>
      %dma_wait3A_641 = arith.constant 0 : i32
      %dma_wait3A_642 = arith.constant 0 : i32
      %dma_wait3A_643 = tpu.memref_slice %arg2[%dma_wait3A_641, %dma_wait3A_642] : memref<40960x128xf32, #tpu.memory_space<hbm>> -> memref<40960x128xf32, #tpu.memory_space<hbm>>
      tpu.wait_indirect_dma semaphore(%arg13 : memref<!tpu.dma_semaphore, #tpu.memory_space<semaphore_mem>>) src(%dma_wait3A_643 : memref<40960x128xf32, #tpu.memory_space<hbm>>) dst(%arg9 : memref<128x128xf32, #tpu.memory_space<vmem>>)
      %dma_start3A_644 = arith.constant 0 : i32
      %dma_start3A_645 = tpu.memref_slice %arg7[%add3A_635, %dma_start3A_644] : memref<20x128xi32, #tpu.memory_space<vmem>> -> memref<1x128xi32, #tpu.memory_space<vmem>>
      %dma_start3A_646 = tpu.memref_squeeze %dma_start3A_645 : memref<1x128xi32, #tpu.memory_space<vmem>> -> memref<128xi32, #tpu.memory_space<vmem>>
      %dma_start3A_647 = arith.constant 0 : i32
      %dma_start3A_648 = arith.constant 0 : i32
      %dma_start3A_649 = tpu.memref_slice %arg10[%dma_start3A_647, %dma_start3A_648] : memref<10240x128xf32, #tpu.memory_space<vmem_shared>> -> memref<10240x128xf32, #tpu.memory_space<vmem_shared>>
      tpu.enqueue_indirect_dma source(%arg9 : memref<128x128xf32, #tpu.memory_space<vmem>>) target(%dma_start3A_649 : memref<10240x128xf32, #tpu.memory_space<vmem_shared>>) offsets(%dma_start3A_646 : memref<128xi32, #tpu.memory_space<vmem>>) semaphore(%arg15 : memref<!tpu.dma_semaphore, #tpu.memory_space<semaphore_mem>>) {add = true}
      %dma_wait3A_650 = arith.constant 0 : i32
      %dma_wait3A_651 = tpu.memref_slice %arg7[%add3A_617, %dma_wait3A_650] : memref<20x128xi32, #tpu.memory_space<vmem>> -> memref<1x128xi32, #tpu.memory_space<vmem>>
      %dma_wait3A_652 = tpu.memref_squeeze %dma_wait3A_651 : memref<1x128xi32, #tpu.memory_space<vmem>> -> memref<128xi32, #tpu.memory_space<vmem>>
      %dma_wait3A_653 = arith.constant 0 : i32
      %dma_wait3A_654 = arith.constant 0 : i32
      %dma_wait3A_655 = tpu.memref_slice %arg10[%dma_wait3A_653, %dma_wait3A_654] : memref<10240x128xf32, #tpu.memory_space<vmem_shared>> -> memref<10240x128xf32, #tpu.memory_space<vmem_shared>>
      tpu.wait_indirect_dma semaphore(%arg14 : memref<!tpu.dma_semaphore, #tpu.memory_space<semaphore_mem>>) src(%arg8 : memref<128x128xf32, #tpu.memory_space<vmem>>) dst(%dma_wait3A_655 : memref<10240x128xf32, #tpu.memory_space<vmem_shared>>)
      %mul3A_656 = arith.constant 2 : i32
      %mul3A_657 = arith.muli %mul3A_656, %scan3A_612 : i32
      %add3A_658 = arith.constant 20 : i32
      %add3A_659 = arith.addi %add3A_658, %mul3A_657 : i32
      %add3A_660 = arith.constant 0 : i32
      %add3A_661 = arith.addi %add3A_659, %add3A_660 : i32
      %add3A_662 = arith.constant 2 : i32
      %add3A_663 = arith.addi %add3A_661, %add3A_662 : i32
      %mul3A_664 = arith.constant 128 : i32
      %mul3A_665 = arith.muli %add3A_663, %mul3A_664 : i32
      %dma_start3A_666 = tpu.memref_slice %arg6[%mul3A_665] : memref<10240xi32, #tpu.memory_space<vmem>> -> memref<128xi32, #tpu.memory_space<vmem>>
      %dma_start3A_667 = arith.constant 0 : i32
      %dma_start3A_668 = arith.constant 0 : i32
      %dma_start3A_669 = tpu.memref_slice %arg2[%dma_start3A_667, %dma_start3A_668] : memref<40960x128xf32, #tpu.memory_space<hbm>> -> memref<40960x128xf32, #tpu.memory_space<hbm>>
      tpu.enqueue_indirect_dma source(%dma_start3A_669 : memref<40960x128xf32, #tpu.memory_space<hbm>>) target(%arg8 : memref<128x128xf32, #tpu.memory_space<vmem>>) offsets(%dma_start3A_666 : memref<128xi32, #tpu.memory_space<vmem>>) semaphore(%arg12 : memref<!tpu.dma_semaphore, #tpu.memory_space<semaphore_mem>>)
      %dma_wait3A_670 = arith.constant 0 : i32
      %dma_wait3A_671 = tpu.memref_slice %arg7[%add3A_635, %dma_wait3A_670] : memref<20x128xi32, #tpu.memory_space<vmem>> -> memref<1x128xi32, #tpu.memory_space<vmem>>
      %dma_wait3A_672 = tpu.memref_squeeze %dma_wait3A_671 : memref<1x128xi32, #tpu.memory_space<vmem>> -> memref<128xi32, #tpu.memory_space<vmem>>
      %dma_wait3A_673 = arith.constant 0 : i32
      %dma_wait3A_674 = arith.constant 0 : i32
      %dma_wait3A_675 = tpu.memref_slice %arg10[%dma_wait3A_673, %dma_wait3A_674] : memref<10240x128xf32, #tpu.memory_space<vmem_shared>> -> memref<10240x128xf32, #tpu.memory_space<vmem_shared>>
      tpu.wait_indirect_dma semaphore(%arg15 : memref<!tpu.dma_semaphore, #tpu.memory_space<semaphore_mem>>) src(%arg9 : memref<128x128xf32, #tpu.memory_space<vmem>>) dst(%dma_wait3A_675 : memref<10240x128xf32, #tpu.memory_space<vmem_shared>>)
      %mul3A_676 = arith.constant 2 : i32
      %mul3A_677 = arith.muli %mul3A_676, %scan3A_612 : i32
      %add3A_678 = arith.constant 20 : i32
      %add3A_679 = arith.addi %add3A_678, %mul3A_677 : i32
      %add3A_680 = arith.constant 1 : i32
      %add3A_681 = arith.addi %add3A_679, %add3A_680 : i32
      %add3A_682 = arith.constant 2 : i32
      %add3A_683 = arith.addi %add3A_681, %add3A_682 : i32
      %mul3A_684 = arith.constant 128 : i32
      %mul3A_685 = arith.muli %add3A_683, %mul3A_684 : i32
      %dma_start3A_686 = tpu.memref_slice %arg6[%mul3A_685] : memref<10240xi32, #tpu.memory_space<vmem>> -> memref<128xi32, #tpu.memory_space<vmem>>
      %dma_start3A_687 = arith.constant 0 : i32
      %dma_start3A_688 = arith.constant 0 : i32
      %dma_start3A_689 = tpu.memref_slice %arg2[%dma_start3A_687, %dma_start3A_688] : memref<40960x128xf32, #tpu.memory_space<hbm>> -> memref<40960x128xf32, #tpu.memory_space<hbm>>
      tpu.enqueue_indirect_dma source(%dma_start3A_689 : memref<40960x128xf32, #tpu.memory_space<hbm>>) target(%arg9 : memref<128x128xf32, #tpu.memory_space<vmem>>) offsets(%dma_start3A_686 : memref<128xi32, #tpu.memory_space<vmem>>) semaphore(%arg13 : memref<!tpu.dma_semaphore, #tpu.memory_space<semaphore_mem>>)
      %scan3A_690 = arith.constant 0 : i32
      scf.yield %scan3A_690 : i32
    }
    %scan3A_454 = arith.constant 9 : i32
    %dma_wait3A_455 = arith.constant 4864 : i32
    %dma_wait3A_456 = tpu.memref_slice %arg6[%dma_wait3A_455] : memref<10240xi32, #tpu.memory_space<vmem>> -> memref<128xi32, #tpu.memory_space<vmem>>
    %dma_wait3A_457 = arith.constant 0 : i32
    %dma_wait3A_458 = arith.constant 0 : i32
    %dma_wait3A_459 = tpu.memref_slice %arg2[%dma_wait3A_457, %dma_wait3A_458] : memref<40960x128xf32, #tpu.memory_space<hbm>> -> memref<40960x128xf32, #tpu.memory_space<hbm>>
    tpu.wait_indirect_dma semaphore(%arg12 : memref<!tpu.dma_semaphore, #tpu.memory_space<semaphore_mem>>) src(%dma_wait3A_459 : memref<40960x128xf32, #tpu.memory_space<hbm>>) dst(%arg8 : memref<128x128xf32, #tpu.memory_space<vmem>>)
    %dma_start3A_460 = arith.constant 18 : i32
    %dma_start3A_461 = arith.constant 0 : i32
    %dma_start3A_462 = tpu.memref_slice %arg7[%dma_start3A_460, %dma_start3A_461] : memref<20x128xi32, #tpu.memory_space<vmem>> -> memref<1x128xi32, #tpu.memory_space<vmem>>
    %dma_start3A_463 = tpu.memref_squeeze %dma_start3A_462 : memref<1x128xi32, #tpu.memory_space<vmem>> -> memref<128xi32, #tpu.memory_space<vmem>>
    %dma_start3A_464 = arith.constant 0 : i32
    %dma_start3A_465 = arith.constant 0 : i32
    %dma_start3A_466 = tpu.memref_slice %arg10[%dma_start3A_464, %dma_start3A_465] : memref<10240x128xf32, #tpu.memory_space<vmem_shared>> -> memref<10240x128xf32, #tpu.memory_space<vmem_shared>>
    tpu.enqueue_indirect_dma source(%arg8 : memref<128x128xf32, #tpu.memory_space<vmem>>) target(%dma_start3A_466 : memref<10240x128xf32, #tpu.memory_space<vmem_shared>>) offsets(%dma_start3A_463 : memref<128xi32, #tpu.memory_space<vmem>>) semaphore(%arg14 : memref<!tpu.dma_semaphore, #tpu.memory_space<semaphore_mem>>) {add = true}
    %dma_wait3A_467 = arith.constant 4992 : i32
    %dma_wait3A_468 = tpu.memref_slice %arg6[%dma_wait3A_467] : memref<10240xi32, #tpu.memory_space<vmem>> -> memref<128xi32, #tpu.memory_space<vmem>>
    %dma_wait3A_469 = arith.constant 0 : i32
    %dma_wait3A_470 = arith.constant 0 : i32
    %dma_wait3A_471 = tpu.memref_slice %arg2[%dma_wait3A_469, %dma_wait3A_470] : memref<40960x128xf32, #tpu.memory_space<hbm>> -> memref<40960x128xf32, #tpu.memory_space<hbm>>
    tpu.wait_indirect_dma semaphore(%arg13 : memref<!tpu.dma_semaphore, #tpu.memory_space<semaphore_mem>>) src(%dma_wait3A_471 : memref<40960x128xf32, #tpu.memory_space<hbm>>) dst(%arg9 : memref<128x128xf32, #tpu.memory_space<vmem>>)
    %dma_start3A_472 = arith.constant 19 : i32
    %dma_start3A_473 = arith.constant 0 : i32
    %dma_start3A_474 = tpu.memref_slice %arg7[%dma_start3A_472, %dma_start3A_473] : memref<20x128xi32, #tpu.memory_space<vmem>> -> memref<1x128xi32, #tpu.memory_space<vmem>>
    %dma_start3A_475 = tpu.memref_squeeze %dma_start3A_474 : memref<1x128xi32, #tpu.memory_space<vmem>> -> memref<128xi32, #tpu.memory_space<vmem>>
    %dma_start3A_476 = arith.constant 0 : i32
    %dma_start3A_477 = arith.constant 0 : i32
    %dma_start3A_478 = tpu.memref_slice %arg10[%dma_start3A_476, %dma_start3A_477] : memref<10240x128xf32, #tpu.memory_space<vmem_shared>> -> memref<10240x128xf32, #tpu.memory_space<vmem_shared>>
    tpu.enqueue_indirect_dma source(%arg9 : memref<128x128xf32, #tpu.memory_space<vmem>>) target(%dma_start3A_478 : memref<10240x128xf32, #tpu.memory_space<vmem_shared>>) offsets(%dma_start3A_475 : memref<128xi32, #tpu.memory_space<vmem>>) semaphore(%arg15 : memref<!tpu.dma_semaphore, #tpu.memory_space<semaphore_mem>>) {add = true}
    %dma_wait3A_479 = arith.constant 18 : i32
    %dma_wait3A_480 = arith.constant 0 : i32
    %dma_wait3A_481 = tpu.memref_slice %arg7[%dma_wait3A_479, %dma_wait3A_480] : memref<20x128xi32, #tpu.memory_space<vmem>> -> memref<1x128xi32, #tpu.memory_space<vmem>>
    %dma_wait3A_482 = tpu.memref_squeeze %dma_wait3A_481 : memref<1x128xi32, #tpu.memory_space<vmem>> -> memref<128xi32, #tpu.memory_space<vmem>>
    %dma_wait3A_483 = arith.constant 0 : i32
    %dma_wait3A_484 = arith.constant 0 : i32
    %dma_wait3A_485 = tpu.memref_slice %arg10[%dma_wait3A_483, %dma_wait3A_484] : memref<10240x128xf32, #tpu.memory_space<vmem_shared>> -> memref<10240x128xf32, #tpu.memory_space<vmem_shared>>
    tpu.wait_indirect_dma semaphore(%arg14 : memref<!tpu.dma_semaphore, #tpu.memory_space<semaphore_mem>>) src(%arg8 : memref<128x128xf32, #tpu.memory_space<vmem>>) dst(%dma_wait3A_485 : memref<10240x128xf32, #tpu.memory_space<vmem_shared>>)
    %dma_wait3A_486 = arith.constant 19 : i32
    %dma_wait3A_487 = arith.constant 0 : i32
    %dma_wait3A_488 = tpu.memref_slice %arg7[%dma_wait3A_486, %dma_wait3A_487] : memref<20x128xi32, #tpu.memory_space<vmem>> -> memref<1x128xi32, #tpu.memory_space<vmem>>
    %dma_wait3A_489 = tpu.memref_squeeze %dma_wait3A_488 : memref<1x128xi32, #tpu.memory_space<vmem>> -> memref<128xi32, #tpu.memory_space<vmem>>
    %dma_wait3A_490 = arith.constant 0 : i32
    %dma_wait3A_491 = arith.constant 0 : i32
    %dma_wait3A_492 = tpu.memref_slice %arg10[%dma_wait3A_490, %dma_wait3A_491] : memref<10240x128xf32, #tpu.memory_space<vmem_shared>> -> memref<10240x128xf32, #tpu.memory_space<vmem_shared>>
    tpu.wait_indirect_dma semaphore(%arg15 : memref<!tpu.dma_semaphore, #tpu.memory_space<semaphore_mem>>) src(%arg9 : memref<128x128xf32, #tpu.memory_space<vmem>>) dst(%dma_wait3A_492 : memref<10240x128xf32, #tpu.memory_space<vmem_shared>>)
    "tpu.region"() ({
      %run_scoped3A = tpu.sem_alloc : memref<!tpu.dma_semaphore, #tpu.memory_space<semaphore_mem>>
      %dma_start3A_612 = arith.constant 0 : i32
      %dma_start3A_613 = arith.constant 0 : i32
      %dma_start3A_614 = tpu.memref_slice %arg4[%arg1, %dma_start3A_612, %dma_start3A_613] : memref<16x80x128xi32, #tpu.memory_space<hbm>> -> memref<1x80x128xi32, #tpu.memory_space<hbm>>
      %dma_start3A_615 = tpu.memref_squeeze %dma_start3A_614 : memref<1x80x128xi32, #tpu.memory_space<hbm>> -> memref<80x128xi32, #tpu.memory_space<hbm>>
      %dma_start3A_616 = arith.constant 40 : i32
      %dma_start3A_617 = arith.constant 0 : i32
      %dma_start3A_618 = tpu.memref_slice %dma_start3A_615[%dma_start3A_616, %dma_start3A_617] : memref<80x128xi32, #tpu.memory_space<hbm>> -> memref<20x128xi32, #tpu.memory_space<hbm>>
      %dma_start3A_619 = arith.constant 0 : i32
      %dma_start3A_620 = arith.constant 0 : i32
      %dma_start3A_621 = tpu.memref_slice %arg4[%arg1, %dma_start3A_619, %dma_start3A_620] : memref<16x80x128xi32, #tpu.memory_space<hbm>> -> memref<1x80x128xi32, #tpu.memory_space<hbm>>
      %dma_start3A_622 = tpu.memref_squeeze %dma_start3A_621 : memref<1x80x128xi32, #tpu.memory_space<hbm>> -> memref<80x128xi32, #tpu.memory_space<hbm>>
      %dma_start3A_623 = arith.constant 40 : i32
      %dma_start3A_624 = arith.constant 0 : i32
      %dma_start3A_625 = tpu.memref_slice %dma_start3A_622[%dma_start3A_623, %dma_start3A_624] : memref<80x128xi32, #tpu.memory_space<hbm>> -> memref<20x128xi32, #tpu.memory_space<hbm>>
      tpu.enqueue_dma source(%dma_start3A_625 : memref<20x128xi32, #tpu.memory_space<hbm>>) target(%arg7 : memref<20x128xi32, #tpu.memory_space<vmem>>) target_semaphore(%run_scoped3A : memref<!tpu.dma_semaphore, #tpu.memory_space<semaphore_mem>>)
      %dma_wait3A_626 = arith.constant 0 : i32
      %dma_wait3A_627 = arith.constant 0 : i32
      %dma_wait3A_628 = tpu.memref_slice %arg4[%arg1, %dma_wait3A_626, %dma_wait3A_627] : memref<16x80x128xi32, #tpu.memory_space<hbm>> -> memref<1x80x128xi32, #tpu.memory_space<hbm>>
      %dma_wait3A_629 = tpu.memref_squeeze %dma_wait3A_628 : memref<1x80x128xi32, #tpu.memory_space<hbm>> -> memref<80x128xi32, #tpu.memory_space<hbm>>
      %dma_wait3A_630 = arith.constant 40 : i32
      %dma_wait3A_631 = arith.constant 0 : i32
      %dma_wait3A_632 = tpu.memref_slice %dma_wait3A_629[%dma_wait3A_630, %dma_wait3A_631] : memref<80x128xi32, #tpu.memory_space<hbm>> -> memref<20x128xi32, #tpu.memory_space<hbm>>
      %dma_wait3A_633 = arith.constant 0 : i32
      %dma_wait3A_634 = arith.constant 0 : i32
      %dma_wait3A_635 = tpu.memref_slice %arg4[%arg1, %dma_wait3A_633, %dma_wait3A_634] : memref<16x80x128xi32, #tpu.memory_space<hbm>> -> memref<1x80x128xi32, #tpu.memory_space<hbm>>
      %dma_wait3A_636 = tpu.memref_squeeze %dma_wait3A_635 : memref<1x80x128xi32, #tpu.memory_space<hbm>> -> memref<80x128xi32, #tpu.memory_space<hbm>>
      %dma_wait3A_637 = arith.constant 40 : i32
      %dma_wait3A_638 = arith.constant 0 : i32
      %dma_wait3A_639 = tpu.memref_slice %dma_wait3A_636[%dma_wait3A_637, %dma_wait3A_638] : memref<80x128xi32, #tpu.memory_space<hbm>> -> memref<20x128xi32, #tpu.memory_space<hbm>>
      tpu.wait_dma2 semaphore(%run_scoped3A : memref<!tpu.dma_semaphore, #tpu.memory_space<semaphore_mem>>) src(%dma_wait3A_639 : memref<20x128xi32, #tpu.memory_space<hbm>>) dst(%arg7 : memref<20x128xi32, #tpu.memory_space<vmem>>)
      tpu.yield
    }) : () -> ()
    %dma_start3A_493 = arith.constant 5120 : i32
    %dma_start3A_494 = tpu.memref_slice %arg6[%dma_start3A_493] : memref<10240xi32, #tpu.memory_space<vmem>> -> memref<128xi32, #tpu.memory_space<vmem>>
    %dma_start3A_495 = arith.constant 0 : i32
    %dma_start3A_496 = arith.constant 0 : i32
    %dma_start3A_497 = tpu.memref_slice %arg2[%dma_start3A_495, %dma_start3A_496] : memref<40960x128xf32, #tpu.memory_space<hbm>> -> memref<40960x128xf32, #tpu.memory_space<hbm>>
    tpu.enqueue_indirect_dma source(%dma_start3A_497 : memref<40960x128xf32, #tpu.memory_space<hbm>>) target(%arg8 : memref<128x128xf32, #tpu.memory_space<vmem>>) offsets(%dma_start3A_494 : memref<128xi32, #tpu.memory_space<vmem>>) semaphore(%arg12 : memref<!tpu.dma_semaphore, #tpu.memory_space<semaphore_mem>>)
    %dma_start3A_498 = arith.constant 5248 : i32
    %dma_start3A_499 = tpu.memref_slice %arg6[%dma_start3A_498] : memref<10240xi32, #tpu.memory_space<vmem>> -> memref<128xi32, #tpu.memory_space<vmem>>
    %dma_start3A_500 = arith.constant 0 : i32
    %dma_start3A_501 = arith.constant 0 : i32
    %dma_start3A_502 = tpu.memref_slice %arg2[%dma_start3A_500, %dma_start3A_501] : memref<40960x128xf32, #tpu.memory_space<hbm>> -> memref<40960x128xf32, #tpu.memory_space<hbm>>
    tpu.enqueue_indirect_dma source(%dma_start3A_502 : memref<40960x128xf32, #tpu.memory_space<hbm>>) target(%arg9 : memref<128x128xf32, #tpu.memory_space<vmem>>) offsets(%dma_start3A_499 : memref<128xi32, #tpu.memory_space<vmem>>) semaphore(%arg13 : memref<!tpu.dma_semaphore, #tpu.memory_space<semaphore_mem>>)
    %scan3A_503 = arith.constant 0 : i32
    %scan3A_504 = arith.constant 0 : i32
    %scan3A_505 = arith.constant 9 : i32
    %scan3A_506 = arith.addi %scan3A_504, %scan3A_505 : i32
    %scan3A_507 = arith.constant 1 : i32
    %scan3A_508 = scf.for %scan3A_612 = %scan3A_504 to %scan3A_506 step %scan3A_507 iter_args(%scan3A_613 = %scan3A_503) -> (i32)  : i32 {
      %mul3A_614 = arith.constant 2 : i32
      %mul3A_615 = arith.muli %mul3A_614, %scan3A_612 : i32
      %add3A_616 = arith.constant 0 : i32
      %add3A_617 = arith.addi %mul3A_615, %add3A_616 : i32
      %add3A_618 = arith.constant 40 : i32
      %add3A_619 = arith.addi %add3A_618, %add3A_617 : i32
      %mul3A_620 = arith.constant 128 : i32
      %mul3A_621 = arith.muli %add3A_619, %mul3A_620 : i32
      %dma_wait3A_622 = tpu.memref_slice %arg6[%mul3A_621] : memref<10240xi32, #tpu.memory_space<vmem>> -> memref<128xi32, #tpu.memory_space<vmem>>
      %dma_wait3A_623 = arith.constant 0 : i32
      %dma_wait3A_624 = arith.constant 0 : i32
      %dma_wait3A_625 = tpu.memref_slice %arg2[%dma_wait3A_623, %dma_wait3A_624] : memref<40960x128xf32, #tpu.memory_space<hbm>> -> memref<40960x128xf32, #tpu.memory_space<hbm>>
      tpu.wait_indirect_dma semaphore(%arg12 : memref<!tpu.dma_semaphore, #tpu.memory_space<semaphore_mem>>) src(%dma_wait3A_625 : memref<40960x128xf32, #tpu.memory_space<hbm>>) dst(%arg8 : memref<128x128xf32, #tpu.memory_space<vmem>>)
      %dma_start3A_626 = arith.constant 0 : i32
      %dma_start3A_627 = tpu.memref_slice %arg7[%add3A_617, %dma_start3A_626] : memref<20x128xi32, #tpu.memory_space<vmem>> -> memref<1x128xi32, #tpu.memory_space<vmem>>
      %dma_start3A_628 = tpu.memref_squeeze %dma_start3A_627 : memref<1x128xi32, #tpu.memory_space<vmem>> -> memref<128xi32, #tpu.memory_space<vmem>>
      %dma_start3A_629 = arith.constant 0 : i32
      %dma_start3A_630 = arith.constant 0 : i32
      %dma_start3A_631 = tpu.memref_slice %arg10[%dma_start3A_629, %dma_start3A_630] : memref<10240x128xf32, #tpu.memory_space<vmem_shared>> -> memref<10240x128xf32, #tpu.memory_space<vmem_shared>>
      tpu.enqueue_indirect_dma source(%arg8 : memref<128x128xf32, #tpu.memory_space<vmem>>) target(%dma_start3A_631 : memref<10240x128xf32, #tpu.memory_space<vmem_shared>>) offsets(%dma_start3A_628 : memref<128xi32, #tpu.memory_space<vmem>>) semaphore(%arg14 : memref<!tpu.dma_semaphore, #tpu.memory_space<semaphore_mem>>) {add = true}
      %mul3A_632 = arith.constant 2 : i32
      %mul3A_633 = arith.muli %mul3A_632, %scan3A_612 : i32
      %add3A_634 = arith.constant 1 : i32
      %add3A_635 = arith.addi %mul3A_633, %add3A_634 : i32
      %add3A_636 = arith.constant 40 : i32
      %add3A_637 = arith.addi %add3A_636, %add3A_635 : i32
      %mul3A_638 = arith.constant 128 : i32
      %mul3A_639 = arith.muli %add3A_637, %mul3A_638 : i32
      %dma_wait3A_640 = tpu.memref_slice %arg6[%mul3A_639] : memref<10240xi32, #tpu.memory_space<vmem>> -> memref<128xi32, #tpu.memory_space<vmem>>
      %dma_wait3A_641 = arith.constant 0 : i32
      %dma_wait3A_642 = arith.constant 0 : i32
      %dma_wait3A_643 = tpu.memref_slice %arg2[%dma_wait3A_641, %dma_wait3A_642] : memref<40960x128xf32, #tpu.memory_space<hbm>> -> memref<40960x128xf32, #tpu.memory_space<hbm>>
      tpu.wait_indirect_dma semaphore(%arg13 : memref<!tpu.dma_semaphore, #tpu.memory_space<semaphore_mem>>) src(%dma_wait3A_643 : memref<40960x128xf32, #tpu.memory_space<hbm>>) dst(%arg9 : memref<128x128xf32, #tpu.memory_space<vmem>>)
      %dma_start3A_644 = arith.constant 0 : i32
      %dma_start3A_645 = tpu.memref_slice %arg7[%add3A_635, %dma_start3A_644] : memref<20x128xi32, #tpu.memory_space<vmem>> -> memref<1x128xi32, #tpu.memory_space<vmem>>
      %dma_start3A_646 = tpu.memref_squeeze %dma_start3A_645 : memref<1x128xi32, #tpu.memory_space<vmem>> -> memref<128xi32, #tpu.memory_space<vmem>>
      %dma_start3A_647 = arith.constant 0 : i32
      %dma_start3A_648 = arith.constant 0 : i32
      %dma_start3A_649 = tpu.memref_slice %arg10[%dma_start3A_647, %dma_start3A_648] : memref<10240x128xf32, #tpu.memory_space<vmem_shared>> -> memref<10240x128xf32, #tpu.memory_space<vmem_shared>>
      tpu.enqueue_indirect_dma source(%arg9 : memref<128x128xf32, #tpu.memory_space<vmem>>) target(%dma_start3A_649 : memref<10240x128xf32, #tpu.memory_space<vmem_shared>>) offsets(%dma_start3A_646 : memref<128xi32, #tpu.memory_space<vmem>>) semaphore(%arg15 : memref<!tpu.dma_semaphore, #tpu.memory_space<semaphore_mem>>) {add = true}
      %dma_wait3A_650 = arith.constant 0 : i32
      %dma_wait3A_651 = tpu.memref_slice %arg7[%add3A_617, %dma_wait3A_650] : memref<20x128xi32, #tpu.memory_space<vmem>> -> memref<1x128xi32, #tpu.memory_space<vmem>>
      %dma_wait3A_652 = tpu.memref_squeeze %dma_wait3A_651 : memref<1x128xi32, #tpu.memory_space<vmem>> -> memref<128xi32, #tpu.memory_space<vmem>>
      %dma_wait3A_653 = arith.constant 0 : i32
      %dma_wait3A_654 = arith.constant 0 : i32
      %dma_wait3A_655 = tpu.memref_slice %arg10[%dma_wait3A_653, %dma_wait3A_654] : memref<10240x128xf32, #tpu.memory_space<vmem_shared>> -> memref<10240x128xf32, #tpu.memory_space<vmem_shared>>
      tpu.wait_indirect_dma semaphore(%arg14 : memref<!tpu.dma_semaphore, #tpu.memory_space<semaphore_mem>>) src(%arg8 : memref<128x128xf32, #tpu.memory_space<vmem>>) dst(%dma_wait3A_655 : memref<10240x128xf32, #tpu.memory_space<vmem_shared>>)
      %mul3A_656 = arith.constant 2 : i32
      %mul3A_657 = arith.muli %mul3A_656, %scan3A_612 : i32
      %add3A_658 = arith.constant 40 : i32
      %add3A_659 = arith.addi %add3A_658, %mul3A_657 : i32
      %add3A_660 = arith.constant 0 : i32
      %add3A_661 = arith.addi %add3A_659, %add3A_660 : i32
      %add3A_662 = arith.constant 2 : i32
      %add3A_663 = arith.addi %add3A_661, %add3A_662 : i32
      %mul3A_664 = arith.constant 128 : i32
      %mul3A_665 = arith.muli %add3A_663, %mul3A_664 : i32
      %dma_start3A_666 = tpu.memref_slice %arg6[%mul3A_665] : memref<10240xi32, #tpu.memory_space<vmem>> -> memref<128xi32, #tpu.memory_space<vmem>>
      %dma_start3A_667 = arith.constant 0 : i32
      %dma_start3A_668 = arith.constant 0 : i32
      %dma_start3A_669 = tpu.memref_slice %arg2[%dma_start3A_667, %dma_start3A_668] : memref<40960x128xf32, #tpu.memory_space<hbm>> -> memref<40960x128xf32, #tpu.memory_space<hbm>>
      tpu.enqueue_indirect_dma source(%dma_start3A_669 : memref<40960x128xf32, #tpu.memory_space<hbm>>) target(%arg8 : memref<128x128xf32, #tpu.memory_space<vmem>>) offsets(%dma_start3A_666 : memref<128xi32, #tpu.memory_space<vmem>>) semaphore(%arg12 : memref<!tpu.dma_semaphore, #tpu.memory_space<semaphore_mem>>)
      %dma_wait3A_670 = arith.constant 0 : i32
      %dma_wait3A_671 = tpu.memref_slice %arg7[%add3A_635, %dma_wait3A_670] : memref<20x128xi32, #tpu.memory_space<vmem>> -> memref<1x128xi32, #tpu.memory_space<vmem>>
      %dma_wait3A_672 = tpu.memref_squeeze %dma_wait3A_671 : memref<1x128xi32, #tpu.memory_space<vmem>> -> memref<128xi32, #tpu.memory_space<vmem>>
      %dma_wait3A_673 = arith.constant 0 : i32
      %dma_wait3A_674 = arith.constant 0 : i32
      %dma_wait3A_675 = tpu.memref_slice %arg10[%dma_wait3A_673, %dma_wait3A_674] : memref<10240x128xf32, #tpu.memory_space<vmem_shared>> -> memref<10240x128xf32, #tpu.memory_space<vmem_shared>>
      tpu.wait_indirect_dma semaphore(%arg15 : memref<!tpu.dma_semaphore, #tpu.memory_space<semaphore_mem>>) src(%arg9 : memref<128x128xf32, #tpu.memory_space<vmem>>) dst(%dma_wait3A_675 : memref<10240x128xf32, #tpu.memory_space<vmem_shared>>)
      %mul3A_676 = arith.constant 2 : i32
      %mul3A_677 = arith.muli %mul3A_676, %scan3A_612 : i32
      %add3A_678 = arith.constant 40 : i32
      %add3A_679 = arith.addi %add3A_678, %mul3A_677 : i32
      %add3A_680 = arith.constant 1 : i32
      %add3A_681 = arith.addi %add3A_679, %add3A_680 : i32
      %add3A_682 = arith.constant 2 : i32
      %add3A_683 = arith.addi %add3A_681, %add3A_682 : i32
      %mul3A_684 = arith.constant 128 : i32
      %mul3A_685 = arith.muli %add3A_683, %mul3A_684 : i32
      %dma_start3A_686 = tpu.memref_slice %arg6[%mul3A_685] : memref<10240xi32, #tpu.memory_space<vmem>> -> memref<128xi32, #tpu.memory_space<vmem>>
      %dma_start3A_687 = arith.constant 0 : i32
      %dma_start3A_688 = arith.constant 0 : i32
      %dma_start3A_689 = tpu.memref_slice %arg2[%dma_start3A_687, %dma_start3A_688] : memref<40960x128xf32, #tpu.memory_space<hbm>> -> memref<40960x128xf32, #tpu.memory_space<hbm>>
      tpu.enqueue_indirect_dma source(%dma_start3A_689 : memref<40960x128xf32, #tpu.memory_space<hbm>>) target(%arg9 : memref<128x128xf32, #tpu.memory_space<vmem>>) offsets(%dma_start3A_686 : memref<128xi32, #tpu.memory_space<vmem>>) semaphore(%arg13 : memref<!tpu.dma_semaphore, #tpu.memory_space<semaphore_mem>>)
      %scan3A_690 = arith.constant 0 : i32
      scf.yield %scan3A_690 : i32
    }
    %scan3A_509 = arith.constant 9 : i32
    %dma_wait3A_510 = arith.constant 7424 : i32
    %dma_wait3A_511 = tpu.memref_slice %arg6[%dma_wait3A_510] : memref<10240xi32, #tpu.memory_space<vmem>> -> memref<128xi32, #tpu.memory_space<vmem>>
    %dma_wait3A_512 = arith.constant 0 : i32
    %dma_wait3A_513 = arith.constant 0 : i32
    %dma_wait3A_514 = tpu.memref_slice %arg2[%dma_wait3A_512, %dma_wait3A_513] : memref<40960x128xf32, #tpu.memory_space<hbm>> -> memref<40960x128xf32, #tpu.memory_space<hbm>>
    tpu.wait_indirect_dma semaphore(%arg12 : memref<!tpu.dma_semaphore, #tpu.memory_space<semaphore_mem>>) src(%dma_wait3A_514 : memref<40960x128xf32, #tpu.memory_space<hbm>>) dst(%arg8 : memref<128x128xf32, #tpu.memory_space<vmem>>)
    %dma_start3A_515 = arith.constant 18 : i32
    %dma_start3A_516 = arith.constant 0 : i32
    %dma_start3A_517 = tpu.memref_slice %arg7[%dma_start3A_515, %dma_start3A_516] : memref<20x128xi32, #tpu.memory_space<vmem>> -> memref<1x128xi32, #tpu.memory_space<vmem>>
    %dma_start3A_518 = tpu.memref_squeeze %dma_start3A_517 : memref<1x128xi32, #tpu.memory_space<vmem>> -> memref<128xi32, #tpu.memory_space<vmem>>
    %dma_start3A_519 = arith.constant 0 : i32
    %dma_start3A_520 = arith.constant 0 : i32
    %dma_start3A_521 = tpu.memref_slice %arg10[%dma_start3A_519, %dma_start3A_520] : memref<10240x128xf32, #tpu.memory_space<vmem_shared>> -> memref<10240x128xf32, #tpu.memory_space<vmem_shared>>
    tpu.enqueue_indirect_dma source(%arg8 : memref<128x128xf32, #tpu.memory_space<vmem>>) target(%dma_start3A_521 : memref<10240x128xf32, #tpu.memory_space<vmem_shared>>) offsets(%dma_start3A_518 : memref<128xi32, #tpu.memory_space<vmem>>) semaphore(%arg14 : memref<!tpu.dma_semaphore, #tpu.memory_space<semaphore_mem>>) {add = true}
    %dma_wait3A_522 = arith.constant 7552 : i32
    %dma_wait3A_523 = tpu.memref_slice %arg6[%dma_wait3A_522] : memref<10240xi32, #tpu.memory_space<vmem>> -> memref<128xi32, #tpu.memory_space<vmem>>
    %dma_wait3A_524 = arith.constant 0 : i32
    %dma_wait3A_525 = arith.constant 0 : i32
    %dma_wait3A_526 = tpu.memref_slice %arg2[%dma_wait3A_524, %dma_wait3A_525] : memref<40960x128xf32, #tpu.memory_space<hbm>> -> memref<40960x128xf32, #tpu.memory_space<hbm>>
    tpu.wait_indirect_dma semaphore(%arg13 : memref<!tpu.dma_semaphore, #tpu.memory_space<semaphore_mem>>) src(%dma_wait3A_526 : memref<40960x128xf32, #tpu.memory_space<hbm>>) dst(%arg9 : memref<128x128xf32, #tpu.memory_space<vmem>>)
    %dma_start3A_527 = arith.constant 19 : i32
    %dma_start3A_528 = arith.constant 0 : i32
    %dma_start3A_529 = tpu.memref_slice %arg7[%dma_start3A_527, %dma_start3A_528] : memref<20x128xi32, #tpu.memory_space<vmem>> -> memref<1x128xi32, #tpu.memory_space<vmem>>
    %dma_start3A_530 = tpu.memref_squeeze %dma_start3A_529 : memref<1x128xi32, #tpu.memory_space<vmem>> -> memref<128xi32, #tpu.memory_space<vmem>>
    %dma_start3A_531 = arith.constant 0 : i32
    %dma_start3A_532 = arith.constant 0 : i32
    %dma_start3A_533 = tpu.memref_slice %arg10[%dma_start3A_531, %dma_start3A_532] : memref<10240x128xf32, #tpu.memory_space<vmem_shared>> -> memref<10240x128xf32, #tpu.memory_space<vmem_shared>>
    tpu.enqueue_indirect_dma source(%arg9 : memref<128x128xf32, #tpu.memory_space<vmem>>) target(%dma_start3A_533 : memref<10240x128xf32, #tpu.memory_space<vmem_shared>>) offsets(%dma_start3A_530 : memref<128xi32, #tpu.memory_space<vmem>>) semaphore(%arg15 : memref<!tpu.dma_semaphore, #tpu.memory_space<semaphore_mem>>) {add = true}
    %dma_wait3A_534 = arith.constant 18 : i32
    %dma_wait3A_535 = arith.constant 0 : i32
    %dma_wait3A_536 = tpu.memref_slice %arg7[%dma_wait3A_534, %dma_wait3A_535] : memref<20x128xi32, #tpu.memory_space<vmem>> -> memref<1x128xi32, #tpu.memory_space<vmem>>
    %dma_wait3A_537 = tpu.memref_squeeze %dma_wait3A_536 : memref<1x128xi32, #tpu.memory_space<vmem>> -> memref<128xi32, #tpu.memory_space<vmem>>
    %dma_wait3A_538 = arith.constant 0 : i32
    %dma_wait3A_539 = arith.constant 0 : i32
    %dma_wait3A_540 = tpu.memref_slice %arg10[%dma_wait3A_538, %dma_wait3A_539] : memref<10240x128xf32, #tpu.memory_space<vmem_shared>> -> memref<10240x128xf32, #tpu.memory_space<vmem_shared>>
    tpu.wait_indirect_dma semaphore(%arg14 : memref<!tpu.dma_semaphore, #tpu.memory_space<semaphore_mem>>) src(%arg8 : memref<128x128xf32, #tpu.memory_space<vmem>>) dst(%dma_wait3A_540 : memref<10240x128xf32, #tpu.memory_space<vmem_shared>>)
    %dma_wait3A_541 = arith.constant 19 : i32
    %dma_wait3A_542 = arith.constant 0 : i32
    %dma_wait3A_543 = tpu.memref_slice %arg7[%dma_wait3A_541, %dma_wait3A_542] : memref<20x128xi32, #tpu.memory_space<vmem>> -> memref<1x128xi32, #tpu.memory_space<vmem>>
    %dma_wait3A_544 = tpu.memref_squeeze %dma_wait3A_543 : memref<1x128xi32, #tpu.memory_space<vmem>> -> memref<128xi32, #tpu.memory_space<vmem>>
    %dma_wait3A_545 = arith.constant 0 : i32
    %dma_wait3A_546 = arith.constant 0 : i32
    %dma_wait3A_547 = tpu.memref_slice %arg10[%dma_wait3A_545, %dma_wait3A_546] : memref<10240x128xf32, #tpu.memory_space<vmem_shared>> -> memref<10240x128xf32, #tpu.memory_space<vmem_shared>>
    tpu.wait_indirect_dma semaphore(%arg15 : memref<!tpu.dma_semaphore, #tpu.memory_space<semaphore_mem>>) src(%arg9 : memref<128x128xf32, #tpu.memory_space<vmem>>) dst(%dma_wait3A_547 : memref<10240x128xf32, #tpu.memory_space<vmem_shared>>)
    "tpu.region"() ({
      %run_scoped3A = tpu.sem_alloc : memref<!tpu.dma_semaphore, #tpu.memory_space<semaphore_mem>>
      %dma_start3A_612 = arith.constant 0 : i32
      %dma_start3A_613 = arith.constant 0 : i32
      %dma_start3A_614 = tpu.memref_slice %arg4[%arg1, %dma_start3A_612, %dma_start3A_613] : memref<16x80x128xi32, #tpu.memory_space<hbm>> -> memref<1x80x128xi32, #tpu.memory_space<hbm>>
      %dma_start3A_615 = tpu.memref_squeeze %dma_start3A_614 : memref<1x80x128xi32, #tpu.memory_space<hbm>> -> memref<80x128xi32, #tpu.memory_space<hbm>>
      %dma_start3A_616 = arith.constant 60 : i32
      %dma_start3A_617 = arith.constant 0 : i32
      %dma_start3A_618 = tpu.memref_slice %dma_start3A_615[%dma_start3A_616, %dma_start3A_617] : memref<80x128xi32, #tpu.memory_space<hbm>> -> memref<20x128xi32, #tpu.memory_space<hbm>>
      %dma_start3A_619 = arith.constant 0 : i32
      %dma_start3A_620 = arith.constant 0 : i32
      %dma_start3A_621 = tpu.memref_slice %arg4[%arg1, %dma_start3A_619, %dma_start3A_620] : memref<16x80x128xi32, #tpu.memory_space<hbm>> -> memref<1x80x128xi32, #tpu.memory_space<hbm>>
      %dma_start3A_622 = tpu.memref_squeeze %dma_start3A_621 : memref<1x80x128xi32, #tpu.memory_space<hbm>> -> memref<80x128xi32, #tpu.memory_space<hbm>>
      %dma_start3A_623 = arith.constant 60 : i32
      %dma_start3A_624 = arith.constant 0 : i32
      %dma_start3A_625 = tpu.memref_slice %dma_start3A_622[%dma_start3A_623, %dma_start3A_624] : memref<80x128xi32, #tpu.memory_space<hbm>> -> memref<20x128xi32, #tpu.memory_space<hbm>>
      tpu.enqueue_dma source(%dma_start3A_625 : memref<20x128xi32, #tpu.memory_space<hbm>>) target(%arg7 : memref<20x128xi32, #tpu.memory_space<vmem>>) target_semaphore(%run_scoped3A : memref<!tpu.dma_semaphore, #tpu.memory_space<semaphore_mem>>)
      %dma_wait3A_626 = arith.constant 0 : i32
      %dma_wait3A_627 = arith.constant 0 : i32
      %dma_wait3A_628 = tpu.memref_slice %arg4[%arg1, %dma_wait3A_626, %dma_wait3A_627] : memref<16x80x128xi32, #tpu.memory_space<hbm>> -> memref<1x80x128xi32, #tpu.memory_space<hbm>>
      %dma_wait3A_629 = tpu.memref_squeeze %dma_wait3A_628 : memref<1x80x128xi32, #tpu.memory_space<hbm>> -> memref<80x128xi32, #tpu.memory_space<hbm>>
      %dma_wait3A_630 = arith.constant 60 : i32
      %dma_wait3A_631 = arith.constant 0 : i32
      %dma_wait3A_632 = tpu.memref_slice %dma_wait3A_629[%dma_wait3A_630, %dma_wait3A_631] : memref<80x128xi32, #tpu.memory_space<hbm>> -> memref<20x128xi32, #tpu.memory_space<hbm>>
      %dma_wait3A_633 = arith.constant 0 : i32
      %dma_wait3A_634 = arith.constant 0 : i32
      %dma_wait3A_635 = tpu.memref_slice %arg4[%arg1, %dma_wait3A_633, %dma_wait3A_634] : memref<16x80x128xi32, #tpu.memory_space<hbm>> -> memref<1x80x128xi32, #tpu.memory_space<hbm>>
      %dma_wait3A_636 = tpu.memref_squeeze %dma_wait3A_635 : memref<1x80x128xi32, #tpu.memory_space<hbm>> -> memref<80x128xi32, #tpu.memory_space<hbm>>
      %dma_wait3A_637 = arith.constant 60 : i32
      %dma_wait3A_638 = arith.constant 0 : i32
      %dma_wait3A_639 = tpu.memref_slice %dma_wait3A_636[%dma_wait3A_637, %dma_wait3A_638] : memref<80x128xi32, #tpu.memory_space<hbm>> -> memref<20x128xi32, #tpu.memory_space<hbm>>
      tpu.wait_dma2 semaphore(%run_scoped3A : memref<!tpu.dma_semaphore, #tpu.memory_space<semaphore_mem>>) src(%dma_wait3A_639 : memref<20x128xi32, #tpu.memory_space<hbm>>) dst(%arg7 : memref<20x128xi32, #tpu.memory_space<vmem>>)
      tpu.yield
    }) : () -> ()
    %dma_start3A_548 = arith.constant 7680 : i32
    %dma_start3A_549 = tpu.memref_slice %arg6[%dma_start3A_548] : memref<10240xi32, #tpu.memory_space<vmem>> -> memref<128xi32, #tpu.memory_space<vmem>>
    %dma_start3A_550 = arith.constant 0 : i32
    %dma_start3A_551 = arith.constant 0 : i32
    %dma_start3A_552 = tpu.memref_slice %arg2[%dma_start3A_550, %dma_start3A_551] : memref<40960x128xf32, #tpu.memory_space<hbm>> -> memref<40960x128xf32, #tpu.memory_space<hbm>>
    tpu.enqueue_indirect_dma source(%dma_start3A_552 : memref<40960x128xf32, #tpu.memory_space<hbm>>) target(%arg8 : memref<128x128xf32, #tpu.memory_space<vmem>>) offsets(%dma_start3A_549 : memref<128xi32, #tpu.memory_space<vmem>>) semaphore(%arg12 : memref<!tpu.dma_semaphore, #tpu.memory_space<semaphore_mem>>)
    %dma_start3A_553 = arith.constant 7808 : i32
    %dma_start3A_554 = tpu.memref_slice %arg6[%dma_start3A_553] : memref<10240xi32, #tpu.memory_space<vmem>> -> memref<128xi32, #tpu.memory_space<vmem>>
    %dma_start3A_555 = arith.constant 0 : i32
    %dma_start3A_556 = arith.constant 0 : i32
    %dma_start3A_557 = tpu.memref_slice %arg2[%dma_start3A_555, %dma_start3A_556] : memref<40960x128xf32, #tpu.memory_space<hbm>> -> memref<40960x128xf32, #tpu.memory_space<hbm>>
    tpu.enqueue_indirect_dma source(%dma_start3A_557 : memref<40960x128xf32, #tpu.memory_space<hbm>>) target(%arg9 : memref<128x128xf32, #tpu.memory_space<vmem>>) offsets(%dma_start3A_554 : memref<128xi32, #tpu.memory_space<vmem>>) semaphore(%arg13 : memref<!tpu.dma_semaphore, #tpu.memory_space<semaphore_mem>>)
    %scan3A_558 = arith.constant 0 : i32
    %scan3A_559 = arith.constant 0 : i32
    %scan3A_560 = arith.constant 9 : i32
    %scan3A_561 = arith.addi %scan3A_559, %scan3A_560 : i32
    %scan3A_562 = arith.constant 1 : i32
    %scan3A_563 = scf.for %scan3A_612 = %scan3A_559 to %scan3A_561 step %scan3A_562 iter_args(%scan3A_613 = %scan3A_558) -> (i32)  : i32 {
      %mul3A_614 = arith.constant 2 : i32
      %mul3A_615 = arith.muli %mul3A_614, %scan3A_612 : i32
      %add3A_616 = arith.constant 0 : i32
      %add3A_617 = arith.addi %mul3A_615, %add3A_616 : i32
      %add3A_618 = arith.constant 60 : i32
      %add3A_619 = arith.addi %add3A_618, %add3A_617 : i32
      %mul3A_620 = arith.constant 128 : i32
      %mul3A_621 = arith.muli %add3A_619, %mul3A_620 : i32
      %dma_wait3A_622 = tpu.memref_slice %arg6[%mul3A_621] : memref<10240xi32, #tpu.memory_space<vmem>> -> memref<128xi32, #tpu.memory_space<vmem>>
      %dma_wait3A_623 = arith.constant 0 : i32
      %dma_wait3A_624 = arith.constant 0 : i32
      %dma_wait3A_625 = tpu.memref_slice %arg2[%dma_wait3A_623, %dma_wait3A_624] : memref<40960x128xf32, #tpu.memory_space<hbm>> -> memref<40960x128xf32, #tpu.memory_space<hbm>>
      tpu.wait_indirect_dma semaphore(%arg12 : memref<!tpu.dma_semaphore, #tpu.memory_space<semaphore_mem>>) src(%dma_wait3A_625 : memref<40960x128xf32, #tpu.memory_space<hbm>>) dst(%arg8 : memref<128x128xf32, #tpu.memory_space<vmem>>)
      %dma_start3A_626 = arith.constant 0 : i32
      %dma_start3A_627 = tpu.memref_slice %arg7[%add3A_617, %dma_start3A_626] : memref<20x128xi32, #tpu.memory_space<vmem>> -> memref<1x128xi32, #tpu.memory_space<vmem>>
      %dma_start3A_628 = tpu.memref_squeeze %dma_start3A_627 : memref<1x128xi32, #tpu.memory_space<vmem>> -> memref<128xi32, #tpu.memory_space<vmem>>
      %dma_start3A_629 = arith.constant 0 : i32
      %dma_start3A_630 = arith.constant 0 : i32
      %dma_start3A_631 = tpu.memref_slice %arg10[%dma_start3A_629, %dma_start3A_630] : memref<10240x128xf32, #tpu.memory_space<vmem_shared>> -> memref<10240x128xf32, #tpu.memory_space<vmem_shared>>
      tpu.enqueue_indirect_dma source(%arg8 : memref<128x128xf32, #tpu.memory_space<vmem>>) target(%dma_start3A_631 : memref<10240x128xf32, #tpu.memory_space<vmem_shared>>) offsets(%dma_start3A_628 : memref<128xi32, #tpu.memory_space<vmem>>) semaphore(%arg14 : memref<!tpu.dma_semaphore, #tpu.memory_space<semaphore_mem>>) {add = true}
      %mul3A_632 = arith.constant 2 : i32
      %mul3A_633 = arith.muli %mul3A_632, %scan3A_612 : i32
      %add3A_634 = arith.constant 1 : i32
      %add3A_635 = arith.addi %mul3A_633, %add3A_634 : i32
      %add3A_636 = arith.constant 60 : i32
      %add3A_637 = arith.addi %add3A_636, %add3A_635 : i32
      %mul3A_638 = arith.constant 128 : i32
      %mul3A_639 = arith.muli %add3A_637, %mul3A_638 : i32
      %dma_wait3A_640 = tpu.memref_slice %arg6[%mul3A_639] : memref<10240xi32, #tpu.memory_space<vmem>> -> memref<128xi32, #tpu.memory_space<vmem>>
      %dma_wait3A_641 = arith.constant 0 : i32
      %dma_wait3A_642 = arith.constant 0 : i32
      %dma_wait3A_643 = tpu.memref_slice %arg2[%dma_wait3A_641, %dma_wait3A_642] : memref<40960x128xf32, #tpu.memory_space<hbm>> -> memref<40960x128xf32, #tpu.memory_space<hbm>>
      tpu.wait_indirect_dma semaphore(%arg13 : memref<!tpu.dma_semaphore, #tpu.memory_space<semaphore_mem>>) src(%dma_wait3A_643 : memref<40960x128xf32, #tpu.memory_space<hbm>>) dst(%arg9 : memref<128x128xf32, #tpu.memory_space<vmem>>)
      %dma_start3A_644 = arith.constant 0 : i32
      %dma_start3A_645 = tpu.memref_slice %arg7[%add3A_635, %dma_start3A_644] : memref<20x128xi32, #tpu.memory_space<vmem>> -> memref<1x128xi32, #tpu.memory_space<vmem>>
      %dma_start3A_646 = tpu.memref_squeeze %dma_start3A_645 : memref<1x128xi32, #tpu.memory_space<vmem>> -> memref<128xi32, #tpu.memory_space<vmem>>
      %dma_start3A_647 = arith.constant 0 : i32
      %dma_start3A_648 = arith.constant 0 : i32
      %dma_start3A_649 = tpu.memref_slice %arg10[%dma_start3A_647, %dma_start3A_648] : memref<10240x128xf32, #tpu.memory_space<vmem_shared>> -> memref<10240x128xf32, #tpu.memory_space<vmem_shared>>
      tpu.enqueue_indirect_dma source(%arg9 : memref<128x128xf32, #tpu.memory_space<vmem>>) target(%dma_start3A_649 : memref<10240x128xf32, #tpu.memory_space<vmem_shared>>) offsets(%dma_start3A_646 : memref<128xi32, #tpu.memory_space<vmem>>) semaphore(%arg15 : memref<!tpu.dma_semaphore, #tpu.memory_space<semaphore_mem>>) {add = true}
      %dma_wait3A_650 = arith.constant 0 : i32
      %dma_wait3A_651 = tpu.memref_slice %arg7[%add3A_617, %dma_wait3A_650] : memref<20x128xi32, #tpu.memory_space<vmem>> -> memref<1x128xi32, #tpu.memory_space<vmem>>
      %dma_wait3A_652 = tpu.memref_squeeze %dma_wait3A_651 : memref<1x128xi32, #tpu.memory_space<vmem>> -> memref<128xi32, #tpu.memory_space<vmem>>
      %dma_wait3A_653 = arith.constant 0 : i32
      %dma_wait3A_654 = arith.constant 0 : i32
      %dma_wait3A_655 = tpu.memref_slice %arg10[%dma_wait3A_653, %dma_wait3A_654] : memref<10240x128xf32, #tpu.memory_space<vmem_shared>> -> memref<10240x128xf32, #tpu.memory_space<vmem_shared>>
      tpu.wait_indirect_dma semaphore(%arg14 : memref<!tpu.dma_semaphore, #tpu.memory_space<semaphore_mem>>) src(%arg8 : memref<128x128xf32, #tpu.memory_space<vmem>>) dst(%dma_wait3A_655 : memref<10240x128xf32, #tpu.memory_space<vmem_shared>>)
      %mul3A_656 = arith.constant 2 : i32
      %mul3A_657 = arith.muli %mul3A_656, %scan3A_612 : i32
      %add3A_658 = arith.constant 60 : i32
      %add3A_659 = arith.addi %add3A_658, %mul3A_657 : i32
      %add3A_660 = arith.constant 0 : i32
      %add3A_661 = arith.addi %add3A_659, %add3A_660 : i32
      %add3A_662 = arith.constant 2 : i32
      %add3A_663 = arith.addi %add3A_661, %add3A_662 : i32
      %mul3A_664 = arith.constant 128 : i32
      %mul3A_665 = arith.muli %add3A_663, %mul3A_664 : i32
      %dma_start3A_666 = tpu.memref_slice %arg6[%mul3A_665] : memref<10240xi32, #tpu.memory_space<vmem>> -> memref<128xi32, #tpu.memory_space<vmem>>
      %dma_start3A_667 = arith.constant 0 : i32
      %dma_start3A_668 = arith.constant 0 : i32
      %dma_start3A_669 = tpu.memref_slice %arg2[%dma_start3A_667, %dma_start3A_668] : memref<40960x128xf32, #tpu.memory_space<hbm>> -> memref<40960x128xf32, #tpu.memory_space<hbm>>
      tpu.enqueue_indirect_dma source(%dma_start3A_669 : memref<40960x128xf32, #tpu.memory_space<hbm>>) target(%arg8 : memref<128x128xf32, #tpu.memory_space<vmem>>) offsets(%dma_start3A_666 : memref<128xi32, #tpu.memory_space<vmem>>) semaphore(%arg12 : memref<!tpu.dma_semaphore, #tpu.memory_space<semaphore_mem>>)
      %dma_wait3A_670 = arith.constant 0 : i32
      %dma_wait3A_671 = tpu.memref_slice %arg7[%add3A_635, %dma_wait3A_670] : memref<20x128xi32, #tpu.memory_space<vmem>> -> memref<1x128xi32, #tpu.memory_space<vmem>>
      %dma_wait3A_672 = tpu.memref_squeeze %dma_wait3A_671 : memref<1x128xi32, #tpu.memory_space<vmem>> -> memref<128xi32, #tpu.memory_space<vmem>>
      %dma_wait3A_673 = arith.constant 0 : i32
      %dma_wait3A_674 = arith.constant 0 : i32
      %dma_wait3A_675 = tpu.memref_slice %arg10[%dma_wait3A_673, %dma_wait3A_674] : memref<10240x128xf32, #tpu.memory_space<vmem_shared>> -> memref<10240x128xf32, #tpu.memory_space<vmem_shared>>
      tpu.wait_indirect_dma semaphore(%arg15 : memref<!tpu.dma_semaphore, #tpu.memory_space<semaphore_mem>>) src(%arg9 : memref<128x128xf32, #tpu.memory_space<vmem>>) dst(%dma_wait3A_675 : memref<10240x128xf32, #tpu.memory_space<vmem_shared>>)
      %mul3A_676 = arith.constant 2 : i32
      %mul3A_677 = arith.muli %mul3A_676, %scan3A_612 : i32
      %add3A_678 = arith.constant 60 : i32
      %add3A_679 = arith.addi %add3A_678, %mul3A_677 : i32
      %add3A_680 = arith.constant 1 : i32
      %add3A_681 = arith.addi %add3A_679, %add3A_680 : i32
      %add3A_682 = arith.constant 2 : i32
      %add3A_683 = arith.addi %add3A_681, %add3A_682 : i32
      %mul3A_684 = arith.constant 128 : i32
      %mul3A_685 = arith.muli %add3A_683, %mul3A_684 : i32
      %dma_start3A_686 = tpu.memref_slice %arg6[%mul3A_685] : memref<10240xi32, #tpu.memory_space<vmem>> -> memref<128xi32, #tpu.memory_space<vmem>>
      %dma_start3A_687 = arith.constant 0 : i32
      %dma_start3A_688 = arith.constant 0 : i32
      %dma_start3A_689 = tpu.memref_slice %arg2[%dma_start3A_687, %dma_start3A_688] : memref<40960x128xf32, #tpu.memory_space<hbm>> -> memref<40960x128xf32, #tpu.memory_space<hbm>>
      tpu.enqueue_indirect_dma source(%dma_start3A_689 : memref<40960x128xf32, #tpu.memory_space<hbm>>) target(%arg9 : memref<128x128xf32, #tpu.memory_space<vmem>>) offsets(%dma_start3A_686 : memref<128xi32, #tpu.memory_space<vmem>>) semaphore(%arg13 : memref<!tpu.dma_semaphore, #tpu.memory_space<semaphore_mem>>)
      %scan3A_690 = arith.constant 0 : i32
      scf.yield %scan3A_690 : i32
    }
    %scan3A_564 = arith.constant 9 : i32
    %dma_wait3A_565 = arith.constant 9984 : i32
    %dma_wait3A_566 = tpu.memref_slice %arg6[%dma_wait3A_565] : memref<10240xi32, #tpu.memory_space<vmem>> -> memref<128xi32, #tpu.memory_space<vmem>>
    %dma_wait3A_567 = arith.constant 0 : i32
    %dma_wait3A_568 = arith.constant 0 : i32
    %dma_wait3A_569 = tpu.memref_slice %arg2[%dma_wait3A_567, %dma_wait3A_568] : memref<40960x128xf32, #tpu.memory_space<hbm>> -> memref<40960x128xf32, #tpu.memory_space<hbm>>
    tpu.wait_indirect_dma semaphore(%arg12 : memref<!tpu.dma_semaphore, #tpu.memory_space<semaphore_mem>>) src(%dma_wait3A_569 : memref<40960x128xf32, #tpu.memory_space<hbm>>) dst(%arg8 : memref<128x128xf32, #tpu.memory_space<vmem>>)
    %dma_start3A_570 = arith.constant 18 : i32
    %dma_start3A_571 = arith.constant 0 : i32
    %dma_start3A_572 = tpu.memref_slice %arg7[%dma_start3A_570, %dma_start3A_571] : memref<20x128xi32, #tpu.memory_space<vmem>> -> memref<1x128xi32, #tpu.memory_space<vmem>>
    %dma_start3A_573 = tpu.memref_squeeze %dma_start3A_572 : memref<1x128xi32, #tpu.memory_space<vmem>> -> memref<128xi32, #tpu.memory_space<vmem>>
    %dma_start3A_574 = arith.constant 0 : i32
    %dma_start3A_575 = arith.constant 0 : i32
    %dma_start3A_576 = tpu.memref_slice %arg10[%dma_start3A_574, %dma_start3A_575] : memref<10240x128xf32, #tpu.memory_space<vmem_shared>> -> memref<10240x128xf32, #tpu.memory_space<vmem_shared>>
    tpu.enqueue_indirect_dma source(%arg8 : memref<128x128xf32, #tpu.memory_space<vmem>>) target(%dma_start3A_576 : memref<10240x128xf32, #tpu.memory_space<vmem_shared>>) offsets(%dma_start3A_573 : memref<128xi32, #tpu.memory_space<vmem>>) semaphore(%arg14 : memref<!tpu.dma_semaphore, #tpu.memory_space<semaphore_mem>>) {add = true}
    %dma_wait3A_577 = arith.constant 10112 : i32
    %dma_wait3A_578 = tpu.memref_slice %arg6[%dma_wait3A_577] : memref<10240xi32, #tpu.memory_space<vmem>> -> memref<128xi32, #tpu.memory_space<vmem>>
    %dma_wait3A_579 = arith.constant 0 : i32
    %dma_wait3A_580 = arith.constant 0 : i32
    %dma_wait3A_581 = tpu.memref_slice %arg2[%dma_wait3A_579, %dma_wait3A_580] : memref<40960x128xf32, #tpu.memory_space<hbm>> -> memref<40960x128xf32, #tpu.memory_space<hbm>>
    tpu.wait_indirect_dma semaphore(%arg13 : memref<!tpu.dma_semaphore, #tpu.memory_space<semaphore_mem>>) src(%dma_wait3A_581 : memref<40960x128xf32, #tpu.memory_space<hbm>>) dst(%arg9 : memref<128x128xf32, #tpu.memory_space<vmem>>)
    %dma_start3A_582 = arith.constant 19 : i32
    %dma_start3A_583 = arith.constant 0 : i32
    %dma_start3A_584 = tpu.memref_slice %arg7[%dma_start3A_582, %dma_start3A_583] : memref<20x128xi32, #tpu.memory_space<vmem>> -> memref<1x128xi32, #tpu.memory_space<vmem>>
    %dma_start3A_585 = tpu.memref_squeeze %dma_start3A_584 : memref<1x128xi32, #tpu.memory_space<vmem>> -> memref<128xi32, #tpu.memory_space<vmem>>
    %dma_start3A_586 = arith.constant 0 : i32
    %dma_start3A_587 = arith.constant 0 : i32
    %dma_start3A_588 = tpu.memref_slice %arg10[%dma_start3A_586, %dma_start3A_587] : memref<10240x128xf32, #tpu.memory_space<vmem_shared>> -> memref<10240x128xf32, #tpu.memory_space<vmem_shared>>
    tpu.enqueue_indirect_dma source(%arg9 : memref<128x128xf32, #tpu.memory_space<vmem>>) target(%dma_start3A_588 : memref<10240x128xf32, #tpu.memory_space<vmem_shared>>) offsets(%dma_start3A_585 : memref<128xi32, #tpu.memory_space<vmem>>) semaphore(%arg15 : memref<!tpu.dma_semaphore, #tpu.memory_space<semaphore_mem>>) {add = true}
    %dma_wait3A_589 = arith.constant 18 : i32
    %dma_wait3A_590 = arith.constant 0 : i32
    %dma_wait3A_591 = tpu.memref_slice %arg7[%dma_wait3A_589, %dma_wait3A_590] : memref<20x128xi32, #tpu.memory_space<vmem>> -> memref<1x128xi32, #tpu.memory_space<vmem>>
    %dma_wait3A_592 = tpu.memref_squeeze %dma_wait3A_591 : memref<1x128xi32, #tpu.memory_space<vmem>> -> memref<128xi32, #tpu.memory_space<vmem>>
    %dma_wait3A_593 = arith.constant 0 : i32
    %dma_wait3A_594 = arith.constant 0 : i32
    %dma_wait3A_595 = tpu.memref_slice %arg10[%dma_wait3A_593, %dma_wait3A_594] : memref<10240x128xf32, #tpu.memory_space<vmem_shared>> -> memref<10240x128xf32, #tpu.memory_space<vmem_shared>>
    tpu.wait_indirect_dma semaphore(%arg14 : memref<!tpu.dma_semaphore, #tpu.memory_space<semaphore_mem>>) src(%arg8 : memref<128x128xf32, #tpu.memory_space<vmem>>) dst(%dma_wait3A_595 : memref<10240x128xf32, #tpu.memory_space<vmem_shared>>)
    %dma_wait3A_596 = arith.constant 19 : i32
    %dma_wait3A_597 = arith.constant 0 : i32
    %dma_wait3A_598 = tpu.memref_slice %arg7[%dma_wait3A_596, %dma_wait3A_597] : memref<20x128xi32, #tpu.memory_space<vmem>> -> memref<1x128xi32, #tpu.memory_space<vmem>>
    %dma_wait3A_599 = tpu.memref_squeeze %dma_wait3A_598 : memref<1x128xi32, #tpu.memory_space<vmem>> -> memref<128xi32, #tpu.memory_space<vmem>>
    %dma_wait3A_600 = arith.constant 0 : i32
    %dma_wait3A_601 = arith.constant 0 : i32
    %dma_wait3A_602 = tpu.memref_slice %arg10[%dma_wait3A_600, %dma_wait3A_601] : memref<10240x128xf32, #tpu.memory_space<vmem_shared>> -> memref<10240x128xf32, #tpu.memory_space<vmem_shared>>
    tpu.wait_indirect_dma semaphore(%arg15 : memref<!tpu.dma_semaphore, #tpu.memory_space<semaphore_mem>>) src(%arg9 : memref<128x128xf32, #tpu.memory_space<vmem>>) dst(%dma_wait3A_602 : memref<10240x128xf32, #tpu.memory_space<vmem_shared>>)
    %barrier3A_603 = arith.constant 0 : index
    tpu.barrier barrier_id(%barrier3A_603)
    %mul3A_604 = arith.constant 640 : i32
    %mul3A_605 = arith.muli %arg1, %mul3A_604 : i32
    %mul3A_606 = arith.constant 10240 : i32
    %mul3A_607 = arith.muli %add3A_314, %mul3A_606 : i32
    %mul3A_608 = arith.constant 640 : i32
    %mul3A_609 = arith.muli %arg1, %mul3A_608 : i32
    %add3A_610 = arith.addi %mul3A_607, %mul3A_609 : i32
    "tpu.region"() ({
      %run_scoped3A = tpu.sem_alloc : memref<!tpu.dma_semaphore, #tpu.memory_space<semaphore_mem>>
      %dma_start3A_612 = arith.constant 0 : i32
      %dma_start3A_613 = tpu.memref_slice %arg5[%add3A_610, %dma_start3A_612] : memref<40960x128xf32, #tpu.memory_space<hbm>> -> memref<640x128xf32, #tpu.memory_space<hbm>>
      %dma_start3A_614 = arith.constant 0 : i32
      %dma_start3A_615 = tpu.memref_slice %arg10[%mul3A_605, %dma_start3A_614] : memref<10240x128xf32, #tpu.memory_space<vmem_shared>> -> memref<640x128xf32, #tpu.memory_space<vmem_shared>>
      tpu.enqueue_dma source(%dma_start3A_615 : memref<640x128xf32, #tpu.memory_space<vmem_shared>>) target(%dma_start3A_613 : memref<640x128xf32, #tpu.memory_space<hbm>>) target_semaphore(%run_scoped3A : memref<!tpu.dma_semaphore, #tpu.memory_space<semaphore_mem>>)
      %dma_wait3A_616 = arith.constant 0 : i32
      %dma_wait3A_617 = tpu.memref_slice %arg5[%add3A_610, %dma_wait3A_616] : memref<40960x128xf32, #tpu.memory_space<hbm>> -> memref<640x128xf32, #tpu.memory_space<hbm>>
      %dma_wait3A_618 = arith.constant 0 : i32
      %dma_wait3A_619 = tpu.memref_slice %arg10[%mul3A_605, %dma_wait3A_618] : memref<10240x128xf32, #tpu.memory_space<vmem_shared>> -> memref<640x128xf32, #tpu.memory_space<vmem_shared>>
      tpu.wait_dma2 semaphore(%run_scoped3A : memref<!tpu.dma_semaphore, #tpu.memory_space<semaphore_mem>>) src(%dma_wait3A_619 : memref<640x128xf32, #tpu.memory_space<vmem_shared>>) dst(%dma_wait3A_617 : memref<640x128xf32, #tpu.memory_space<hbm>>)
      tpu.yield
    }) : () -> ()
    %barrier3A_611 = arith.constant 0 : index
    tpu.barrier barrier_id(%barrier3A_611)
    return
  }
}

module attributes {stable_mosaic.version = 14 : i64} {
  func.func @_layer1_body(%arg0: i32, %arg1: i32, %arg2: memref<1024x1xf32, #tpu.memory_space<vmem>>, %arg3: memref<32x1024xf32, #tpu.memory_space<vmem>>, %arg4: memref<32x1024xf32, #tpu.memory_space<vmem>>, %arg5: memref<1x1x128xf32, #tpu.memory_space<vmem>>, %arg6: memref<1x1x128xf32, #tpu.memory_space<vmem>>, %arg7: memref<1x1x128xf32, #tpu.memory_space<vmem>>, %arg8: memref<1024x128xf32, #tpu.memory_space<vmem>>, %arg9: memref<1024x1xf32, #tpu.memory_space<vmem>>) attributes {dimension_semantics = [#tpu.dimension_semantics<arbitrary>, #tpu.dimension_semantics<arbitrary>], iteration_bounds = array<i64: 10, 4>, scalar_prefetch = 0 : i64, scratch_operands = 0 : i64, tpu.core_type = #tpu.core_type<tc>, window_params = [{transform_indices = @transform_0, window_bounds = array<i64: 1024, 1>}, {transform_indices = @transform_1, window_bounds = array<i64: 32, 1024>}, {transform_indices = @transform_2, window_bounds = array<i64: 32, 1024>}, {transform_indices = @transform_3, window_bounds = array<i64: 1, 1, 128>}, {transform_indices = @transform_4, window_bounds = array<i64: 1, 1, 128>}, {transform_indices = @transform_5, window_bounds = array<i64: 1, 1, 128>}, {transform_indices = @transform_6, window_bounds = array<i64: 1024, 128>}, {transform_indices = @transform_7, window_bounds = array<i64: 1024, 1>}]} {
    %get3A = arith.constant 0 : index
    %get3A_0 = arith.constant 0 : index
    %get3A_1 = vector.load %arg3[%get3A, %get3A_0] : memref<32x1024xf32, #tpu.memory_space<vmem>>, vector<32x1024xf32>
    %reduce_sum3A = arith.constant dense<0.000000e+00> : vector<1024xf32>
    %reduce_sum3A_2 = vector.multi_reduction <add>, %get3A_1, %reduce_sum3A [0] : vector<32x1024xf32> to vector<1024xf32>
    %get3A_3 = arith.constant 0 : index
    %get3A_4 = arith.constant 0 : index
    %get3A_5 = vector.load %arg4[%get3A_3, %get3A_4] : memref<32x1024xf32, #tpu.memory_space<vmem>>, vector<32x1024xf32>
    %reduce_sum3A_6 = arith.constant dense<0.000000e+00> : vector<1024xf32>
    %reduce_sum3A_7 = vector.multi_reduction <add>, %get3A_5, %reduce_sum3A_6 [0] : vector<32x1024xf32> to vector<1024xf32>
    %max3A = arith.constant 1.000000e+00 : f32
    %max3A_8 = vector.broadcast %max3A : f32 to vector<1024xf32>
    %max3A_9 = arith.maximumf %reduce_sum3A_7, %max3A_8 : vector<1024xf32>
    %div3A = arith.divf %reduce_sum3A_2, %max3A_9 : vector<1024xf32>
    %broadcast_in_dim3A = vector.shape_cast %div3A : vector<1024xf32> to vector<1024x1xf32>
    %get3A_10 = arith.constant 0 : index
    %get3A_11 = arith.constant 0 : index
    %get3A_12 = arith.constant 0 : index
    %get3A_13 = vector.load %arg5[%get3A_10, %get3A_11, %get3A_12] : memref<1x1x128xf32, #tpu.memory_space<vmem>>, vector<1x1x128xf32>
    %get3A_14 = vector.shape_cast %get3A_13 : vector<1x1x128xf32> to vector<1x128xf32>
    %mul3A = vector.broadcast %broadcast_in_dim3A : vector<1024x1xf32> to vector<1024x128xf32>
    %mul3A_15 = vector.broadcast %get3A_14 : vector<1x128xf32> to vector<1024x128xf32>
    %mul3A_16 = arith.mulf %mul3A, %mul3A_15 : vector<1024x128xf32>
    %get3A_17 = arith.constant 0 : index
    %get3A_18 = arith.constant 0 : index
    %get3A_19 = arith.constant 0 : index
    %get3A_20 = vector.load %arg6[%get3A_17, %get3A_18, %get3A_19] : memref<1x1x128xf32, #tpu.memory_space<vmem>>, vector<1x1x128xf32>
    %get3A_21 = vector.shape_cast %get3A_20 : vector<1x1x128xf32> to vector<1x128xf32>
    %add3A = vector.broadcast %get3A_21 : vector<1x128xf32> to vector<1024x128xf32>
    %add3A_22 = arith.addf %mul3A_16, %add3A : vector<1024x128xf32>
    %get3A_23 = arith.constant 0 : index
    %get3A_24 = arith.constant 0 : index
    %get3A_25 = vector.load %arg2[%get3A_23, %get3A_24] : memref<1024x1xf32, #tpu.memory_space<vmem>>, vector<1024x1xf32>
    %get3A_26 = arith.constant 0 : index
    %get3A_27 = arith.constant 0 : index
    %get3A_28 = arith.constant 0 : index
    %get3A_29 = vector.load %arg7[%get3A_26, %get3A_27, %get3A_28] : memref<1x1x128xf32, #tpu.memory_space<vmem>>, vector<1x1x128xf32>
    %get3A_30 = vector.shape_cast %get3A_29 : vector<1x1x128xf32> to vector<1x128xf32>
    %mul3A_31 = vector.broadcast %get3A_25 : vector<1024x1xf32> to vector<1024x128xf32>
    %mul3A_32 = vector.broadcast %get3A_30 : vector<1x128xf32> to vector<1024x128xf32>
    %mul3A_33 = arith.mulf %mul3A_31, %mul3A_32 : vector<1024x128xf32>
    %add3A_34 = arith.addf %add3A_22, %mul3A_33 : vector<1024x128xf32>
    %max3A_35 = arith.constant 0.000000e+00 : f32
    %max3A_36 = vector.broadcast %max3A_35 : f32 to vector<1024x128xf32>
    %max3A_37 = arith.maximumf %add3A_34, %max3A_36 : vector<1024x128xf32>
    %swap3A = arith.constant 0 : index
    %swap3A_38 = arith.constant 0 : index
    %swap3A_39 = vector.load %arg8[%swap3A, %swap3A_38] : memref<1024x128xf32, #tpu.memory_space<vmem>>, vector<1024x128xf32>
    tpu.vector_store %arg8[%swap3A, %swap3A_38], %max3A_37 {strides = array<i32>} : memref<1024x128xf32, #tpu.memory_space<vmem>>, vector<1024x128xf32>,
    %broadcast_in_dim3A_40 = vector.shape_cast %max3A_9 : vector<1024xf32> to vector<1024x1xf32>
    %swap3A_41 = arith.constant 0 : index
    %swap3A_42 = arith.constant 0 : index
    %swap3A_43 = vector.load %arg9[%swap3A_41, %swap3A_42] : memref<1024x1xf32, #tpu.memory_space<vmem>>, vector<1024x1xf32>
    tpu.vector_store %arg9[%swap3A_41, %swap3A_42], %broadcast_in_dim3A_40 {strides = array<i32>} : memref<1024x1xf32, #tpu.memory_space<vmem>>, vector<1024x1xf32>,
    return
  }
  func.func @transform_0(%arg0: i32, %arg1: i32) -> (i32, i32) {
    %c0_i32 = arith.constant 0 : i32
    %c0_i32_0 = arith.constant 0 : i32
    return %arg0, %c0_i32 : i32, i32
  }
  func.func @transform_1(%arg0: i32, %arg1: i32) -> (i32, i32) {
    %c0_i32 = arith.constant 0 : i32
    %c0_i32_0 = arith.constant 0 : i32
    return %c0_i32, %arg0 : i32, i32
  }
  func.func @transform_2(%arg0: i32, %arg1: i32) -> (i32, i32) {
    %c0_i32 = arith.constant 0 : i32
    %c0_i32_0 = arith.constant 0 : i32
    return %c0_i32, %arg0 : i32, i32
  }
  func.func @transform_3(%arg0: i32, %arg1: i32) -> (i32, i32, i32) {
    %c0_i32 = arith.constant 0 : i32
    %c0_i32_0 = arith.constant 0 : i32
    %c0_i32_1 = arith.constant 0 : i32
    return %arg1, %c0_i32, %c0_i32_0 : i32, i32, i32
  }
  func.func @transform_4(%arg0: i32, %arg1: i32) -> (i32, i32, i32) {
    %c0_i32 = arith.constant 0 : i32
    %c0_i32_0 = arith.constant 0 : i32
    %c0_i32_1 = arith.constant 0 : i32
    return %arg1, %c0_i32, %c0_i32_0 : i32, i32, i32
  }
  func.func @transform_5(%arg0: i32, %arg1: i32) -> (i32, i32, i32) {
    %c0_i32 = arith.constant 0 : i32
    %c0_i32_0 = arith.constant 0 : i32
    %c0_i32_1 = arith.constant 0 : i32
    return %arg1, %c0_i32, %c0_i32_0 : i32, i32, i32
  }
  func.func @transform_6(%arg0: i32, %arg1: i32) -> (i32, i32) {
    %mul3A = arith.constant 10 : i32
    %mul3A_0 = arith.muli %arg1, %mul3A : i32
    %add3A = arith.addi %mul3A_0, %arg0 : i32
    %c0_i32 = arith.constant 0 : i32
    %c0_i32_1 = arith.constant 0 : i32
    return %add3A, %c0_i32 : i32, i32
  }
  func.func @transform_7(%arg0: i32, %arg1: i32) -> (i32, i32) {
    %c0_i32 = arith.constant 0 : i32
    %c0_i32_0 = arith.constant 0 : i32
    return %arg0, %c0_i32 : i32, i32
  }
}

module attributes {stable_mosaic.version = 14 : i64} {
  func.func @_p_body(%arg0: i32, %arg1: memref<1024x128xf32, #tpu.memory_space<vmem>>, %arg2: memref<1024x128xf32, #tpu.memory_space<vmem>>, %arg3: memref<1024x128xf32, #tpu.memory_space<vmem>>, %arg4: memref<1024x128xf32, #tpu.memory_space<vmem>>, %arg5: memref<512x512xf32, #tpu.memory_space<vmem>>, %arg6: memref<512xf32, #tpu.memory_space<vmem>>, %arg7: memref<1024x512xf32, #tpu.memory_space<vmem>>) attributes {dimension_semantics = [#tpu.dimension_semantics<arbitrary>], iteration_bounds = array<i64: 10>, scalar_prefetch = 0 : i64, scratch_operands = 0 : i64, tpu.core_type = #tpu.core_type<tc>, window_params = [{transform_indices = @transform_0, window_bounds = array<i64: 1024, 128>}, {transform_indices = @transform_1, window_bounds = array<i64: 1024, 128>}, {transform_indices = @transform_2, window_bounds = array<i64: 1024, 128>}, {transform_indices = @transform_3, window_bounds = array<i64: 1024, 128>}, {pipeline_mode = #tpu.pipeline_mode<synchronous>, transform_indices = @transform_4, window_bounds = array<i64: 512, 512>}, {pipeline_mode = #tpu.pipeline_mode<synchronous>, transform_indices = @transform_5, window_bounds = array<i64: 512>}, {transform_indices = @transform_6, window_bounds = array<i64: 1024, 512>}]} {
    %get3A = arith.constant 0 : index
    %get3A_0 = arith.constant 0 : index
    %get3A_1 = vector.load %arg1[%get3A, %get3A_0] : memref<1024x128xf32, #tpu.memory_space<vmem>>, vector<1024x128xf32>
    %get3A_2 = arith.constant 0 : index
    %get3A_3 = arith.constant 0 : index
    %get3A_4 = vector.load %arg2[%get3A_2, %get3A_3] : memref<1024x128xf32, #tpu.memory_space<vmem>>, vector<1024x128xf32>
    %get3A_5 = arith.constant 0 : index
    %get3A_6 = arith.constant 0 : index
    %get3A_7 = vector.load %arg3[%get3A_5, %get3A_6] : memref<1024x128xf32, #tpu.memory_space<vmem>>, vector<1024x128xf32>
    %get3A_8 = arith.constant 0 : index
    %get3A_9 = arith.constant 0 : index
    %get3A_10 = vector.load %arg4[%get3A_8, %get3A_9] : memref<1024x128xf32, #tpu.memory_space<vmem>>, vector<1024x128xf32>
    %concatenate3A = tpu.concatenate %get3A_1, %get3A_4, %get3A_7, %get3A_10 in 1 : vector<1024x128xf32>, vector<1024x128xf32>, vector<1024x128xf32>, vector<1024x128xf32> -> vector<1024x512xf32>
    %get3A_11 = arith.constant 0 : index
    %get3A_12 = arith.constant 0 : index
    %get3A_13 = vector.load %arg5[%get3A_11, %get3A_12] : memref<512x512xf32, #tpu.memory_space<vmem>>, vector<512x512xf32>
    %dot_general3A = arith.constant dense<0.000000e+00> : vector<1024x512xf32>
    %dot_general3A_14 = tpu.matmul %concatenate3A, %get3A_13, %dot_general3A {dimension_numbers = #tpu.dot_dimension_numbers<[1], [0], [0], [1], [0, 0, 1, 1], [], []>, transpose_lhs_hint = false} : vector<1024x512xf32>, vector<512x512xf32>, vector<1024x512xf32> -> vector<1024x512xf32>
    %get3A_15 = arith.constant 0 : index
    %get3A_16 = vector.load %arg6[%get3A_15] : memref<512xf32, #tpu.memory_space<vmem>>, vector<512xf32>
    %broadcast_in_dim3A = vector.shape_cast %get3A_16 : vector<512xf32> to vector<1x512xf32>
    %add3A = vector.broadcast %broadcast_in_dim3A : vector<1x512xf32> to vector<1024x512xf32>
    %add3A_17 = arith.addf %dot_general3A_14, %add3A : vector<1024x512xf32>
    %swap3A = arith.constant 0 : index
    %swap3A_18 = arith.constant 0 : index
    %swap3A_19 = vector.load %arg7[%swap3A, %swap3A_18] : memref<1024x512xf32, #tpu.memory_space<vmem>>, vector<1024x512xf32>
    tpu.vector_store %arg7[%swap3A, %swap3A_18], %add3A_17 {strides = array<i32>} : memref<1024x512xf32, #tpu.memory_space<vmem>>, vector<1024x512xf32>,
    return
  }
  func.func @transform_0(%arg0: i32) -> (i32, i32) {
    %add3A = arith.constant 0 : i32
    %add3A_0 = arith.addi %add3A, %arg0 : i32
    %c0_i32 = arith.constant 0 : i32
    %c0_i32_1 = arith.constant 0 : i32
    return %add3A_0, %c0_i32 : i32, i32
  }
  func.func @transform_1(%arg0: i32) -> (i32, i32) {
    %add3A = arith.constant 10 : i32
    %add3A_0 = arith.addi %add3A, %arg0 : i32
    %c0_i32 = arith.constant 0 : i32
    %c0_i32_1 = arith.constant 0 : i32
    return %add3A_0, %c0_i32 : i32, i32
  }
  func.func @transform_2(%arg0: i32) -> (i32, i32) {
    %add3A = arith.constant 20 : i32
    %add3A_0 = arith.addi %add3A, %arg0 : i32
    %c0_i32 = arith.constant 0 : i32
    %c0_i32_1 = arith.constant 0 : i32
    return %add3A_0, %c0_i32 : i32, i32
  }
  func.func @transform_3(%arg0: i32) -> (i32, i32) {
    %add3A = arith.constant 30 : i32
    %add3A_0 = arith.addi %add3A, %arg0 : i32
    %c0_i32 = arith.constant 0 : i32
    %c0_i32_1 = arith.constant 0 : i32
    return %add3A_0, %c0_i32 : i32, i32
  }
  func.func @transform_4(%arg0: i32) -> (i32, i32) {
    %c0_i32 = arith.constant 0 : i32
    %c0_i32_0 = arith.constant 0 : i32
    %c0_i32_1 = arith.constant 0 : i32
    return %c0_i32, %c0_i32_0 : i32, i32
  }
  func.func @transform_5(%arg0: i32) -> i32 {
    %c0_i32 = arith.constant 0 : i32
    %c0_i32_0 = arith.constant 0 : i32
    return %c0_i32 : i32
  }
  func.func @transform_6(%arg0: i32) -> (i32, i32) {
    %c0_i32 = arith.constant 0 : i32
    %c0_i32_0 = arith.constant 0 : i32
    return %arg0, %c0_i32 : i32, i32
  }
}

module attributes {stable_mosaic.version = 14 : i64} {
  func.func @_dense_body(%arg0: i32, %arg1: memref<1024x128xf32, #tpu.memory_space<vmem>>, %arg2: memref<1024x128xf32, #tpu.memory_space<vmem>>, %arg3: memref<1024x128xf32, #tpu.memory_space<vmem>>, %arg4: memref<1024x128xf32, #tpu.memory_space<vmem>>, %arg5: memref<1024x512xf32, #tpu.memory_space<vmem>>, %arg6: memref<1024x1xf32, #tpu.memory_space<vmem>>, %arg7: memref<512x512xf32, #tpu.memory_space<vmem>>, %arg8: memref<512x256xf32, #tpu.memory_space<vmem>>, %arg9: memref<256xf32, #tpu.memory_space<vmem>>, %arg10: memref<256x128xf32, #tpu.memory_space<vmem>>, %arg11: memref<128xf32, #tpu.memory_space<vmem>>, %arg12: memref<128x64xf32, #tpu.memory_space<vmem>>, %arg13: memref<64xf32, #tpu.memory_space<vmem>>, %arg14: memref<64x2xf32, #tpu.memory_space<vmem>>, %arg15: memref<2xf32, #tpu.memory_space<vmem>>, %arg16: memref<1024x2xf32, #tpu.memory_space<vmem>>) attributes {dimension_semantics = [#tpu.dimension_semantics<arbitrary>], iteration_bounds = array<i64: 10>, scalar_prefetch = 0 : i64, scratch_operands = 0 : i64, tpu.core_type = #tpu.core_type<tc>, window_params = [{transform_indices = @transform_0, window_bounds = array<i64: 1024, 128>}, {transform_indices = @transform_1, window_bounds = array<i64: 1024, 128>}, {transform_indices = @transform_2, window_bounds = array<i64: 1024, 128>}, {transform_indices = @transform_3, window_bounds = array<i64: 1024, 128>}, {transform_indices = @transform_4, window_bounds = array<i64: 1024, 512>}, {transform_indices = @transform_5, window_bounds = array<i64: 1024, 1>}, {pipeline_mode = #tpu.pipeline_mode<synchronous>, transform_indices = @transform_6, window_bounds = array<i64: 512, 512>}, {pipeline_mode = #tpu.pipeline_mode<synchronous>, transform_indices = @transform_7, window_bounds = array<i64: 512, 256>}, {pipeline_mode = #tpu.pipeline_mode<synchronous>, transform_indices = @transform_8, window_bounds = array<i64: 256>}, {pipeline_mode = #tpu.pipeline_mode<synchronous>, transform_indices = @transform_9, window_bounds = array<i64: 256, 128>}, {pipeline_mode = #tpu.pipeline_mode<synchronous>, transform_indices = @transform_10, window_bounds = array<i64: 128>}, {pipeline_mode = #tpu.pipeline_mode<synchronous>, transform_indices = @transform_11, window_bounds = array<i64: 128, 64>}, {pipeline_mode = #tpu.pipeline_mode<synchronous>, transform_indices = @transform_12, window_bounds = array<i64: 64>}, {pipeline_mode = #tpu.pipeline_mode<synchronous>, transform_indices = @transform_13, window_bounds = array<i64: 64, 2>}, {pipeline_mode = #tpu.pipeline_mode<synchronous>, transform_indices = @transform_14, window_bounds = array<i64: 2>}, {transform_indices = @transform_15, window_bounds = array<i64: 1024, 2>}]} {
    %get3A = arith.constant 0 : index
    %get3A_0 = arith.constant 0 : index
    %get3A_1 = vector.load %arg6[%get3A, %get3A_0] : memref<1024x1xf32, #tpu.memory_space<vmem>>, vector<1024x1xf32>
    %max3A = arith.constant 1.000000e+00 : f32
    %max3A_2 = vector.broadcast %max3A : f32 to vector<1024x1xf32>
    %max3A_3 = arith.maximumf %get3A_1, %max3A_2 : vector<1024x1xf32>
    %get3A_4 = arith.constant 0 : index
    %get3A_5 = arith.constant 0 : index
    %get3A_6 = vector.load %arg1[%get3A_4, %get3A_5] : memref<1024x128xf32, #tpu.memory_space<vmem>>, vector<1024x128xf32>
    %get3A_7 = arith.constant 0 : index
    %get3A_8 = arith.constant 0 : index
    %get3A_9 = vector.load %arg2[%get3A_7, %get3A_8] : memref<1024x128xf32, #tpu.memory_space<vmem>>, vector<1024x128xf32>
    %get3A_10 = arith.constant 0 : index
    %get3A_11 = arith.constant 0 : index
    %get3A_12 = vector.load %arg3[%get3A_10, %get3A_11] : memref<1024x128xf32, #tpu.memory_space<vmem>>, vector<1024x128xf32>
    %get3A_13 = arith.constant 0 : index
    %get3A_14 = arith.constant 0 : index
    %get3A_15 = vector.load %arg4[%get3A_13, %get3A_14] : memref<1024x128xf32, #tpu.memory_space<vmem>>, vector<1024x128xf32>
    %concatenate3A = tpu.concatenate %get3A_6, %get3A_9, %get3A_12, %get3A_15 in 1 : vector<1024x128xf32>, vector<1024x128xf32>, vector<1024x128xf32>, vector<1024x128xf32> -> vector<1024x512xf32>
    %div3A = vector.broadcast %max3A_3 : vector<1024x1xf32> to vector<1024x512xf32>
    %div3A_16 = arith.divf %concatenate3A, %div3A : vector<1024x512xf32>
    %get3A_17 = arith.constant 0 : index
    %get3A_18 = arith.constant 0 : index
    %get3A_19 = vector.load %arg7[%get3A_17, %get3A_18] : memref<512x512xf32, #tpu.memory_space<vmem>>, vector<512x512xf32>
    %dot_general3A = arith.constant dense<0.000000e+00> : vector<1024x512xf32>
    %dot_general3A_20 = tpu.matmul %div3A_16, %get3A_19, %dot_general3A {dimension_numbers = #tpu.dot_dimension_numbers<[1], [0], [0], [1], [0, 0, 1, 1], [], []>, transpose_lhs_hint = false} : vector<1024x512xf32>, vector<512x512xf32>, vector<1024x512xf32> -> vector<1024x512xf32>
    %get3A_21 = arith.constant 0 : index
    %get3A_22 = arith.constant 0 : index
    %get3A_23 = vector.load %arg5[%get3A_21, %get3A_22] : memref<1024x512xf32, #tpu.memory_space<vmem>>, vector<1024x512xf32>
    %add3A = arith.addf %dot_general3A_20, %get3A_23 : vector<1024x512xf32>
    %max3A_24 = arith.constant 0.000000e+00 : f32
    %max3A_25 = vector.broadcast %max3A_24 : f32 to vector<1024x512xf32>
    %max3A_26 = arith.maximumf %add3A, %max3A_25 : vector<1024x512xf32>
    %get3A_27 = arith.constant 0 : index
    %get3A_28 = arith.constant 0 : index
    %get3A_29 = vector.load %arg8[%get3A_27, %get3A_28] : memref<512x256xf32, #tpu.memory_space<vmem>>, vector<512x256xf32>
    %dot_general3A_30 = arith.constant dense<0.000000e+00> : vector<1024x256xf32>
    %dot_general3A_31 = tpu.matmul %max3A_26, %get3A_29, %dot_general3A_30 {dimension_numbers = #tpu.dot_dimension_numbers<[1], [0], [0], [1], [0, 0, 1, 1], [], []>, transpose_lhs_hint = false} : vector<1024x512xf32>, vector<512x256xf32>, vector<1024x256xf32> -> vector<1024x256xf32>
    %get3A_32 = arith.constant 0 : index
    %get3A_33 = vector.load %arg9[%get3A_32] : memref<256xf32, #tpu.memory_space<vmem>>, vector<256xf32>
    %broadcast_in_dim3A = vector.shape_cast %get3A_33 : vector<256xf32> to vector<1x256xf32>
    %add3A_34 = vector.broadcast %broadcast_in_dim3A : vector<1x256xf32> to vector<1024x256xf32>
    %add3A_35 = arith.addf %dot_general3A_31, %add3A_34 : vector<1024x256xf32>
    %max3A_36 = arith.constant 0.000000e+00 : f32
    %max3A_37 = vector.broadcast %max3A_36 : f32 to vector<1024x256xf32>
    %max3A_38 = arith.maximumf %add3A_35, %max3A_37 : vector<1024x256xf32>
    %get3A_39 = arith.constant 0 : index
    %get3A_40 = arith.constant 0 : index
    %get3A_41 = vector.load %arg10[%get3A_39, %get3A_40] : memref<256x128xf32, #tpu.memory_space<vmem>>, vector<256x128xf32>
    %dot_general3A_42 = arith.constant dense<0.000000e+00> : vector<1024x128xf32>
    %dot_general3A_43 = tpu.matmul %max3A_38, %get3A_41, %dot_general3A_42 {dimension_numbers = #tpu.dot_dimension_numbers<[1], [0], [0], [1], [0, 0, 1, 1], [], []>, transpose_lhs_hint = false} : vector<1024x256xf32>, vector<256x128xf32>, vector<1024x128xf32> -> vector<1024x128xf32>
    %get3A_44 = arith.constant 0 : index
    %get3A_45 = vector.load %arg11[%get3A_44] : memref<128xf32, #tpu.memory_space<vmem>>, vector<128xf32>
    %broadcast_in_dim3A_46 = vector.shape_cast %get3A_45 : vector<128xf32> to vector<1x128xf32>
    %add3A_47 = vector.broadcast %broadcast_in_dim3A_46 : vector<1x128xf32> to vector<1024x128xf32>
    %add3A_48 = arith.addf %dot_general3A_43, %add3A_47 : vector<1024x128xf32>
    %max3A_49 = arith.constant 0.000000e+00 : f32
    %max3A_50 = vector.broadcast %max3A_49 : f32 to vector<1024x128xf32>
    %max3A_51 = arith.maximumf %add3A_48, %max3A_50 : vector<1024x128xf32>
    %get3A_52 = arith.constant 0 : index
    %get3A_53 = arith.constant 0 : index
    %get3A_54 = vector.load %arg12[%get3A_52, %get3A_53] : memref<128x64xf32, #tpu.memory_space<vmem>>, vector<128x64xf32>
    %dot_general3A_55 = arith.constant dense<0.000000e+00> : vector<1024x64xf32>
    %dot_general3A_56 = tpu.matmul %max3A_51, %get3A_54, %dot_general3A_55 {dimension_numbers = #tpu.dot_dimension_numbers<[1], [0], [0], [1], [0, 0, 1, 1], [], []>, transpose_lhs_hint = false} : vector<1024x128xf32>, vector<128x64xf32>, vector<1024x64xf32> -> vector<1024x64xf32>
    %get3A_57 = arith.constant 0 : index
    %get3A_58 = vector.load %arg13[%get3A_57] : memref<64xf32, #tpu.memory_space<vmem>>, vector<64xf32>
    %broadcast_in_dim3A_59 = vector.shape_cast %get3A_58 : vector<64xf32> to vector<1x64xf32>
    %add3A_60 = vector.broadcast %broadcast_in_dim3A_59 : vector<1x64xf32> to vector<1024x64xf32>
    %add3A_61 = arith.addf %dot_general3A_56, %add3A_60 : vector<1024x64xf32>
    %max3A_62 = arith.constant 0.000000e+00 : f32
    %max3A_63 = vector.broadcast %max3A_62 : f32 to vector<1024x64xf32>
    %max3A_64 = arith.maximumf %add3A_61, %max3A_63 : vector<1024x64xf32>
    %get3A_65 = arith.constant 0 : index
    %get3A_66 = arith.constant 0 : index
    %get3A_67 = vector.load %arg14[%get3A_65, %get3A_66] : memref<64x2xf32, #tpu.memory_space<vmem>>, vector<64x2xf32>
    %dot_general3A_68 = arith.constant dense<0.000000e+00> : vector<1024x2xf32>
    %dot_general3A_69 = tpu.matmul %max3A_64, %get3A_67, %dot_general3A_68 {dimension_numbers = #tpu.dot_dimension_numbers<[1], [0], [0], [1], [0, 0, 1, 1], [], []>, transpose_lhs_hint = false} : vector<1024x64xf32>, vector<64x2xf32>, vector<1024x2xf32> -> vector<1024x2xf32>
    %get3A_70 = arith.constant 0 : index
    %get3A_71 = vector.load %arg15[%get3A_70] : memref<2xf32, #tpu.memory_space<vmem>>, vector<2xf32>
    %broadcast_in_dim3A_72 = vector.shape_cast %get3A_71 : vector<2xf32> to vector<1x2xf32>
    %add3A_73 = vector.broadcast %broadcast_in_dim3A_72 : vector<1x2xf32> to vector<1024x2xf32>
    %add3A_74 = arith.addf %dot_general3A_69, %add3A_73 : vector<1024x2xf32>
    %reduce_max3A = arith.constant dense<0xFF800000> : vector<1024xf32>
    %reduce_max3A_75 = vector.multi_reduction <maximumf>, %add3A_74, %reduce_max3A [1] : vector<1024x2xf32> to vector<1024xf32>
    %broadcast_in_dim3A_76 = vector.shape_cast %reduce_max3A_75 : vector<1024xf32> to vector<1024x1xf32>
    %sub3A = vector.broadcast %broadcast_in_dim3A_76 : vector<1024x1xf32> to vector<1024x2xf32>
    %sub3A_77 = arith.subf %add3A_74, %sub3A : vector<1024x2xf32>
    %exp3A = math.exp %sub3A_77 : vector<1024x2xf32>
    %reduce_sum3A = arith.constant dense<0.000000e+00> : vector<1024xf32>
    %reduce_sum3A_78 = vector.multi_reduction <add>, %exp3A, %reduce_sum3A [1] : vector<1024x2xf32> to vector<1024xf32>
    %broadcast_in_dim3A_79 = vector.shape_cast %reduce_sum3A_78 : vector<1024xf32> to vector<1024x1xf32>
    %div3A_80 = vector.broadcast %broadcast_in_dim3A_79 : vector<1024x1xf32> to vector<1024x2xf32>
    %div3A_81 = arith.divf %exp3A, %div3A_80 : vector<1024x2xf32>
    %swap3A = arith.constant 0 : index
    %swap3A_82 = arith.constant 0 : index
    %swap3A_83 = vector.load %arg16[%swap3A, %swap3A_82] : memref<1024x2xf32, #tpu.memory_space<vmem>>, vector<1024x2xf32>
    tpu.vector_store %arg16[%swap3A, %swap3A_82], %div3A_81 {strides = array<i32>} : memref<1024x2xf32, #tpu.memory_space<vmem>>, vector<1024x2xf32>,
    return
  }
  func.func @transform_0(%arg0: i32) -> (i32, i32) {
    %add3A = arith.constant 0 : i32
    %add3A_0 = arith.addi %add3A, %arg0 : i32
    %c0_i32 = arith.constant 0 : i32
    %c0_i32_1 = arith.constant 0 : i32
    return %add3A_0, %c0_i32 : i32, i32
  }
  func.func @transform_1(%arg0: i32) -> (i32, i32) {
    %add3A = arith.constant 10 : i32
    %add3A_0 = arith.addi %add3A, %arg0 : i32
    %c0_i32 = arith.constant 0 : i32
    %c0_i32_1 = arith.constant 0 : i32
    return %add3A_0, %c0_i32 : i32, i32
  }
  func.func @transform_2(%arg0: i32) -> (i32, i32) {
    %add3A = arith.constant 20 : i32
    %add3A_0 = arith.addi %add3A, %arg0 : i32
    %c0_i32 = arith.constant 0 : i32
    %c0_i32_1 = arith.constant 0 : i32
    return %add3A_0, %c0_i32 : i32, i32
  }
  func.func @transform_3(%arg0: i32) -> (i32, i32) {
    %add3A = arith.constant 30 : i32
    %add3A_0 = arith.addi %add3A, %arg0 : i32
    %c0_i32 = arith.constant 0 : i32
    %c0_i32_1 = arith.constant 0 : i32
    return %add3A_0, %c0_i32 : i32, i32
  }
  func.func @transform_4(%arg0: i32) -> (i32, i32) {
    %c0_i32 = arith.constant 0 : i32
    %c0_i32_0 = arith.constant 0 : i32
    return %arg0, %c0_i32 : i32, i32
  }
  func.func @transform_5(%arg0: i32) -> (i32, i32) {
    %c0_i32 = arith.constant 0 : i32
    %c0_i32_0 = arith.constant 0 : i32
    return %arg0, %c0_i32 : i32, i32
  }
  func.func @transform_6(%arg0: i32) -> (i32, i32) {
    %c0_i32 = arith.constant 0 : i32
    %c0_i32_0 = arith.constant 0 : i32
    %c0_i32_1 = arith.constant 0 : i32
    return %c0_i32, %c0_i32_0 : i32, i32
  }
  func.func @transform_7(%arg0: i32) -> (i32, i32) {
    %c0_i32 = arith.constant 0 : i32
    %c0_i32_0 = arith.constant 0 : i32
    %c0_i32_1 = arith.constant 0 : i32
    return %c0_i32, %c0_i32_0 : i32, i32
  }
  func.func @transform_8(%arg0: i32) -> i32 {
    %c0_i32 = arith.constant 0 : i32
    %c0_i32_0 = arith.constant 0 : i32
    return %c0_i32 : i32
  }
  func.func @transform_9(%arg0: i32) -> (i32, i32) {
    %c0_i32 = arith.constant 0 : i32
    %c0_i32_0 = arith.constant 0 : i32
    %c0_i32_1 = arith.constant 0 : i32
    return %c0_i32, %c0_i32_0 : i32, i32
  }
  func.func @transform_10(%arg0: i32) -> i32 {
    %c0_i32 = arith.constant 0 : i32
    %c0_i32_0 = arith.constant 0 : i32
    return %c0_i32 : i32
  }
  func.func @transform_11(%arg0: i32) -> (i32, i32) {
    %c0_i32 = arith.constant 0 : i32
    %c0_i32_0 = arith.constant 0 : i32
    %c0_i32_1 = arith.constant 0 : i32
    return %c0_i32, %c0_i32_0 : i32, i32
  }
  func.func @transform_12(%arg0: i32) -> i32 {
    %c0_i32 = arith.constant 0 : i32
    %c0_i32_0 = arith.constant 0 : i32
    return %c0_i32 : i32
  }
  func.func @transform_13(%arg0: i32) -> (i32, i32) {
    %c0_i32 = arith.constant 0 : i32
    %c0_i32_0 = arith.constant 0 : i32
    %c0_i32_1 = arith.constant 0 : i32
    return %c0_i32, %c0_i32_0 : i32, i32
  }
  func.func @transform_14(%arg0: i32) -> i32 {
    %c0_i32 = arith.constant 0 : i32
    %c0_i32_0 = arith.constant 0 : i32
    return %c0_i32 : i32
  }
  func.func @transform_15(%arg0: i32) -> (i32, i32) {
    %c0_i32 = arith.constant 0 : i32
    %c0_i32_0 = arith.constant 0 : i32
    return %arg0, %c0_i32 : i32, i32
  }
}

</mosaic_0001>

<sc_bundles>
// kernel: kernel.10.cloned.1.call-start
scs
__scs_entry_jumppad:
0x0: {  	(pc) =	sbr.rel $0x88, $3  }
0x1: {  	(tag) =	ssettag $0x0;
	lr =	simm.s32 $0x1  }
0x2: {  	[smem:$0x3F91] =	sst lr;
	_ =	strace $0xD0000000  }
0x3: {  	_ = 	snop  }
0x4: {  	_ = 	snop  }
0x5: {  	_ = 	snop  }
0x6: {  	_ = 	snop  }
0x7: {  	_ = 	snop  }
__scs_overlays_trampoline_lowered:
0x8: {  	[smem:$0x3FA0] =	sst s0  }
0x9: {  	[smem:$0x3FA1] =	sst s1  }
0xa: {  	[smem:$0x3FA2] =	sst s2  }
0xb: {  	[smem:$0x3FA3] =	sst s3  }
0xc: {  	[smem:$0x3FA4] =	sst s4  }
0xd: {  	[smem:$0x3FA5] =	sst s5  }
0xe: {  	[smem:$0x3FA6] =	sst s6  }
0xf: {  	[smem:$0x3FA7] =	sst s7  }
0x10: {  	[smem:$0x3FA8] =	sst s8  }
0x11: {  	[smem:$0x3FA9] =	sst s9;
	s0 =	simm.s32 @!p0 $0x0  }
0x12: {  	s1 =	sld [smem:$0x3F8F];
	s0 =	simm.s32 @p0 $0x1  }
0x13: {  	[smem:$0x3FAA] =	sst s0;
	s0 =	simm.s32 @!p1 $0x0  }
0x14: {  	s2 =	sld [smem:$0x3F8E];
	s0 =	simm.s32 @p1 $0x1  }
0x15: {  	[smem:$0x3FAB] =	sst s0;
	s0 =	simm.s32 @!p2 $0x0  }
0x16: {  	s3 =	sld [smem:$0x3FDB];
	s0 =	simm.s32 @p2 $0x1  }
0x17: {  	s4 =	simm.s32 $0x1BF5;
	[smem:$0x3FAD] =	sst s0  }
0x18: {  	s0 =	sld [smem:$0x3F90];
	_ =	swait.ge [sflag:s4], $0x0  }
0x19: {  	s7 =	sld [smem:$0x3F91]  }
0x1a: {  	s8 =	sadd.s32 $0xFFFFE003, lr  }
0x1b: {  	s9 =	sadd.s32 $0xFFFFFEF7, lr;
	s5 =	simm.s32 $0xFFFFFFFF;
	p2 =	slt.u32 s8, $0xFFFFF086  }
0x1c: {  	p1 =	slt.u32 s9, $0xF7A;
	s5 =	simm.s32 @!p2 $0x0  }
0x1d: {  	s5 =	simm.s32 @p1 $0x1;
	p0 =	seq.s32 s7, s2  }
0x1e: {  	s7 =	smul.u32 @!p0 $0xF7A, s2;
	p2 =	seq.s32 @!p0 s5, $0x0  }
0x1f: {  	s9 =	smul.u32 $0xF7A, s1;
	s8 =	simm.s32 @!p0 $0x1BF5;
	p2 =	por !p2, p0  }
0x20: {  	[sflag:s8] =	ssyncset.s32 @!p0 $0xFFFFF086;
	s6 =	sadd.s32 @!p0 s3, s7;
	s7 =	simm.s32 @!p0 $0x108  }
0x21: {  	s3 =	sadd.s32 s3, s9;
	s6 =	sadd.s32 @!p0 $0x88, s6;
	s7 =	simm.s32 @p2 $0x1082  }
0x22: {  	[simem:s7], [sflag:s8] =	dma.local @!p0 [hbm:s6], $0xF7A  }
0x23: {  	s9 =	sor.u32 $0xD0000000, s2;
	s6 =	simm.s32 $0x108;
	_ =	swait.ge @!p0 [sflag:s8], $0x0  }
0x24: {  	s3 =	sadd.s32 $0x88, s3;
	s6 =	simm.s32 @!p1 $0x1082;
	[sflag:s4] =	ssyncset.s32 $0xFFFFF086  }
0x25: {  	[simem:s6], [sflag:s4] =	dma.local [hbm:s3], $0xF7A  }
0x26: {  	[smem:$0x3F91] =	sst s1;
	(tag) =	ssettag s2;
	_ =	strace s9  }
0x27: {  	s1 =	sld [smem:$0x3FA1]  }
0x28: {  	s2 =	sld [smem:$0x3FA2]  }
0x29: {  	s4 =	sld [smem:$0x3FA4]  }
0x2a: {  	p0 =	seq.s32 s5, $0x0;
	s5 =	sld [smem:$0x3FA5]  }
0x2b: {  	s6 =	sld [smem:$0x3FA6]  }
0x2c: {  	s7 =	sld [smem:$0x3FA7]  }
0x2d: {  	s3 =	simm.s32 $0x108;
	s8 =	sld [smem:$0x3FA8]  }
0x2e: {  	s3 =	simm.s32 @!p0 $0x1082;
	s9 =	sld [smem:$0x3FA9]  }
0x2f: {  	lr =	sadd.s32 s0, s3;
	s0 =	sld [smem:$0x3FA0]  }
0x30: {  	s3 =	sld [smem:$0x3FA3]  }
0x31: {  	[smem:$0x3FAC] =	sst s10  }
0x32: {  	s10 =	sld [smem:$0x3FAA];
	_ =	sdelay $0x3  }
0x33: {  	p0 =	seq.s32 s10, $0x1;
	s10 =	sld [smem:$0x3FAC];
	_ =	sdelay $0x3  }
0x34: {  	[smem:$0x3FAC] =	sst s10  }
0x35: {  	s10 =	sld [smem:$0x3FAB];
	_ =	sdelay $0x3  }
0x36: {  	p1 =	seq.s32 s10, $0x1;
	s10 =	sld [smem:$0x3FAC];
	_ =	sdelay $0x3  }
0x37: {  	[smem:$0x3FAC] =	sst s10  }
0x38: {  	s10 =	sld [smem:$0x3FAD]  }
0x39: {  	_ = 	snop;
	(pc) =	sbr.ind lr, $3  }
0x3a: {  	_ = 	snop  }
0x3b: {  	_ = 	snop  }
0x3c: {  	p2 =	seq.s32 s10, $0x1;
	s10 =	sld [smem:$0x3FAC]  }
0x3d: {  	_ =	shalt  }
0x3e: {  	_ =	shalt  }
0x3f: {  	_ =	shalt  }
0x40: {  	_ =	shalt  }
0x41: {  	_ =	shalt  }
0x42: {  	_ =	shalt  }
0x43: {  	_ =	shalt  }
0x44: {  	_ =	shalt  }
0x45: {  	_ =	shalt  }
0x46: {  	_ =	shalt  }
0x47: {  	_ =	shalt  }
0x48: {  	_ =	shalt  }
0x49: {  	_ =	shalt  }
0x4a: {  	_ =	shalt  }
0x4b: {  	_ =	shalt  }
0x4c: {  	_ =	shalt  }
0x4d: {  	_ =	shalt  }
0x4e: {  	_ =	shalt  }
0x4f: {  	_ =	shalt  }
0x50: {  	_ =	shalt  }
0x51: {  	_ =	shalt  }
0x52: {  	_ =	shalt  }
0x53: {  	_ =	shalt  }
0x54: {  	_ =	shalt  }
0x55: {  	_ =	shalt  }
0x56: {  	_ =	shalt  }
0x57: {  	_ =	shalt  }
0x58: {  	_ =	shalt  }
0x59: {  	_ =	shalt  }
0x5a: {  	_ =	shalt  }
0x5b: {  	_ =	shalt  }
0x5c: {  	_ =	shalt  }
0x5d: {  	_ =	shalt  }
0x5e: {  	_ =	shalt  }
0x5f: {  	_ =	shalt  }
0x60: {  	_ =	shalt  }
0x61: {  	_ =	shalt  }
0x62: {  	_ =	shalt  }
0x63: {  	_ =	shalt  }
0x64: {  	_ =	shalt  }
0x65: {  	_ =	shalt  }
0x66: {  	_ =	shalt  }
0x67: {  	_ =	shalt  }
0x68: {  	_ =	shalt  }
0x69: {  	_ =	shalt  }
0x6a: {  	_ =	shalt  }
0x6b: {  	_ =	shalt  }
0x6c: {  	_ =	shalt  }
0x6d: {  	_ =	shalt  }
0x6e: {  	_ =	shalt  }
0x6f: {  	_ =	shalt  }
0x70: {  	_ =	shalt  }
0x71: {  	_ =	shalt  }
0x72: {  	_ =	shalt  }
0x73: {  	_ =	shalt  }
0x74: {  	_ =	shalt  }
0x75: {  	_ =	shalt  }
0x76: {  	_ =	shalt  }
0x77: {  	_ =	shalt  }
0x78: {  	_ =	shalt  }
0x79: {  	_ =	shalt  }
0x7a: {  	_ =	shalt  }
0x7b: {  	_ =	shalt  }
0x7c: {  	_ =	shalt  }
0x7d: {  	_ =	shalt  }
0x7e: {  	_ =	shalt  }
0x7f: {  	_ =	shalt  }
0x80: {  	_ =	shalt  }
0x81: {  	_ =	shalt  }
0x82: {  	_ =	shalt  }
0x83: {  	_ =	shalt  }
0x84: {  	_ =	shalt  }
0x85: {  	_ =	shalt  }
0x86: {  	_ =	shalt  }
0x87: {  	_ =	shalt  }
.Lfunc_end0:
.L_simem_size_0:
called_computation.1_lowered:
.L_overlay_start_0:
0x88: {  	s2 =	sld [smem:$0x3FD9]  }
0x89: {  	s3 =	sld [smem:$0x3FFE];
	_ =	sdelay $0x1  }
0x8a: {  	s1 =	srdreg.scid  }
0x8b: {  	s0 =	sand.u32 $0x1, s1  }
0x8c: {  	s16 =	sshll.u32 s0, $0xA;
	s2 =	sadd.s32 s3, s2  }
0x8d: {  	s2 =	sadd.s32 s2, s16  }
0x8e: {  	[smem:$0x3FB8] =	sst s2  }
0x8f: {  	_ = 	snop  }
0x90: {  	(tm) =	ssettm $0x1  }
0x91: {  	s17 =	sld [smem:$0x3FFB];
	_ =	sdelay $0x3  }
0x92: {  	_ =	strace s17  }
0x93: {  	s2 =	sld [smem:$0x3FFC];
	_ =	sdelay $0x3  }
0x94: {  	_ =	strace s2  }
0x95: {  	s2 =	sld [smem:$0x3FFD];
	_ =	sdelay $0x3  }
0x96: {  	_ =	strace s2  }
0x97: {  	_ =	strace $0x8FFFFFFF  }
0x98: {  	s18 =	sld [smem:$0x3FDB];
	_ =	sdelay $0x1  }
0x99: {  	s19 =	simm.s32 $_scs_section_size  }
0x9a: {  	s4 =	simm.s32 $_size__tile_overlayer_lowered;
	s5 =	simm.s32 $_tile_overlayer_lowered  }
0x9b: {  	s22 =	simm.s32 $0x1BFF;
	s21 =	sshll.u32 s5, $0x1;
	s2 =	sadd.s32 s19, s18  }
0x9c: {  	s6 =	simm.s32 $0x0;
	s20 =	sshll.u32 s4, $0x1;
	s4 =	sadd.s32 s21, s2  }
0x9d: {  	[timem:s6], [sflag:s22] =	dma.local [hbm:s4], s20  }
0x9e: {  	_ =	swait.ge [sflag:s22], s20  }
0x9f: {  	s3 =	ssub.s32 $0x0, s20;
	[sflag:s22] =	ssyncset.done $0x0  }
0xa0: {  	[sflag:s22] =	ssyncadd.s32 s3;
	_ =	sdelay $0x1  }
0xa1: {  	s23 =	simm.s32 $0x1B8B  }
0xa2: {  	_ =	swait.ge [sflag:s23], $0x1  }
0xa3: {  	[sflag:s23] =	ssyncset.done $0x0  }
0xa4: {  	s25 =	simm.s32 $0x1B8E;
	s24 =	sld [smem:$0x3FFE];
	[sflag:s23] =	ssyncadd.s32 $0xFFFFFFFF  }
0xa5: {  	s26 =	simm.s32 $execute0_lowered;
	[smem:$0x3FD2] =	sst s25  }
0xa6: {  	s4 =	sshll.u32 s26, $0x1;
	_ =	strace $0x80000049;
	[dreg:$0x1] =	wrdreg $0xFFFFFFFF  }
0xa7: {  	s28 =	simm.s32 $_size_execute0_lowered;
	s2 =	sadd.s32 s2, s4;
	[dreg:$0x0] =	wrdreg $0x0  }
0xa8: {  	s4 =	sshll.u32 s28, $0x1;
	[dreg:$0x2] =	wrdreg s2  }
0xa9: {  	[dreg:$0x3] =	wrdreg s4  }
0xaa: {  	[dreg:$0x4] =	wrdreg $0xC0  }
0xab: {  	_ =	task [dreg:s6], $0x5FFFF  }
0xac: {  	[dreg:$0x1] =	wrdreg $0xFFFFFFFF  }
0xad: {  	[dreg:$0x0] =	wrdreg $0x60  }
0xae: {  	[dreg:$0x2] =	wrdreg s24  }
0xaf: {  	[dreg:$0x3] =	wrdreg $0xB2000  }
0xb0: {  	[dreg:$0x4] =	wrdreg $0x9  }
0xb1: {  	_ =	task.clear_ibuf [dreg:s6], $0x5FFFF;
	_ =	strace $0x90000049  }
0xb2: {  	s29 =	simm.s32 $0x9;
	_ =	strace $0x8000004B  }
0xb3: {  	_ =	swait.ge [sflag:s29], $0x1  }
0xb4: {  	[sflag:s29] =	ssyncadd.s32 $0xFFFFFFFF  }
0xb5: {  	_ =	strace $0x9000004B  }
0xb6: {  	_ =	sfence  }
0xb7: {  	s30 =	sld [smem:$0x0];
	_ =	sdelay $0x2  }
0xb8: {  	s31 =	sshll.u32 s1, $0xD;
	s1 =	sshrl.u32 s1, $0x2  }
0xb9: {  	s3 =	sand.u32 $0x4000, s31;
	s1 =	sadd.s32 s1, s30  }
0xba: {  	s0 =	sor.u32 s3, s0;
	s1 =	sshll.u32 s1, $0x11  }
0xbb: {  	s0 =	sor.u32 s1, s0  }
0xbc: {  	s0 =	sadd.s32 $0x8F2B, s0  }
0xbd: {  	[sflag:s0] =	ssyncadd.remote.s32 $0x1  }
0xbe: {  	_ =	sfence.sel $0xFFFF  }
0xbf: {  	[dreg:$0x0] =	wrdreg $0xFFFFFFFF;
	(pc) =	sbr.abs _section_cstart, $3  }
0xc0: {  	[dreg:$0x1] =	wrdreg $0xFFFFFFFF  }
0xc1: {  	_ =	task.clear_ibuf [dreg:s6], $0x2FFFF;
	_ =	strace $0x9FFFFFFF  }
0xc2: {  	(tm) =	ssettm $0x7FFFFFFF  }
0xc3: {  	_ =	shalt  }
tec
execute0_lowered:
.L_overlay_start_1:
0x0: {  	(tag) =	ssettag $0x1  }
0x1: {  	s1 =	rddreg [dreg:$0x0];
	s7 =	stileid.u32  }
0x2: {  	s0 =	srdreg.scid;
	s2 =	rddreg [dreg:$0x1]  }
0x3: {  	s12 =	simm.s32 $0x0;
	s15 =	simm.s32 $0x6;
	s16 =	simm.s32 $0x3200  }
0x4: {  	s17 =	simm.s32 $0x1;
	s30 =	simm.s32 $0x2800;
	s19 =	simm.s32 $0x80  }
0x5: {  	s20 =	simm.s32 $0x7200;
	s21 =	simm.s32 $0x2;
	s3 =	smul.u32 $0x500, s7  }
0x6: {  	s22 =	simm.s32 $0x3;
	s10 =	simm.s32 $0x280;
	s6 =	smul.u32 $0x280, s7  }
0x7: {  	s23 =	simm.s32 $0x380;
	s5 =	sand.u32 $0x1, s0;
	s7 =	smul.u32 $0x50000, s7  }
0x8: {  	[smem:$0x7FF] =	sst s12;
	s0 =	smul.u32 $0x5000, s5;
	s3 =	sadd.s32 s3, s1  }
0x9: {  	_ =	strace $0x8000004A;
	s7 =	sshrl.u32 s7, $0x2;
	s24 =	sadd.s32 $0x25600, s3  }
0xa: {  	s5 =	ssub.s32 $0x2, s5;
	s7 =	sadd.s32 s7, s2;
	[dreg:$0x3] =	wrdreg s24  }
0xb: {  	s8 =	sshrl.u32 s5, $0x1;
	s3 =	sadd.s32 $0x20600, s3;
	[dreg:$0xc] =	wrdreg s7  }
0xc: {  	s5 =	ssub.s32 s5, s8;
	s25 =	sadd.s32 $0x10000, s7;
	[dreg:$0x8] =	wrdreg s3  }
0xd: {  	s4 =	sadd.s32 $0x2A600, s1;
	s29 =	smax.u32 s5, $0x1;
	[dreg:$0x4] =	wrdreg s25  }
0xe: {  	s6 =	sadd.s32 s6, s0;
	s14 =	sadd.s32 $0x4000, s7;
	[dreg:$0x7] =	wrdreg s29  }
0xf: {  	s6 =	sshll.u32 s6, $0x4;
	s28 =	sadd.s32 $0x8000, s7;
	[dreg:$0x9] =	wrdreg s14  }
0x10: {  	s31 =	sadd.s32 $0xC000, s7;
	s1 =	sadd.s32 s6, s1;
	[dreg:$0xa] =	wrdreg s28  }
0x11: {  	s13 =	simm.s32 $0x680;
	[dreg:$0xb] =	wrdreg s31;
	s26 =	sadd.s32 $0xCA600, s1  }
0x12: {  	s24 =	simm.s32 $0x4;
	s1 =	sadd.s32 $0xF2600, s1;
	[dreg:$0x5] =	wrdreg s26  }
0x13: {  	v1 =	vimm.f32 $0.0e+00;
	v0 =	vmov s0;
	[dreg:$0x6] =	wrdreg s1;
	s26 =	simm.s32 $0x5;
	s1 =	simm.s32 $0x0  }
.LBB2_1:
0x14: {  	[dreg:$0xd] =	wrdreg s1  }
0x15: {  	s0 =	rddreg [dreg:$0x3]  }
0x16: {  	[tilespmem:s12], [sflag:$0x6] =	stream.linear.gather [hbm4b:s0+s12], $0x2800, $0x38;
	[tilespmem:$0x1F200] =	vst v63  }
0x17: {  	_ =	swait.ge [sflag:s15], $0x2800  }
0x18: {  	[sflag:s15] =	ssyncset.done $0x0  }
0x19: {  	s1 =	simm.s32 $0x0;
	s0 =	simm.s32 $0x40;
	[sflag:s15] =	ssyncadd.s32 $0xFFFFD800  }
.LBB2_2:
0x1a: {  	p0 =	sne.s32 s0, $0x9FC0;
	v2 =	vld [tilespmem:s1+$0x0];
	_ =	sdelay $0x1  }
.Ltmp0:
0x1b: {  	(pc) =	sbr.rel @p0 .LBB2_2-.Ltmp0, $3  }
0x1c: {  	_ =	sdelay $0x1  }
0x1d: {  	v2 =	vadd.s32 v0, v2  }
0x1e: {  	[tilespmem:s1+$0x0] =	vst v2;
	s1 =	sshra.s32 s0, $0x2;
	s0 =	sadd.s32 $0x40, s0  }
0x1f: {  	v2 =	vld [tilespmem:s1+$0x0];
	_ =	sdelay $0x2  }
0x20: {  	s0 =	simm.s32 $0x0  }
0x21: {  	s6 =	sand.u32 $0xFE00, s0  }
0x22: {  	s12 =	sand.u32 $0x70, s0;
	s6 =	sshrl.u32 s6, $0x2;
	v2 =	vadd.s32 v0, v2  }
0x23: {  	s6 =	sor.u32 s12, s6;
	[tilespmem:s1+$0x0] =	vst v2;
	s1 =	simm.s32 $0x40  }
.LBB2_4:
0x24: {  	p0 =	sne.s32 s1, $0xFFC0  }
0x25: {  	[tilespmem:s6+$0x3200] =	vst v1;
	s0 =	sadd.s32 $0x10, s0;
	s6 =	smov.u32 s1;
	s1 =	sadd.s32 $0x40, s1  }
.Ltmp1:
0x26: {  	(pc) =	sbr.rel @p0 .LBB2_4-.Ltmp1, $4  }
0x27: {  	_ = 	snop  }
0x28: {  	s6 =	sand.u32 $0xFE00, s6  }
0x29: {  	s12 =	sand.u32 $0x70, s0;
	s6 =	sshrl.u32 s6, $0x2  }
0x2a: {  	s6 =	sor.u32 s12, s6  }
0x2b: {  	[tilespmem:s6+$0x3200] =	vst v1;
	s0 =	rddreg [dreg:$0xc]  }
0x2c: {  	[spmem:s0] =	stream.linear.scatter [tilespmem:s16], [sflag:$0x1], $0x4000, $0x38;
	[tilespmem:$0x1F200] =	vst v63  }
0x2d: {  	_ = 	snop  }
0x2e: {  	[spmem:s14] =	stream.linear.scatter [tilespmem:s16], [sflag:$0x1], $0x4000, $0x38;
	[tilespmem:$0x1F200] =	vst v63  }
0x2f: {  	_ = 	snop  }
0x30: {  	[spmem:s28] =	stream.linear.scatter [tilespmem:s16], [sflag:$0x1], $0x4000, $0x38;
	[tilespmem:$0x1F200] =	vst v63  }
0x31: {  	_ = 	snop  }
0x32: {  	[spmem:s31] =	stream.linear.scatter [tilespmem:s16], [sflag:$0x1], $0x4000, $0x38;
	[tilespmem:$0x1F200] =	vst v63  }
0x33: {  	s3 =	rddreg [dreg:$0x4]  }
0x34: {  	[spmem:s3] =	stream.linear.scatter [tilespmem:s16], [sflag:$0x1], $0x4000, $0x38;
	[tilespmem:$0x1F200] =	vst v63  }
0x35: {  	_ =	swait.ge [sflag:s17], $0x4000  }
0x36: {  	[sflag:s17] =	ssyncset.done $0x0  }
0x37: {  	[sflag:s17] =	ssyncadd.s32 $0xFFFFC000  }
0x38: {  	_ =	swait.ge [sflag:s17], $0x4000  }
0x39: {  	[sflag:s17] =	ssyncset.done $0x0  }
0x3a: {  	[sflag:s17] =	ssyncadd.s32 $0xFFFFC000  }
0x3b: {  	_ =	swait.ge [sflag:s17], $0x4000  }
0x3c: {  	[sflag:s17] =	ssyncset.done $0x0  }
0x3d: {  	[sflag:s17] =	ssyncadd.s32 $0xFFFFC000  }
0x3e: {  	_ =	swait.ge [sflag:s17], $0x4000  }
0x3f: {  	[sflag:s17] =	ssyncset.done $0x0  }
0x40: {  	[sflag:s17] =	ssyncadd.s32 $0xFFFFC000  }
0x41: {  	_ =	swait.ge [sflag:s17], $0x4000  }
0x42: {  	[sflag:s17] =	ssyncset.done $0x0  }
0x43: {  	[sflag:s17] =	ssyncadd.s32 $0xFFFFC000  }
0x44: {  	[bflag:$0x0] =	sbarrier.arrive $0xFFFF  }
0x45: {  	s12 =	simm.s32 $0x0;
	s11 =	rddreg [dreg:$0x8]  }
0x46: {  	[tilespmem:s30], [sflag:$0x6] =	stream.linear.gather [hbm4b:s11+s12], $0xA00, $0x38;
	[tilespmem:$0x1F200] =	vst v63  }
0x47: {  	_ =	swait.ge [sflag:s15], $0xA00  }
0x48: {  	[sflag:s15] =	ssyncset.done $0x0  }
0x49: {  	[sflag:s15] =	ssyncadd.s32 $0xFFFFF600  }
0x4a: {  	[tilespmem:s16], [sflag:$0x2] =	stream.indirect.gather [hbm4b:s4+s19], $0x80, s12, s19, $0xb8;
	[tilespmem:$0x1F200] =	vst v63  }
0x4b: {  	_ = 	snop  }
0x4c: {  	[tilespmem:s20], [sflag:$0x3] =	stream.indirect.gather [hbm4b:s4+s19], $0x80, s19, s19, $0xb8;
	[tilespmem:$0x1F200] =	vst v63  }
0x4d: {  	_ =	swait.ge [sflag:s21], $0x4000  }
0x4e: {  	[sflag:s21] =	ssyncset.done $0x0  }
0x4f: {  	[sflag:s21] =	ssyncadd.s32 $0xFFFFC000  }
0x50: {  	[spmem:s2] =	stream.indirect.scatter.add.f32 [tilespmem:s16], [sflag:$0x4], $0x80, s30, s19, $0xb8;
	[tilespmem:$0x1F200] =	vst v63  }
0x51: {  	_ =	swait.ge [sflag:s22], $0x4000  }
0x52: {  	[sflag:s22] =	ssyncset.done $0x0  }
0x53: {  	s5 =	simm.s32 $0x2880;
	[sflag:s22] =	ssyncadd.s32 $0xFFFFC000  }
0x54: {  	[spmem:s2] =	stream.indirect.scatter.add.f32 [tilespmem:s20], [sflag:$0x5], $0x80, s5, s19, $0xb8;
	[tilespmem:$0x1F200] =	vst v63  }
0x55: {  	_ =	swait.ge [sflag:s24], $0x4000  }
0x56: {  	[sflag:s24] =	ssyncset.done $0x0  }
0x57: {  	s6 =	simm.s32 $0x100;
	[sflag:s24] =	ssyncadd.s32 $0xFFFFC000  }
0x58: {  	[tilespmem:s16], [sflag:$0x2] =	stream.indirect.gather [hbm4b:s4+s19], $0x80, s6, s19, $0xb8;
	[tilespmem:$0x1F200] =	vst v63  }
0x59: {  	_ =	swait.ge [sflag:s26], $0x4000  }
0x5a: {  	[sflag:s26] =	ssyncset.done $0x0  }
0x5b: {  	s7 =	simm.s32 $0x180;
	[sflag:s26] =	ssyncadd.s32 $0xFFFFC000  }
0x5c: {  	[tilespmem:s20], [sflag:$0x3] =	stream.indirect.gather [hbm4b:s4+s19], $0x80, s7, s19, $0xb8;
	[tilespmem:$0x1F200] =	vst v63  }
0x5d: {  	_ =	swait.ge [sflag:s21], $0x4000  }
0x5e: {  	[sflag:s21] =	ssyncset.done $0x0  }
0x5f: {  	s8 =	simm.s32 $0x2900;
	[sflag:s21] =	ssyncadd.s32 $0xFFFFC000  }
0x60: {  	[spmem:s2] =	stream.indirect.scatter.add.f32 [tilespmem:s16], [sflag:$0x4], $0x80, s8, s19, $0xb8;
	[tilespmem:$0x1F200] =	vst v63  }
0x61: {  	_ =	swait.ge [sflag:s22], $0x4000  }
0x62: {  	[sflag:s22] =	ssyncset.done $0x0  }
0x63: {  	s9 =	simm.s32 $0x2980;
	[sflag:s22] =	ssyncadd.s32 $0xFFFFC000  }
0x64: {  	[spmem:s2] =	stream.indirect.scatter.add.f32 [tilespmem:s20], [sflag:$0x5], $0x80, s9, s19, $0xb8;
	[tilespmem:$0x1F200] =	vst v63  }
0x65: {  	_ =	swait.ge [sflag:s24], $0x4000  }
0x66: {  	[sflag:s24] =	ssyncset.done $0x0  }
0x67: {  	s14 =	simm.s32 $0x200;
	[sflag:s24] =	ssyncadd.s32 $0xFFFFC000  }
0x68: {  	[tilespmem:s16], [sflag:$0x2] =	stream.indirect.gather [hbm4b:s4+s19], $0x80, s14, s19, $0xb8;
	[tilespmem:$0x1F200] =	vst v63  }
0x69: {  	_ =	swait.ge [sflag:s26], $0x4000  }
0x6a: {  	[sflag:s26] =	ssyncset.done $0x0  }
0x6b: {  	[sflag:s26] =	ssyncadd.s32 $0xFFFFC000  }
0x6c: {  	[tilespmem:s20], [sflag:$0x3] =	stream.indirect.gather [hbm4b:s4+s19], $0x80, s10, s19, $0xb8;
	[tilespmem:$0x1F200] =	vst v63  }
0x6d: {  	_ =	swait.ge [sflag:s21], $0x4000  }
0x6e: {  	[sflag:s21] =	ssyncset.done $0x0  }
0x6f: {  	s18 =	simm.s32 $0x2A00;
	[sflag:s21] =	ssyncadd.s32 $0xFFFFC000  }
0x70: {  	[spmem:s2] =	stream.indirect.scatter.add.f32 [tilespmem:s16], [sflag:$0x4], $0x80, s18, s19, $0xb8;
	[tilespmem:$0x1F200] =	vst v63  }
0x71: {  	_ =	swait.ge [sflag:s22], $0x4000  }
0x72: {  	[sflag:s22] =	ssyncset.done $0x0  }
0x73: {  	s25 =	simm.s32 $0x2A80;
	[sflag:s22] =	ssyncadd.s32 $0xFFFFC000  }
0x74: {  	[spmem:s2] =	stream.indirect.scatter.add.f32 [tilespmem:s20], [sflag:$0x5], $0x80, s25, s19, $0xb8;
	[tilespmem:$0x1F200] =	vst v63  }
0x75: {  	_ =	swait.ge [sflag:s24], $0x4000  }
0x76: {  	[sflag:s24] =	ssyncset.done $0x0  }
0x77: {  	s28 =	simm.s32 $0x300;
	[sflag:s24] =	ssyncadd.s32 $0xFFFFC000  }
0x78: {  	[tilespmem:s16], [sflag:$0x2] =	stream.indirect.gather [hbm4b:s4+s19], $0x80, s28, s19, $0xb8;
	[tilespmem:$0x1F200] =	vst v63  }
0x79: {  	_ =	swait.ge [sflag:s26], $0x4000  }
0x7a: {  	[sflag:s26] =	ssyncset.done $0x0  }
0x7b: {  	[sflag:s26] =	ssyncadd.s32 $0xFFFFC000  }
0x7c: {  	[tilespmem:s20], [sflag:$0x3] =	stream.indirect.gather [hbm4b:s4+s19], $0x80, s23, s19, $0xb8;
	[tilespmem:$0x1F200] =	vst v63  }
0x7d: {  	_ =	swait.ge [sflag:s21], $0x4000  }
0x7e: {  	[sflag:s21] =	ssyncset.done $0x0  }
0x7f: {  	s29 =	simm.s32 $0x2B00;
	[sflag:s21] =	ssyncadd.s32 $0xFFFFC000  }
0x80: {  	[spmem:s2] =	stream.indirect.scatter.add.f32 [tilespmem:s16], [sflag:$0x4], $0x80, s29, s19, $0xb8;
	[tilespmem:$0x1F200] =	vst v63  }
0x81: {  	_ =	swait.ge [sflag:s22], $0x4000  }
0x82: {  	[sflag:s22] =	ssyncset.done $0x0  }
0x83: {  	s1 =	simm.s32 $0x2B80;
	[sflag:s22] =	ssyncadd.s32 $0xFFFFC000  }
0x84: {  	[spmem:s2] =	stream.indirect.scatter.add.f32 [tilespmem:s20], [sflag:$0x5], $0x80, s1, s19, $0xb8;
	[tilespmem:$0x1F200] =	vst v63  }
0x85: {  	_ =	swait.ge [sflag:s24], $0x4000  }
0x86: {  	[sflag:s24] =	ssyncset.done $0x0  }
0x87: {  	s3 =	simm.s32 $0x400;
	[sflag:s24] =	ssyncadd.s32 $0xFFFFC000  }
0x88: {  	[tilespmem:s16], [sflag:$0x2] =	stream.indirect.gather [hbm4b:s4+s19], $0x80, s3, s19, $0xb8;
	[tilespmem:$0x1F200] =	vst v63  }
0x89: {  	_ =	swait.ge [sflag:s26], $0x4000  }
0x8a: {  	[sflag:s26] =	ssyncset.done $0x0  }
0x8b: {  	s5 =	simm.s32 $0x480;
	[sflag:s26] =	ssyncadd.s32 $0xFFFFC000  }
0x8c: {  	[tilespmem:s20], [sflag:$0x3] =	stream.indirect.gather [hbm4b:s4+s19], $0x80, s5, s19, $0xb8;
	[tilespmem:$0x1F200] =	vst v63  }
0x8d: {  	_ =	swait.ge [sflag:s21], $0x4000  }
0x8e: {  	[sflag:s21] =	ssyncset.done $0x0  }
0x8f: {  	s6 =	simm.s32 $0x2C00;
	[sflag:s21] =	ssyncadd.s32 $0xFFFFC000  }
0x90: {  	[spmem:s2] =	stream.indirect.scatter.add.f32 [tilespmem:s16], [sflag:$0x4], $0x80, s6, s19, $0xb8;
	[tilespmem:$0x1F200] =	vst v63  }
0x91: {  	_ =	swait.ge [sflag:s22], $0x4000  }
0x92: {  	[sflag:s22] =	ssyncset.done $0x0  }
0x93: {  	s7 =	simm.s32 $0x2C80;
	[sflag:s22] =	ssyncadd.s32 $0xFFFFC000  }
0x94: {  	[spmem:s2] =	stream.indirect.scatter.add.f32 [tilespmem:s20], [sflag:$0x5], $0x80, s7, s19, $0xb8;
	[tilespmem:$0x1F200] =	vst v63  }
0x95: {  	_ =	swait.ge [sflag:s24], $0x4000  }
0x96: {  	[sflag:s24] =	ssyncset.done $0x0  }
0x97: {  	s25 =	simm.s32 $0x500;
	[sflag:s24] =	ssyncadd.s32 $0xFFFFC000  }
0x98: {  	[tilespmem:s16], [sflag:$0x2] =	stream.indirect.gather [hbm4b:s4+s19], $0x80, s25, s19, $0xb8;
	[tilespmem:$0x1F200] =	vst v63  }
0x99: {  	_ =	swait.ge [sflag:s26], $0x4000  }
0x9a: {  	[sflag:s26] =	ssyncset.done $0x0  }
0x9b: {  	s8 =	simm.s32 $0x580;
	[sflag:s26] =	ssyncadd.s32 $0xFFFFC000  }
0x9c: {  	[tilespmem:s20], [sflag:$0x3] =	stream.indirect.gather [hbm4b:s4+s19], $0x80, s8, s19, $0xb8;
	[tilespmem:$0x1F200] =	vst v63  }
0x9d: {  	_ =	swait.ge [sflag:s21], $0x4000  }
0x9e: {  	[sflag:s21] =	ssyncset.done $0x0  }
0x9f: {  	s9 =	simm.s32 $0x2D00;
	[sflag:s21] =	ssyncadd.s32 $0xFFFFC000  }
0xa0: {  	[spmem:s2] =	stream.indirect.scatter.add.f32 [tilespmem:s16], [sflag:$0x4], $0x80, s9, s19, $0xb8;
	[tilespmem:$0x1F200] =	vst v63  }
0xa1: {  	_ =	swait.ge [sflag:s22], $0x4000  }
0xa2: {  	[sflag:s22] =	ssyncset.done $0x0  }
0xa3: {  	s10 =	simm.s32 $0x2D80;
	[sflag:s22] =	ssyncadd.s32 $0xFFFFC000  }
0xa4: {  	[spmem:s2] =	stream.indirect.scatter.add.f32 [tilespmem:s20], [sflag:$0x5], $0x80, s10, s19, $0xb8;
	[tilespmem:$0x1F200] =	vst v63  }
0xa5: {  	_ =	swait.ge [sflag:s24], $0x4000  }
0xa6: {  	[sflag:s24] =	ssyncset.done $0x0  }
0xa7: {  	s31 =	simm.s32 $0x600;
	[sflag:s24] =	ssyncadd.s32 $0xFFFFC000  }
0xa8: {  	[tilespmem:s16], [sflag:$0x2] =	stream.indirect.gather [hbm4b:s4+s19], $0x80, s31, s19, $0xb8;
	[tilespmem:$0x1F200] =	vst v63  }
0xa9: {  	_ =	swait.ge [sflag:s26], $0x4000  }
0xaa: {  	[sflag:s26] =	ssyncset.done $0x0  }
0xab: {  	[sflag:s26] =	ssyncadd.s32 $0xFFFFC000  }
0xac: {  	[tilespmem:s20], [sflag:$0x3] =	stream.indirect.gather [hbm4b:s4+s19], $0x80, s13, s19, $0xb8;
	[tilespmem:$0x1F200] =	vst v63  }
0xad: {  	_ =	swait.ge [sflag:s21], $0x4000  }
0xae: {  	[sflag:s21] =	ssyncset.done $0x0  }
0xaf: {  	s13 =	simm.s32 $0x2E00;
	[sflag:s21] =	ssyncadd.s32 $0xFFFFC000  }
0xb0: {  	[spmem:s2] =	stream.indirect.scatter.add.f32 [tilespmem:s16], [sflag:$0x4], $0x80, s13, s19, $0xb8;
	[tilespmem:$0x1F200] =	vst v63  }
0xb1: {  	_ =	swait.ge [sflag:s22], $0x4000  }
0xb2: {  	[sflag:s22] =	ssyncset.done $0x0  }
0xb3: {  	s14 =	simm.s32 $0x2E80;
	[sflag:s22] =	ssyncadd.s32 $0xFFFFC000  }
0xb4: {  	[spmem:s2] =	stream.indirect.scatter.add.f32 [tilespmem:s20], [sflag:$0x5], $0x80, s14, s19, $0xb8;
	[tilespmem:$0x1F200] =	vst v63  }
0xb5: {  	_ =	swait.ge [sflag:s24], $0x4000  }
0xb6: {  	[sflag:s24] =	ssyncset.done $0x0  }
0xb7: {  	s31 =	simm.s32 $0x700;
	[sflag:s24] =	ssyncadd.s32 $0xFFFFC000  }
0xb8: {  	[tilespmem:s16], [sflag:$0x2] =	stream.indirect.gather [hbm4b:s4+s19], $0x80, s31, s19, $0xb8;
	[tilespmem:$0x1F200] =	vst v63  }
0xb9: {  	_ =	swait.ge [sflag:s26], $0x4000  }
0xba: {  	[sflag:s26] =	ssyncset.done $0x0  }
0xbb: {  	s31 =	simm.s32 $0x780;
	[sflag:s26] =	ssyncadd.s32 $0xFFFFC000  }
0xbc: {  	[tilespmem:s20], [sflag:$0x3] =	stream.indirect.gather [hbm4b:s4+s19], $0x80, s31, s19, $0xb8;
	[tilespmem:$0x1F200] =	vst v63  }
0xbd: {  	_ =	swait.ge [sflag:s21], $0x4000  }
0xbe: {  	[sflag:s21] =	ssyncset.done $0x0  }
0xbf: {  	s18 =	simm.s32 $0x2F00;
	[sflag:s21] =	ssyncadd.s32 $0xFFFFC000  }
0xc0: {  	[spmem:s2] =	stream.indirect.scatter.add.f32 [tilespmem:s16], [sflag:$0x4], $0x80, s18, s19, $0xb8;
	[tilespmem:$0x1F200] =	vst v63  }
0xc1: {  	_ =	swait.ge [sflag:s22], $0x4000  }
0xc2: {  	[sflag:s22] =	ssyncset.done $0x0  }
0xc3: {  	s23 =	simm.s32 $0x2F80;
	[sflag:s22] =	ssyncadd.s32 $0xFFFFC000  }
0xc4: {  	[spmem:s2] =	stream.indirect.scatter.add.f32 [tilespmem:s20], [sflag:$0x5], $0x80, s23, s19, $0xb8;
	[tilespmem:$0x1F200] =	vst v63  }
0xc5: {  	_ =	swait.ge [sflag:s24], $0x4000  }
0xc6: {  	[sflag:s24] =	ssyncset.done $0x0  }
0xc7: {  	s8 =	simm.s32 $0x800;
	[sflag:s24] =	ssyncadd.s32 $0xFFFFC000  }
0xc8: {  	[tilespmem:s16], [sflag:$0x2] =	stream.indirect.gather [hbm4b:s4+s19], $0x80, s8, s19, $0xb8;
	[tilespmem:$0x1F200] =	vst v63  }
0xc9: {  	_ =	swait.ge [sflag:s26], $0x4000  }
0xca: {  	[sflag:s26] =	ssyncset.done $0x0  }
0xcb: {  	s25 =	simm.s32 $0x880;
	[sflag:s26] =	ssyncadd.s32 $0xFFFFC000  }
0xcc: {  	[tilespmem:s20], [sflag:$0x3] =	stream.indirect.gather [hbm4b:s4+s19], $0x80, s25, s19, $0xb8;
	[tilespmem:$0x1F200] =	vst v63  }
0xcd: {  	_ =	swait.ge [sflag:s21], $0x4000  }
0xce: {  	[sflag:s21] =	ssyncset.done $0x0  }
0xcf: {  	s28 =	simm.s32 $0x3000;
	[sflag:s21] =	ssyncadd.s32 $0xFFFFC000  }
0xd0: {  	[spmem:s2] =	stream.indirect.scatter.add.f32 [tilespmem:s16], [sflag:$0x4], $0x80, s28, s19, $0xb8;
	[tilespmem:$0x1F200] =	vst v63  }
0xd1: {  	_ =	swait.ge [sflag:s22], $0x4000  }
0xd2: {  	[sflag:s22] =	ssyncset.done $0x0  }
0xd3: {  	s29 =	simm.s32 $0x3080;
	[sflag:s22] =	ssyncadd.s32 $0xFFFFC000  }
0xd4: {  	[spmem:s2] =	stream.indirect.scatter.add.f32 [tilespmem:s20], [sflag:$0x5], $0x80, s29, s19, $0xb8;
	[tilespmem:$0x1F200] =	vst v63  }
0xd5: {  	_ =	swait.ge [sflag:s24], $0x4000  }
0xd6: {  	[sflag:s24] =	ssyncset.done $0x0  }
0xd7: {  	s1 =	simm.s32 $0x900;
	[sflag:s24] =	ssyncadd.s32 $0xFFFFC000  }
0xd8: {  	[tilespmem:s16], [sflag:$0x2] =	stream.indirect.gather [hbm4b:s4+s19], $0x80, s1, s19, $0xb8;
	[tilespmem:$0x1F200] =	vst v63  }
0xd9: {  	_ =	swait.ge [sflag:s26], $0x4000  }
0xda: {  	[sflag:s26] =	ssyncset.done $0x0  }
0xdb: {  	s3 =	simm.s32 $0x980;
	[sflag:s26] =	ssyncadd.s32 $0xFFFFC000  }
0xdc: {  	[tilespmem:s20], [sflag:$0x3] =	stream.indirect.gather [hbm4b:s4+s19], $0x80, s3, s19, $0xb8;
	[tilespmem:$0x1F200] =	vst v63  }
0xdd: {  	_ =	swait.ge [sflag:s21], $0x4000  }
0xde: {  	[sflag:s21] =	ssyncset.done $0x0  }
0xdf: {  	s5 =	simm.s32 $0x3100;
	[sflag:s21] =	ssyncadd.s32 $0xFFFFC000  }
0xe0: {  	[spmem:s2] =	stream.indirect.scatter.add.f32 [tilespmem:s16], [sflag:$0x4], $0x80, s5, s19, $0xb8;
	[tilespmem:$0x1F200] =	vst v63  }
0xe1: {  	_ =	swait.ge [sflag:s22], $0x4000  }
0xe2: {  	[sflag:s22] =	ssyncset.done $0x0  }
0xe3: {  	s6 =	simm.s32 $0x3180;
	[sflag:s22] =	ssyncadd.s32 $0xFFFFC000  }
0xe4: {  	[spmem:s2] =	stream.indirect.scatter.add.f32 [tilespmem:s20], [sflag:$0x5], $0x80, s6, s19, $0xb8;
	[tilespmem:$0x1F200] =	vst v63  }
0xe5: {  	_ =	swait.ge [sflag:s24], $0x4000  }
0xe6: {  	[sflag:s24] =	ssyncset.done $0x0  }
0xe7: {  	[sflag:s24] =	ssyncadd.s32 $0xFFFFC000  }
0xe8: {  	_ =	swait.ge [sflag:s26], $0x4000  }
0xe9: {  	s8 =	sadd.s32 $0x140, s11;
	[sflag:s26] =	ssyncset.done $0x0  }
0xea: {  	[dreg:$0xe] =	wrdreg s8;
	[sflag:s26] =	ssyncadd.s32 $0xFFFFC000  }
0xeb: {  	[tilespmem:s30], [sflag:$0x6] =	stream.linear.gather [hbm4b:s8+s12], $0xA00, $0x38;
	[tilespmem:$0x1F200] =	vst v63  }
0xec: {  	_ =	swait.ge [sflag:s15], $0xA00  }
0xed: {  	[sflag:s15] =	ssyncset.done $0x0  }
0xee: {  	s9 =	simm.s32 $0xA00;
	[sflag:s15] =	ssyncadd.s32 $0xFFFFF600  }
0xef: {  	[tilespmem:s16], [sflag:$0x2] =	stream.indirect.gather [hbm4b:s4+s19], $0x80, s9, s19, $0xb8;
	[tilespmem:$0x1F200] =	vst v63  }
0xf0: {  	s10 =	simm.s32 $0xA80  }
0xf1: {  	[tilespmem:s20], [sflag:$0x3] =	stream.indirect.gather [hbm4b:s4+s19], $0x80, s10, s19, $0xb8;
	[tilespmem:$0x1F200] =	vst v63  }
0xf2: {  	_ =	swait.ge [sflag:s21], $0x4000  }
0xf3: {  	[sflag:s21] =	ssyncset.done $0x0  }
0xf4: {  	[sflag:s21] =	ssyncadd.s32 $0xFFFFC000  }
0xf5: {  	[spmem:s2] =	stream.indirect.scatter.add.f32 [tilespmem:s16], [sflag:$0x4], $0x80, s30, s19, $0xb8;
	[tilespmem:$0x1F200] =	vst v63  }
0xf6: {  	_ =	swait.ge [sflag:s22], $0x4000  }
0xf7: {  	[sflag:s22] =	ssyncset.done $0x0  }
0xf8: {  	s9 =	simm.s32 $0x2880;
	[sflag:s22] =	ssyncadd.s32 $0xFFFFC000  }
0xf9: {  	[spmem:s2] =	stream.indirect.scatter.add.f32 [tilespmem:s20], [sflag:$0x5], $0x80, s9, s19, $0xb8;
	[tilespmem:$0x1F200] =	vst v63  }
0xfa: {  	_ =	swait.ge [sflag:s24], $0x4000  }
0xfb: {  	[sflag:s24] =	ssyncset.done $0x0  }
0xfc: {  	s13 =	simm.s32 $0xB00;
	[sflag:s24] =	ssyncadd.s32 $0xFFFFC000  }
0xfd: {  	[tilespmem:s16], [sflag:$0x2] =	stream.indirect.gather [hbm4b:s4+s19], $0x80, s13, s19, $0xb8;
	[tilespmem:$0x1F200] =	vst v63  }
0xfe: {  	_ =	swait.ge [sflag:s26], $0x4000  }
0xff: {  	[sflag:s26] =	ssyncset.done $0x0  }
0x100: {  	s14 =	simm.s32 $0xB80;
	[sflag:s26] =	ssyncadd.s32 $0xFFFFC000  }
0x101: {  	[tilespmem:s20], [sflag:$0x3] =	stream.indirect.gather [hbm4b:s4+s19], $0x80, s14, s19, $0xb8;
	[tilespmem:$0x1F200] =	vst v63  }
0x102: {  	_ =	swait.ge [sflag:s21], $0x4000  }
0x103: {  	[sflag:s21] =	ssyncset.done $0x0  }
0x104: {  	s30 =	simm.s32 $0x2900;
	[sflag:s21] =	ssyncadd.s32 $0xFFFFC000  }
0x105: {  	[spmem:s2] =	stream.indirect.scatter.add.f32 [tilespmem:s16], [sflag:$0x4], $0x80, s30, s19, $0xb8;
	[tilespmem:$0x1F200] =	vst v63  }
0x106: {  	_ =	swait.ge [sflag:s22], $0x4000  }
0x107: {  	[sflag:s22] =	ssyncset.done $0x0  }
0x108: {  	s13 =	simm.s32 $0x2980;
	[sflag:s22] =	ssyncadd.s32 $0xFFFFC000  }
0x109: {  	[spmem:s2] =	stream.indirect.scatter.add.f32 [tilespmem:s20], [sflag:$0x5], $0x80, s13, s19, $0xb8;
	[tilespmem:$0x1F200] =	vst v63  }
0x10a: {  	_ =	swait.ge [sflag:s24], $0x4000  }
0x10b: {  	[sflag:s24] =	ssyncset.done $0x0  }
0x10c: {  	s18 =	simm.s32 $0xC00;
	[sflag:s24] =	ssyncadd.s32 $0xFFFFC000  }
0x10d: {  	[tilespmem:s16], [sflag:$0x2] =	stream.indirect.gather [hbm4b:s4+s19], $0x80, s18, s19, $0xb8;
	[tilespmem:$0x1F200] =	vst v63  }
0x10e: {  	_ =	swait.ge [sflag:s26], $0x4000  }
0x10f: {  	[sflag:s26] =	ssyncset.done $0x0  }
0x110: {  	s23 =	simm.s32 $0xC80;
	[sflag:s26] =	ssyncadd.s32 $0xFFFFC000  }
0x111: {  	[tilespmem:s20], [sflag:$0x3] =	stream.indirect.gather [hbm4b:s4+s19], $0x80, s23, s19, $0xb8;
	[tilespmem:$0x1F200] =	vst v63  }
0x112: {  	_ =	swait.ge [sflag:s21], $0x4000  }
0x113: {  	[sflag:s21] =	ssyncset.done $0x0  }
0x114: {  	s8 =	simm.s32 $0x2A00;
	[sflag:s21] =	ssyncadd.s32 $0xFFFFC000  }
0x115: {  	[spmem:s2] =	stream.indirect.scatter.add.f32 [tilespmem:s16], [sflag:$0x4], $0x80, s8, s19, $0xb8;
	[tilespmem:$0x1F200] =	vst v63  }
0x116: {  	_ =	swait.ge [sflag:s22], $0x4000  }
0x117: {  	[sflag:s22] =	ssyncset.done $0x0  }
0x118: {  	s3 =	simm.s32 $0x2A80;
	[sflag:s22] =	ssyncadd.s32 $0xFFFFC000  }
0x119: {  	[spmem:s2] =	stream.indirect.scatter.add.f32 [tilespmem:s20], [sflag:$0x5], $0x80, s3, s19, $0xb8;
	[tilespmem:$0x1F200] =	vst v63  }
0x11a: {  	_ =	swait.ge [sflag:s24], $0x4000  }
0x11b: {  	[sflag:s24] =	ssyncset.done $0x0  }
0x11c: {  	s25 =	simm.s32 $0xD00;
	[sflag:s24] =	ssyncadd.s32 $0xFFFFC000  }
0x11d: {  	[tilespmem:s16], [sflag:$0x2] =	stream.indirect.gather [hbm4b:s4+s19], $0x80, s25, s19, $0xb8;
	[tilespmem:$0x1F200] =	vst v63  }
0x11e: {  	_ =	swait.ge [sflag:s26], $0x4000  }
0x11f: {  	[sflag:s26] =	ssyncset.done $0x0  }
0x120: {  	s29 =	simm.s32 $0xD80;
	[sflag:s26] =	ssyncadd.s32 $0xFFFFC000  }
0x121: {  	[tilespmem:s20], [sflag:$0x3] =	stream.indirect.gather [hbm4b:s4+s19], $0x80, s29, s19, $0xb8;
	[tilespmem:$0x1F200] =	vst v63  }
0x122: {  	_ =	swait.ge [sflag:s21], $0x4000  }
0x123: {  	[sflag:s21] =	ssyncset.done $0x0  }
0x124: {  	s29 =	simm.s32 $0x2B00;
	[sflag:s21] =	ssyncadd.s32 $0xFFFFC000  }
0x125: {  	[spmem:s2] =	stream.indirect.scatter.add.f32 [tilespmem:s16], [sflag:$0x4], $0x80, s29, s19, $0xb8;
	[tilespmem:$0x1F200] =	vst v63  }
0x126: {  	_ =	swait.ge [sflag:s22], $0x4000  }
0x127: {  	[sflag:s22] =	ssyncset.done $0x0  }
0x128: {  	s14 =	simm.s32 $0x2B80;
	[sflag:s22] =	ssyncadd.s32 $0xFFFFC000  }
0x129: {  	[spmem:s2] =	stream.indirect.scatter.add.f32 [tilespmem:s20], [sflag:$0x5], $0x80, s14, s19, $0xb8;
	[tilespmem:$0x1F200] =	vst v63  }
0x12a: {  	_ =	swait.ge [sflag:s24], $0x4000  }
0x12b: {  	[sflag:s24] =	ssyncset.done $0x0  }
0x12c: {  	s5 =	simm.s32 $0xE00;
	[sflag:s24] =	ssyncadd.s32 $0xFFFFC000  }
0x12d: {  	[tilespmem:s16], [sflag:$0x2] =	stream.indirect.gather [hbm4b:s4+s19], $0x80, s5, s19, $0xb8;
	[tilespmem:$0x1F200] =	vst v63  }
0x12e: {  	_ =	swait.ge [sflag:s26], $0x4000  }
0x12f: {  	[sflag:s26] =	ssyncset.done $0x0  }
0x130: {  	s6 =	simm.s32 $0xE80;
	[sflag:s26] =	ssyncadd.s32 $0xFFFFC000  }
0x131: {  	[tilespmem:s20], [sflag:$0x3] =	stream.indirect.gather [hbm4b:s4+s19], $0x80, s6, s19, $0xb8;
	[tilespmem:$0x1F200] =	vst v63  }
0x132: {  	_ =	swait.ge [sflag:s21], $0x4000  }
0x133: {  	[sflag:s21] =	ssyncset.done $0x0  }
0x134: {  	s18 =	simm.s32 $0x2C00;
	[sflag:s21] =	ssyncadd.s32 $0xFFFFC000  }
0x135: {  	[spmem:s2] =	stream.indirect.scatter.add.f32 [tilespmem:s16], [sflag:$0x4], $0x80, s18, s19, $0xb8;
	[tilespmem:$0x1F200] =	vst v63  }
0x136: {  	_ =	swait.ge [sflag:s22], $0x4000  }
0x137: {  	[sflag:s22] =	ssyncset.done $0x0  }
0x138: {  	s25 =	simm.s32 $0x2C80;
	[sflag:s22] =	ssyncadd.s32 $0xFFFFC000  }
0x139: {  	[spmem:s2] =	stream.indirect.scatter.add.f32 [tilespmem:s20], [sflag:$0x5], $0x80, s25, s19, $0xb8;
	[tilespmem:$0x1F200] =	vst v63  }
0x13a: {  	_ =	swait.ge [sflag:s24], $0x4000  }
0x13b: {  	[sflag:s24] =	ssyncset.done $0x0  }
0x13c: {  	s10 =	simm.s32 $0xF00;
	[sflag:s24] =	ssyncadd.s32 $0xFFFFC000  }
0x13d: {  	[tilespmem:s16], [sflag:$0x2] =	stream.indirect.gather [hbm4b:s4+s19], $0x80, s10, s19, $0xb8;
	[tilespmem:$0x1F200] =	vst v63  }
0x13e: {  	_ =	swait.ge [sflag:s26], $0x4000  }
0x13f: {  	[sflag:s26] =	ssyncset.done $0x0  }
0x140: {  	s23 =	simm.s32 $0xF80;
	[sflag:s26] =	ssyncadd.s32 $0xFFFFC000  }
0x141: {  	[tilespmem:s20], [sflag:$0x3] =	stream.indirect.gather [hbm4b:s4+s19], $0x80, s23, s19, $0xb8;
	[tilespmem:$0x1F200] =	vst v63  }
0x142: {  	_ =	swait.ge [sflag:s21], $0x4000  }
0x143: {  	[sflag:s21] =	ssyncset.done $0x0  }
0x144: {  	s23 =	simm.s32 $0x2D00;
	[sflag:s21] =	ssyncadd.s32 $0xFFFFC000  }
0x145: {  	[spmem:s2] =	stream.indirect.scatter.add.f32 [tilespmem:s16], [sflag:$0x4], $0x80, s23, s19, $0xb8;
	[tilespmem:$0x1F200] =	vst v63  }
0x146: {  	_ =	swait.ge [sflag:s22], $0x4000  }
0x147: {  	[sflag:s22] =	ssyncset.done $0x0  }
0x148: {  	s6 =	simm.s32 $0x2D80;
	[sflag:s22] =	ssyncadd.s32 $0xFFFFC000  }
0x149: {  	[spmem:s2] =	stream.indirect.scatter.add.f32 [tilespmem:s20], [sflag:$0x5], $0x80, s6, s19, $0xb8;
	[tilespmem:$0x1F200] =	vst v63  }
0x14a: {  	_ =	swait.ge [sflag:s24], $0x4000  }
0x14b: {  	[sflag:s24] =	ssyncset.done $0x0  }
0x14c: {  	s5 =	simm.s32 $0x1000;
	[sflag:s24] =	ssyncadd.s32 $0xFFFFC000  }
0x14d: {  	[tilespmem:s16], [sflag:$0x2] =	stream.indirect.gather [hbm4b:s4+s19], $0x80, s5, s19, $0xb8;
	[tilespmem:$0x1F200] =	vst v63  }
0x14e: {  	_ =	swait.ge [sflag:s26], $0x4000  }
0x14f: {  	[sflag:s26] =	ssyncset.done $0x0  }
0x150: {  	s10 =	simm.s32 $0x1080;
	[sflag:s26] =	ssyncadd.s32 $0xFFFFC000  }
0x151: {  	[tilespmem:s20], [sflag:$0x3] =	stream.indirect.gather [hbm4b:s4+s19], $0x80, s10, s19, $0xb8;
	[tilespmem:$0x1F200] =	vst v63  }
0x152: {  	_ =	swait.ge [sflag:s21], $0x4000  }
0x153: {  	[sflag:s21] =	ssyncset.done $0x0  }
0x154: {  	s10 =	simm.s32 $0x2E00;
	[sflag:s21] =	ssyncadd.s32 $0xFFFFC000  }
0x155: {  	[spmem:s2] =	stream.indirect.scatter.add.f32 [tilespmem:s16], [sflag:$0x4], $0x80, s10, s19, $0xb8;
	[tilespmem:$0x1F200] =	vst v63  }
0x156: {  	_ =	swait.ge [sflag:s22], $0x4000  }
0x157: {  	[sflag:s22] =	ssyncset.done $0x0  }
0x158: {  	s5 =	simm.s32 $0x2E80;
	[sflag:s22] =	ssyncadd.s32 $0xFFFFC000  }
0x159: {  	[spmem:s2] =	stream.indirect.scatter.add.f32 [tilespmem:s20], [sflag:$0x5], $0x80, s5, s19, $0xb8;
	[tilespmem:$0x1F200] =	vst v63  }
0x15a: {  	_ =	swait.ge [sflag:s24], $0x4000  }
0x15b: {  	[sflag:s24] =	ssyncset.done $0x0  }
0x15c: {  	s0 =	simm.s32 $0x1100;
	[sflag:s24] =	ssyncadd.s32 $0xFFFFC000  }
0x15d: {  	[tilespmem:s16], [sflag:$0x2] =	stream.indirect.gather [hbm4b:s4+s19], $0x80, s0, s19, $0xb8;
	[tilespmem:$0x1F200] =	vst v63  }
0x15e: {  	_ =	swait.ge [sflag:s26], $0x4000  }
0x15f: {  	[sflag:s26] =	ssyncset.done $0x0  }
0x160: {  	s0 =	simm.s32 $0x1180;
	[sflag:s26] =	ssyncadd.s32 $0xFFFFC000  }
0x161: {  	[tilespmem:s20], [sflag:$0x3] =	stream.indirect.gather [hbm4b:s4+s19], $0x80, s0, s19, $0xb8;
	[tilespmem:$0x1F200] =	vst v63  }
0x162: {  	_ =	swait.ge [sflag:s21], $0x4000  }
0x163: {  	[sflag:s21] =	ssyncset.done $0x0  }
0x164: {  	s7 =	simm.s32 $0x2F00;
	[sflag:s21] =	ssyncadd.s32 $0xFFFFC000  }
0x165: {  	[spmem:s2] =	stream.indirect.scatter.add.f32 [tilespmem:s16], [sflag:$0x4], $0x80, s7, s19, $0xb8;
	[tilespmem:$0x1F200] =	vst v63  }
0x166: {  	_ =	swait.ge [sflag:s22], $0x4000  }
0x167: {  	[sflag:s22] =	ssyncset.done $0x0  }
0x168: {  	s7 =	simm.s32 $0x2F80;
	[sflag:s22] =	ssyncadd.s32 $0xFFFFC000  }
0x169: {  	[spmem:s2] =	stream.indirect.scatter.add.f32 [tilespmem:s20], [sflag:$0x5], $0x80, s7, s19, $0xb8;
	[tilespmem:$0x1F200] =	vst v63  }
0x16a: {  	_ =	swait.ge [sflag:s24], $0x4000  }
0x16b: {  	[sflag:s24] =	ssyncset.done $0x0  }
0x16c: {  	s0 =	simm.s32 $0x1200;
	[sflag:s24] =	ssyncadd.s32 $0xFFFFC000  }
0x16d: {  	[tilespmem:s16], [sflag:$0x2] =	stream.indirect.gather [hbm4b:s4+s19], $0x80, s0, s19, $0xb8;
	[tilespmem:$0x1F200] =	vst v63  }
0x16e: {  	_ =	swait.ge [sflag:s26], $0x4000  }
0x16f: {  	[sflag:s26] =	ssyncset.done $0x0  }
0x170: {  	s0 =	simm.s32 $0x1280;
	[sflag:s26] =	ssyncadd.s32 $0xFFFFC000  }
0x171: {  	[tilespmem:s20], [sflag:$0x3] =	stream.indirect.gather [hbm4b:s4+s19], $0x80, s0, s19, $0xb8;
	[tilespmem:$0x1F200] =	vst v63  }
0x172: {  	_ =	swait.ge [sflag:s21], $0x4000  }
0x173: {  	[sflag:s21] =	ssyncset.done $0x0  }
0x174: {  	s31 =	simm.s32 $0x3000;
	[sflag:s21] =	ssyncadd.s32 $0xFFFFC000  }
0x175: {  	[spmem:s2] =	stream.indirect.scatter.add.f32 [tilespmem:s16], [sflag:$0x4], $0x80, s31, s19, $0xb8;
	[tilespmem:$0x1F200] =	vst v63  }
0x176: {  	_ =	swait.ge [sflag:s22], $0x4000  }
0x177: {  	[sflag:s22] =	ssyncset.done $0x0  }
0x178: {  	s28 =	simm.s32 $0x3080;
	[sflag:s22] =	ssyncadd.s32 $0xFFFFC000  }
0x179: {  	[spmem:s2] =	stream.indirect.scatter.add.f32 [tilespmem:s20], [sflag:$0x5], $0x80, s28, s19, $0xb8;
	[tilespmem:$0x1F200] =	vst v63  }
0x17a: {  	_ =	swait.ge [sflag:s24], $0x4000  }
0x17b: {  	[sflag:s24] =	ssyncset.done $0x0  }
0x17c: {  	s28 =	simm.s32 $0x1300;
	[sflag:s24] =	ssyncadd.s32 $0xFFFFC000  }
0x17d: {  	[tilespmem:s16], [sflag:$0x2] =	stream.indirect.gather [hbm4b:s4+s19], $0x80, s28, s19, $0xb8;
	[tilespmem:$0x1F200] =	vst v63  }
0x17e: {  	_ =	swait.ge [sflag:s26], $0x4000  }
0x17f: {  	[sflag:s26] =	ssyncset.done $0x0  }
0x180: {  	s28 =	simm.s32 $0x1380;
	[sflag:s26] =	ssyncadd.s32 $0xFFFFC000  }
0x181: {  	[tilespmem:s20], [sflag:$0x3] =	stream.indirect.gather [hbm4b:s4+s19], $0x80, s28, s19, $0xb8;
	[tilespmem:$0x1F200] =	vst v63  }
0x182: {  	_ =	swait.ge [sflag:s21], $0x4000  }
0x183: {  	[sflag:s21] =	ssyncset.done $0x0  }
0x184: {  	s28 =	simm.s32 $0x3100;
	[sflag:s21] =	ssyncadd.s32 $0xFFFFC000  }
0x185: {  	[spmem:s2] =	stream.indirect.scatter.add.f32 [tilespmem:s16], [sflag:$0x4], $0x80, s28, s19, $0xb8;
	[tilespmem:$0x1F200] =	vst v63  }
0x186: {  	_ =	swait.ge [sflag:s22], $0x4000  }
0x187: {  	[sflag:s22] =	ssyncset.done $0x0  }
0x188: {  	s28 =	simm.s32 $0x3180;
	[sflag:s22] =	ssyncadd.s32 $0xFFFFC000  }
0x189: {  	[spmem:s2] =	stream.indirect.scatter.add.f32 [tilespmem:s20], [sflag:$0x5], $0x80, s28, s19, $0xb8;
	[tilespmem:$0x1F200] =	vst v63  }
0x18a: {  	_ =	swait.ge [sflag:s24], $0x4000  }
0x18b: {  	[sflag:s24] =	ssyncset.done $0x0  }
0x18c: {  	[sflag:s24] =	ssyncadd.s32 $0xFFFFC000  }
0x18d: {  	_ =	swait.ge [sflag:s26], $0x4000  }
0x18e: {  	s28 =	sadd.s32 $0x280, s11;
	[sflag:s26] =	ssyncset.done $0x0  }
0x18f: {  	s1 =	simm.s32 $0x2800;
	[dreg:$0xf] =	wrdreg s28;
	[sflag:s26] =	ssyncadd.s32 $0xFFFFC000  }
0x190: {  	[tilespmem:s1], [sflag:$0x6] =	stream.linear.gather [hbm4b:s28+s12], $0xA00, $0x38;
	[tilespmem:$0x1F200] =	vst v63  }
0x191: {  	_ =	swait.ge [sflag:s15], $0xA00  }
0x192: {  	[sflag:s15] =	ssyncset.done $0x0  }
0x193: {  	s28 =	simm.s32 $0x1400;
	[sflag:s15] =	ssyncadd.s32 $0xFFFFF600  }
0x194: {  	[tilespmem:s16], [sflag:$0x2] =	stream.indirect.gather [hbm4b:s4+s19], $0x80, s28, s19, $0xb8;
	[tilespmem:$0x1F200] =	vst v63  }
0x195: {  	s28 =	simm.s32 $0x1480  }
0x196: {  	[tilespmem:s20], [sflag:$0x3] =	stream.indirect.gather [hbm4b:s4+s19], $0x80, s28, s19, $0xb8;
	[tilespmem:$0x1F200] =	vst v63  }
0x197: {  	_ =	swait.ge [sflag:s21], $0x4000  }
0x198: {  	[sflag:s21] =	ssyncset.done $0x0  }
0x199: {  	[sflag:s21] =	ssyncadd.s32 $0xFFFFC000  }
0x19a: {  	[spmem:s2] =	stream.indirect.scatter.add.f32 [tilespmem:s16], [sflag:$0x4], $0x80, s1, s19, $0xb8;
	[tilespmem:$0x1F200] =	vst v63  }
0x19b: {  	_ =	swait.ge [sflag:s22], $0x4000  }
0x19c: {  	[sflag:s22] =	ssyncset.done $0x0  }
0x19d: {  	[sflag:s22] =	ssyncadd.s32 $0xFFFFC000  }
0x19e: {  	[spmem:s2] =	stream.indirect.scatter.add.f32 [tilespmem:s20], [sflag:$0x5], $0x80, s9, s19, $0xb8;
	[tilespmem:$0x1F200] =	vst v63  }
0x19f: {  	_ =	swait.ge [sflag:s24], $0x4000  }
0x1a0: {  	[sflag:s24] =	ssyncset.done $0x0  }
0x1a1: {  	s9 =	simm.s32 $0x1500;
	[sflag:s24] =	ssyncadd.s32 $0xFFFFC000  }
0x1a2: {  	[tilespmem:s16], [sflag:$0x2] =	stream.indirect.gather [hbm4b:s4+s19], $0x80, s9, s19, $0xb8;
	[tilespmem:$0x1F200] =	vst v63  }
0x1a3: {  	_ =	swait.ge [sflag:s26], $0x4000  }
0x1a4: {  	[sflag:s26] =	ssyncset.done $0x0  }
0x1a5: {  	s1 =	simm.s32 $0x1580;
	[sflag:s26] =	ssyncadd.s32 $0xFFFFC000  }
0x1a6: {  	[tilespmem:s20], [sflag:$0x3] =	stream.indirect.gather [hbm4b:s4+s19], $0x80, s1, s19, $0xb8;
	[tilespmem:$0x1F200] =	vst v63  }
0x1a7: {  	_ =	swait.ge [sflag:s21], $0x4000  }
0x1a8: {  	[sflag:s21] =	ssyncset.done $0x0  }
0x1a9: {  	[sflag:s21] =	ssyncadd.s32 $0xFFFFC000  }
0x1aa: {  	[spmem:s2] =	stream.indirect.scatter.add.f32 [tilespmem:s16], [sflag:$0x4], $0x80, s30, s19, $0xb8;
	[tilespmem:$0x1F200] =	vst v63  }
0x1ab: {  	_ =	swait.ge [sflag:s22], $0x4000  }
0x1ac: {  	[sflag:s22] =	ssyncset.done $0x0  }
0x1ad: {  	[sflag:s22] =	ssyncadd.s32 $0xFFFFC000  }
0x1ae: {  	[spmem:s2] =	stream.indirect.scatter.add.f32 [tilespmem:s20], [sflag:$0x5], $0x80, s13, s19, $0xb8;
	[tilespmem:$0x1F200] =	vst v63  }
0x1af: {  	_ =	swait.ge [sflag:s24], $0x4000  }
0x1b0: {  	[sflag:s24] =	ssyncset.done $0x0  }
0x1b1: {  	s9 =	simm.s32 $0x1600;
	[sflag:s24] =	ssyncadd.s32 $0xFFFFC000  }
0x1b2: {  	[tilespmem:s16], [sflag:$0x2] =	stream.indirect.gather [hbm4b:s4+s19], $0x80, s9, s19, $0xb8;
	[tilespmem:$0x1F200] =	vst v63  }
0x1b3: {  	_ =	swait.ge [sflag:s26], $0x4000  }
0x1b4: {  	[sflag:s26] =	ssyncset.done $0x0  }
0x1b5: {  	s1 =	simm.s32 $0x1680;
	[sflag:s26] =	ssyncadd.s32 $0xFFFFC000  }
0x1b6: {  	[tilespmem:s20], [sflag:$0x3] =	stream.indirect.gather [hbm4b:s4+s19], $0x80, s1, s19, $0xb8;
	[tilespmem:$0x1F200] =	vst v63  }
0x1b7: {  	_ =	swait.ge [sflag:s21], $0x4000  }
0x1b8: {  	[sflag:s21] =	ssyncset.done $0x0  }
0x1b9: {  	[sflag:s21] =	ssyncadd.s32 $0xFFFFC000  }
0x1ba: {  	[spmem:s2] =	stream.indirect.scatter.add.f32 [tilespmem:s16], [sflag:$0x4], $0x80, s8, s19, $0xb8;
	[tilespmem:$0x1F200] =	vst v63  }
0x1bb: {  	_ =	swait.ge [sflag:s22], $0x4000  }
0x1bc: {  	[sflag:s22] =	ssyncset.done $0x0  }
0x1bd: {  	[sflag:s22] =	ssyncadd.s32 $0xFFFFC000  }
0x1be: {  	[spmem:s2] =	stream.indirect.scatter.add.f32 [tilespmem:s20], [sflag:$0x5], $0x80, s3, s19, $0xb8;
	[tilespmem:$0x1F200] =	vst v63  }
0x1bf: {  	_ =	swait.ge [sflag:s24], $0x4000  }
0x1c0: {  	[sflag:s24] =	ssyncset.done $0x0  }
0x1c1: {  	s3 =	simm.s32 $0x1700;
	[sflag:s24] =	ssyncadd.s32 $0xFFFFC000  }
0x1c2: {  	[tilespmem:s16], [sflag:$0x2] =	stream.indirect.gather [hbm4b:s4+s19], $0x80, s3, s19, $0xb8;
	[tilespmem:$0x1F200] =	vst v63  }
0x1c3: {  	_ =	swait.ge [sflag:s26], $0x4000  }
0x1c4: {  	[sflag:s26] =	ssyncset.done $0x0  }
0x1c5: {  	s9 =	simm.s32 $0x1780;
	[sflag:s26] =	ssyncadd.s32 $0xFFFFC000  }
0x1c6: {  	[tilespmem:s20], [sflag:$0x3] =	stream.indirect.gather [hbm4b:s4+s19], $0x80, s9, s19, $0xb8;
	[tilespmem:$0x1F200] =	vst v63  }
0x1c7: {  	_ =	swait.ge [sflag:s21], $0x4000  }
0x1c8: {  	[sflag:s21] =	ssyncset.done $0x0  }
0x1c9: {  	[sflag:s21] =	ssyncadd.s32 $0xFFFFC000  }
0x1ca: {  	[spmem:s2] =	stream.indirect.scatter.add.f32 [tilespmem:s16], [sflag:$0x4], $0x80, s29, s19, $0xb8;
	[tilespmem:$0x1F200] =	vst v63  }
0x1cb: {  	_ =	swait.ge [sflag:s22], $0x4000  }
0x1cc: {  	[sflag:s22] =	ssyncset.done $0x0  }
0x1cd: {  	[sflag:s22] =	ssyncadd.s32 $0xFFFFC000  }
0x1ce: {  	[spmem:s2] =	stream.indirect.scatter.add.f32 [tilespmem:s20], [sflag:$0x5], $0x80, s14, s19, $0xb8;
	[tilespmem:$0x1F200] =	vst v63  }
0x1cf: {  	_ =	swait.ge [sflag:s24], $0x4000  }
0x1d0: {  	[sflag:s24] =	ssyncset.done $0x0  }
0x1d1: {  	s29 =	simm.s32 $0x1800;
	[sflag:s24] =	ssyncadd.s32 $0xFFFFC000  }
0x1d2: {  	[tilespmem:s16], [sflag:$0x2] =	stream.indirect.gather [hbm4b:s4+s19], $0x80, s29, s19, $0xb8;
	[tilespmem:$0x1F200] =	vst v63  }
0x1d3: {  	_ =	swait.ge [sflag:s26], $0x4000  }
0x1d4: {  	[sflag:s26] =	ssyncset.done $0x0  }
0x1d5: {  	s3 =	simm.s32 $0x1880;
	[sflag:s26] =	ssyncadd.s32 $0xFFFFC000  }
0x1d6: {  	[tilespmem:s20], [sflag:$0x3] =	stream.indirect.gather [hbm4b:s4+s19], $0x80, s3, s19, $0xb8;
	[tilespmem:$0x1F200] =	vst v63  }
0x1d7: {  	_ =	swait.ge [sflag:s21], $0x4000  }
0x1d8: {  	[sflag:s21] =	ssyncset.done $0x0  }
0x1d9: {  	[sflag:s21] =	ssyncadd.s32 $0xFFFFC000  }
0x1da: {  	[spmem:s2] =	stream.indirect.scatter.add.f32 [tilespmem:s16], [sflag:$0x4], $0x80, s18, s19, $0xb8;
	[tilespmem:$0x1F200] =	vst v63  }
0x1db: {  	_ =	swait.ge [sflag:s22], $0x4000  }
0x1dc: {  	[sflag:s22] =	ssyncset.done $0x0  }
0x1dd: {  	[sflag:s22] =	ssyncadd.s32 $0xFFFFC000  }
0x1de: {  	[spmem:s2] =	stream.indirect.scatter.add.f32 [tilespmem:s20], [sflag:$0x5], $0x80, s25, s19, $0xb8;
	[tilespmem:$0x1F200] =	vst v63  }
0x1df: {  	_ =	swait.ge [sflag:s24], $0x4000  }
0x1e0: {  	[sflag:s24] =	ssyncset.done $0x0  }
0x1e1: {  	s29 =	simm.s32 $0x1900;
	[sflag:s24] =	ssyncadd.s32 $0xFFFFC000  }
0x1e2: {  	[tilespmem:s16], [sflag:$0x2] =	stream.indirect.gather [hbm4b:s4+s19], $0x80, s29, s19, $0xb8;
	[tilespmem:$0x1F200] =	vst v63  }
0x1e3: {  	_ =	swait.ge [sflag:s26], $0x4000  }
0x1e4: {  	[sflag:s26] =	ssyncset.done $0x0  }
0x1e5: {  	s3 =	simm.s32 $0x1980;
	[sflag:s26] =	ssyncadd.s32 $0xFFFFC000  }
0x1e6: {  	[tilespmem:s20], [sflag:$0x3] =	stream.indirect.gather [hbm4b:s4+s19], $0x80, s3, s19, $0xb8;
	[tilespmem:$0x1F200] =	vst v63  }
0x1e7: {  	_ =	swait.ge [sflag:s21], $0x4000  }
0x1e8: {  	[sflag:s21] =	ssyncset.done $0x0  }
0x1e9: {  	[sflag:s21] =	ssyncadd.s32 $0xFFFFC000  }
0x1ea: {  	[spmem:s2] =	stream.indirect.scatter.add.f32 [tilespmem:s16], [sflag:$0x4], $0x80, s23, s19, $0xb8;
	[tilespmem:$0x1F200] =	vst v63  }
0x1eb: {  	_ =	swait.ge [sflag:s22], $0x4000  }
0x1ec: {  	[sflag:s22] =	ssyncset.done $0x0  }
0x1ed: {  	[sflag:s22] =	ssyncadd.s32 $0xFFFFC000  }
0x1ee: {  	[spmem:s2] =	stream.indirect.scatter.add.f32 [tilespmem:s20], [sflag:$0x5], $0x80, s6, s19, $0xb8;
	[tilespmem:$0x1F200] =	vst v63  }
0x1ef: {  	_ =	swait.ge [sflag:s24], $0x4000  }
0x1f0: {  	[sflag:s24] =	ssyncset.done $0x0  }
0x1f1: {  	s29 =	simm.s32 $0x1A00;
	[sflag:s24] =	ssyncadd.s32 $0xFFFFC000  }
0x1f2: {  	[tilespmem:s16], [sflag:$0x2] =	stream.indirect.gather [hbm4b:s4+s19], $0x80, s29, s19, $0xb8;
	[tilespmem:$0x1F200] =	vst v63  }
0x1f3: {  	_ =	swait.ge [sflag:s26], $0x4000  }
0x1f4: {  	[sflag:s26] =	ssyncset.done $0x0  }
0x1f5: {  	s3 =	simm.s32 $0x1A80;
	[sflag:s26] =	ssyncadd.s32 $0xFFFFC000  }
0x1f6: {  	[tilespmem:s20], [sflag:$0x3] =	stream.indirect.gather [hbm4b:s4+s19], $0x80, s3, s19, $0xb8;
	[tilespmem:$0x1F200] =	vst v63  }
0x1f7: {  	_ =	swait.ge [sflag:s21], $0x4000  }
0x1f8: {  	[sflag:s21] =	ssyncset.done $0x0  }
0x1f9: {  	[sflag:s21] =	ssyncadd.s32 $0xFFFFC000  }
0x1fa: {  	[spmem:s2] =	stream.indirect.scatter.add.f32 [tilespmem:s16], [sflag:$0x4], $0x80, s10, s19, $0xb8;
	[tilespmem:$0x1F200] =	vst v63  }
0x1fb: {  	_ =	swait.ge [sflag:s22], $0x4000  }
0x1fc: {  	[sflag:s22] =	ssyncset.done $0x0  }
0x1fd: {  	[sflag:s22] =	ssyncadd.s32 $0xFFFFC000  }
0x1fe: {  	[spmem:s2] =	stream.indirect.scatter.add.f32 [tilespmem:s20], [sflag:$0x5], $0x80, s5, s19, $0xb8;
	[tilespmem:$0x1F200] =	vst v63  }
0x1ff: {  	_ =	swait.ge [sflag:s24], $0x4000  }
0x200: {  	[sflag:s24] =	ssyncset.done $0x0  }
0x201: {  	s5 =	simm.s32 $0x1B00;
	[sflag:s24] =	ssyncadd.s32 $0xFFFFC000  }
0x202: {  	[tilespmem:s16], [sflag:$0x2] =	stream.indirect.gather [hbm4b:s4+s19], $0x80, s5, s19, $0xb8;
	[tilespmem:$0x1F200] =	vst v63  }
0x203: {  	_ =	swait.ge [sflag:s26], $0x4000  }
0x204: {  	[sflag:s26] =	ssyncset.done $0x0  }
0x205: {  	s29 =	simm.s32 $0x1B80;
	[sflag:s26] =	ssyncadd.s32 $0xFFFFC000  }
0x206: {  	[tilespmem:s20], [sflag:$0x3] =	stream.indirect.gather [hbm4b:s4+s19], $0x80, s29, s19, $0xb8;
	[tilespmem:$0x1F200] =	vst v63  }
0x207: {  	_ =	swait.ge [sflag:s21], $0x4000  }
0x208: {  	[sflag:s21] =	ssyncset.done $0x0  }
0x209: {  	s5 =	simm.s32 $0x2F00;
	[sflag:s21] =	ssyncadd.s32 $0xFFFFC000  }
0x20a: {  	[spmem:s2] =	stream.indirect.scatter.add.f32 [tilespmem:s16], [sflag:$0x4], $0x80, s5, s19, $0xb8;
	[tilespmem:$0x1F200] =	vst v63  }
0x20b: {  	_ =	swait.ge [sflag:s22], $0x4000  }
0x20c: {  	[sflag:s22] =	ssyncset.done $0x0  }
0x20d: {  	[sflag:s22] =	ssyncadd.s32 $0xFFFFC000  }
0x20e: {  	[spmem:s2] =	stream.indirect.scatter.add.f32 [tilespmem:s20], [sflag:$0x5], $0x80, s7, s19, $0xb8;
	[tilespmem:$0x1F200] =	vst v63  }
0x20f: {  	_ =	swait.ge [sflag:s24], $0x4000  }
0x210: {  	[sflag:s24] =	ssyncset.done $0x0  }
0x211: {  	s7 =	simm.s32 $0x1C00;
	[sflag:s24] =	ssyncadd.s32 $0xFFFFC000  }
0x212: {  	[tilespmem:s16], [sflag:$0x2] =	stream.indirect.gather [hbm4b:s4+s19], $0x80, s7, s19, $0xb8;
	[tilespmem:$0x1F200] =	vst v63  }
0x213: {  	_ =	swait.ge [sflag:s26], $0x4000  }
0x214: {  	[sflag:s26] =	ssyncset.done $0x0  }
0x215: {  	s29 =	simm.s32 $0x1C80;
	[sflag:s26] =	ssyncadd.s32 $0xFFFFC000  }
0x216: {  	[tilespmem:s20], [sflag:$0x3] =	stream.indirect.gather [hbm4b:s4+s19], $0x80, s29, s19, $0xb8;
	[tilespmem:$0x1F200] =	vst v63  }
0x217: {  	_ =	swait.ge [sflag:s21], $0x4000  }
0x218: {  	[sflag:s21] =	ssyncset.done $0x0  }
0x219: {  	s7 =	simm.s32 $0x3000;
	[sflag:s21] =	ssyncadd.s32 $0xFFFFC000  }
0x21a: {  	[spmem:s2] =	stream.indirect.scatter.add.f32 [tilespmem:s16], [sflag:$0x4], $0x80, s7, s19, $0xb8;
	[tilespmem:$0x1F200] =	vst v63  }
0x21b: {  	_ =	swait.ge [sflag:s22], $0x4000  }
0x21c: {  	[sflag:s22] =	ssyncset.done $0x0  }
0x21d: {  	s29 =	simm.s32 $0x3080;
	[sflag:s22] =	ssyncadd.s32 $0xFFFFC000  }
0x21e: {  	[spmem:s2] =	stream.indirect.scatter.add.f32 [tilespmem:s20], [sflag:$0x5], $0x80, s29, s19, $0xb8;
	[tilespmem:$0x1F200] =	vst v63  }
0x21f: {  	_ =	swait.ge [sflag:s24], $0x4000  }
0x220: {  	[sflag:s24] =	ssyncset.done $0x0  }
0x221: {  	s7 =	simm.s32 $0x1D00;
	[sflag:s24] =	ssyncadd.s32 $0xFFFFC000  }
0x222: {  	[tilespmem:s16], [sflag:$0x2] =	stream.indirect.gather [hbm4b:s4+s19], $0x80, s7, s19, $0xb8;
	[tilespmem:$0x1F200] =	vst v63  }
0x223: {  	_ =	swait.ge [sflag:s26], $0x4000  }
0x224: {  	[sflag:s26] =	ssyncset.done $0x0  }
0x225: {  	s29 =	simm.s32 $0x1D80;
	[sflag:s26] =	ssyncadd.s32 $0xFFFFC000  }
0x226: {  	[tilespmem:s20], [sflag:$0x3] =	stream.indirect.gather [hbm4b:s4+s19], $0x80, s29, s19, $0xb8;
	[tilespmem:$0x1F200] =	vst v63  }
0x227: {  	_ =	swait.ge [sflag:s21], $0x4000  }
0x228: {  	[sflag:s21] =	ssyncset.done $0x0  }
0x229: {  	s7 =	simm.s32 $0x3100;
	[sflag:s21] =	ssyncadd.s32 $0xFFFFC000  }
0x22a: {  	[spmem:s2] =	stream.indirect.scatter.add.f32 [tilespmem:s16], [sflag:$0x4], $0x80, s7, s19, $0xb8;
	[tilespmem:$0x1F200] =	vst v63  }
0x22b: {  	_ =	swait.ge [sflag:s22], $0x4000  }
0x22c: {  	[sflag:s22] =	ssyncset.done $0x0  }
0x22d: {  	s29 =	simm.s32 $0x3180;
	[sflag:s22] =	ssyncadd.s32 $0xFFFFC000  }
0x22e: {  	[spmem:s2] =	stream.indirect.scatter.add.f32 [tilespmem:s20], [sflag:$0x5], $0x80, s29, s19, $0xb8;
	[tilespmem:$0x1F200] =	vst v63  }
0x22f: {  	_ =	swait.ge [sflag:s24], $0x4000  }
0x230: {  	[sflag:s24] =	ssyncset.done $0x0  }
0x231: {  	[sflag:s24] =	ssyncadd.s32 $0xFFFFC000  }
0x232: {  	_ =	swait.ge [sflag:s26], $0x4000  }
0x233: {  	s11 =	sadd.s32 $0x3C0, s11;
	[sflag:s26] =	ssyncset.done $0x0  }
0x234: {  	s30 =	simm.s32 $0x2800;
	[dreg:$0x10] =	wrdreg s11;
	[sflag:s26] =	ssyncadd.s32 $0xFFFFC000  }
0x235: {  	[tilespmem:s30], [sflag:$0x6] =	stream.linear.gather [hbm4b:s11+s12], $0xA00, $0x38;
	[tilespmem:$0x1F200] =	vst v63  }
0x236: {  	_ =	swait.ge [sflag:s15], $0xA00  }
0x237: {  	[sflag:s15] =	ssyncset.done $0x0  }
0x238: {  	s11 =	simm.s32 $0x1E00;
	[sflag:s15] =	ssyncadd.s32 $0xFFFFF600  }
0x239: {  	[tilespmem:s16], [sflag:$0x2] =	stream.indirect.gather [hbm4b:s4+s19], $0x80, s11, s19, $0xb8;
	[tilespmem:$0x1F200] =	vst v63  }
0x23a: {  	s11 =	simm.s32 $0x1E80  }
0x23b: {  	[tilespmem:s20], [sflag:$0x3] =	stream.indirect.gather [hbm4b:s4+s19], $0x80, s11, s19, $0xb8;
	[tilespmem:$0x1F200] =	vst v63  }
0x23c: {  	_ =	swait.ge [sflag:s21], $0x4000  }
0x23d: {  	[sflag:s21] =	ssyncset.done $0x0  }
0x23e: {  	[sflag:s21] =	ssyncadd.s32 $0xFFFFC000  }
0x23f: {  	[spmem:s2] =	stream.indirect.scatter.add.f32 [tilespmem:s16], [sflag:$0x4], $0x80, s30, s19, $0xb8;
	[tilespmem:$0x1F200] =	vst v63  }
0x240: {  	_ =	swait.ge [sflag:s22], $0x4000  }
0x241: {  	[sflag:s22] =	ssyncset.done $0x0  }
0x242: {  	s28 =	simm.s32 $0x2880;
	[sflag:s22] =	ssyncadd.s32 $0xFFFFC000  }
0x243: {  	[spmem:s2] =	stream.indirect.scatter.add.f32 [tilespmem:s20], [sflag:$0x5], $0x80, s28, s19, $0xb8;
	[tilespmem:$0x1F200] =	vst v63  }
0x244: {  	_ =	swait.ge [sflag:s24], $0x4000  }
0x245: {  	[sflag:s24] =	ssyncset.done $0x0  }
0x246: {  	s28 =	simm.s32 $0x1F00;
	[sflag:s24] =	ssyncadd.s32 $0xFFFFC000  }
0x247: {  	[tilespmem:s16], [sflag:$0x2] =	stream.indirect.gather [hbm4b:s4+s19], $0x80, s28, s19, $0xb8;
	[tilespmem:$0x1F200] =	vst v63  }
0x248: {  	_ =	swait.ge [sflag:s26], $0x4000  }
0x249: {  	[sflag:s26] =	ssyncset.done $0x0  }
0x24a: {  	s11 =	simm.s32 $0x1F80;
	[sflag:s26] =	ssyncadd.s32 $0xFFFFC000  }
0x24b: {  	[tilespmem:s20], [sflag:$0x3] =	stream.indirect.gather [hbm4b:s4+s19], $0x80, s11, s19, $0xb8;
	[tilespmem:$0x1F200] =	vst v63  }
0x24c: {  	_ =	swait.ge [sflag:s21], $0x4000  }
0x24d: {  	[sflag:s21] =	ssyncset.done $0x0  }
0x24e: {  	s31 =	simm.s32 $0x2900;
	[sflag:s21] =	ssyncadd.s32 $0xFFFFC000  }
0x24f: {  	[spmem:s2] =	stream.indirect.scatter.add.f32 [tilespmem:s16], [sflag:$0x4], $0x80, s31, s19, $0xb8;
	[tilespmem:$0x1F200] =	vst v63  }
0x250: {  	_ =	swait.ge [sflag:s22], $0x4000  }
0x251: {  	[sflag:s22] =	ssyncset.done $0x0  }
0x252: {  	s13 =	simm.s32 $0x2980;
	[sflag:s22] =	ssyncadd.s32 $0xFFFFC000  }
0x253: {  	[spmem:s2] =	stream.indirect.scatter.add.f32 [tilespmem:s20], [sflag:$0x5], $0x80, s13, s19, $0xb8;
	[tilespmem:$0x1F200] =	vst v63  }
0x254: {  	_ =	swait.ge [sflag:s24], $0x4000  }
0x255: {  	[sflag:s24] =	ssyncset.done $0x0  }
0x256: {  	s13 =	simm.s32 $0x2000;
	[sflag:s24] =	ssyncadd.s32 $0xFFFFC000  }
0x257: {  	[tilespmem:s16], [sflag:$0x2] =	stream.indirect.gather [hbm4b:s4+s19], $0x80, s13, s19, $0xb8;
	[tilespmem:$0x1F200] =	vst v63  }
0x258: {  	_ =	swait.ge [sflag:s26], $0x4000  }
0x259: {  	[sflag:s26] =	ssyncset.done $0x0  }
0x25a: {  	s28 =	simm.s32 $0x2080;
	[sflag:s26] =	ssyncadd.s32 $0xFFFFC000  }
0x25b: {  	[tilespmem:s20], [sflag:$0x3] =	stream.indirect.gather [hbm4b:s4+s19], $0x80, s28, s19, $0xb8;
	[tilespmem:$0x1F200] =	vst v63  }
0x25c: {  	_ =	swait.ge [sflag:s21], $0x4000  }
0x25d: {  	[sflag:s21] =	ssyncset.done $0x0  }
0x25e: {  	s8 =	simm.s32 $0x2A00;
	[sflag:s21] =	ssyncadd.s32 $0xFFFFC000  }
0x25f: {  	[spmem:s2] =	stream.indirect.scatter.add.f32 [tilespmem:s16], [sflag:$0x4], $0x80, s8, s19, $0xb8;
	[tilespmem:$0x1F200] =	vst v63  }
0x260: {  	_ =	swait.ge [sflag:s22], $0x4000  }
0x261: {  	[sflag:s22] =	ssyncset.done $0x0  }
0x262: {  	s1 =	simm.s32 $0x2A80;
	[sflag:s22] =	ssyncadd.s32 $0xFFFFC000  }
0x263: {  	[spmem:s2] =	stream.indirect.scatter.add.f32 [tilespmem:s20], [sflag:$0x5], $0x80, s1, s19, $0xb8;
	[tilespmem:$0x1F200] =	vst v63  }
0x264: {  	_ =	swait.ge [sflag:s24], $0x4000  }
0x265: {  	[sflag:s24] =	ssyncset.done $0x0  }
0x266: {  	s8 =	simm.s32 $0x2100;
	[sflag:s24] =	ssyncadd.s32 $0xFFFFC000  }
0x267: {  	[tilespmem:s16], [sflag:$0x2] =	stream.indirect.gather [hbm4b:s4+s19], $0x80, s8, s19, $0xb8;
	[tilespmem:$0x1F200] =	vst v63  }
0x268: {  	_ =	swait.ge [sflag:s26], $0x4000  }
0x269: {  	[sflag:s26] =	ssyncset.done $0x0  }
0x26a: {  	s11 =	simm.s32 $0x2180;
	[sflag:s26] =	ssyncadd.s32 $0xFFFFC000  }
0x26b: {  	[tilespmem:s20], [sflag:$0x3] =	stream.indirect.gather [hbm4b:s4+s19], $0x80, s11, s19, $0xb8;
	[tilespmem:$0x1F200] =	vst v63  }
0x26c: {  	_ =	swait.ge [sflag:s21], $0x4000  }
0x26d: {  	[sflag:s21] =	ssyncset.done $0x0  }
0x26e: {  	s9 =	simm.s32 $0x2B00;
	[sflag:s21] =	ssyncadd.s32 $0xFFFFC000  }
0x26f: {  	[spmem:s2] =	stream.indirect.scatter.add.f32 [tilespmem:s16], [sflag:$0x4], $0x80, s9, s19, $0xb8;
	[tilespmem:$0x1F200] =	vst v63  }
0x270: {  	_ =	swait.ge [sflag:s22], $0x4000  }
0x271: {  	[sflag:s22] =	ssyncset.done $0x0  }
0x272: {  	s14 =	simm.s32 $0x2B80;
	[sflag:s22] =	ssyncadd.s32 $0xFFFFC000  }
0x273: {  	[spmem:s2] =	stream.indirect.scatter.add.f32 [tilespmem:s20], [sflag:$0x5], $0x80, s14, s19, $0xb8;
	[tilespmem:$0x1F200] =	vst v63  }
0x274: {  	_ =	swait.ge [sflag:s24], $0x4000  }
0x275: {  	[sflag:s24] =	ssyncset.done $0x0  }
0x276: {  	s13 =	simm.s32 $0x2200;
	[sflag:s24] =	ssyncadd.s32 $0xFFFFC000  }
0x277: {  	[tilespmem:s16], [sflag:$0x2] =	stream.indirect.gather [hbm4b:s4+s19], $0x80, s13, s19, $0xb8;
	[tilespmem:$0x1F200] =	vst v63  }
0x278: {  	_ =	swait.ge [sflag:s26], $0x4000  }
0x279: {  	[sflag:s26] =	ssyncset.done $0x0  }
0x27a: {  	s14 =	simm.s32 $0x2280;
	[sflag:s26] =	ssyncadd.s32 $0xFFFFC000  }
0x27b: {  	[tilespmem:s20], [sflag:$0x3] =	stream.indirect.gather [hbm4b:s4+s19], $0x80, s14, s19, $0xb8;
	[tilespmem:$0x1F200] =	vst v63  }
0x27c: {  	_ =	swait.ge [sflag:s21], $0x4000  }
0x27d: {  	[sflag:s21] =	ssyncset.done $0x0  }
0x27e: {  	s18 =	simm.s32 $0x2C00;
	[sflag:s21] =	ssyncadd.s32 $0xFFFFC000  }
0x27f: {  	[spmem:s2] =	stream.indirect.scatter.add.f32 [tilespmem:s16], [sflag:$0x4], $0x80, s18, s19, $0xb8;
	[tilespmem:$0x1F200] =	vst v63  }
0x280: {  	_ =	swait.ge [sflag:s22], $0x4000  }
0x281: {  	[sflag:s22] =	ssyncset.done $0x0  }
0x282: {  	s25 =	simm.s32 $0x2C80;
	[sflag:s22] =	ssyncadd.s32 $0xFFFFC000  }
0x283: {  	[spmem:s2] =	stream.indirect.scatter.add.f32 [tilespmem:s20], [sflag:$0x5], $0x80, s25, s19, $0xb8;
	[tilespmem:$0x1F200] =	vst v63  }
0x284: {  	_ =	swait.ge [sflag:s24], $0x4000  }
0x285: {  	[sflag:s24] =	ssyncset.done $0x0  }
0x286: {  	s18 =	simm.s32 $0x2300;
	[sflag:s24] =	ssyncadd.s32 $0xFFFFC000  }
0x287: {  	[tilespmem:s16], [sflag:$0x2] =	stream.indirect.gather [hbm4b:s4+s19], $0x80, s18, s19, $0xb8;
	[tilespmem:$0x1F200] =	vst v63  }
0x288: {  	_ =	swait.ge [sflag:s26], $0x4000  }
0x289: {  	[sflag:s26] =	ssyncset.done $0x0  }
0x28a: {  	s25 =	simm.s32 $0x2380;
	[sflag:s26] =	ssyncadd.s32 $0xFFFFC000  }
0x28b: {  	[tilespmem:s20], [sflag:$0x3] =	stream.indirect.gather [hbm4b:s4+s19], $0x80, s25, s19, $0xb8;
	[tilespmem:$0x1F200] =	vst v63  }
0x28c: {  	_ =	swait.ge [sflag:s21], $0x4000  }
0x28d: {  	[sflag:s21] =	ssyncset.done $0x0  }
0x28e: {  	s23 =	simm.s32 $0x2D00;
	[sflag:s21] =	ssyncadd.s32 $0xFFFFC000  }
0x28f: {  	[spmem:s2] =	stream.indirect.scatter.add.f32 [tilespmem:s16], [sflag:$0x4], $0x80, s23, s19, $0xb8;
	[tilespmem:$0x1F200] =	vst v63  }
0x290: {  	_ =	swait.ge [sflag:s22], $0x4000  }
0x291: {  	[sflag:s22] =	ssyncset.done $0x0  }
0x292: {  	s6 =	simm.s32 $0x2D80;
	[sflag:s22] =	ssyncadd.s32 $0xFFFFC000  }
0x293: {  	[spmem:s2] =	stream.indirect.scatter.add.f32 [tilespmem:s20], [sflag:$0x5], $0x80, s6, s19, $0xb8;
	[tilespmem:$0x1F200] =	vst v63  }
0x294: {  	_ =	swait.ge [sflag:s24], $0x4000  }
0x295: {  	[sflag:s24] =	ssyncset.done $0x0  }
0x296: {  	s28 =	simm.s32 $0x2400;
	[sflag:s24] =	ssyncadd.s32 $0xFFFFC000  }
0x297: {  	[tilespmem:s16], [sflag:$0x2] =	stream.indirect.gather [hbm4b:s4+s19], $0x80, s28, s19, $0xb8;
	[tilespmem:$0x1F200] =	vst v63  }
0x298: {  	_ =	swait.ge [sflag:s26], $0x4000  }
0x299: {  	[sflag:s26] =	ssyncset.done $0x0  }
0x29a: {  	s1 =	simm.s32 $0x2480;
	[sflag:s26] =	ssyncadd.s32 $0xFFFFC000  }
0x29b: {  	[tilespmem:s20], [sflag:$0x3] =	stream.indirect.gather [hbm4b:s4+s19], $0x80, s1, s19, $0xb8;
	[tilespmem:$0x1F200] =	vst v63  }
0x29c: {  	_ =	swait.ge [sflag:s21], $0x4000  }
0x29d: {  	[sflag:s21] =	ssyncset.done $0x0  }
0x29e: {  	s10 =	simm.s32 $0x2E00;
	[sflag:s21] =	ssyncadd.s32 $0xFFFFC000  }
0x29f: {  	[spmem:s2] =	stream.indirect.scatter.add.f32 [tilespmem:s16], [sflag:$0x4], $0x80, s10, s19, $0xb8;
	[tilespmem:$0x1F200] =	vst v63  }
0x2a0: {  	_ =	swait.ge [sflag:s22], $0x4000  }
0x2a1: {  	[sflag:s22] =	ssyncset.done $0x0  }
0x2a2: {  	s3 =	simm.s32 $0x2E80;
	[sflag:s22] =	ssyncadd.s32 $0xFFFFC000  }
0x2a3: {  	[spmem:s2] =	stream.indirect.scatter.add.f32 [tilespmem:s20], [sflag:$0x5], $0x80, s3, s19, $0xb8;
	[tilespmem:$0x1F200] =	vst v63  }
0x2a4: {  	_ =	swait.ge [sflag:s24], $0x4000  }
0x2a5: {  	[sflag:s24] =	ssyncset.done $0x0  }
0x2a6: {  	s3 =	simm.s32 $0x2500;
	[sflag:s24] =	ssyncadd.s32 $0xFFFFC000  }
0x2a7: {  	[tilespmem:s16], [sflag:$0x2] =	stream.indirect.gather [hbm4b:s4+s19], $0x80, s3, s19, $0xb8;
	[tilespmem:$0x1F200] =	vst v63  }
0x2a8: {  	_ =	swait.ge [sflag:s26], $0x4000  }
0x2a9: {  	[sflag:s26] =	ssyncset.done $0x0  }
0x2aa: {  	s6 =	simm.s32 $0x2580;
	[sflag:s26] =	ssyncadd.s32 $0xFFFFC000  }
0x2ab: {  	[tilespmem:s20], [sflag:$0x3] =	stream.indirect.gather [hbm4b:s4+s19], $0x80, s6, s19, $0xb8;
	[tilespmem:$0x1F200] =	vst v63  }
0x2ac: {  	_ =	swait.ge [sflag:s21], $0x4000  }
0x2ad: {  	[sflag:s21] =	ssyncset.done $0x0  }
0x2ae: {  	s8 =	simm.s32 $0x2F00;
	[sflag:s21] =	ssyncadd.s32 $0xFFFFC000  }
0x2af: {  	[spmem:s2] =	stream.indirect.scatter.add.f32 [tilespmem:s16], [sflag:$0x4], $0x80, s8, s19, $0xb8;
	[tilespmem:$0x1F200] =	vst v63  }
0x2b0: {  	_ =	swait.ge [sflag:s22], $0x4000  }
0x2b1: {  	[sflag:s22] =	ssyncset.done $0x0  }
0x2b2: {  	s5 =	simm.s32 $0x2F80;
	[sflag:s22] =	ssyncadd.s32 $0xFFFFC000  }
0x2b3: {  	[spmem:s2] =	stream.indirect.scatter.add.f32 [tilespmem:s20], [sflag:$0x5], $0x80, s5, s19, $0xb8;
	[tilespmem:$0x1F200] =	vst v63  }
0x2b4: {  	_ =	swait.ge [sflag:s24], $0x4000  }
0x2b5: {  	[sflag:s24] =	ssyncset.done $0x0  }
0x2b6: {  	s9 =	simm.s32 $0x2600;
	[sflag:s24] =	ssyncadd.s32 $0xFFFFC000  }
0x2b7: {  	[tilespmem:s16], [sflag:$0x2] =	stream.indirect.gather [hbm4b:s4+s19], $0x80, s9, s19, $0xb8;
	[tilespmem:$0x1F200] =	vst v63  }
0x2b8: {  	_ =	swait.ge [sflag:s26], $0x4000  }
0x2b9: {  	[sflag:s26] =	ssyncset.done $0x0  }
0x2ba: {  	s10 =	simm.s32 $0x2680;
	[sflag:s26] =	ssyncadd.s32 $0xFFFFC000  }
0x2bb: {  	[tilespmem:s20], [sflag:$0x3] =	stream.indirect.gather [hbm4b:s4+s19], $0x80, s10, s19, $0xb8;
	[tilespmem:$0x1F200] =	vst v63  }
0x2bc: {  	_ =	swait.ge [sflag:s21], $0x4000  }
0x2bd: {  	[sflag:s21] =	ssyncset.done $0x0  }
0x2be: {  	s11 =	simm.s32 $0x3000;
	[sflag:s21] =	ssyncadd.s32 $0xFFFFC000  }
0x2bf: {  	[spmem:s2] =	stream.indirect.scatter.add.f32 [tilespmem:s16], [sflag:$0x4], $0x80, s11, s19, $0xb8;
	[tilespmem:$0x1F200] =	vst v63  }
0x2c0: {  	_ =	swait.ge [sflag:s22], $0x4000  }
0x2c1: {  	[sflag:s22] =	ssyncset.done $0x0  }
0x2c2: {  	s13 =	simm.s32 $0x3080;
	[sflag:s22] =	ssyncadd.s32 $0xFFFFC000  }
0x2c3: {  	[spmem:s2] =	stream.indirect.scatter.add.f32 [tilespmem:s20], [sflag:$0x5], $0x80, s13, s19, $0xb8;
	[tilespmem:$0x1F200] =	vst v63  }
0x2c4: {  	_ =	swait.ge [sflag:s24], $0x4000  }
0x2c5: {  	[sflag:s24] =	ssyncset.done $0x0  }
0x2c6: {  	s14 =	simm.s32 $0x2700;
	[sflag:s24] =	ssyncadd.s32 $0xFFFFC000  }
0x2c7: {  	[tilespmem:s16], [sflag:$0x2] =	stream.indirect.gather [hbm4b:s4+s19], $0x80, s14, s19, $0xb8;
	[tilespmem:$0x1F200] =	vst v63  }
0x2c8: {  	_ =	swait.ge [sflag:s26], $0x4000  }
0x2c9: {  	[sflag:s26] =	ssyncset.done $0x0  }
0x2ca: {  	s18 =	simm.s32 $0x2780;
	[sflag:s26] =	ssyncadd.s32 $0xFFFFC000  }
0x2cb: {  	[tilespmem:s20], [sflag:$0x3] =	stream.indirect.gather [hbm4b:s4+s19], $0x80, s18, s19, $0xb8;
	[tilespmem:$0x1F200] =	vst v63  }
0x2cc: {  	_ =	swait.ge [sflag:s21], $0x4000  }
0x2cd: {  	[sflag:s21] =	ssyncset.done $0x0  }
0x2ce: {  	s7 =	simm.s32 $0x3100;
	[sflag:s21] =	ssyncadd.s32 $0xFFFFC000  }
0x2cf: {  	[spmem:s2] =	stream.indirect.scatter.add.f32 [tilespmem:s16], [sflag:$0x4], $0x80, s7, s19, $0xb8;
	[tilespmem:$0x1F200] =	vst v63  }
0x2d0: {  	_ =	swait.ge [sflag:s22], $0x4000  }
0x2d1: {  	[sflag:s22] =	ssyncset.done $0x0  }
0x2d2: {  	s29 =	simm.s32 $0x3180;
	[sflag:s22] =	ssyncadd.s32 $0xFFFFC000  }
0x2d3: {  	[spmem:s2] =	stream.indirect.scatter.add.f32 [tilespmem:s20], [sflag:$0x5], $0x80, s29, s19, $0xb8;
	[tilespmem:$0x1F200] =	vst v63  }
0x2d4: {  	_ =	swait.ge [sflag:s24], $0x4000  }
0x2d5: {  	[sflag:s24] =	ssyncset.done $0x0  }
0x2d6: {  	[sflag:s24] =	ssyncadd.s32 $0xFFFFC000  }
0x2d7: {  	_ =	swait.ge [sflag:s26], $0x4000  }
0x2d8: {  	[sflag:s26] =	ssyncset.done $0x0  }
0x2d9: {  	[sflag:s26] =	ssyncadd.s32 $0xFFFFC000  }
0x2da: {  	s23 =	stileid.u32;
	[bflag:$0x0] =	sbarrier.arrive $0xFFFF  }
0x2db: {  	s1 =	sshll.u32 s23, $0x6;
	s28 =	rddreg [dreg:$0xc]  }
0x2dc: {  	s25 =	sor.u32 $0x1C06, s1;
	s29 =	rddreg [dreg:$0x5]  }
0x2dd: {  	[dreg:$0x11] =	wrdreg s25;
	s1 =	sshrl.u32 s28, $0x3  }
0x2de: {  	[dreg:$0x12] =	wrdreg s1  }
0x2df: {  	[hbm:s29], [sflag:s25] =	dma.local [spmem:s1], $0x2800  }
0x2e0: {  	_ =	swait.ge [sflag:s15], $0x2800  }
0x2e1: {  	[sflag:s15] =	ssyncset.done $0x0  }
0x2e2: {  	s31 =	simm.s32 $0x40;
	[sflag:s15] =	ssyncadd.s32 $0xFFFFD800  }
0x2e3: {  	s13 =	simm.s32 $0x0;
	s14 =	smov.u32 s28;
	[bflag:$0x0] =	sbarrier.arrive $0xFFFF  }
.LBB2_6:
0x2e4: {  	p0 =	sne.s32 s31, $0x9FC0;
	v2 =	vld [tilespmem:s13+$0x0];
	_ =	sdelay $0x1  }
.Ltmp2:
0x2e5: {  	(pc) =	sbr.rel @p0 .LBB2_6-.Ltmp2, $3  }
0x2e6: {  	_ =	sdelay $0x1  }
0x2e7: {  	v2 =	vadd.s32 $0x2800, v2  }
0x2e8: {  	[tilespmem:s13+$0x0] =	vst v2;
	s13 =	sshra.s32 s31, $0x2;
	s31 =	sadd.s32 $0x40, s31  }
0x2e9: {  	v2 =	vld [tilespmem:s13+$0x0];
	_ =	sdelay $0x3  }
0x2ea: {  	s31 =	sand.u32 $0xFE00, s12  }
0x2eb: {  	s28 =	sand.u32 $0x70, s12;
	s31 =	sshrl.u32 s31, $0x2;
	v2 =	vadd.s32 $0x2800, v2  }
0x2ec: {  	s31 =	sor.u32 s28, s31;
	[tilespmem:s13+$0x0] =	vst v2;
	s13 =	simm.s32 $0x40  }
.LBB2_8:
0x2ed: {  	p0 =	sne.s32 s13, $0xFFC0  }
0x2ee: {  	[tilespmem:s31+$0x3200] =	vst v1;
	s12 =	sadd.s32 $0x10, s12;
	s28 =	smov.u32 s13;
	s13 =	sadd.s32 $0x40, s13  }
.Ltmp3:
0x2ef: {  	(pc) =	sbr.rel @p0 .LBB2_8-.Ltmp3, $4  }
0x2f0: {  	_ = 	snop  }
0x2f1: {  	s28 =	sand.u32 $0xFE00, s28  }
0x2f2: {  	s31 =	sand.u32 $0x70, s12;
	s28 =	sshrl.u32 s28, $0x2  }
0x2f3: {  	s31 =	sor.u32 s31, s28  }
0x2f4: {  	[tilespmem:s31+$0x3200] =	vst v1  }
0x2f5: {  	[spmem:s14] =	stream.linear.scatter [tilespmem:s16], [sflag:$0x1], $0x4000, $0x38;
	[tilespmem:$0x1F200] =	vst v63  }
0x2f6: {  	s14 =	rddreg [dreg:$0x9]  }
0x2f7: {  	[spmem:s14] =	stream.linear.scatter [tilespmem:s16], [sflag:$0x1], $0x4000, $0x38;
	[tilespmem:$0x1F200] =	vst v63  }
0x2f8: {  	s28 =	rddreg [dreg:$0xa]  }
0x2f9: {  	[spmem:s28] =	stream.linear.scatter [tilespmem:s16], [sflag:$0x1], $0x4000, $0x38;
	[tilespmem:$0x1F200] =	vst v63  }
0x2fa: {  	s31 =	rddreg [dreg:$0xb]  }
0x2fb: {  	[spmem:s31] =	stream.linear.scatter [tilespmem:s16], [sflag:$0x1], $0x4000, $0x38;
	[tilespmem:$0x1F200] =	vst v63  }
0x2fc: {  	s7 =	rddreg [dreg:$0x4]  }
0x2fd: {  	[spmem:s7] =	stream.linear.scatter [tilespmem:s16], [sflag:$0x1], $0x4000, $0x38;
	[tilespmem:$0x1F200] =	vst v63  }
0x2fe: {  	_ =	swait.ge [sflag:s17], $0x4000  }
0x2ff: {  	[sflag:s17] =	ssyncset.done $0x0  }
0x300: {  	[sflag:s17] =	ssyncadd.s32 $0xFFFFC000  }
0x301: {  	_ =	swait.ge [sflag:s17], $0x4000  }
0x302: {  	[sflag:s17] =	ssyncset.done $0x0  }
0x303: {  	[sflag:s17] =	ssyncadd.s32 $0xFFFFC000  }
0x304: {  	_ =	swait.ge [sflag:s17], $0x4000  }
0x305: {  	[sflag:s17] =	ssyncset.done $0x0  }
0x306: {  	[sflag:s17] =	ssyncadd.s32 $0xFFFFC000  }
0x307: {  	_ =	swait.ge [sflag:s17], $0x4000  }
0x308: {  	[sflag:s17] =	ssyncset.done $0x0  }
0x309: {  	[sflag:s17] =	ssyncadd.s32 $0xFFFFC000  }
0x30a: {  	_ =	swait.ge [sflag:s17], $0x4000  }
0x30b: {  	[sflag:s17] =	ssyncset.done $0x0  }
0x30c: {  	[sflag:s17] =	ssyncadd.s32 $0xFFFFC000  }
0x30d: {  	[bflag:$0x0] =	sbarrier.arrive $0xFFFF  }
0x30e: {  	s12 =	simm.s32 $0x0;
	s3 =	rddreg [dreg:$0x8]  }
0x30f: {  	[tilespmem:s30], [sflag:$0x6] =	stream.linear.gather [hbm4b:s3+s12], $0xA00, $0x38;
	[tilespmem:$0x1F200] =	vst v63  }
0x310: {  	_ =	swait.ge [sflag:s15], $0xA00  }
0x311: {  	[sflag:s15] =	ssyncset.done $0x0  }
0x312: {  	[sflag:s15] =	ssyncadd.s32 $0xFFFFF600  }
0x313: {  	[tilespmem:s16], [sflag:$0x2] =	stream.indirect.gather [hbm4b:s4+s19], $0x80, s12, s19, $0xb8;
	[tilespmem:$0x1F200] =	vst v63  }
0x314: {  	_ = 	snop  }
0x315: {  	[tilespmem:s20], [sflag:$0x3] =	stream.indirect.gather [hbm4b:s4+s19], $0x80, s19, s19, $0xb8;
	[tilespmem:$0x1F200] =	vst v63  }
0x316: {  	_ =	swait.ge [sflag:s21], $0x4000  }
0x317: {  	[sflag:s21] =	ssyncset.done $0x0  }
0x318: {  	[sflag:s21] =	ssyncadd.s32 $0xFFFFC000  }
0x319: {  	[spmem:s2] =	stream.indirect.scatter.add.f32 [tilespmem:s16], [sflag:$0x4], $0x80, s30, s19, $0xb8;
	[tilespmem:$0x1F200] =	vst v63  }
0x31a: {  	_ =	swait.ge [sflag:s22], $0x4000  }
0x31b: {  	[sflag:s22] =	ssyncset.done $0x0  }
0x31c: {  	s0 =	simm.s32 $0x2880;
	[sflag:s22] =	ssyncadd.s32 $0xFFFFC000  }
0x31d: {  	[spmem:s2] =	stream.indirect.scatter.add.f32 [tilespmem:s20], [sflag:$0x5], $0x80, s0, s19, $0xb8;
	[tilespmem:$0x1F200] =	vst v63  }
0x31e: {  	_ =	swait.ge [sflag:s24], $0x4000  }
0x31f: {  	[sflag:s24] =	ssyncset.done $0x0  }
0x320: {  	s8 =	simm.s32 $0x100;
	[sflag:s24] =	ssyncadd.s32 $0xFFFFC000  }
0x321: {  	[tilespmem:s16], [sflag:$0x2] =	stream.indirect.gather [hbm4b:s4+s19], $0x80, s8, s19, $0xb8;
	[tilespmem:$0x1F200] =	vst v63  }
0x322: {  	_ =	swait.ge [sflag:s26], $0x4000  }
0x323: {  	[sflag:s26] =	ssyncset.done $0x0  }
0x324: {  	s13 =	simm.s32 $0x180;
	[sflag:s26] =	ssyncadd.s32 $0xFFFFC000  }
0x325: {  	[tilespmem:s20], [sflag:$0x3] =	stream.indirect.gather [hbm4b:s4+s19], $0x80, s13, s19, $0xb8;
	[tilespmem:$0x1F200] =	vst v63  }
0x326: {  	_ =	swait.ge [sflag:s21], $0x4000  }
0x327: {  	[sflag:s21] =	ssyncset.done $0x0  }
0x328: {  	s18 =	simm.s32 $0x2900;
	[sflag:s21] =	ssyncadd.s32 $0xFFFFC000  }
0x329: {  	[spmem:s2] =	stream.indirect.scatter.add.f32 [tilespmem:s16], [sflag:$0x4], $0x80, s18, s19, $0xb8;
	[tilespmem:$0x1F200] =	vst v63  }
0x32a: {  	_ =	swait.ge [sflag:s22], $0x4000  }
0x32b: {  	[sflag:s22] =	ssyncset.done $0x0  }
0x32c: {  	s23 =	simm.s32 $0x2980;
	[sflag:s22] =	ssyncadd.s32 $0xFFFFC000  }
0x32d: {  	[spmem:s2] =	stream.indirect.scatter.add.f32 [tilespmem:s20], [sflag:$0x5], $0x80, s23, s19, $0xb8;
	[tilespmem:$0x1F200] =	vst v63  }
0x32e: {  	_ =	swait.ge [sflag:s24], $0x4000  }
0x32f: {  	[sflag:s24] =	ssyncset.done $0x0  }
0x330: {  	s10 =	simm.s32 $0x200;
	[sflag:s24] =	ssyncadd.s32 $0xFFFFC000  }
0x331: {  	[tilespmem:s16], [sflag:$0x2] =	stream.indirect.gather [hbm4b:s4+s19], $0x80, s10, s19, $0xb8;
	[tilespmem:$0x1F200] =	vst v63  }
0x332: {  	_ =	swait.ge [sflag:s26], $0x4000  }
0x333: {  	[sflag:s26] =	ssyncset.done $0x0  }
0x334: {  	s10 =	simm.s32 $0x280;
	[sflag:s26] =	ssyncadd.s32 $0xFFFFC000  }
0x335: {  	[tilespmem:s20], [sflag:$0x3] =	stream.indirect.gather [hbm4b:s4+s19], $0x80, s10, s19, $0xb8;
	[tilespmem:$0x1F200] =	vst v63  }
0x336: {  	_ =	swait.ge [sflag:s21], $0x4000  }
0x337: {  	[sflag:s21] =	ssyncset.done $0x0  }
0x338: {  	s25 =	simm.s32 $0x2A00;
	[sflag:s21] =	ssyncadd.s32 $0xFFFFC000  }
0x339: {  	[spmem:s2] =	stream.indirect.scatter.add.f32 [tilespmem:s16], [sflag:$0x4], $0x80, s25, s19, $0xb8;
	[tilespmem:$0x1F200] =	vst v63  }
0x33a: {  	_ =	swait.ge [sflag:s22], $0x4000  }
0x33b: {  	[sflag:s22] =	ssyncset.done $0x0  }
0x33c: {  	s29 =	simm.s32 $0x2A80;
	[sflag:s22] =	ssyncadd.s32 $0xFFFFC000  }
0x33d: {  	[spmem:s2] =	stream.indirect.scatter.add.f32 [tilespmem:s20], [sflag:$0x5], $0x80, s29, s19, $0xb8;
	[tilespmem:$0x1F200] =	vst v63  }
0x33e: {  	_ =	swait.ge [sflag:s24], $0x4000  }
0x33f: {  	[sflag:s24] =	ssyncset.done $0x0  }
0x340: {  	s23 =	simm.s32 $0x300;
	[sflag:s24] =	ssyncadd.s32 $0xFFFFC000  }
0x341: {  	[tilespmem:s16], [sflag:$0x2] =	stream.indirect.gather [hbm4b:s4+s19], $0x80, s23, s19, $0xb8;
	[tilespmem:$0x1F200] =	vst v63  }
0x342: {  	_ =	swait.ge [sflag:s26], $0x4000  }
0x343: {  	[sflag:s26] =	ssyncset.done $0x0  }
0x344: {  	s23 =	simm.s32 $0x380;
	[sflag:s26] =	ssyncadd.s32 $0xFFFFC000  }
0x345: {  	[tilespmem:s20], [sflag:$0x3] =	stream.indirect.gather [hbm4b:s4+s19], $0x80, s23, s19, $0xb8;
	[tilespmem:$0x1F200] =	vst v63  }
0x346: {  	_ =	swait.ge [sflag:s21], $0x4000  }
0x347: {  	[sflag:s21] =	ssyncset.done $0x0  }
0x348: {  	s3 =	simm.s32 $0x2B00;
	[sflag:s21] =	ssyncadd.s32 $0xFFFFC000  }
0x349: {  	[spmem:s2] =	stream.indirect.scatter.add.f32 [tilespmem:s16], [sflag:$0x4], $0x80, s3, s19, $0xb8;
	[tilespmem:$0x1F200] =	vst v63  }
0x34a: {  	_ =	swait.ge [sflag:s22], $0x4000  }
0x34b: {  	[sflag:s22] =	ssyncset.done $0x0  }
0x34c: {  	s5 =	simm.s32 $0x2B80;
	[sflag:s22] =	ssyncadd.s32 $0xFFFFC000  }
0x34d: {  	[spmem:s2] =	stream.indirect.scatter.add.f32 [tilespmem:s20], [sflag:$0x5], $0x80, s5, s19, $0xb8;
	[tilespmem:$0x1F200] =	vst v63  }
0x34e: {  	_ =	swait.ge [sflag:s24], $0x4000  }
0x34f: {  	[sflag:s24] =	ssyncset.done $0x0  }
0x350: {  	s6 =	simm.s32 $0x400;
	[sflag:s24] =	ssyncadd.s32 $0xFFFFC000  }
0x351: {  	[tilespmem:s16], [sflag:$0x2] =	stream.indirect.gather [hbm4b:s4+s19], $0x80, s6, s19, $0xb8;
	[tilespmem:$0x1F200] =	vst v63  }
0x352: {  	_ =	swait.ge [sflag:s26], $0x4000  }
0x353: {  	[sflag:s26] =	ssyncset.done $0x0  }
0x354: {  	s7 =	simm.s32 $0x480;
	[sflag:s26] =	ssyncadd.s32 $0xFFFFC000  }
0x355: {  	[tilespmem:s20], [sflag:$0x3] =	stream.indirect.gather [hbm4b:s4+s19], $0x80, s7, s19, $0xb8;
	[tilespmem:$0x1F200] =	vst v63  }
0x356: {  	_ =	swait.ge [sflag:s21], $0x4000  }
0x357: {  	[sflag:s21] =	ssyncset.done $0x0  }
0x358: {  	s11 =	simm.s32 $0x2C00;
	[sflag:s21] =	ssyncadd.s32 $0xFFFFC000  }
0x359: {  	[spmem:s2] =	stream.indirect.scatter.add.f32 [tilespmem:s16], [sflag:$0x4], $0x80, s11, s19, $0xb8;
	[tilespmem:$0x1F200] =	vst v63  }
0x35a: {  	_ =	swait.ge [sflag:s22], $0x4000  }
0x35b: {  	[sflag:s22] =	ssyncset.done $0x0  }
0x35c: {  	s13 =	simm.s32 $0x2C80;
	[sflag:s22] =	ssyncadd.s32 $0xFFFFC000  }
0x35d: {  	[spmem:s2] =	stream.indirect.scatter.add.f32 [tilespmem:s20], [sflag:$0x5], $0x80, s13, s19, $0xb8;
	[tilespmem:$0x1F200] =	vst v63  }
0x35e: {  	_ =	swait.ge [sflag:s24], $0x4000  }
0x35f: {  	[sflag:s24] =	ssyncset.done $0x0  }
0x360: {  	s6 =	simm.s32 $0x500;
	[sflag:s24] =	ssyncadd.s32 $0xFFFFC000  }
0x361: {  	[tilespmem:s16], [sflag:$0x2] =	stream.indirect.gather [hbm4b:s4+s19], $0x80, s6, s19, $0xb8;
	[tilespmem:$0x1F200] =	vst v63  }
0x362: {  	_ =	swait.ge [sflag:s26], $0x4000  }
0x363: {  	[sflag:s26] =	ssyncset.done $0x0  }
0x364: {  	s18 =	simm.s32 $0x580;
	[sflag:s26] =	ssyncadd.s32 $0xFFFFC000  }
0x365: {  	[tilespmem:s20], [sflag:$0x3] =	stream.indirect.gather [hbm4b:s4+s19], $0x80, s18, s19, $0xb8;
	[tilespmem:$0x1F200] =	vst v63  }
0x366: {  	_ =	swait.ge [sflag:s21], $0x4000  }
0x367: {  	[sflag:s21] =	ssyncset.done $0x0  }
0x368: {  	s25 =	simm.s32 $0x2D00;
	[sflag:s21] =	ssyncadd.s32 $0xFFFFC000  }
0x369: {  	[spmem:s2] =	stream.indirect.scatter.add.f32 [tilespmem:s16], [sflag:$0x4], $0x80, s25, s19, $0xb8;
	[tilespmem:$0x1F200] =	vst v63  }
0x36a: {  	_ =	swait.ge [sflag:s22], $0x4000  }
0x36b: {  	[sflag:s22] =	ssyncset.done $0x0  }
0x36c: {  	s29 =	simm.s32 $0x2D80;
	[sflag:s22] =	ssyncadd.s32 $0xFFFFC000  }
0x36d: {  	[spmem:s2] =	stream.indirect.scatter.add.f32 [tilespmem:s20], [sflag:$0x5], $0x80, s29, s19, $0xb8;
	[tilespmem:$0x1F200] =	vst v63  }
0x36e: {  	_ =	swait.ge [sflag:s24], $0x4000  }
0x36f: {  	[sflag:s24] =	ssyncset.done $0x0  }
0x370: {  	s13 =	simm.s32 $0x600;
	[sflag:s24] =	ssyncadd.s32 $0xFFFFC000  }
0x371: {  	[tilespmem:s16], [sflag:$0x2] =	stream.indirect.gather [hbm4b:s4+s19], $0x80, s13, s19, $0xb8;
	[tilespmem:$0x1F200] =	vst v63  }
0x372: {  	_ =	swait.ge [sflag:s26], $0x4000  }
0x373: {  	[sflag:s26] =	ssyncset.done $0x0  }
0x374: {  	s13 =	simm.s32 $0x680;
	[sflag:s26] =	ssyncadd.s32 $0xFFFFC000  }
0x375: {  	[tilespmem:s20], [sflag:$0x3] =	stream.indirect.gather [hbm4b:s4+s19], $0x80, s13, s19, $0xb8;
	[tilespmem:$0x1F200] =	vst v63  }
0x376: {  	_ =	swait.ge [sflag:s21], $0x4000  }
0x377: {  	[sflag:s21] =	ssyncset.done $0x0  }
0x378: {  	s5 =	simm.s32 $0x2E00;
	[sflag:s21] =	ssyncadd.s32 $0xFFFFC000  }
0x379: {  	[spmem:s2] =	stream.indirect.scatter.add.f32 [tilespmem:s16], [sflag:$0x4], $0x80, s5, s19, $0xb8;
	[tilespmem:$0x1F200] =	vst v63  }
0x37a: {  	_ =	swait.ge [sflag:s22], $0x4000  }
0x37b: {  	[sflag:s22] =	ssyncset.done $0x0  }
0x37c: {  	s6 =	simm.s32 $0x2E80;
	[sflag:s22] =	ssyncadd.s32 $0xFFFFC000  }
0x37d: {  	[spmem:s2] =	stream.indirect.scatter.add.f32 [tilespmem:s20], [sflag:$0x5], $0x80, s6, s19, $0xb8;
	[tilespmem:$0x1F200] =	vst v63  }
0x37e: {  	_ =	swait.ge [sflag:s24], $0x4000  }
0x37f: {  	[sflag:s24] =	ssyncset.done $0x0  }
0x380: {  	s7 =	simm.s32 $0x700;
	[sflag:s24] =	ssyncadd.s32 $0xFFFFC000  }
0x381: {  	[tilespmem:s16], [sflag:$0x2] =	stream.indirect.gather [hbm4b:s4+s19], $0x80, s7, s19, $0xb8;
	[tilespmem:$0x1F200] =	vst v63  }
0x382: {  	_ =	swait.ge [sflag:s26], $0x4000  }
0x383: {  	[sflag:s26] =	ssyncset.done $0x0  }
0x384: {  	s11 =	simm.s32 $0x780;
	[sflag:s26] =	ssyncadd.s32 $0xFFFFC000  }
0x385: {  	[tilespmem:s20], [sflag:$0x3] =	stream.indirect.gather [hbm4b:s4+s19], $0x80, s11, s19, $0xb8;
	[tilespmem:$0x1F200] =	vst v63  }
0x386: {  	_ =	swait.ge [sflag:s21], $0x4000  }
0x387: {  	[sflag:s21] =	ssyncset.done $0x0  }
0x388: {  	s25 =	simm.s32 $0x2F00;
	[sflag:s21] =	ssyncadd.s32 $0xFFFFC000  }
0x389: {  	[spmem:s2] =	stream.indirect.scatter.add.f32 [tilespmem:s16], [sflag:$0x4], $0x80, s25, s19, $0xb8;
	[tilespmem:$0x1F200] =	vst v63  }
0x38a: {  	_ =	swait.ge [sflag:s22], $0x4000  }
0x38b: {  	[sflag:s22] =	ssyncset.done $0x0  }
0x38c: {  	s29 =	simm.s32 $0x2F80;
	[sflag:s22] =	ssyncadd.s32 $0xFFFFC000  }
0x38d: {  	[spmem:s2] =	stream.indirect.scatter.add.f32 [tilespmem:s20], [sflag:$0x5], $0x80, s29, s19, $0xb8;
	[tilespmem:$0x1F200] =	vst v63  }
0x38e: {  	_ =	swait.ge [sflag:s24], $0x4000  }
0x38f: {  	[sflag:s24] =	ssyncset.done $0x0  }
0x390: {  	s5 =	simm.s32 $0x800;
	[sflag:s24] =	ssyncadd.s32 $0xFFFFC000  }
0x391: {  	[tilespmem:s16], [sflag:$0x2] =	stream.indirect.gather [hbm4b:s4+s19], $0x80, s5, s19, $0xb8;
	[tilespmem:$0x1F200] =	vst v63  }
0x392: {  	_ =	swait.ge [sflag:s26], $0x4000  }
0x393: {  	[sflag:s26] =	ssyncset.done $0x0  }
0x394: {  	s6 =	simm.s32 $0x880;
	[sflag:s26] =	ssyncadd.s32 $0xFFFFC000  }
0x395: {  	[tilespmem:s20], [sflag:$0x3] =	stream.indirect.gather [hbm4b:s4+s19], $0x80, s6, s19, $0xb8;
	[tilespmem:$0x1F200] =	vst v63  }
0x396: {  	_ =	swait.ge [sflag:s21], $0x4000  }
0x397: {  	[sflag:s21] =	ssyncset.done $0x0  }
0x398: {  	s7 =	simm.s32 $0x3000;
	[sflag:s21] =	ssyncadd.s32 $0xFFFFC000  }
0x399: {  	[spmem:s2] =	stream.indirect.scatter.add.f32 [tilespmem:s16], [sflag:$0x4], $0x80, s7, s19, $0xb8;
	[tilespmem:$0x1F200] =	vst v63  }
0x39a: {  	_ =	swait.ge [sflag:s22], $0x4000  }
0x39b: {  	[sflag:s22] =	ssyncset.done $0x0  }
0x39c: {  	s11 =	simm.s32 $0x3080;
	[sflag:s22] =	ssyncadd.s32 $0xFFFFC000  }
0x39d: {  	[spmem:s2] =	stream.indirect.scatter.add.f32 [tilespmem:s20], [sflag:$0x5], $0x80, s11, s19, $0xb8;
	[tilespmem:$0x1F200] =	vst v63  }
0x39e: {  	_ =	swait.ge [sflag:s24], $0x4000  }
0x39f: {  	[sflag:s24] =	ssyncset.done $0x0  }
0x3a0: {  	s5 =	simm.s32 $0x900;
	[sflag:s24] =	ssyncadd.s32 $0xFFFFC000  }
0x3a1: {  	[tilespmem:s16], [sflag:$0x2] =	stream.indirect.gather [hbm4b:s4+s19], $0x80, s5, s19, $0xb8;
	[tilespmem:$0x1F200] =	vst v63  }
0x3a2: {  	_ =	swait.ge [sflag:s26], $0x4000  }
0x3a3: {  	[sflag:s26] =	ssyncset.done $0x0  }
0x3a4: {  	s6 =	simm.s32 $0x980;
	[sflag:s26] =	ssyncadd.s32 $0xFFFFC000  }
0x3a5: {  	[tilespmem:s20], [sflag:$0x3] =	stream.indirect.gather [hbm4b:s4+s19], $0x80, s6, s19, $0xb8;
	[tilespmem:$0x1F200] =	vst v63  }
0x3a6: {  	_ =	swait.ge [sflag:s21], $0x4000  }
0x3a7: {  	[sflag:s21] =	ssyncset.done $0x0  }
0x3a8: {  	s7 =	simm.s32 $0x3100;
	[sflag:s21] =	ssyncadd.s32 $0xFFFFC000  }
0x3a9: {  	[spmem:s2] =	stream.indirect.scatter.add.f32 [tilespmem:s16], [sflag:$0x4], $0x80, s7, s19, $0xb8;
	[tilespmem:$0x1F200] =	vst v63  }
0x3aa: {  	_ =	swait.ge [sflag:s22], $0x4000  }
0x3ab: {  	[sflag:s22] =	ssyncset.done $0x0  }
0x3ac: {  	s11 =	simm.s32 $0x3180;
	[sflag:s22] =	ssyncadd.s32 $0xFFFFC000  }
0x3ad: {  	[spmem:s2] =	stream.indirect.scatter.add.f32 [tilespmem:s20], [sflag:$0x5], $0x80, s11, s19, $0xb8;
	[tilespmem:$0x1F200] =	vst v63  }
0x3ae: {  	_ =	swait.ge [sflag:s24], $0x4000  }
0x3af: {  	[sflag:s24] =	ssyncset.done $0x0  }
0x3b0: {  	[sflag:s24] =	ssyncadd.s32 $0xFFFFC000  }
0x3b1: {  	_ =	swait.ge [sflag:s26], $0x4000  }
0x3b2: {  	[sflag:s26] =	ssyncset.done $0x0  }
0x3b3: {  	s5 =	rddreg [dreg:$0xe];
	[sflag:s26] =	ssyncadd.s32 $0xFFFFC000  }
0x3b4: {  	[tilespmem:s30], [sflag:$0x6] =	stream.linear.gather [hbm4b:s5+s12], $0xA00, $0x38;
	[tilespmem:$0x1F200] =	vst v63  }
0x3b5: {  	_ =	swait.ge [sflag:s15], $0xA00  }
0x3b6: {  	[sflag:s15] =	ssyncset.done $0x0  }
0x3b7: {  	s6 =	simm.s32 $0xA00;
	[sflag:s15] =	ssyncadd.s32 $0xFFFFF600  }
0x3b8: {  	[tilespmem:s16], [sflag:$0x2] =	stream.indirect.gather [hbm4b:s4+s19], $0x80, s6, s19, $0xb8;
	[tilespmem:$0x1F200] =	vst v63  }
0x3b9: {  	s7 =	simm.s32 $0xA80  }
0x3ba: {  	[tilespmem:s20], [sflag:$0x3] =	stream.indirect.gather [hbm4b:s4+s19], $0x80, s7, s19, $0xb8;
	[tilespmem:$0x1F200] =	vst v63  }
0x3bb: {  	_ =	swait.ge [sflag:s21], $0x4000  }
0x3bc: {  	[sflag:s21] =	ssyncset.done $0x0  }
0x3bd: {  	[sflag:s21] =	ssyncadd.s32 $0xFFFFC000  }
0x3be: {  	[spmem:s2] =	stream.indirect.scatter.add.f32 [tilespmem:s16], [sflag:$0x4], $0x80, s30, s19, $0xb8;
	[tilespmem:$0x1F200] =	vst v63  }
0x3bf: {  	_ =	swait.ge [sflag:s22], $0x4000  }
0x3c0: {  	[sflag:s22] =	ssyncset.done $0x0  }
0x3c1: {  	s7 =	simm.s32 $0x2880;
	[sflag:s22] =	ssyncadd.s32 $0xFFFFC000  }
0x3c2: {  	[spmem:s2] =	stream.indirect.scatter.add.f32 [tilespmem:s20], [sflag:$0x5], $0x80, s7, s19, $0xb8;
	[tilespmem:$0x1F200] =	vst v63  }
0x3c3: {  	_ =	swait.ge [sflag:s24], $0x4000  }
0x3c4: {  	[sflag:s24] =	ssyncset.done $0x0  }
0x3c5: {  	s5 =	simm.s32 $0xB00;
	[sflag:s24] =	ssyncadd.s32 $0xFFFFC000  }
0x3c6: {  	[tilespmem:s16], [sflag:$0x2] =	stream.indirect.gather [hbm4b:s4+s19], $0x80, s5, s19, $0xb8;
	[tilespmem:$0x1F200] =	vst v63  }
0x3c7: {  	_ =	swait.ge [sflag:s26], $0x4000  }
0x3c8: {  	[sflag:s26] =	ssyncset.done $0x0  }
0x3c9: {  	s6 =	simm.s32 $0xB80;
	[sflag:s26] =	ssyncadd.s32 $0xFFFFC000  }
0x3ca: {  	[tilespmem:s20], [sflag:$0x3] =	stream.indirect.gather [hbm4b:s4+s19], $0x80, s6, s19, $0xb8;
	[tilespmem:$0x1F200] =	vst v63  }
0x3cb: {  	_ =	swait.ge [sflag:s21], $0x4000  }
0x3cc: {  	[sflag:s21] =	ssyncset.done $0x0  }
0x3cd: {  	s1 =	simm.s32 $0x2900;
	[sflag:s21] =	ssyncadd.s32 $0xFFFFC000  }
0x3ce: {  	[spmem:s2] =	stream.indirect.scatter.add.f32 [tilespmem:s16], [sflag:$0x4], $0x80, s1, s19, $0xb8;
	[tilespmem:$0x1F200] =	vst v63  }
0x3cf: {  	_ =	swait.ge [sflag:s22], $0x4000  }
0x3d0: {  	[sflag:s22] =	ssyncset.done $0x0  }
0x3d1: {  	s6 =	simm.s32 $0x2980;
	[sflag:s22] =	ssyncadd.s32 $0xFFFFC000  }
0x3d2: {  	[spmem:s2] =	stream.indirect.scatter.add.f32 [tilespmem:s20], [sflag:$0x5], $0x80, s6, s19, $0xb8;
	[tilespmem:$0x1F200] =	vst v63  }
0x3d3: {  	_ =	swait.ge [sflag:s24], $0x4000  }
0x3d4: {  	[sflag:s24] =	ssyncset.done $0x0  }
0x3d5: {  	s1 =	simm.s32 $0xC00;
	[sflag:s24] =	ssyncadd.s32 $0xFFFFC000  }
0x3d6: {  	[tilespmem:s16], [sflag:$0x2] =	stream.indirect.gather [hbm4b:s4+s19], $0x80, s1, s19, $0xb8;
	[tilespmem:$0x1F200] =	vst v63  }
0x3d7: {  	_ =	swait.ge [sflag:s26], $0x4000  }
0x3d8: {  	[sflag:s26] =	ssyncset.done $0x0  }
0x3d9: {  	s5 =	simm.s32 $0xC80;
	[sflag:s26] =	ssyncadd.s32 $0xFFFFC000  }
0x3da: {  	[tilespmem:s20], [sflag:$0x3] =	stream.indirect.gather [hbm4b:s4+s19], $0x80, s5, s19, $0xb8;
	[tilespmem:$0x1F200] =	vst v63  }
0x3db: {  	_ =	swait.ge [sflag:s21], $0x4000  }
0x3dc: {  	[sflag:s21] =	ssyncset.done $0x0  }
0x3dd: {  	s5 =	simm.s32 $0x2A00;
	[sflag:s21] =	ssyncadd.s32 $0xFFFFC000  }
0x3de: {  	[spmem:s2] =	stream.indirect.scatter.add.f32 [tilespmem:s16], [sflag:$0x4], $0x80, s5, s19, $0xb8;
	[tilespmem:$0x1F200] =	vst v63  }
0x3df: {  	_ =	swait.ge [sflag:s22], $0x4000  }
0x3e0: {  	[sflag:s22] =	ssyncset.done $0x0  }
0x3e1: {  	s8 =	simm.s32 $0x2A80;
	[sflag:s22] =	ssyncadd.s32 $0xFFFFC000  }
0x3e2: {  	[spmem:s2] =	stream.indirect.scatter.add.f32 [tilespmem:s20], [sflag:$0x5], $0x80, s8, s19, $0xb8;
	[tilespmem:$0x1F200] =	vst v63  }
0x3e3: {  	_ =	swait.ge [sflag:s24], $0x4000  }
0x3e4: {  	[sflag:s24] =	ssyncset.done $0x0  }
0x3e5: {  	s1 =	simm.s32 $0xD00;
	[sflag:s24] =	ssyncadd.s32 $0xFFFFC000  }
0x3e6: {  	[tilespmem:s16], [sflag:$0x2] =	stream.indirect.gather [hbm4b:s4+s19], $0x80, s1, s19, $0xb8;
	[tilespmem:$0x1F200] =	vst v63  }
0x3e7: {  	_ =	swait.ge [sflag:s26], $0x4000  }
0x3e8: {  	[sflag:s26] =	ssyncset.done $0x0  }
0x3e9: {  	s8 =	simm.s32 $0xD80;
	[sflag:s26] =	ssyncadd.s32 $0xFFFFC000  }
0x3ea: {  	[tilespmem:s20], [sflag:$0x3] =	stream.indirect.gather [hbm4b:s4+s19], $0x80, s8, s19, $0xb8;
	[tilespmem:$0x1F200] =	vst v63  }
0x3eb: {  	_ =	swait.ge [sflag:s21], $0x4000  }
0x3ec: {  	[sflag:s21] =	ssyncset.done $0x0  }
0x3ed: {  	s8 =	simm.s32 $0x2B00;
	[sflag:s21] =	ssyncadd.s32 $0xFFFFC000  }
0x3ee: {  	[spmem:s2] =	stream.indirect.scatter.add.f32 [tilespmem:s16], [sflag:$0x4], $0x80, s8, s19, $0xb8;
	[tilespmem:$0x1F200] =	vst v63  }
0x3ef: {  	_ =	swait.ge [sflag:s22], $0x4000  }
0x3f0: {  	[sflag:s22] =	ssyncset.done $0x0  }
0x3f1: {  	s9 =	simm.s32 $0x2B80;
	[sflag:s22] =	ssyncadd.s32 $0xFFFFC000  }
0x3f2: {  	[spmem:s2] =	stream.indirect.scatter.add.f32 [tilespmem:s20], [sflag:$0x5], $0x80, s9, s19, $0xb8;
	[tilespmem:$0x1F200] =	vst v63  }
0x3f3: {  	_ =	swait.ge [sflag:s24], $0x4000  }
0x3f4: {  	[sflag:s24] =	ssyncset.done $0x0  }
0x3f5: {  	s1 =	simm.s32 $0xE00;
	[sflag:s24] =	ssyncadd.s32 $0xFFFFC000  }
0x3f6: {  	[tilespmem:s16], [sflag:$0x2] =	stream.indirect.gather [hbm4b:s4+s19], $0x80, s1, s19, $0xb8;
	[tilespmem:$0x1F200] =	vst v63  }
0x3f7: {  	_ =	swait.ge [sflag:s26], $0x4000  }
0x3f8: {  	[sflag:s26] =	ssyncset.done $0x0  }
0x3f9: {  	s9 =	simm.s32 $0xE80;
	[sflag:s26] =	ssyncadd.s32 $0xFFFFC000  }
0x3fa: {  	[tilespmem:s20], [sflag:$0x3] =	stream.indirect.gather [hbm4b:s4+s19], $0x80, s9, s19, $0xb8;
	[tilespmem:$0x1F200] =	vst v63  }
0x3fb: {  	_ =	swait.ge [sflag:s21], $0x4000  }
0x3fc: {  	[sflag:s21] =	ssyncset.done $0x0  }
0x3fd: {  	s1 =	simm.s32 $0x2C00;
	[sflag:s21] =	ssyncadd.s32 $0xFFFFC000  }
0x3fe: {  	[spmem:s2] =	stream.indirect.scatter.add.f32 [tilespmem:s16], [sflag:$0x4], $0x80, s1, s19, $0xb8;
	[tilespmem:$0x1F200] =	vst v63  }
0x3ff: {  	_ =	swait.ge [sflag:s22], $0x4000  }
0x400: {  	[sflag:s22] =	ssyncset.done $0x0  }
0x401: {  	s9 =	simm.s32 $0x2C80;
	[sflag:s22] =	ssyncadd.s32 $0xFFFFC000  }
0x402: {  	[spmem:s2] =	stream.indirect.scatter.add.f32 [tilespmem:s20], [sflag:$0x5], $0x80, s9, s19, $0xb8;
	[tilespmem:$0x1F200] =	vst v63  }
0x403: {  	_ =	swait.ge [sflag:s24], $0x4000  }
0x404: {  	[sflag:s24] =	ssyncset.done $0x0  }
0x405: {  	s0 =	simm.s32 $0xF00;
	[sflag:s24] =	ssyncadd.s32 $0xFFFFC000  }
0x406: {  	[tilespmem:s16], [sflag:$0x2] =	stream.indirect.gather [hbm4b:s4+s19], $0x80, s0, s19, $0xb8;
	[tilespmem:$0x1F200] =	vst v63  }
0x407: {  	_ =	swait.ge [sflag:s26], $0x4000  }
0x408: {  	[sflag:s26] =	ssyncset.done $0x0  }
0x409: {  	s0 =	simm.s32 $0xF80;
	[sflag:s26] =	ssyncadd.s32 $0xFFFFC000  }
0x40a: {  	[tilespmem:s20], [sflag:$0x3] =	stream.indirect.gather [hbm4b:s4+s19], $0x80, s0, s19, $0xb8;
	[tilespmem:$0x1F200] =	vst v63  }
0x40b: {  	_ =	swait.ge [sflag:s21], $0x4000  }
0x40c: {  	[sflag:s21] =	ssyncset.done $0x0  }
0x40d: {  	s3 =	simm.s32 $0x2D00;
	[sflag:s21] =	ssyncadd.s32 $0xFFFFC000  }
0x40e: {  	[spmem:s2] =	stream.indirect.scatter.add.f32 [tilespmem:s16], [sflag:$0x4], $0x80, s3, s19, $0xb8;
	[tilespmem:$0x1F200] =	vst v63  }
0x40f: {  	_ =	swait.ge [sflag:s22], $0x4000  }
0x410: {  	[sflag:s22] =	ssyncset.done $0x0  }
0x411: {  	s3 =	simm.s32 $0x2D80;
	[sflag:s22] =	ssyncadd.s32 $0xFFFFC000  }
0x412: {  	[spmem:s2] =	stream.indirect.scatter.add.f32 [tilespmem:s20], [sflag:$0x5], $0x80, s3, s19, $0xb8;
	[tilespmem:$0x1F200] =	vst v63  }
0x413: {  	_ =	swait.ge [sflag:s24], $0x4000  }
0x414: {  	[sflag:s24] =	ssyncset.done $0x0  }
0x415: {  	s0 =	simm.s32 $0x1000;
	[sflag:s24] =	ssyncadd.s32 $0xFFFFC000  }
0x416: {  	[tilespmem:s16], [sflag:$0x2] =	stream.indirect.gather [hbm4b:s4+s19], $0x80, s0, s19, $0xb8;
	[tilespmem:$0x1F200] =	vst v63  }
0x417: {  	_ =	swait.ge [sflag:s26], $0x4000  }
0x418: {  	[sflag:s26] =	ssyncset.done $0x0  }
0x419: {  	s0 =	simm.s32 $0x1080;
	[sflag:s26] =	ssyncadd.s32 $0xFFFFC000  }
0x41a: {  	[tilespmem:s20], [sflag:$0x3] =	stream.indirect.gather [hbm4b:s4+s19], $0x80, s0, s19, $0xb8;
	[tilespmem:$0x1F200] =	vst v63  }
0x41b: {  	_ =	swait.ge [sflag:s21], $0x4000  }
0x41c: {  	[sflag:s21] =	ssyncset.done $0x0  }
0x41d: {  	s0 =	simm.s32 $0x2E00;
	[sflag:s21] =	ssyncadd.s32 $0xFFFFC000  }
0x41e: {  	[spmem:s2] =	stream.indirect.scatter.add.f32 [tilespmem:s16], [sflag:$0x4], $0x80, s0, s19, $0xb8;
	[tilespmem:$0x1F200] =	vst v63  }
0x41f: {  	_ =	swait.ge [sflag:s22], $0x4000  }
0x420: {  	[sflag:s22] =	ssyncset.done $0x0  }
0x421: {  	s18 =	simm.s32 $0x2E80;
	[sflag:s22] =	ssyncadd.s32 $0xFFFFC000  }
0x422: {  	[spmem:s2] =	stream.indirect.scatter.add.f32 [tilespmem:s20], [sflag:$0x5], $0x80, s18, s19, $0xb8;
	[tilespmem:$0x1F200] =	vst v63  }
0x423: {  	_ =	swait.ge [sflag:s24], $0x4000  }
0x424: {  	[sflag:s24] =	ssyncset.done $0x0  }
0x425: {  	s0 =	simm.s32 $0x1100;
	[sflag:s24] =	ssyncadd.s32 $0xFFFFC000  }
0x426: {  	[tilespmem:s16], [sflag:$0x2] =	stream.indirect.gather [hbm4b:s4+s19], $0x80, s0, s19, $0xb8;
	[tilespmem:$0x1F200] =	vst v63  }
0x427: {  	_ =	swait.ge [sflag:s26], $0x4000  }
0x428: {  	[sflag:s26] =	ssyncset.done $0x0  }
0x429: {  	s0 =	simm.s32 $0x1180;
	[sflag:s26] =	ssyncadd.s32 $0xFFFFC000  }
0x42a: {  	[tilespmem:s20], [sflag:$0x3] =	stream.indirect.gather [hbm4b:s4+s19], $0x80, s0, s19, $0xb8;
	[tilespmem:$0x1F200] =	vst v63  }
0x42b: {  	_ =	swait.ge [sflag:s21], $0x4000  }
0x42c: {  	[sflag:s21] =	ssyncset.done $0x0  }
0x42d: {  	s25 =	simm.s32 $0x2F00;
	[sflag:s21] =	ssyncadd.s32 $0xFFFFC000  }
0x42e: {  	[spmem:s2] =	stream.indirect.scatter.add.f32 [tilespmem:s16], [sflag:$0x4], $0x80, s25, s19, $0xb8;
	[tilespmem:$0x1F200] =	vst v63  }
0x42f: {  	_ =	swait.ge [sflag:s22], $0x4000  }
0x430: {  	[sflag:s22] =	ssyncset.done $0x0  }
0x431: {  	s29 =	simm.s32 $0x2F80;
	[sflag:s22] =	ssyncadd.s32 $0xFFFFC000  }
0x432: {  	[spmem:s2] =	stream.indirect.scatter.add.f32 [tilespmem:s20], [sflag:$0x5], $0x80, s29, s19, $0xb8;
	[tilespmem:$0x1F200] =	vst v63  }
0x433: {  	_ =	swait.ge [sflag:s24], $0x4000  }
0x434: {  	[sflag:s24] =	ssyncset.done $0x0  }
0x435: {  	s0 =	simm.s32 $0x1200;
	[sflag:s24] =	ssyncadd.s32 $0xFFFFC000  }
0x436: {  	[tilespmem:s16], [sflag:$0x2] =	stream.indirect.gather [hbm4b:s4+s19], $0x80, s0, s19, $0xb8;
	[tilespmem:$0x1F200] =	vst v63  }
0x437: {  	_ =	swait.ge [sflag:s26], $0x4000  }
0x438: {  	[sflag:s26] =	ssyncset.done $0x0  }
0x439: {  	s0 =	simm.s32 $0x1280;
	[sflag:s26] =	ssyncadd.s32 $0xFFFFC000  }
0x43a: {  	[tilespmem:s20], [sflag:$0x3] =	stream.indirect.gather [hbm4b:s4+s19], $0x80, s0, s19, $0xb8;
	[tilespmem:$0x1F200] =	vst v63  }
0x43b: {  	_ =	swait.ge [sflag:s21], $0x4000  }
0x43c: {  	[sflag:s21] =	ssyncset.done $0x0  }
0x43d: {  	s0 =	simm.s32 $0x3000;
	[sflag:s21] =	ssyncadd.s32 $0xFFFFC000  }
0x43e: {  	[spmem:s2] =	stream.indirect.scatter.add.f32 [tilespmem:s16], [sflag:$0x4], $0x80, s0, s19, $0xb8;
	[tilespmem:$0x1F200] =	vst v63  }
0x43f: {  	_ =	swait.ge [sflag:s22], $0x4000  }
0x440: {  	[sflag:s22] =	ssyncset.done $0x0  }
0x441: {  	s0 =	simm.s32 $0x3080;
	[sflag:s22] =	ssyncadd.s32 $0xFFFFC000  }
0x442: {  	[spmem:s2] =	stream.indirect.scatter.add.f32 [tilespmem:s20], [sflag:$0x5], $0x80, s0, s19, $0xb8;
	[tilespmem:$0x1F200] =	vst v63  }
0x443: {  	_ =	swait.ge [sflag:s24], $0x4000  }
0x444: {  	[sflag:s24] =	ssyncset.done $0x0  }
0x445: {  	s0 =	simm.s32 $0x1300;
	[sflag:s24] =	ssyncadd.s32 $0xFFFFC000  }
0x446: {  	[tilespmem:s16], [sflag:$0x2] =	stream.indirect.gather [hbm4b:s4+s19], $0x80, s0, s19, $0xb8;
	[tilespmem:$0x1F200] =	vst v63  }
0x447: {  	_ =	swait.ge [sflag:s26], $0x4000  }
0x448: {  	[sflag:s26] =	ssyncset.done $0x0  }
0x449: {  	s0 =	simm.s32 $0x1380;
	[sflag:s26] =	ssyncadd.s32 $0xFFFFC000  }
0x44a: {  	[tilespmem:s20], [sflag:$0x3] =	stream.indirect.gather [hbm4b:s4+s19], $0x80, s0, s19, $0xb8;
	[tilespmem:$0x1F200] =	vst v63  }
0x44b: {  	_ =	swait.ge [sflag:s21], $0x4000  }
0x44c: {  	[sflag:s21] =	ssyncset.done $0x0  }
0x44d: {  	s0 =	simm.s32 $0x3100;
	[sflag:s21] =	ssyncadd.s32 $0xFFFFC000  }
0x44e: {  	[spmem:s2] =	stream.indirect.scatter.add.f32 [tilespmem:s16], [sflag:$0x4], $0x80, s0, s19, $0xb8;
	[tilespmem:$0x1F200] =	vst v63  }
0x44f: {  	_ =	swait.ge [sflag:s22], $0x4000  }
0x450: {  	[sflag:s22] =	ssyncset.done $0x0  }
0x451: {  	s11 =	simm.s32 $0x3180;
	[sflag:s22] =	ssyncadd.s32 $0xFFFFC000  }
0x452: {  	[spmem:s2] =	stream.indirect.scatter.add.f32 [tilespmem:s20], [sflag:$0x5], $0x80, s11, s19, $0xb8;
	[tilespmem:$0x1F200] =	vst v63  }
0x453: {  	_ =	swait.ge [sflag:s24], $0x4000  }
0x454: {  	[sflag:s24] =	ssyncset.done $0x0  }
0x455: {  	[sflag:s24] =	ssyncadd.s32 $0xFFFFC000  }
0x456: {  	_ =	swait.ge [sflag:s26], $0x4000  }
0x457: {  	[sflag:s26] =	ssyncset.done $0x0  }
0x458: {  	s11 =	rddreg [dreg:$0xf];
	[sflag:s26] =	ssyncadd.s32 $0xFFFFC000  }
0x459: {  	[tilespmem:s30], [sflag:$0x6] =	stream.linear.gather [hbm4b:s11+s12], $0xA00, $0x38;
	[tilespmem:$0x1F200] =	vst v63  }
0x45a: {  	_ =	swait.ge [sflag:s15], $0xA00  }
0x45b: {  	[sflag:s15] =	ssyncset.done $0x0  }
0x45c: {  	s11 =	simm.s32 $0x1400;
	[sflag:s15] =	ssyncadd.s32 $0xFFFFF600  }
0x45d: {  	[tilespmem:s16], [sflag:$0x2] =	stream.indirect.gather [hbm4b:s4+s19], $0x80, s11, s19, $0xb8;
	[tilespmem:$0x1F200] =	vst v63  }
0x45e: {  	s11 =	simm.s32 $0x1480  }
0x45f: {  	[tilespmem:s20], [sflag:$0x3] =	stream.indirect.gather [hbm4b:s4+s19], $0x80, s11, s19, $0xb8;
	[tilespmem:$0x1F200] =	vst v63  }
0x460: {  	_ =	swait.ge [sflag:s21], $0x4000  }
0x461: {  	[sflag:s21] =	ssyncset.done $0x0  }
0x462: {  	[sflag:s21] =	ssyncadd.s32 $0xFFFFC000  }
0x463: {  	[spmem:s2] =	stream.indirect.scatter.add.f32 [tilespmem:s16], [sflag:$0x4], $0x80, s30, s19, $0xb8;
	[tilespmem:$0x1F200] =	vst v63  }
0x464: {  	_ =	swait.ge [sflag:s22], $0x4000  }
0x465: {  	[sflag:s22] =	ssyncset.done $0x0  }
0x466: {  	[sflag:s22] =	ssyncadd.s32 $0xFFFFC000  }
0x467: {  	[spmem:s2] =	stream.indirect.scatter.add.f32 [tilespmem:s20], [sflag:$0x5], $0x80, s7, s19, $0xb8;
	[tilespmem:$0x1F200] =	vst v63  }
0x468: {  	_ =	swait.ge [sflag:s24], $0x4000  }
0x469: {  	[sflag:s24] =	ssyncset.done $0x0  }
0x46a: {  	s11 =	simm.s32 $0x1500;
	[sflag:s24] =	ssyncadd.s32 $0xFFFFC000  }
0x46b: {  	[tilespmem:s16], [sflag:$0x2] =	stream.indirect.gather [hbm4b:s4+s19], $0x80, s11, s19, $0xb8;
	[tilespmem:$0x1F200] =	vst v63  }
0x46c: {  	_ =	swait.ge [sflag:s26], $0x4000  }
0x46d: {  	[sflag:s26] =	ssyncset.done $0x0  }
0x46e: {  	s11 =	simm.s32 $0x1580;
	[sflag:s26] =	ssyncadd.s32 $0xFFFFC000  }
0x46f: {  	[tilespmem:s20], [sflag:$0x3] =	stream.indirect.gather [hbm4b:s4+s19], $0x80, s11, s19, $0xb8;
	[tilespmem:$0x1F200] =	vst v63  }
0x470: {  	_ =	swait.ge [sflag:s21], $0x4000  }
0x471: {  	[sflag:s21] =	ssyncset.done $0x0  }
0x472: {  	s11 =	simm.s32 $0x2900;
	[sflag:s21] =	ssyncadd.s32 $0xFFFFC000  }
0x473: {  	[spmem:s2] =	stream.indirect.scatter.add.f32 [tilespmem:s16], [sflag:$0x4], $0x80, s11, s19, $0xb8;
	[tilespmem:$0x1F200] =	vst v63  }
0x474: {  	_ =	swait.ge [sflag:s22], $0x4000  }
0x475: {  	[sflag:s22] =	ssyncset.done $0x0  }
0x476: {  	[sflag:s22] =	ssyncadd.s32 $0xFFFFC000  }
0x477: {  	[spmem:s2] =	stream.indirect.scatter.add.f32 [tilespmem:s20], [sflag:$0x5], $0x80, s6, s19, $0xb8;
	[tilespmem:$0x1F200] =	vst v63  }
0x478: {  	_ =	swait.ge [sflag:s24], $0x4000  }
0x479: {  	[sflag:s24] =	ssyncset.done $0x0  }
0x47a: {  	s11 =	simm.s32 $0x1600;
	[sflag:s24] =	ssyncadd.s32 $0xFFFFC000  }
0x47b: {  	[tilespmem:s16], [sflag:$0x2] =	stream.indirect.gather [hbm4b:s4+s19], $0x80, s11, s19, $0xb8;
	[tilespmem:$0x1F200] =	vst v63  }
0x47c: {  	_ =	swait.ge [sflag:s26], $0x4000  }
0x47d: {  	[sflag:s26] =	ssyncset.done $0x0  }
0x47e: {  	s11 =	simm.s32 $0x1680;
	[sflag:s26] =	ssyncadd.s32 $0xFFFFC000  }
0x47f: {  	[tilespmem:s20], [sflag:$0x3] =	stream.indirect.gather [hbm4b:s4+s19], $0x80, s11, s19, $0xb8;
	[tilespmem:$0x1F200] =	vst v63  }
0x480: {  	_ =	swait.ge [sflag:s21], $0x4000  }
0x481: {  	[sflag:s21] =	ssyncset.done $0x0  }
0x482: {  	[sflag:s21] =	ssyncadd.s32 $0xFFFFC000  }
0x483: {  	[spmem:s2] =	stream.indirect.scatter.add.f32 [tilespmem:s16], [sflag:$0x4], $0x80, s5, s19, $0xb8;
	[tilespmem:$0x1F200] =	vst v63  }
0x484: {  	_ =	swait.ge [sflag:s22], $0x4000  }
0x485: {  	[sflag:s22] =	ssyncset.done $0x0  }
0x486: {  	s11 =	simm.s32 $0x2A80;
	[sflag:s22] =	ssyncadd.s32 $0xFFFFC000  }
0x487: {  	[spmem:s2] =	stream.indirect.scatter.add.f32 [tilespmem:s20], [sflag:$0x5], $0x80, s11, s19, $0xb8;
	[tilespmem:$0x1F200] =	vst v63  }
0x488: {  	_ =	swait.ge [sflag:s24], $0x4000  }
0x489: {  	[sflag:s24] =	ssyncset.done $0x0  }
0x48a: {  	s11 =	simm.s32 $0x1700;
	[sflag:s24] =	ssyncadd.s32 $0xFFFFC000  }
0x48b: {  	[tilespmem:s16], [sflag:$0x2] =	stream.indirect.gather [hbm4b:s4+s19], $0x80, s11, s19, $0xb8;
	[tilespmem:$0x1F200] =	vst v63  }
0x48c: {  	_ =	swait.ge [sflag:s26], $0x4000  }
0x48d: {  	[sflag:s26] =	ssyncset.done $0x0  }
0x48e: {  	s11 =	simm.s32 $0x1780;
	[sflag:s26] =	ssyncadd.s32 $0xFFFFC000  }
0x48f: {  	[tilespmem:s20], [sflag:$0x3] =	stream.indirect.gather [hbm4b:s4+s19], $0x80, s11, s19, $0xb8;
	[tilespmem:$0x1F200] =	vst v63  }
0x490: {  	_ =	swait.ge [sflag:s21], $0x4000  }
0x491: {  	[sflag:s21] =	ssyncset.done $0x0  }
0x492: {  	[sflag:s21] =	ssyncadd.s32 $0xFFFFC000  }
0x493: {  	[spmem:s2] =	stream.indirect.scatter.add.f32 [tilespmem:s16], [sflag:$0x4], $0x80, s8, s19, $0xb8;
	[tilespmem:$0x1F200] =	vst v63  }
0x494: {  	_ =	swait.ge [sflag:s22], $0x4000  }
0x495: {  	[sflag:s22] =	ssyncset.done $0x0  }
0x496: {  	s11 =	simm.s32 $0x2B80;
	[sflag:s22] =	ssyncadd.s32 $0xFFFFC000  }
0x497: {  	[spmem:s2] =	stream.indirect.scatter.add.f32 [tilespmem:s20], [sflag:$0x5], $0x80, s11, s19, $0xb8;
	[tilespmem:$0x1F200] =	vst v63  }
0x498: {  	_ =	swait.ge [sflag:s24], $0x4000  }
0x499: {  	[sflag:s24] =	ssyncset.done $0x0  }
0x49a: {  	s11 =	simm.s32 $0x1800;
	[sflag:s24] =	ssyncadd.s32 $0xFFFFC000  }
0x49b: {  	[tilespmem:s16], [sflag:$0x2] =	stream.indirect.gather [hbm4b:s4+s19], $0x80, s11, s19, $0xb8;
	[tilespmem:$0x1F200] =	vst v63  }
0x49c: {  	_ =	swait.ge [sflag:s26], $0x4000  }
0x49d: {  	[sflag:s26] =	ssyncset.done $0x0  }
0x49e: {  	s11 =	simm.s32 $0x1880;
	[sflag:s26] =	ssyncadd.s32 $0xFFFFC000  }
0x49f: {  	[tilespmem:s20], [sflag:$0x3] =	stream.indirect.gather [hbm4b:s4+s19], $0x80, s11, s19, $0xb8;
	[tilespmem:$0x1F200] =	vst v63  }
0x4a0: {  	_ =	swait.ge [sflag:s21], $0x4000  }
0x4a1: {  	[sflag:s21] =	ssyncset.done $0x0  }
0x4a2: {  	[sflag:s21] =	ssyncadd.s32 $0xFFFFC000  }
0x4a3: {  	[spmem:s2] =	stream.indirect.scatter.add.f32 [tilespmem:s16], [sflag:$0x4], $0x80, s1, s19, $0xb8;
	[tilespmem:$0x1F200] =	vst v63  }
0x4a4: {  	_ =	swait.ge [sflag:s22], $0x4000  }
0x4a5: {  	[sflag:s22] =	ssyncset.done $0x0  }
0x4a6: {  	[sflag:s22] =	ssyncadd.s32 $0xFFFFC000  }
0x4a7: {  	[spmem:s2] =	stream.indirect.scatter.add.f32 [tilespmem:s20], [sflag:$0x5], $0x80, s9, s19, $0xb8;
	[tilespmem:$0x1F200] =	vst v63  }
0x4a8: {  	_ =	swait.ge [sflag:s24], $0x4000  }
0x4a9: {  	[sflag:s24] =	ssyncset.done $0x0  }
0x4aa: {  	s11 =	simm.s32 $0x1900;
	[sflag:s24] =	ssyncadd.s32 $0xFFFFC000  }
0x4ab: {  	[tilespmem:s16], [sflag:$0x2] =	stream.indirect.gather [hbm4b:s4+s19], $0x80, s11, s19, $0xb8;
	[tilespmem:$0x1F200] =	vst v63  }
0x4ac: {  	_ =	swait.ge [sflag:s26], $0x4000  }
0x4ad: {  	[sflag:s26] =	ssyncset.done $0x0  }
0x4ae: {  	s11 =	simm.s32 $0x1980;
	[sflag:s26] =	ssyncadd.s32 $0xFFFFC000  }
0x4af: {  	[tilespmem:s20], [sflag:$0x3] =	stream.indirect.gather [hbm4b:s4+s19], $0x80, s11, s19, $0xb8;
	[tilespmem:$0x1F200] =	vst v63  }
0x4b0: {  	_ =	swait.ge [sflag:s21], $0x4000  }
0x4b1: {  	[sflag:s21] =	ssyncset.done $0x0  }
0x4b2: {  	s11 =	simm.s32 $0x2D00;
	[sflag:s21] =	ssyncadd.s32 $0xFFFFC000  }
0x4b3: {  	[spmem:s2] =	stream.indirect.scatter.add.f32 [tilespmem:s16], [sflag:$0x4], $0x80, s11, s19, $0xb8;
	[tilespmem:$0x1F200] =	vst v63  }
0x4b4: {  	_ =	swait.ge [sflag:s22], $0x4000  }
0x4b5: {  	[sflag:s22] =	ssyncset.done $0x0  }
0x4b6: {  	[sflag:s22] =	ssyncadd.s32 $0xFFFFC000  }
0x4b7: {  	[spmem:s2] =	stream.indirect.scatter.add.f32 [tilespmem:s20], [sflag:$0x5], $0x80, s3, s19, $0xb8;
	[tilespmem:$0x1F200] =	vst v63  }
0x4b8: {  	_ =	swait.ge [sflag:s24], $0x4000  }
0x4b9: {  	[sflag:s24] =	ssyncset.done $0x0  }
0x4ba: {  	s11 =	simm.s32 $0x1A00;
	[sflag:s24] =	ssyncadd.s32 $0xFFFFC000  }
0x4bb: {  	[tilespmem:s16], [sflag:$0x2] =	stream.indirect.gather [hbm4b:s4+s19], $0x80, s11, s19, $0xb8;
	[tilespmem:$0x1F200] =	vst v63  }
0x4bc: {  	_ =	swait.ge [sflag:s26], $0x4000  }
0x4bd: {  	[sflag:s26] =	ssyncset.done $0x0  }
0x4be: {  	s11 =	simm.s32 $0x1A80;
	[sflag:s26] =	ssyncadd.s32 $0xFFFFC000  }
0x4bf: {  	[tilespmem:s20], [sflag:$0x3] =	stream.indirect.gather [hbm4b:s4+s19], $0x80, s11, s19, $0xb8;
	[tilespmem:$0x1F200] =	vst v63  }
0x4c0: {  	_ =	swait.ge [sflag:s21], $0x4000  }
0x4c1: {  	[sflag:s21] =	ssyncset.done $0x0  }
0x4c2: {  	s11 =	simm.s32 $0x2E00;
	[sflag:s21] =	ssyncadd.s32 $0xFFFFC000  }
0x4c3: {  	[spmem:s2] =	stream.indirect.scatter.add.f32 [tilespmem:s16], [sflag:$0x4], $0x80, s11, s19, $0xb8;
	[tilespmem:$0x1F200] =	vst v63  }
0x4c4: {  	_ =	swait.ge [sflag:s22], $0x4000  }
0x4c5: {  	[sflag:s22] =	ssyncset.done $0x0  }
0x4c6: {  	s18 =	simm.s32 $0x2E80;
	[sflag:s22] =	ssyncadd.s32 $0xFFFFC000  }
0x4c7: {  	[spmem:s2] =	stream.indirect.scatter.add.f32 [tilespmem:s20], [sflag:$0x5], $0x80, s18, s19, $0xb8;
	[tilespmem:$0x1F200] =	vst v63  }
0x4c8: {  	_ =	swait.ge [sflag:s24], $0x4000  }
0x4c9: {  	[sflag:s24] =	ssyncset.done $0x0  }
0x4ca: {  	s18 =	simm.s32 $0x1B00;
	[sflag:s24] =	ssyncadd.s32 $0xFFFFC000  }
0x4cb: {  	[tilespmem:s16], [sflag:$0x2] =	stream.indirect.gather [hbm4b:s4+s19], $0x80, s18, s19, $0xb8;
	[tilespmem:$0x1F200] =	vst v63  }
0x4cc: {  	_ =	swait.ge [sflag:s26], $0x4000  }
0x4cd: {  	[sflag:s26] =	ssyncset.done $0x0  }
0x4ce: {  	s18 =	simm.s32 $0x1B80;
	[sflag:s26] =	ssyncadd.s32 $0xFFFFC000  }
0x4cf: {  	[tilespmem:s20], [sflag:$0x3] =	stream.indirect.gather [hbm4b:s4+s19], $0x80, s18, s19, $0xb8;
	[tilespmem:$0x1F200] =	vst v63  }
0x4d0: {  	_ =	swait.ge [sflag:s21], $0x4000  }
0x4d1: {  	[sflag:s21] =	ssyncset.done $0x0  }
0x4d2: {  	s25 =	simm.s32 $0x2F00;
	[sflag:s21] =	ssyncadd.s32 $0xFFFFC000  }
0x4d3: {  	[spmem:s2] =	stream.indirect.scatter.add.f32 [tilespmem:s16], [sflag:$0x4], $0x80, s25, s19, $0xb8;
	[tilespmem:$0x1F200] =	vst v63  }
0x4d4: {  	_ =	swait.ge [sflag:s22], $0x4000  }
0x4d5: {  	[sflag:s22] =	ssyncset.done $0x0  }
0x4d6: {  	s29 =	simm.s32 $0x2F80;
	[sflag:s22] =	ssyncadd.s32 $0xFFFFC000  }
0x4d7: {  	[spmem:s2] =	stream.indirect.scatter.add.f32 [tilespmem:s20], [sflag:$0x5], $0x80, s29, s19, $0xb8;
	[tilespmem:$0x1F200] =	vst v63  }
0x4d8: {  	_ =	swait.ge [sflag:s24], $0x4000  }
0x4d9: {  	[sflag:s24] =	ssyncset.done $0x0  }
0x4da: {  	s29 =	simm.s32 $0x1C00;
	[sflag:s24] =	ssyncadd.s32 $0xFFFFC000  }
0x4db: {  	[tilespmem:s16], [sflag:$0x2] =	stream.indirect.gather [hbm4b:s4+s19], $0x80, s29, s19, $0xb8;
	[tilespmem:$0x1F200] =	vst v63  }
0x4dc: {  	_ =	swait.ge [sflag:s26], $0x4000  }
0x4dd: {  	[sflag:s26] =	ssyncset.done $0x0  }
0x4de: {  	s29 =	simm.s32 $0x1C80;
	[sflag:s26] =	ssyncadd.s32 $0xFFFFC000  }
0x4df: {  	[tilespmem:s20], [sflag:$0x3] =	stream.indirect.gather [hbm4b:s4+s19], $0x80, s29, s19, $0xb8;
	[tilespmem:$0x1F200] =	vst v63  }
0x4e0: {  	_ =	swait.ge [sflag:s21], $0x4000  }
0x4e1: {  	[sflag:s21] =	ssyncset.done $0x0  }
0x4e2: {  	s29 =	simm.s32 $0x3000;
	[sflag:s21] =	ssyncadd.s32 $0xFFFFC000  }
0x4e3: {  	[spmem:s2] =	stream.indirect.scatter.add.f32 [tilespmem:s16], [sflag:$0x4], $0x80, s29, s19, $0xb8;
	[tilespmem:$0x1F200] =	vst v63  }
0x4e4: {  	_ =	swait.ge [sflag:s22], $0x4000  }
0x4e5: {  	[sflag:s22] =	ssyncset.done $0x0  }
0x4e6: {  	s0 =	simm.s32 $0x3080;
	[sflag:s22] =	ssyncadd.s32 $0xFFFFC000  }
0x4e7: {  	[spmem:s2] =	stream.indirect.scatter.add.f32 [tilespmem:s20], [sflag:$0x5], $0x80, s0, s19, $0xb8;
	[tilespmem:$0x1F200] =	vst v63  }
0x4e8: {  	_ =	swait.ge [sflag:s24], $0x4000  }
0x4e9: {  	[sflag:s24] =	ssyncset.done $0x0  }
0x4ea: {  	s0 =	simm.s32 $0x1D00;
	[sflag:s24] =	ssyncadd.s32 $0xFFFFC000  }
0x4eb: {  	[tilespmem:s16], [sflag:$0x2] =	stream.indirect.gather [hbm4b:s4+s19], $0x80, s0, s19, $0xb8;
	[tilespmem:$0x1F200] =	vst v63  }
0x4ec: {  	_ =	swait.ge [sflag:s26], $0x4000  }
0x4ed: {  	[sflag:s26] =	ssyncset.done $0x0  }
0x4ee: {  	s0 =	simm.s32 $0x1D80;
	[sflag:s26] =	ssyncadd.s32 $0xFFFFC000  }
0x4ef: {  	[tilespmem:s20], [sflag:$0x3] =	stream.indirect.gather [hbm4b:s4+s19], $0x80, s0, s19, $0xb8;
	[tilespmem:$0x1F200] =	vst v63  }
0x4f0: {  	_ =	swait.ge [sflag:s21], $0x4000  }
0x4f1: {  	[sflag:s21] =	ssyncset.done $0x0  }
0x4f2: {  	s0 =	simm.s32 $0x3100;
	[sflag:s21] =	ssyncadd.s32 $0xFFFFC000  }
0x4f3: {  	[spmem:s2] =	stream.indirect.scatter.add.f32 [tilespmem:s16], [sflag:$0x4], $0x80, s0, s19, $0xb8;
	[tilespmem:$0x1F200] =	vst v63  }
0x4f4: {  	_ =	swait.ge [sflag:s22], $0x4000  }
0x4f5: {  	[sflag:s22] =	ssyncset.done $0x0  }
0x4f6: {  	s0 =	simm.s32 $0x3180;
	[sflag:s22] =	ssyncadd.s32 $0xFFFFC000  }
0x4f7: {  	[spmem:s2] =	stream.indirect.scatter.add.f32 [tilespmem:s20], [sflag:$0x5], $0x80, s0, s19, $0xb8;
	[tilespmem:$0x1F200] =	vst v63  }
0x4f8: {  	_ =	swait.ge [sflag:s24], $0x4000  }
0x4f9: {  	[sflag:s24] =	ssyncset.done $0x0  }
0x4fa: {  	[sflag:s24] =	ssyncadd.s32 $0xFFFFC000  }
0x4fb: {  	_ =	swait.ge [sflag:s26], $0x4000  }
0x4fc: {  	[sflag:s26] =	ssyncset.done $0x0  }
0x4fd: {  	s0 =	rddreg [dreg:$0x10];
	[sflag:s26] =	ssyncadd.s32 $0xFFFFC000  }
0x4fe: {  	[tilespmem:s30], [sflag:$0x6] =	stream.linear.gather [hbm4b:s0+s12], $0xA00, $0x38;
	[tilespmem:$0x1F200] =	vst v63  }
0x4ff: {  	_ =	swait.ge [sflag:s15], $0xA00  }
0x500: {  	[sflag:s15] =	ssyncset.done $0x0  }
0x501: {  	s0 =	simm.s32 $0x1E00;
	[sflag:s15] =	ssyncadd.s32 $0xFFFFF600  }
0x502: {  	[tilespmem:s16], [sflag:$0x2] =	stream.indirect.gather [hbm4b:s4+s19], $0x80, s0, s19, $0xb8;
	[tilespmem:$0x1F200] =	vst v63  }
0x503: {  	s0 =	simm.s32 $0x1E80  }
0x504: {  	[tilespmem:s20], [sflag:$0x3] =	stream.indirect.gather [hbm4b:s4+s19], $0x80, s0, s19, $0xb8;
	[tilespmem:$0x1F200] =	vst v63  }
0x505: {  	_ =	swait.ge [sflag:s21], $0x4000  }
0x506: {  	[sflag:s21] =	ssyncset.done $0x0  }
0x507: {  	[sflag:s21] =	ssyncadd.s32 $0xFFFFC000  }
0x508: {  	[spmem:s2] =	stream.indirect.scatter.add.f32 [tilespmem:s16], [sflag:$0x4], $0x80, s30, s19, $0xb8;
	[tilespmem:$0x1F200] =	vst v63  }
0x509: {  	_ =	swait.ge [sflag:s22], $0x4000  }
0x50a: {  	[sflag:s22] =	ssyncset.done $0x0  }
0x50b: {  	s7 =	simm.s32 $0x2880;
	[sflag:s22] =	ssyncadd.s32 $0xFFFFC000  }
0x50c: {  	[spmem:s2] =	stream.indirect.scatter.add.f32 [tilespmem:s20], [sflag:$0x5], $0x80, s7, s19, $0xb8;
	[tilespmem:$0x1F200] =	vst v63  }
0x50d: {  	_ =	swait.ge [sflag:s24], $0x4000  }
0x50e: {  	[sflag:s24] =	ssyncset.done $0x0  }
0x50f: {  	s7 =	simm.s32 $0x1F00;
	[sflag:s24] =	ssyncadd.s32 $0xFFFFC000  }
0x510: {  	[tilespmem:s16], [sflag:$0x2] =	stream.indirect.gather [hbm4b:s4+s19], $0x80, s7, s19, $0xb8;
	[tilespmem:$0x1F200] =	vst v63  }
0x511: {  	_ =	swait.ge [sflag:s26], $0x4000  }
0x512: {  	[sflag:s26] =	ssyncset.done $0x0  }
0x513: {  	s7 =	simm.s32 $0x1F80;
	[sflag:s26] =	ssyncadd.s32 $0xFFFFC000  }
0x514: {  	[tilespmem:s20], [sflag:$0x3] =	stream.indirect.gather [hbm4b:s4+s19], $0x80, s7, s19, $0xb8;
	[tilespmem:$0x1F200] =	vst v63  }
0x515: {  	_ =	swait.ge [sflag:s21], $0x4000  }
0x516: {  	[sflag:s21] =	ssyncset.done $0x0  }
0x517: {  	s7 =	simm.s32 $0x2900;
	[sflag:s21] =	ssyncadd.s32 $0xFFFFC000  }
0x518: {  	[spmem:s2] =	stream.indirect.scatter.add.f32 [tilespmem:s16], [sflag:$0x4], $0x80, s7, s19, $0xb8;
	[tilespmem:$0x1F200] =	vst v63  }
0x519: {  	_ =	swait.ge [sflag:s22], $0x4000  }
0x51a: {  	[sflag:s22] =	ssyncset.done $0x0  }
0x51b: {  	s6 =	simm.s32 $0x2980;
	[sflag:s22] =	ssyncadd.s32 $0xFFFFC000  }
0x51c: {  	[spmem:s2] =	stream.indirect.scatter.add.f32 [tilespmem:s20], [sflag:$0x5], $0x80, s6, s19, $0xb8;
	[tilespmem:$0x1F200] =	vst v63  }
0x51d: {  	_ =	swait.ge [sflag:s24], $0x4000  }
0x51e: {  	[sflag:s24] =	ssyncset.done $0x0  }
0x51f: {  	s6 =	simm.s32 $0x2000;
	[sflag:s24] =	ssyncadd.s32 $0xFFFFC000  }
0x520: {  	[tilespmem:s16], [sflag:$0x2] =	stream.indirect.gather [hbm4b:s4+s19], $0x80, s6, s19, $0xb8;
	[tilespmem:$0x1F200] =	vst v63  }
0x521: {  	_ =	swait.ge [sflag:s26], $0x4000  }
0x522: {  	[sflag:s26] =	ssyncset.done $0x0  }
0x523: {  	s7 =	simm.s32 $0x2080;
	[sflag:s26] =	ssyncadd.s32 $0xFFFFC000  }
0x524: {  	[tilespmem:s20], [sflag:$0x3] =	stream.indirect.gather [hbm4b:s4+s19], $0x80, s7, s19, $0xb8;
	[tilespmem:$0x1F200] =	vst v63  }
0x525: {  	_ =	swait.ge [sflag:s21], $0x4000  }
0x526: {  	[sflag:s21] =	ssyncset.done $0x0  }
0x527: {  	s5 =	simm.s32 $0x2A00;
	[sflag:s21] =	ssyncadd.s32 $0xFFFFC000  }
0x528: {  	[spmem:s2] =	stream.indirect.scatter.add.f32 [tilespmem:s16], [sflag:$0x4], $0x80, s5, s19, $0xb8;
	[tilespmem:$0x1F200] =	vst v63  }
0x529: {  	_ =	swait.ge [sflag:s22], $0x4000  }
0x52a: {  	[sflag:s22] =	ssyncset.done $0x0  }
0x52b: {  	s6 =	simm.s32 $0x2A80;
	[sflag:s22] =	ssyncadd.s32 $0xFFFFC000  }
0x52c: {  	[spmem:s2] =	stream.indirect.scatter.add.f32 [tilespmem:s20], [sflag:$0x5], $0x80, s6, s19, $0xb8;
	[tilespmem:$0x1F200] =	vst v63  }
0x52d: {  	_ =	swait.ge [sflag:s24], $0x4000  }
0x52e: {  	[sflag:s24] =	ssyncset.done $0x0  }
0x52f: {  	s7 =	simm.s32 $0x2100;
	[sflag:s24] =	ssyncadd.s32 $0xFFFFC000  }
0x530: {  	[tilespmem:s16], [sflag:$0x2] =	stream.indirect.gather [hbm4b:s4+s19], $0x80, s7, s19, $0xb8;
	[tilespmem:$0x1F200] =	vst v63  }
0x531: {  	_ =	swait.ge [sflag:s26], $0x4000  }
0x532: {  	[sflag:s26] =	ssyncset.done $0x0  }
0x533: {  	s5 =	simm.s32 $0x2180;
	[sflag:s26] =	ssyncadd.s32 $0xFFFFC000  }
0x534: {  	[tilespmem:s20], [sflag:$0x3] =	stream.indirect.gather [hbm4b:s4+s19], $0x80, s5, s19, $0xb8;
	[tilespmem:$0x1F200] =	vst v63  }
0x535: {  	_ =	swait.ge [sflag:s21], $0x4000  }
0x536: {  	[sflag:s21] =	ssyncset.done $0x0  }
0x537: {  	s8 =	simm.s32 $0x2B00;
	[sflag:s21] =	ssyncadd.s32 $0xFFFFC000  }
0x538: {  	[spmem:s2] =	stream.indirect.scatter.add.f32 [tilespmem:s16], [sflag:$0x4], $0x80, s8, s19, $0xb8;
	[tilespmem:$0x1F200] =	vst v63  }
0x539: {  	_ =	swait.ge [sflag:s22], $0x4000  }
0x53a: {  	[sflag:s22] =	ssyncset.done $0x0  }
0x53b: {  	s6 =	simm.s32 $0x2B80;
	[sflag:s22] =	ssyncadd.s32 $0xFFFFC000  }
0x53c: {  	[spmem:s2] =	stream.indirect.scatter.add.f32 [tilespmem:s20], [sflag:$0x5], $0x80, s6, s19, $0xb8;
	[tilespmem:$0x1F200] =	vst v63  }
0x53d: {  	_ =	swait.ge [sflag:s24], $0x4000  }
0x53e: {  	[sflag:s24] =	ssyncset.done $0x0  }
0x53f: {  	s7 =	simm.s32 $0x2200;
	[sflag:s24] =	ssyncadd.s32 $0xFFFFC000  }
0x540: {  	[tilespmem:s16], [sflag:$0x2] =	stream.indirect.gather [hbm4b:s4+s19], $0x80, s7, s19, $0xb8;
	[tilespmem:$0x1F200] =	vst v63  }
0x541: {  	_ =	swait.ge [sflag:s26], $0x4000  }
0x542: {  	[sflag:s26] =	ssyncset.done $0x0  }
0x543: {  	s8 =	simm.s32 $0x2280;
	[sflag:s26] =	ssyncadd.s32 $0xFFFFC000  }
0x544: {  	[tilespmem:s20], [sflag:$0x3] =	stream.indirect.gather [hbm4b:s4+s19], $0x80, s8, s19, $0xb8;
	[tilespmem:$0x1F200] =	vst v63  }
0x545: {  	_ =	swait.ge [sflag:s21], $0x4000  }
0x546: {  	[sflag:s21] =	ssyncset.done $0x0  }
0x547: {  	s1 =	simm.s32 $0x2C00;
	[sflag:s21] =	ssyncadd.s32 $0xFFFFC000  }
0x548: {  	[spmem:s2] =	stream.indirect.scatter.add.f32 [tilespmem:s16], [sflag:$0x4], $0x80, s1, s19, $0xb8;
	[tilespmem:$0x1F200] =	vst v63  }
0x549: {  	_ =	swait.ge [sflag:s22], $0x4000  }
0x54a: {  	[sflag:s22] =	ssyncset.done $0x0  }
0x54b: {  	s9 =	simm.s32 $0x2C80;
	[sflag:s22] =	ssyncadd.s32 $0xFFFFC000  }
0x54c: {  	[spmem:s2] =	stream.indirect.scatter.add.f32 [tilespmem:s20], [sflag:$0x5], $0x80, s9, s19, $0xb8;
	[tilespmem:$0x1F200] =	vst v63  }
0x54d: {  	_ =	swait.ge [sflag:s24], $0x4000  }
0x54e: {  	[sflag:s24] =	ssyncset.done $0x0  }
0x54f: {  	s9 =	simm.s32 $0x2300;
	[sflag:s24] =	ssyncadd.s32 $0xFFFFC000  }
0x550: {  	[tilespmem:s16], [sflag:$0x2] =	stream.indirect.gather [hbm4b:s4+s19], $0x80, s9, s19, $0xb8;
	[tilespmem:$0x1F200] =	vst v63  }
0x551: {  	_ =	swait.ge [sflag:s26], $0x4000  }
0x552: {  	[sflag:s26] =	ssyncset.done $0x0  }
0x553: {  	s1 =	simm.s32 $0x2380;
	[sflag:s26] =	ssyncadd.s32 $0xFFFFC000  }
0x554: {  	[tilespmem:s20], [sflag:$0x3] =	stream.indirect.gather [hbm4b:s4+s19], $0x80, s1, s19, $0xb8;
	[tilespmem:$0x1F200] =	vst v63  }
0x555: {  	_ =	swait.ge [sflag:s21], $0x4000  }
0x556: {  	[sflag:s21] =	ssyncset.done $0x0  }
0x557: {  	s5 =	simm.s32 $0x2D00;
	[sflag:s21] =	ssyncadd.s32 $0xFFFFC000  }
0x558: {  	[spmem:s2] =	stream.indirect.scatter.add.f32 [tilespmem:s16], [sflag:$0x4], $0x80, s5, s19, $0xb8;
	[tilespmem:$0x1F200] =	vst v63  }
0x559: {  	_ =	swait.ge [sflag:s22], $0x4000  }
0x55a: {  	[sflag:s22] =	ssyncset.done $0x0  }
0x55b: {  	s3 =	simm.s32 $0x2D80;
	[sflag:s22] =	ssyncadd.s32 $0xFFFFC000  }
0x55c: {  	[spmem:s2] =	stream.indirect.scatter.add.f32 [tilespmem:s20], [sflag:$0x5], $0x80, s3, s19, $0xb8;
	[tilespmem:$0x1F200] =	vst v63  }
0x55d: {  	_ =	swait.ge [sflag:s24], $0x4000  }
0x55e: {  	[sflag:s24] =	ssyncset.done $0x0  }
0x55f: {  	s6 =	simm.s32 $0x2400;
	[sflag:s24] =	ssyncadd.s32 $0xFFFFC000  }
0x560: {  	[tilespmem:s16], [sflag:$0x2] =	stream.indirect.gather [hbm4b:s4+s19], $0x80, s6, s19, $0xb8;
	[tilespmem:$0x1F200] =	vst v63  }
0x561: {  	_ =	swait.ge [sflag:s26], $0x4000  }
0x562: {  	[sflag:s26] =	ssyncset.done $0x0  }
0x563: {  	s7 =	simm.s32 $0x2480;
	[sflag:s26] =	ssyncadd.s32 $0xFFFFC000  }
0x564: {  	[tilespmem:s20], [sflag:$0x3] =	stream.indirect.gather [hbm4b:s4+s19], $0x80, s7, s19, $0xb8;
	[tilespmem:$0x1F200] =	vst v63  }
0x565: {  	_ =	swait.ge [sflag:s21], $0x4000  }
0x566: {  	[sflag:s21] =	ssyncset.done $0x0  }
0x567: {  	s8 =	simm.s32 $0x2E00;
	[sflag:s21] =	ssyncadd.s32 $0xFFFFC000  }
0x568: {  	[spmem:s2] =	stream.indirect.scatter.add.f32 [tilespmem:s16], [sflag:$0x4], $0x80, s8, s19, $0xb8;
	[tilespmem:$0x1F200] =	vst v63  }
0x569: {  	_ =	swait.ge [sflag:s22], $0x4000  }
0x56a: {  	[sflag:s22] =	ssyncset.done $0x0  }
0x56b: {  	s11 =	simm.s32 $0x2E80;
	[sflag:s22] =	ssyncadd.s32 $0xFFFFC000  }
0x56c: {  	[spmem:s2] =	stream.indirect.scatter.add.f32 [tilespmem:s20], [sflag:$0x5], $0x80, s11, s19, $0xb8;
	[tilespmem:$0x1F200] =	vst v63  }
0x56d: {  	_ =	swait.ge [sflag:s24], $0x4000  }
0x56e: {  	[sflag:s24] =	ssyncset.done $0x0  }
0x56f: {  	s9 =	simm.s32 $0x2500;
	[sflag:s24] =	ssyncadd.s32 $0xFFFFC000  }
0x570: {  	[tilespmem:s16], [sflag:$0x2] =	stream.indirect.gather [hbm4b:s4+s19], $0x80, s9, s19, $0xb8;
	[tilespmem:$0x1F200] =	vst v63  }
0x571: {  	_ =	swait.ge [sflag:s26], $0x4000  }
0x572: {  	[sflag:s26] =	ssyncset.done $0x0  }
0x573: {  	s11 =	simm.s32 $0x2580;
	[sflag:s26] =	ssyncadd.s32 $0xFFFFC000  }
0x574: {  	[tilespmem:s20], [sflag:$0x3] =	stream.indirect.gather [hbm4b:s4+s19], $0x80, s11, s19, $0xb8;
	[tilespmem:$0x1F200] =	vst v63  }
0x575: {  	_ =	swait.ge [sflag:s21], $0x4000  }
0x576: {  	[sflag:s21] =	ssyncset.done $0x0  }
0x577: {  	s18 =	simm.s32 $0x2F00;
	[sflag:s21] =	ssyncadd.s32 $0xFFFFC000  }
0x578: {  	[spmem:s2] =	stream.indirect.scatter.add.f32 [tilespmem:s16], [sflag:$0x4], $0x80, s18, s19, $0xb8;
	[tilespmem:$0x1F200] =	vst v63  }
0x579: {  	_ =	swait.ge [sflag:s22], $0x4000  }
0x57a: {  	[sflag:s22] =	ssyncset.done $0x0  }
0x57b: {  	s25 =	simm.s32 $0x2F80;
	[sflag:s22] =	ssyncadd.s32 $0xFFFFC000  }
0x57c: {  	[spmem:s2] =	stream.indirect.scatter.add.f32 [tilespmem:s20], [sflag:$0x5], $0x80, s25, s19, $0xb8;
	[tilespmem:$0x1F200] =	vst v63  }
0x57d: {  	_ =	swait.ge [sflag:s24], $0x4000  }
0x57e: {  	[sflag:s24] =	ssyncset.done $0x0  }
0x57f: {  	s25 =	simm.s32 $0x2600;
	[sflag:s24] =	ssyncadd.s32 $0xFFFFC000  }
0x580: {  	[tilespmem:s16], [sflag:$0x2] =	stream.indirect.gather [hbm4b:s4+s19], $0x80, s25, s19, $0xb8;
	[tilespmem:$0x1F200] =	vst v63  }
0x581: {  	_ =	swait.ge [sflag:s26], $0x4000  }
0x582: {  	[sflag:s26] =	ssyncset.done $0x0  }
0x583: {  	s1 =	simm.s32 $0x2680;
	[sflag:s26] =	ssyncadd.s32 $0xFFFFC000  }
0x584: {  	[tilespmem:s20], [sflag:$0x3] =	stream.indirect.gather [hbm4b:s4+s19], $0x80, s1, s19, $0xb8;
	[tilespmem:$0x1F200] =	vst v63  }
0x585: {  	_ =	swait.ge [sflag:s21], $0x4000  }
0x586: {  	[sflag:s21] =	ssyncset.done $0x0  }
0x587: {  	s29 =	simm.s32 $0x3000;
	[sflag:s21] =	ssyncadd.s32 $0xFFFFC000  }
0x588: {  	[spmem:s2] =	stream.indirect.scatter.add.f32 [tilespmem:s16], [sflag:$0x4], $0x80, s29, s19, $0xb8;
	[tilespmem:$0x1F200] =	vst v63  }
0x589: {  	_ =	swait.ge [sflag:s22], $0x4000  }
0x58a: {  	[sflag:s22] =	ssyncset.done $0x0  }
0x58b: {  	s3 =	simm.s32 $0x3080;
	[sflag:s22] =	ssyncadd.s32 $0xFFFFC000  }
0x58c: {  	[spmem:s2] =	stream.indirect.scatter.add.f32 [tilespmem:s20], [sflag:$0x5], $0x80, s3, s19, $0xb8;
	[tilespmem:$0x1F200] =	vst v63  }
0x58d: {  	_ =	swait.ge [sflag:s24], $0x4000  }
0x58e: {  	[sflag:s24] =	ssyncset.done $0x0  }
0x58f: {  	s5 =	simm.s32 $0x2700;
	[sflag:s24] =	ssyncadd.s32 $0xFFFFC000  }
0x590: {  	[tilespmem:s16], [sflag:$0x2] =	stream.indirect.gather [hbm4b:s4+s19], $0x80, s5, s19, $0xb8;
	[tilespmem:$0x1F200] =	vst v63  }
0x591: {  	_ =	swait.ge [sflag:s26], $0x4000  }
0x592: {  	[sflag:s26] =	ssyncset.done $0x0  }
0x593: {  	s6 =	simm.s32 $0x2780;
	[sflag:s26] =	ssyncadd.s32 $0xFFFFC000  }
0x594: {  	[tilespmem:s20], [sflag:$0x3] =	stream.indirect.gather [hbm4b:s4+s19], $0x80, s6, s19, $0xb8;
	[tilespmem:$0x1F200] =	vst v63  }
0x595: {  	_ =	swait.ge [sflag:s21], $0x4000  }
0x596: {  	[sflag:s21] =	ssyncset.done $0x0  }
0x597: {  	s7 =	simm.s32 $0x3100;
	[sflag:s21] =	ssyncadd.s32 $0xFFFFC000  }
0x598: {  	[spmem:s2] =	stream.indirect.scatter.add.f32 [tilespmem:s16], [sflag:$0x4], $0x80, s7, s19, $0xb8;
	[tilespmem:$0x1F200] =	vst v63  }
0x599: {  	_ =	swait.ge [sflag:s22], $0x4000  }
0x59a: {  	[sflag:s22] =	ssyncset.done $0x0  }
0x59b: {  	s8 =	simm.s32 $0x3180;
	[sflag:s22] =	ssyncadd.s32 $0xFFFFC000  }
0x59c: {  	[spmem:s2] =	stream.indirect.scatter.add.f32 [tilespmem:s20], [sflag:$0x5], $0x80, s8, s19, $0xb8;
	[tilespmem:$0x1F200] =	vst v63  }
0x59d: {  	_ =	swait.ge [sflag:s24], $0x4000  }
0x59e: {  	[sflag:s24] =	ssyncset.done $0x0  }
0x59f: {  	[sflag:s24] =	ssyncadd.s32 $0xFFFFC000  }
0x5a0: {  	_ =	swait.ge [sflag:s26], $0x4000  }
0x5a1: {  	[sflag:s26] =	ssyncset.done $0x0  }
0x5a2: {  	[sflag:s26] =	ssyncadd.s32 $0xFFFFC000  }
0x5a3: {  	[bflag:$0x0] =	sbarrier.arrive $0xFFFF  }
0x5a4: {  	s9 =	rddreg [dreg:$0x6]  }
0x5a5: {  	s11 =	rddreg [dreg:$0x11]  }
0x5a6: {  	s18 =	rddreg [dreg:$0x12]  }
0x5a7: {  	[hbm:s9], [sflag:s11] =	dma.local [spmem:s18], $0x2800  }
0x5a8: {  	_ =	swait.ge [sflag:s15], $0x2800  }
0x5a9: {  	s25 =	rddreg [dreg:$0xd]  }
0x5aa: {  	s29 =	rddreg [dreg:$0x7];
	s1 =	sadd.s32 $0x1, s25  }
0x5ab: {  	p0 =	sne.s32 s1, s29  }
.Ltmp4:
0x5ac: {  	_ = 	snop;
	(pc) =	sbr.rel @p0 .LBB2_1-.Ltmp4, $3  }
0x5ad: {  	[sflag:s15] =	ssyncset.done $0x0  }
0x5ae: {  	[sflag:s15] =	ssyncadd.s32 $0xFFFFD800  }
0x5af: {  	[bflag:$0x0] =	sbarrier.arrive $0xFFFF;
	_ =	sdelay $0x1  }
0x5b0: {  	_ =	sfence.sel $0x180000  }
0x5b1: {  	[bflag:$0x0] =	sbarrier.arrive $0xFFFF  }
0x5b2: {  	_ =	strace $0x9000004A  }
0x5b3: {  	s0 =	stileid.u32;
	[bflag:$0x2] =	sbarrier.arrive $0xFFFF  }
0x5b4: {  	p0 =	sne.s32 s0, $0x0;
	s0 =	rddreg [dreg:$0x2]  }
0x5b5: {  	s0 =	sadd.s32 @!p0 $0x100000, s0  }
0x5b6: {  	[sflag:s0] =	ssyncadd.tile.s32 @!p0 $0x1;
	_ =	shalt  }
.Lfunc_end2:
_tile_overlayer_lowered:
.L_overlay_start_2:
0x5b7: {  	(tag) =	ssettag $0x2  }
0x5b8: {  	s0 =	rddreg [dreg:$0x0];
	s2 =	stileid.u32  }
0x5b9: {  	s1 =	rddreg [dreg:$0x1];
	p0 =	sne.s32 s2, $0x0  }
0x5ba: {  	s3 =	rddreg [dreg:$0x2];
	[bflag:$0x3] =	sbarrier.arrive $0xFFFF;
	s2 =	simm.s32 @!p0 $0x1C06  }
0x5bb: {  	[timem:s3], [sflag:s2] =	dma.local @!p0 [hbm:s0], s1  }
0x5bc: {  	s0 =	simm.s32 @!p0 $0x6  }
0x5bd: {  	_ =	swait.ge @!p0 [sflag:s0], s1  }
0x5be: {  	s1 =	ssub.s32 @!p0 $0x0, s1;
	[sflag:s0] =	ssyncset.done @!p0 $0x0  }
0x5bf: {  	[sflag:s0] =	ssyncadd.s32 @!p0 s1  }
0x5c0: {  	[bflag:$0x3] =	sbarrier.arrive $0xFFFF  }
0x5c1: {  	_ =	shalt  }

// kernel: kernel.7.cloned.1.call-start
scs
__scs_entry_jumppad:
0x0: {  	(pc) =	sbr.rel $0x88, $3  }
0x1: {  	(tag) =	ssettag $0x0;
	lr =	simm.s32 $0x1  }
0x2: {  	[smem:$0x3F91] =	sst lr;
	_ =	strace $0xD0000000  }
0x3: {  	_ = 	snop  }
0x4: {  	_ = 	snop  }
0x5: {  	_ = 	snop  }
0x6: {  	_ = 	snop  }
0x7: {  	_ = 	snop  }
__scs_overlays_trampoline_lowered:
0x8: {  	[smem:$0x3FA0] =	sst s0  }
0x9: {  	[smem:$0x3FA1] =	sst s1  }
0xa: {  	[smem:$0x3FA2] =	sst s2  }
0xb: {  	[smem:$0x3FA3] =	sst s3  }
0xc: {  	[smem:$0x3FA4] =	sst s4  }
0xd: {  	[smem:$0x3FA5] =	sst s5  }
0xe: {  	[smem:$0x3FA6] =	sst s6  }
0xf: {  	[smem:$0x3FA7] =	sst s7  }
0x10: {  	[smem:$0x3FA8] =	sst s8  }
0x11: {  	[smem:$0x3FA9] =	sst s9;
	s0 =	simm.s32 @!p0 $0x0  }
0x12: {  	s1 =	sld [smem:$0x3F8F];
	s0 =	simm.s32 @p0 $0x1  }
0x13: {  	[smem:$0x3FAA] =	sst s0;
	s0 =	simm.s32 @!p1 $0x0  }
0x14: {  	s2 =	sld [smem:$0x3F8E];
	s0 =	simm.s32 @p1 $0x1  }
0x15: {  	[smem:$0x3FAB] =	sst s0;
	s0 =	simm.s32 @!p2 $0x0  }
0x16: {  	s3 =	sld [smem:$0x3FDB];
	s0 =	simm.s32 @p2 $0x1  }
0x17: {  	s4 =	simm.s32 $0x1BF5;
	[smem:$0x3FAD] =	sst s0  }
0x18: {  	s0 =	sld [smem:$0x3F90];
	_ =	swait.ge [sflag:s4], $0x0  }
0x19: {  	s7 =	sld [smem:$0x3F91]  }
0x1a: {  	s8 =	sadd.s32 $0xFFFFE003, lr  }
0x1b: {  	s9 =	sadd.s32 $0xFFFFFEF7, lr;
	s5 =	simm.s32 $0xFFFFFFFF;
	p2 =	slt.u32 s8, $0xFFFFF086  }
0x1c: {  	p1 =	slt.u32 s9, $0xF7A;
	s5 =	simm.s32 @!p2 $0x0  }
0x1d: {  	s5 =	simm.s32 @p1 $0x1;
	p0 =	seq.s32 s7, s2  }
0x1e: {  	s7 =	smul.u32 @!p0 $0xF7A, s2;
	p2 =	seq.s32 @!p0 s5, $0x0  }
0x1f: {  	s9 =	smul.u32 $0xF7A, s1;
	s8 =	simm.s32 @!p0 $0x1BF5;
	p2 =	por !p2, p0  }
0x20: {  	[sflag:s8] =	ssyncset.s32 @!p0 $0xFFFFF086;
	s6 =	sadd.s32 @!p0 s3, s7;
	s7 =	simm.s32 @!p0 $0x108  }
0x21: {  	s3 =	sadd.s32 s3, s9;
	s6 =	sadd.s32 @!p0 $0x88, s6;
	s7 =	simm.s32 @p2 $0x1082  }
0x22: {  	[simem:s7], [sflag:s8] =	dma.local @!p0 [hbm:s6], $0xF7A  }
0x23: {  	s9 =	sor.u32 $0xD0000000, s2;
	s6 =	simm.s32 $0x108;
	_ =	swait.ge @!p0 [sflag:s8], $0x0  }
0x24: {  	s3 =	sadd.s32 $0x88, s3;
	s6 =	simm.s32 @!p1 $0x1082;
	[sflag:s4] =	ssyncset.s32 $0xFFFFF086  }
0x25: {  	[simem:s6], [sflag:s4] =	dma.local [hbm:s3], $0xF7A  }
0x26: {  	[smem:$0x3F91] =	sst s1;
	(tag) =	ssettag s2;
	_ =	strace s9  }
0x27: {  	s1 =	sld [smem:$0x3FA1]  }
0x28: {  	s2 =	sld [smem:$0x3FA2]  }
0x29: {  	s4 =	sld [smem:$0x3FA4]  }
0x2a: {  	p0 =	seq.s32 s5, $0x0;
	s5 =	sld [smem:$0x3FA5]  }
0x2b: {  	s6 =	sld [smem:$0x3FA6]  }
0x2c: {  	s7 =	sld [smem:$0x3FA7]  }
0x2d: {  	s3 =	simm.s32 $0x108;
	s8 =	sld [smem:$0x3FA8]  }
0x2e: {  	s3 =	simm.s32 @!p0 $0x1082;
	s9 =	sld [smem:$0x3FA9]  }
0x2f: {  	lr =	sadd.s32 s0, s3;
	s0 =	sld [smem:$0x3FA0]  }
0x30: {  	s3 =	sld [smem:$0x3FA3]  }
0x31: {  	[smem:$0x3FAC] =	sst s10  }
0x32: {  	s10 =	sld [smem:$0x3FAA];
	_ =	sdelay $0x3  }
0x33: {  	p0 =	seq.s32 s10, $0x1;
	s10 =	sld [smem:$0x3FAC];
	_ =	sdelay $0x3  }
0x34: {  	[smem:$0x3FAC] =	sst s10  }
0x35: {  	s10 =	sld [smem:$0x3FAB];
	_ =	sdelay $0x3  }
0x36: {  	p1 =	seq.s32 s10, $0x1;
	s10 =	sld [smem:$0x3FAC];
	_ =	sdelay $0x3  }
0x37: {  	[smem:$0x3FAC] =	sst s10  }
0x38: {  	s10 =	sld [smem:$0x3FAD]  }
0x39: {  	_ = 	snop;
	(pc) =	sbr.ind lr, $3  }
0x3a: {  	_ = 	snop  }
0x3b: {  	_ = 	snop  }
0x3c: {  	p2 =	seq.s32 s10, $0x1;
	s10 =	sld [smem:$0x3FAC]  }
0x3d: {  	_ =	shalt  }
0x3e: {  	_ =	shalt  }
0x3f: {  	_ =	shalt  }
0x40: {  	_ =	shalt  }
0x41: {  	_ =	shalt  }
0x42: {  	_ =	shalt  }
0x43: {  	_ =	shalt  }
0x44: {  	_ =	shalt  }
0x45: {  	_ =	shalt  }
0x46: {  	_ =	shalt  }
0x47: {  	_ =	shalt  }
0x48: {  	_ =	shalt  }
0x49: {  	_ =	shalt  }
0x4a: {  	_ =	shalt  }
0x4b: {  	_ =	shalt  }
0x4c: {  	_ =	shalt  }
0x4d: {  	_ =	shalt  }
0x4e: {  	_ =	shalt  }
0x4f: {  	_ =	shalt  }
0x50: {  	_ =	shalt  }
0x51: {  	_ =	shalt  }
0x52: {  	_ =	shalt  }
0x53: {  	_ =	shalt  }
0x54: {  	_ =	shalt  }
0x55: {  	_ =	shalt  }
0x56: {  	_ =	shalt  }
0x57: {  	_ =	shalt  }
0x58: {  	_ =	shalt  }
0x59: {  	_ =	shalt  }
0x5a: {  	_ =	shalt  }
0x5b: {  	_ =	shalt  }
0x5c: {  	_ =	shalt  }
0x5d: {  	_ =	shalt  }
0x5e: {  	_ =	shalt  }
0x5f: {  	_ =	shalt  }
0x60: {  	_ =	shalt  }
0x61: {  	_ =	shalt  }
0x62: {  	_ =	shalt  }
0x63: {  	_ =	shalt  }
0x64: {  	_ =	shalt  }
0x65: {  	_ =	shalt  }
0x66: {  	_ =	shalt  }
0x67: {  	_ =	shalt  }
0x68: {  	_ =	shalt  }
0x69: {  	_ =	shalt  }
0x6a: {  	_ =	shalt  }
0x6b: {  	_ =	shalt  }
0x6c: {  	_ =	shalt  }
0x6d: {  	_ =	shalt  }
0x6e: {  	_ =	shalt  }
0x6f: {  	_ =	shalt  }
0x70: {  	_ =	shalt  }
0x71: {  	_ =	shalt  }
0x72: {  	_ =	shalt  }
0x73: {  	_ =	shalt  }
0x74: {  	_ =	shalt  }
0x75: {  	_ =	shalt  }
0x76: {  	_ =	shalt  }
0x77: {  	_ =	shalt  }
0x78: {  	_ =	shalt  }
0x79: {  	_ =	shalt  }
0x7a: {  	_ =	shalt  }
0x7b: {  	_ =	shalt  }
0x7c: {  	_ =	shalt  }
0x7d: {  	_ =	shalt  }
0x7e: {  	_ =	shalt  }
0x7f: {  	_ =	shalt  }
0x80: {  	_ =	shalt  }
0x81: {  	_ =	shalt  }
0x82: {  	_ =	shalt  }
0x83: {  	_ =	shalt  }
0x84: {  	_ =	shalt  }
0x85: {  	_ =	shalt  }
0x86: {  	_ =	shalt  }
0x87: {  	_ =	shalt  }
.Lfunc_end0:
.L_simem_size_0:
called_computation_lowered:
.L_overlay_start_0:
0x88: {  	s2 =	sld [smem:$0x3FD9]  }
0x89: {  	s3 =	sld [smem:$0x3FFE];
	_ =	sdelay $0x1  }
0x8a: {  	s1 =	srdreg.scid  }
0x8b: {  	s0 =	sand.u32 $0x1, s1  }
0x8c: {  	s17 =	sshll.u32 s0, $0xA;
	s2 =	sadd.s32 s3, s2  }
0x8d: {  	s2 =	sadd.s32 s2, s17  }
0x8e: {  	[smem:$0x3FB8] =	sst s2  }
0x8f: {  	_ = 	snop  }
0x90: {  	s2 =	sld [smem:$0x3FD0];
	(tm) =	ssettm $0x1  }
0x91: {  	s18 =	sld [smem:$0x3FFB];
	_ =	sdelay $0x3  }
0x92: {  	_ =	strace s18  }
0x93: {  	s3 =	sld [smem:$0x3FFC];
	_ =	sdelay $0x3  }
0x94: {  	_ =	strace s3  }
0x95: {  	s3 =	sld [smem:$0x3FFD];
	_ =	sdelay $0x3  }
0x96: {  	_ =	strace s3  }
0x97: {  	_ =	strace $0x8FFFFFFF  }
0x98: {  	s19 =	sld [smem:$0x3FDB];
	_ =	sdelay $0x1  }
0x99: {  	s4 =	simm.s32 $_scs_section_size  }
0x9a: {  	s5 =	simm.s32 $_size__tile_overlayer_lowered;
	s6 =	simm.s32 $_tile_overlayer_lowered  }
0x9b: {  	s22 =	simm.s32 $0x1BFF;
	s21 =	sshll.u32 s6, $0x1;
	s3 =	sadd.s32 s4, s19  }
0x9c: {  	s7 =	simm.s32 $0x0;
	s20 =	sshll.u32 s5, $0x1;
	s5 =	sadd.s32 s21, s3  }
0x9d: {  	[timem:s7], [sflag:s22] =	dma.local [hbm:s5], s20  }
0x9e: {  	_ =	swait.ge [sflag:s22], s20  }
0x9f: {  	s4 =	ssub.s32 $0x0, s20;
	[sflag:s22] =	ssyncset.done $0x0  }
0xa0: {  	[sflag:s22] =	ssyncadd.s32 s4;
	_ =	sdelay $0x1  }
0xa1: {  	s23 =	simm.s32 $0x1B8B  }
0xa2: {  	_ =	swait.ge [sflag:s23], $0x1  }
0xa3: {  	[sflag:s23] =	ssyncset.done $0x0  }
0xa4: {  	s25 =	simm.s32 $0x1B8E;
	s24 =	sld [smem:$0x3FFE];
	[sflag:s23] =	ssyncadd.s32 $0xFFFFFFFF  }
0xa5: {  	s26 =	simm.s32 $execute0_lowered;
	[smem:$0x3FD2] =	sst s25  }
0xa6: {  	s5 =	sshll.u32 s26, $0x1;
	_ =	strace $0x80000046;
	[dreg:$0x1] =	wrdreg $0xFFFFFFFF  }
0xa7: {  	s28 =	simm.s32 $_size_execute0_lowered;
	s3 =	sadd.s32 s3, s5;
	[dreg:$0x0] =	wrdreg $0x0  }
0xa8: {  	s5 =	sshll.u32 s28, $0x1;
	[dreg:$0x2] =	wrdreg s3  }
0xa9: {  	[dreg:$0x3] =	wrdreg s5  }
0xaa: {  	[dreg:$0x4] =	wrdreg $0xC0  }
0xab: {  	_ =	task [dreg:s7], $0x5FFFF  }
0xac: {  	[dreg:$0x1] =	wrdreg $0xFFFFFFFF  }
0xad: {  	[dreg:$0x0] =	wrdreg $0x60  }
0xae: {  	[dreg:$0x2] =	wrdreg s2  }
0xaf: {  	[dreg:$0x3] =	wrdreg s24  }
0xb0: {  	[dreg:$0x4] =	wrdreg $0x9  }
0xb1: {  	_ =	task.clear_ibuf [dreg:s7], $0x5FFFF;
	_ =	strace $0x90000046  }
0xb2: {  	s29 =	simm.s32 $0x9;
	_ =	strace $0x80000048  }
0xb3: {  	_ =	swait.ge [sflag:s29], $0x1  }
0xb4: {  	[sflag:s29] =	ssyncadd.s32 $0xFFFFFFFF  }
0xb5: {  	_ =	strace $0x90000048  }
0xb6: {  	_ =	sfence  }
0xb7: {  	s30 =	sld [smem:$0x0];
	_ =	sdelay $0x2  }
0xb8: {  	s31 =	sshll.u32 s1, $0xD;
	s1 =	sshrl.u32 s1, $0x2  }
0xb9: {  	s3 =	sand.u32 $0x4000, s31;
	s1 =	sadd.s32 s1, s30  }
0xba: {  	s0 =	sor.u32 s3, s0;
	s1 =	sshll.u32 s1, $0x11  }
0xbb: {  	s0 =	sor.u32 s1, s0  }
0xbc: {  	s0 =	sadd.s32 $0x8F2B, s0  }
0xbd: {  	[sflag:s0] =	ssyncadd.remote.s32 $0x1  }
0xbe: {  	_ =	sfence.sel $0xFFFF  }
0xbf: {  	[dreg:$0x0] =	wrdreg $0xFFFFFFFF;
	(pc) =	sbr.abs _section_cstart, $3  }
0xc0: {  	[dreg:$0x1] =	wrdreg $0xFFFFFFFF  }
0xc1: {  	_ =	task.clear_ibuf [dreg:s7], $0x2FFFF;
	_ =	strace $0x9FFFFFFF  }
0xc2: {  	(tm) =	ssettm $0x7FFFFFFF  }
0xc3: {  	_ =	shalt  }
tec
execute0_lowered:
.L_overlay_start_1:
0x0: {  	(tag) =	ssettag $0x1  }
0x1: {  	s2 =	rddreg [dreg:$0x0]  }
0x2: {  	s4 =	rddreg [dreg:$0x1]  }
0x3: {  	s0 =	rddreg [dreg:$0x2];
	s3 =	simm.s32 $0x0;
	s1 =	stileid.u32  }
0x4: {  	s7 =	srdreg.scid;
	s11 =	simm.s32 $0x2800;
	s14 =	simm.s32 $0x5000  }
0x5: {  	s15 =	simm.s32 $0x7800;
	s16 =	simm.s32 $0x0;
	[smem:$0x7FF] =	sst s3  }
0x6: {  	s5 =	sshrl.u32 s1, $0x3;
	s6 =	sshll.u32 s1, $0x7;
	s7 =	sand.u32 $0x1, s7  }
0x7: {  	s8 =	sshrl.u32 s1, $0x2;
	s9 =	sshll.u32 s1, $0x8;
	s5 =	smul.u32 $0x14000, s5  }
0x8: {  	s6 =	sand.u32 $0x380, s6;
	s8 =	smul.u32 $0x14000, s8;
	s10 =	sshll.u32 s7, $0x7  }
0x9: {  	s9 =	sand.u32 $0x300, s9;
	_ =	strace $0x80000047;
	s29 =	ssub.s32 $0x2, s7  }
0xa: {  	s12 =	smul.u32 $0x1400, s7;
	s7 =	simm.s32 $0x1;
	s28 =	sor.u32 s10, s9  }
0xb: {  	s30 =	sshrl.u32 s29, $0x1;
	s9 =	simm.s32 $0x80;
	s5 =	sor.u32 s6, s5  }
0xc: {  	s10 =	simm.s32 $0x400;
	s6 =	sor.u32 s8, s28;
	s5 =	sshrl.u32 s5, $0x3  }
0xd: {  	s8 =	ssub.s32 s29, s30;
	s6 =	sshrl.u32 s6, $0x3;
	s5 =	sadd.s32 s5, s4  }
0xe: {  	s6 =	sadd.s32 s6, s4;
	s31 =	sadd.s32 $0x7600, s5;
	s13 =	sadd.s32 $0x2600, s5  }
0xf: {  	s4 =	sadd.s32 $0xC600, s6;
	s5 =	sadd.s32 $0x16600, s6;
	s6 =	smax.u32 s8, $0x1  }
0x10: {  	v0 =	vimm.f32 $0.0e+00;
	v1 =	vimm.f32 $1.000000000e+00;
	s8 =	sadd.s32 s12, s31;
	s12 =	sadd.s32 s12, s13;
	s13 =	simm.s32 $0x3C00  }
.LBB2_1:
0x11: {  	[tilespmem:s3], [sflag:$0x1] =	stream.linear.gather [hbm4b:s2+s3], $0x2800, $0x38;
	[tilespmem:$0xA000] =	vst v63  }
0x12: {  	_ =	swait.ge [sflag:s7], $0x2800  }
0x13: {  	[sflag:s7] =	ssyncset.done $0x0  }
0x14: {  	[sflag:s7] =	ssyncadd.s32 $0xFFFFD800  }
0x15: {  	[tilespmem:s11], [sflag:$0x1] =	stream.strided.gather [hbm4b:s8+s9], $0x1400, s10, s9, $0x38;
	[tilespmem:$0xA000] =	vst v63  }
0x16: {  	_ =	swait.ge [sflag:s7], $0x1400  }
0x17: {  	[sflag:s7] =	ssyncset.done $0x0  }
0x18: {  	[sflag:s7] =	ssyncadd.s32 $0xFFFFEC00  }
0x19: {  	[tilespmem:s13], [sflag:$0x1] =	stream.strided.gather [hbm4b:s12+s9], $0x1400, s10, s9, $0x38;
	[tilespmem:$0xA000] =	vst v63  }
0x1a: {  	_ =	swait.ge [sflag:s7], $0x1400  }
0x1b: {  	[sflag:s7] =	ssyncset.done $0x0  }
0x1c: {  	s17 =	simm.s32 $0x0;
	[sflag:s7] =	ssyncadd.s32 $0xFFFFEC00  }
.LBB2_2:
0x1d: {  	p0 =	sne.s32 s17, $0x9FC0  }
.Ltmp0:
0x1e: {  	_ = 	snop;
	(pc) =	sbr.rel @p0 .LBB2_2-.Ltmp0, $4  }
0x1f: {  	_ = 	snop  }
0x20: {  	s18 =	sshra.s32 s17, $0x2  }
0x21: {  	[tilespmem:s18+$0x5000] =	vst v0  }
0x22: {  	s17 =	sadd.s32 $0x40, s17;
	[tilespmem:s18+$0x7800] =	vst v0  }
0x23: {  	s18 =	simm.s32 $0x0  }
0x24: {  	s17 =	simm.s32 $0x40;
	v2 =	vld [tilespmem:s18+$0x2800]  }
.LBB2_4:
0x25: {  	p0 =	sne.s32 s17, $0x4FC0;
	_ =	sdelay $0x4  }
0x26: {  	v3 =	vld [tilespmem:s18+$0x3C00];
	_ =	sdelay $0x1  }
0x27: {  	v2 =	vld.idx.msk [tilespmem:v2+s3+$0x0], $0xffff;
	_ =	sdelay $0x3  }
.Ltmp1:
0x28: {  	(pc) =	sbr.rel @p0 .LBB2_4-.Ltmp1, $4  }
0x29: {  	_ = 	snop  }
0x2a: {  	[tilespmem:v3+s14+$0x0] =	vst.idx.add.f32.msk $0xffff, v2  }
0x2b: {  	s18 =	sshra.s32 s17, $0x2;
	[tilespmem:v3+s15+$0x0] =	vst.idx.add.f32.msk $0xffff, v1  }
0x2c: {  	s17 =	sadd.s32 $0x40, s17;
	v2 =	vld [tilespmem:s18+$0x2800]  }
0x2d: {  	_ =	sdelay $0x4  }
0x2e: {  	v3 =	vld [tilespmem:s18+$0x3C00];
	_ =	sdelay $0x2  }
0x2f: {  	v2 =	vld.idx.msk [tilespmem:v2+s3+$0x0], $0xffff;
	_ =	sdelay $0x4  }
0x30: {  	[tilespmem:v3+s14+$0x0] =	vst.idx.add.f32.msk $0xffff, v2  }
0x31: {  	[tilespmem:v3+s15+$0x0] =	vst.idx.add.f32.msk $0xffff, v1  }
0x32: {  	[hbm4b:s4+s9] =	stream.strided.scatter [tilespmem:s14], [sflag:$0x1], $0x2800, s10, s9, $0x38;
	[tilespmem:$0xA000] =	vst v63  }
0x33: {  	s16 =	sadd.s32 $0x1, s16;
	_ =	swait.ge [sflag:s7], $0x2800  }
0x34: {  	p0 =	sne.s32 s16, s6;
	[sflag:s7] =	ssyncset.done $0x0  }
.Ltmp2:
0x35: {  	[sflag:s7] =	ssyncadd.s32 $0xFFFFD800;
	(pc) =	sbr.rel @p0 .LBB2_1-.Ltmp2, $4  }
0x36: {  	[hbm4b:s5+s9] =	stream.strided.scatter [tilespmem:s15], [sflag:$0x1], $0x2800, s10, s9, $0x38;
	[tilespmem:$0xA000] =	vst v63  }
0x37: {  	_ =	swait.ge [sflag:s7], $0x2800  }
0x38: {  	[sflag:s7] =	ssyncset.done $0x0  }
0x39: {  	[sflag:s7] =	ssyncadd.s32 $0xFFFFD800  }
0x3a: {  	_ =	sfence.sel $0x180000  }
0x3b: {  	[bflag:$0x0] =	sbarrier.arrive $0xFFFF  }
0x3c: {  	p0 =	sne.s32 s1, $0x0;
	_ =	strace $0x90000047  }
0x3d: {  	s0 =	sadd.s32 @!p0 $0x100000, s0;
	[bflag:$0x2] =	sbarrier.arrive $0xFFFF  }
0x3e: {  	[sflag:s0] =	ssyncadd.tile.s32 @!p0 $0x1;
	_ =	shalt  }
.Lfunc_end2:
_tile_overlayer_lowered:
.L_overlay_start_2:
0x3f: {  	(tag) =	ssettag $0x2  }
0x40: {  	s0 =	rddreg [dreg:$0x0];
	s2 =	stileid.u32  }
0x41: {  	s1 =	rddreg [dreg:$0x1];
	p0 =	sne.s32 s2, $0x0  }
0x42: {  	s3 =	rddreg [dreg:$0x2];
	[bflag:$0x3] =	sbarrier.arrive $0xFFFF;
	s2 =	simm.s32 @!p0 $0x1C01  }
0x43: {  	[timem:s3], [sflag:s2] =	dma.local @!p0 [hbm:s0], s1  }
0x44: {  	s0 =	simm.s32 @!p0 $0x1  }
0x45: {  	_ =	swait.ge @!p0 [sflag:s0], s1  }
0x46: {  	s1 =	ssub.s32 @!p0 $0x0, s1;
	[sflag:s0] =	ssyncset.done @!p0 $0x0  }
0x47: {  	[sflag:s0] =	ssyncadd.s32 @!p0 s1  }
0x48: {  	[bflag:$0x3] =	sbarrier.arrive $0xFFFF  }
0x49: {  	_ =	shalt  }

</sc_bundles>
